<compile_context>
chip_gen: v7x
topology: tpu7x:2x2x1
jax: 0.10.2.dev20260603
libtpu: 0.0.44.dev20260713+nightly
codegen_flags: <defaults>
</compile_context>

<pallas_src>
import functools

import jax
import jax.numpy as jnp
from jax import lax
from jax.experimental import pallas as pl
from jax.experimental.pallas import tpu as pltpu
from jax.experimental.pallas import tpu_sc as plsc

B, L, E = 4096, 50, 64
NC, NS = 2, 16
NW = NC * NS
NT = B // 128

_mesh = plsc.VectorSubcoreMesh(core_axis_name="c", subcore_axis_name="s")


@functools.partial(
    pl.kernel,
    out_type=jax.ShapeDtypeStruct((3, L, 8, NT, 8, 128), jnp.float32),
    mesh=_mesh,
    compiler_params=pltpu.CompilerParams(use_tc_tiling_on_sc=False,
                                         needs_layout_passes=False,
                                         disable_bounds_checks=True),
    scratch_types=[
        pltpu.VMEM((L, 128), jnp.int32),
        pltpu.VMEM((128, E), jnp.float32),
        pltpu.VMEM((128, E), jnp.float32),
        pltpu.VMEM((8, 1, 8, 128), jnp.float32),
        pltpu.VMEM((8, 1, 8, 128), jnp.float32),
        pltpu.SemaphoreType.DMA,
        pltpu.SemaphoreType.DMA,
        pltpu.SemaphoreType.DMA,
        pltpu.SemaphoreType.DMA,
    ],
)
def _embed3(src_idsT, tgt_idsT, node_idsT, src_tab, tgt_tab, node_tab, out,
            idx_v, gbuf0, gbuf1, tbuf0, tbuf1, g0, g1, s0, s1):
    wid = lax.axis_index("s") * NC + lax.axis_index("c")
    iota = lax.iota(jnp.int32, 16)

    def gather_desc(tab, l, gbuf, gsem):
        return pltpu.make_async_copy(tab.at[idx_v.at[l]], gbuf, gsem)

    def store_desc(tbuf, t, l, ssem):
        return pltpu.make_async_copy(
            tbuf, out.at[t, l, pl.ds(0, 8), pl.ds(wid, 1)], ssem)

    def transpose(gbuf, tbuf):
        @plsc.parallel_loop(0, E, 1, unroll=2)
        def _(e):
            evec = iota * 0 + e
            for k0 in range(0, 128, 16):
                v = plsc.load_gather(gbuf, [iota + k0, evec])
                tbuf[e // 8, 0, e % 8, pl.ds(k0, 16)] = v

    tabs = (src_tab, tgt_tab, node_tab)
    for t, ids in enumerate((src_idsT, tgt_idsT, node_idsT)):
        pltpu.sync_copy(ids.at[:, pl.ds(wid * 128, 128)], idx_v)
        tab = tabs[t]

        gather_desc(tab, 0, gbuf0, g0).start()
        gather_desc(tab, 1, gbuf1, g1).start()

        def body(i, _, tab=tab, t=t):
            l0 = 2 * i
            gather_desc(tab, l0, gbuf0, g0).wait()

            @pl.when(i > 0)
            def _():
                store_desc(tbuf0, t, l0 - 2, s0).wait()
            transpose(gbuf0, tbuf0)

            @pl.when(i < L // 2 - 1)
            def _():
                gather_desc(tab, l0 + 2, gbuf0, g0).start()
            store_desc(tbuf0, t, l0, s0).start()

            l1 = 2 * i + 1
            gather_desc(tab, l1, gbuf1, g1).wait()

            @pl.when(i > 0)
            def _():
                store_desc(tbuf1, t, l1 - 2, s1).wait()
            transpose(gbuf1, tbuf1)

            @pl.when(i < L // 2 - 1)
            def _():
                gather_desc(tab, l1 + 2, gbuf1, g1).start()
            store_desc(tbuf1, t, l1, s1).start()
            return 0

        lax.fori_loop(0, L // 2, body, 0)
        store_desc(tbuf0, t, L - 2, s0).wait()
        store_desc(tbuf1, t, L - 1, s1).wait()


def kernel(src_ids, tgt_ids, node_ids, src_table, tgt_table, node_table):
    x = _embed3(src_ids.T, tgt_ids.T, node_ids.T,
                src_table, tgt_table, node_table)
    return x.transpose(0, 3, 5, 1, 2, 4).reshape(3, B, L, E)

# --- scband reference (transcript-rebuilt; emitter-appended) ---
"""Pipeline reference for scband-model-embeddings-14121852470084 (READ-ONLY COPY).

The authoritative reference and input builder live on the scoring server;
editing this copy changes nothing except your own understanding.
"""

import jax, jax.numpy as jnp
import numpy as np

SRC_VOCAB = 100000
TGT_VOCAB = 100000
NODE_VOCAB = 10000
EMBED = 64
PAD = 0
B, L = 4096, 50


def setup_inputs(seed: int = 0) -> dict:
    key = jax.random.key(seed)
    k1, k2, k3, k4, k5, k6 = jax.random.split(key, 6)
    src_ids = jax.random.randint(k1, (B, L), 0, SRC_VOCAB)
    tgt_ids = jax.random.randint(k2, (B, L), 0, TGT_VOCAB)
    node_ids = jax.random.randint(k3, (B, L), 0, NODE_VOCAB)
    src_table = jax.random.normal(k4, (SRC_VOCAB, EMBED), dtype=jnp.float32) * 0.02
    tgt_table = jax.random.normal(k5, (TGT_VOCAB, EMBED), dtype=jnp.float32) * 0.02
    node_table = jax.random.normal(k6, (NODE_VOCAB, EMBED), dtype=jnp.float32) * 0.02
    # padding_idx rows are zero-initialized in torch nn.Embedding
    src_table = src_table.at[PAD].set(0.0)
    tgt_table = tgt_table.at[PAD].set(0.0)
    node_table = node_table.at[PAD].set(0.0)
    return {
        "src_ids": src_ids,
        "tgt_ids": tgt_ids,
        "node_ids": node_ids,
        "src_table": src_table,
        "tgt_table": tgt_table,
        "node_table": node_table,
    }


def _embed(table, ids):
    out = jnp.take(table, ids, axis=0)
    # padding_idx semantics: output at pad positions is the (zero) pad row;
    # the mask also guarantees no gradient flows to the pad row.
    mask = (ids != PAD)[..., None].astype(out.dtype)
    return out * mask


def reference(src_ids, tgt_ids, node_ids, src_table, tgt_table, node_table):
    src_emb = _embed(src_table, src_ids)
    tgt_emb = _embed(tgt_table, tgt_ids)
    node_emb = _embed(node_table, node_ids)
    return jnp.stack([src_emb, tgt_emb, node_emb], axis=0)

if __name__ == "__main__":
    import jax
    _d = setup_inputs()
    print(jax.jit(kernel)(*tuple(_d.values())))

</pallas_src>

<mosaic_0001>
#map = affine_map<(d0, d1) -> (0, 0)>
#map1 = affine_map<(d0, d1) -> (0, 0, 0, 0, 0, 0)>
module attributes {stable_mosaic.version = 14 : i64} {
  func.func @_embed3(%arg0: i32, %arg1: i32, %arg2: memref<50x4096xi32, #tpu.memory_space<hbm>>, %arg3: memref<50x4096xi32, #tpu.memory_space<hbm>>, %arg4: memref<50x4096xi32, #tpu.memory_space<hbm>>, %arg5: memref<100000x64xf32, #tpu.memory_space<hbm>>, %arg6: memref<100000x64xf32, #tpu.memory_space<hbm>>, %arg7: memref<10000x64xf32, #tpu.memory_space<hbm>>, %arg8: memref<3x50x8x32x8x128xf32, #tpu.memory_space<hbm>>, %arg9: memref<50x128xi32, #tpu.memory_space<vmem>>, %arg10: memref<128x64xf32, #tpu.memory_space<vmem>>, %arg11: memref<128x64xf32, #tpu.memory_space<vmem>>, %arg12: memref<8x1x8x128xf32, #tpu.memory_space<vmem>>, %arg13: memref<8x1x8x128xf32, #tpu.memory_space<vmem>>, %arg14: memref<!tpu.dma_semaphore, #tpu.memory_space<semaphore_mem>>, %arg15: memref<!tpu.dma_semaphore, #tpu.memory_space<semaphore_mem>>, %arg16: memref<!tpu.dma_semaphore, #tpu.memory_space<semaphore_mem>>, %arg17: memref<!tpu.dma_semaphore, #tpu.memory_space<semaphore_mem>>) attributes {dimension_semantics = [#tpu.dimension_semantics<core_parallel>, #tpu.dimension_semantics<subcore_parallel>], iteration_bounds = array<i64: 2, 16>, scalar_prefetch = 0 : i64, scratch_operands = 9 : i64, tpu.core_type = #tpu.core_type<sc_vector_subcore>, window_params = [{transform_indices = #map}, {transform_indices = #map}, {transform_indices = #map}, {transform_indices = #map}, {transform_indices = #map}, {transform_indices = #map}, {transform_indices = #map1}]} {
    %mul3A = arith.constant 2 : i32
    %mul3A_0 = arith.muli %arg1, %mul3A : i32
    %add3A = arith.addi %mul3A_0, %arg0 : i32
    %iota3A = tpu.iota {dimensions = array<i32: 0>} : vector<16xi32>
    %mul3A_1 = arith.constant 128 : i32
    %mul3A_2 = arith.muli %add3A, %mul3A_1 : i32
    "tpu.region"() ({
      %run_scoped3A = tpu.sem_alloc : memref<!tpu.dma_semaphore, #tpu.memory_space<semaphore_mem>>
      %dma_start3A_139 = arith.constant 0 : i32
      %dma_start3A_140 = tpu.memref_slice %arg2[%dma_start3A_139, %mul3A_2] : memref<50x4096xi32, #tpu.memory_space<hbm>> -> memref<50x128xi32, #tpu.memory_space<hbm>>
      %dma_start3A_141 = arith.constant 0 : i32
      %dma_start3A_142 = tpu.memref_slice %arg2[%dma_start3A_141, %mul3A_2] : memref<50x4096xi32, #tpu.memory_space<hbm>> -> memref<50x128xi32, #tpu.memory_space<hbm>>
      tpu.enqueue_dma source(%dma_start3A_142 : memref<50x128xi32, #tpu.memory_space<hbm>>) target(%arg9 : memref<50x128xi32, #tpu.memory_space<vmem>>) target_semaphore(%run_scoped3A : memref<!tpu.dma_semaphore, #tpu.memory_space<semaphore_mem>>)
      %dma_wait3A_143 = arith.constant 0 : i32
      %dma_wait3A_144 = tpu.memref_slice %arg2[%dma_wait3A_143, %mul3A_2] : memref<50x4096xi32, #tpu.memory_space<hbm>> -> memref<50x128xi32, #tpu.memory_space<hbm>>
      %dma_wait3A_145 = arith.constant 0 : i32
      %dma_wait3A_146 = tpu.memref_slice %arg2[%dma_wait3A_145, %mul3A_2] : memref<50x4096xi32, #tpu.memory_space<hbm>> -> memref<50x128xi32, #tpu.memory_space<hbm>>
      tpu.wait_dma2 semaphore(%run_scoped3A : memref<!tpu.dma_semaphore, #tpu.memory_space<semaphore_mem>>) src(%dma_wait3A_146 : memref<50x128xi32, #tpu.memory_space<hbm>>) dst(%arg9 : memref<50x128xi32, #tpu.memory_space<vmem>>)
      tpu.yield
    }) : () -> ()
    %dma_start3A = arith.constant 0 : i32
    %dma_start3A_3 = arith.constant 0 : i32
    %dma_start3A_4 = tpu.memref_slice %arg9[%dma_start3A, %dma_start3A_3] : memref<50x128xi32, #tpu.memory_space<vmem>> -> memref<1x128xi32, #tpu.memory_space<vmem>>
    %dma_start3A_5 = tpu.memref_squeeze %dma_start3A_4 : memref<1x128xi32, #tpu.memory_space<vmem>> -> memref<128xi32, #tpu.memory_space<vmem>>
    %dma_start3A_6 = arith.constant 0 : i32
    %dma_start3A_7 = arith.constant 0 : i32
    %dma_start3A_8 = tpu.memref_slice %arg5[%dma_start3A_6, %dma_start3A_7] : memref<100000x64xf32, #tpu.memory_space<hbm>> -> memref<100000x64xf32, #tpu.memory_space<hbm>>
    tpu.enqueue_indirect_dma source(%dma_start3A_8 : memref<100000x64xf32, #tpu.memory_space<hbm>>) target(%arg10 : memref<128x64xf32, #tpu.memory_space<vmem>>) offsets(%dma_start3A_5 : memref<128xi32, #tpu.memory_space<vmem>>) semaphore(%arg14 : memref<!tpu.dma_semaphore, #tpu.memory_space<semaphore_mem>>)
    %dma_start3A_9 = arith.constant 1 : i32
    %dma_start3A_10 = arith.constant 0 : i32
    %dma_start3A_11 = tpu.memref_slice %arg9[%dma_start3A_9, %dma_start3A_10] : memref<50x128xi32, #tpu.memory_space<vmem>> -> memref<1x128xi32, #tpu.memory_space<vmem>>
    %dma_start3A_12 = tpu.memref_squeeze %dma_start3A_11 : memref<1x128xi32, #tpu.memory_space<vmem>> -> memref<128xi32, #tpu.memory_space<vmem>>
    %dma_start3A_13 = arith.constant 0 : i32
    %dma_start3A_14 = arith.constant 0 : i32
    %dma_start3A_15 = tpu.memref_slice %arg5[%dma_start3A_13, %dma_start3A_14] : memref<100000x64xf32, #tpu.memory_space<hbm>> -> memref<100000x64xf32, #tpu.memory_space<hbm>>
    tpu.enqueue_indirect_dma source(%dma_start3A_15 : memref<100000x64xf32, #tpu.memory_space<hbm>>) target(%arg11 : memref<128x64xf32, #tpu.memory_space<vmem>>) offsets(%dma_start3A_12 : memref<128xi32, #tpu.memory_space<vmem>>) semaphore(%arg15 : memref<!tpu.dma_semaphore, #tpu.memory_space<semaphore_mem>>)
    %scan3A = arith.constant 0 : i32
    %scan3A_16 = arith.constant 0 : i32
    %scan3A_17 = arith.constant 25 : i32
    %scan3A_18 = arith.addi %scan3A_16, %scan3A_17 : i32
    %scan3A_19 = arith.constant 1 : i32
    %scan3A_20 = scf.for %scan3A_139 = %scan3A_16 to %scan3A_18 step %scan3A_19 iter_args(%scan3A_140 = %scan3A) -> (i32)  : i32 {
      %mul3A_141 = arith.constant 2 : i32
      %mul3A_142 = arith.muli %mul3A_141, %scan3A_139 : i32
      %dma_wait3A_143 = arith.constant 0 : i32
      %dma_wait3A_144 = tpu.memref_slice %arg9[%mul3A_142, %dma_wait3A_143] : memref<50x128xi32, #tpu.memory_space<vmem>> -> memref<1x128xi32, #tpu.memory_space<vmem>>
      %dma_wait3A_145 = tpu.memref_squeeze %dma_wait3A_144 : memref<1x128xi32, #tpu.memory_space<vmem>> -> memref<128xi32, #tpu.memory_space<vmem>>
      %dma_wait3A_146 = arith.constant 0 : i32
      %dma_wait3A_147 = arith.constant 0 : i32
      %dma_wait3A_148 = tpu.memref_slice %arg5[%dma_wait3A_146, %dma_wait3A_147] : memref<100000x64xf32, #tpu.memory_space<hbm>> -> memref<100000x64xf32, #tpu.memory_space<hbm>>
      tpu.wait_indirect_dma semaphore(%arg14 : memref<!tpu.dma_semaphore, #tpu.memory_space<semaphore_mem>>) src(%dma_wait3A_148 : memref<100000x64xf32, #tpu.memory_space<hbm>>) dst(%arg10 : memref<128x64xf32, #tpu.memory_space<vmem>>)
      %gt3A = arith.constant 0 : i32
      %gt3A_149 = arith.cmpi sgt, %scan3A_139, %gt3A : i32
      %convert_element_type3A = arith.extui %gt3A_149 : i1 to i32
      %cond3A = arith.constant 0 : i32
      %cond3A_150 = arith.cmpi ne, %convert_element_type3A, %cond3A : i32
      scf.if %cond3A_150 {
        %sub3A = arith.constant 2 : i32
        %sub3A_203 = arith.subi %mul3A_142, %sub3A : i32
        %dma_wait3A_204 = arith.constant 0 : i32
        %dma_wait3A_205 = arith.constant 0 : i32
        %dma_wait3A_206 = arith.constant 0 : i32
        %dma_wait3A_207 = arith.constant 0 : i32
        %dma_wait3A_208 = tpu.memref_slice %arg8[%dma_wait3A_204, %sub3A_203, %dma_wait3A_205, %add3A, %dma_wait3A_206, %dma_wait3A_207] : memref<3x50x8x32x8x128xf32, #tpu.memory_space<hbm>> -> memref<1x1x8x1x8x128xf32, #tpu.memory_space<hbm>>
        %dma_wait3A_209 = tpu.memref_squeeze %dma_wait3A_208 : memref<1x1x8x1x8x128xf32, #tpu.memory_space<hbm>> -> memref<8x1x8x128xf32, #tpu.memory_space<hbm>>
        %dma_wait3A_210 = arith.constant 0 : i32
        %dma_wait3A_211 = arith.constant 0 : i32
        %dma_wait3A_212 = arith.constant 0 : i32
        %dma_wait3A_213 = tpu.memref_slice %arg8[%dma_wait3A_204, %sub3A_203, %dma_wait3A_210, %add3A, %dma_wait3A_211, %dma_wait3A_212] : memref<3x50x8x32x8x128xf32, #tpu.memory_space<hbm>> -> memref<1x1x8x1x8x128xf32, #tpu.memory_space<hbm>>
        %dma_wait3A_214 = tpu.memref_squeeze %dma_wait3A_213 : memref<1x1x8x1x8x128xf32, #tpu.memory_space<hbm>> -> memref<8x1x8x128xf32, #tpu.memory_space<hbm>>
        tpu.wait_dma2 semaphore(%arg16 : memref<!tpu.dma_semaphore, #tpu.memory_space<semaphore_mem>>) src(%arg12 : memref<8x1x8x128xf32, #tpu.memory_space<vmem>>) dst(%dma_wait3A_214 : memref<8x1x8x128xf32, #tpu.memory_space<hbm>>)
      } else {
      }
      %parallel_loop3A = arith.constant 0 : i32
      %parallel_loop3A_151 = arith.constant 64 : i32
      %parallel_loop3A_152 = arith.constant 1 : i32
      scf.for %parallel_loop3A_203 = %parallel_loop3A to %parallel_loop3A_151 step %parallel_loop3A_152  : i32 {
        %parallel_loop3A_204 = arith.constant 0 : i32
        %parallel_loop3A_205 = vector.broadcast %parallel_loop3A_204 : i32 to vector<16xi32>
        %parallel_loop3A_206 = arith.muli %iota3A, %parallel_loop3A_205 : vector<16xi32>
        %parallel_loop3A_207 = vector.broadcast %parallel_loop3A_203 : i32 to vector<16xi32>
        %parallel_loop3A_208 = arith.addi %parallel_loop3A_206, %parallel_loop3A_207 : vector<16xi32>
        %parallel_loop3A_209 = arith.constant 0 : i32
        %parallel_loop3A_210 = vector.broadcast %parallel_loop3A_209 : i32 to vector<16xi32>
        %parallel_loop3A_211 = arith.addi %iota3A, %parallel_loop3A_210 : vector<16xi32>
        %parallel_loop3A_212 = tpu.vector_load_idx %arg10[%parallel_loop3A_211, %parallel_loop3A_208] : memref<128x64xf32, #tpu.memory_space<vmem>>[vector<16xi32>, vector<16xi32>], vector<16xf32>,
        %parallel_loop3A_213 = arith.constant 8 : i32
        %parallel_loop3A_214 = arith.divsi %parallel_loop3A_203, %parallel_loop3A_213 : i32
        %parallel_loop3A_215 = arith.constant 0 : i32
        %parallel_loop3A_216 = arith.cmpi sgt, %parallel_loop3A_203, %parallel_loop3A_215 : i32
        %parallel_loop3A_217 = arith.extui %parallel_loop3A_216 : i1 to i32
        %parallel_loop3A_218 = arith.constant 0 : i32
        %parallel_loop3A_219 = arith.cmpi slt, %parallel_loop3A_203, %parallel_loop3A_218 : i32
        %parallel_loop3A_220 = arith.extui %parallel_loop3A_219 : i1 to i32
        %parallel_loop3A_221 = arith.subi %parallel_loop3A_217, %parallel_loop3A_220 : i32
        %parallel_loop3A_222 = arith.constant 0 : i32
        %parallel_loop3A_223 = arith.cmpi sgt, %parallel_loop3A_213, %parallel_loop3A_222 : i32
        %parallel_loop3A_224 = arith.extui %parallel_loop3A_223 : i1 to i32
        %parallel_loop3A_225 = arith.constant 0 : i32
        %parallel_loop3A_226 = arith.cmpi slt, %parallel_loop3A_213, %parallel_loop3A_225 : i32
        %parallel_loop3A_227 = arith.extui %parallel_loop3A_226 : i1 to i32
        %parallel_loop3A_228 = arith.subi %parallel_loop3A_224, %parallel_loop3A_227 : i32
        %parallel_loop3A_229 = arith.cmpi ne, %parallel_loop3A_221, %parallel_loop3A_228 : i32
        %parallel_loop3A_230 = arith.remsi %parallel_loop3A_203, %parallel_loop3A_213 : i32
        %parallel_loop3A_231 = arith.constant 0 : i32
        %parallel_loop3A_232 = arith.cmpi ne, %parallel_loop3A_230, %parallel_loop3A_231 : i32
        %parallel_loop3A_233 = arith.andi %parallel_loop3A_229, %parallel_loop3A_232 : i1
        %parallel_loop3A_234 = arith.constant 1 : i32
        %parallel_loop3A_235 = arith.subi %parallel_loop3A_214, %parallel_loop3A_234 : i32
        %parallel_loop3A_236 = arith.select %parallel_loop3A_233, %parallel_loop3A_235, %parallel_loop3A_214 : i32
        %parallel_loop3A_237 = arith.constant 8 : i32
        %parallel_loop3A_238 = arith.constant 0 : i32
        %parallel_loop3A_239 = arith.cmpi eq, %parallel_loop3A_237, %parallel_loop3A_238 : i32
        %parallel_loop3A_240 = arith.constant 1 : i32
        %parallel_loop3A_241 = arith.select %parallel_loop3A_239, %parallel_loop3A_240, %parallel_loop3A_237 : i32
        %parallel_loop3A_242 = arith.remsi %parallel_loop3A_203, %parallel_loop3A_241 : i32
        %parallel_loop3A_243 = arith.constant 0 : i32
        %parallel_loop3A_244 = arith.cmpi ne, %parallel_loop3A_242, %parallel_loop3A_243 : i32
        %parallel_loop3A_245 = arith.constant 0 : i32
        %parallel_loop3A_246 = arith.cmpi slt, %parallel_loop3A_242, %parallel_loop3A_245 : i32
        %parallel_loop3A_247 = arith.constant 0 : i32
        %parallel_loop3A_248 = arith.cmpi slt, %parallel_loop3A_241, %parallel_loop3A_247 : i32
        %parallel_loop3A_249 = arith.xori %parallel_loop3A_246, %parallel_loop3A_248 : i1
        %parallel_loop3A_250 = arith.andi %parallel_loop3A_249, %parallel_loop3A_244 : i1
        %parallel_loop3A_251 = arith.addi %parallel_loop3A_242, %parallel_loop3A_241 : i32
        %parallel_loop3A_252 = arith.select %parallel_loop3A_250, %parallel_loop3A_251, %parallel_loop3A_242 : i32
        %parallel_loop3A_253 = arith.constant 0 : i32
        %parallel_loop3A_254 = arith.index_cast %parallel_loop3A_236 : i32 to index
        %parallel_loop3A_255 = arith.index_cast %parallel_loop3A_253 : i32 to index
        %parallel_loop3A_256 = arith.index_cast %parallel_loop3A_252 : i32 to index
        %parallel_loop3A_257 = arith.constant 0 : index
        %parallel_loop3A_258 = tpu.vector_load %arg12[%parallel_loop3A_254, %parallel_loop3A_255, %parallel_loop3A_256, %parallel_loop3A_257] {strides = array<i32>} : memref<8x1x8x128xf32, #tpu.memory_space<vmem>>, vector<16xf32>,
        tpu.vector_store %arg12[%parallel_loop3A_254, %parallel_loop3A_255, %parallel_loop3A_256, %parallel_loop3A_257], %parallel_loop3A_212 {strides = array<i32>} : memref<8x1x8x128xf32, #tpu.memory_space<vmem>>, vector<16xf32>,
        %parallel_loop3A_259 = arith.constant 16 : i32
        %parallel_loop3A_260 = vector.broadcast %parallel_loop3A_259 : i32 to vector<16xi32>
        %parallel_loop3A_261 = arith.addi %iota3A, %parallel_loop3A_260 : vector<16xi32>
        %parallel_loop3A_262 = tpu.vector_load_idx %arg10[%parallel_loop3A_261, %parallel_loop3A_208] : memref<128x64xf32, #tpu.memory_space<vmem>>[vector<16xi32>, vector<16xi32>], vector<16xf32>,
        %parallel_loop3A_263 = arith.constant 8 : i32
        %parallel_loop3A_264 = arith.divsi %parallel_loop3A_203, %parallel_loop3A_263 : i32
        %parallel_loop3A_265 = arith.constant 0 : i32
        %parallel_loop3A_266 = arith.cmpi sgt, %parallel_loop3A_203, %parallel_loop3A_265 : i32
        %parallel_loop3A_267 = arith.extui %parallel_loop3A_266 : i1 to i32
        %parallel_loop3A_268 = arith.constant 0 : i32
        %parallel_loop3A_269 = arith.cmpi slt, %parallel_loop3A_203, %parallel_loop3A_268 : i32
        %parallel_loop3A_270 = arith.extui %parallel_loop3A_269 : i1 to i32
        %parallel_loop3A_271 = arith.subi %parallel_loop3A_267, %parallel_loop3A_270 : i32
        %parallel_loop3A_272 = arith.constant 0 : i32
        %parallel_loop3A_273 = arith.cmpi sgt, %parallel_loop3A_263, %parallel_loop3A_272 : i32
        %parallel_loop3A_274 = arith.extui %parallel_loop3A_273 : i1 to i32
        %parallel_loop3A_275 = arith.constant 0 : i32
        %parallel_loop3A_276 = arith.cmpi slt, %parallel_loop3A_263, %parallel_loop3A_275 : i32
        %parallel_loop3A_277 = arith.extui %parallel_loop3A_276 : i1 to i32
        %parallel_loop3A_278 = arith.subi %parallel_loop3A_274, %parallel_loop3A_277 : i32
        %parallel_loop3A_279 = arith.cmpi ne, %parallel_loop3A_271, %parallel_loop3A_278 : i32
        %parallel_loop3A_280 = arith.remsi %parallel_loop3A_203, %parallel_loop3A_263 : i32
        %parallel_loop3A_281 = arith.constant 0 : i32
        %parallel_loop3A_282 = arith.cmpi ne, %parallel_loop3A_280, %parallel_loop3A_281 : i32
        %parallel_loop3A_283 = arith.andi %parallel_loop3A_279, %parallel_loop3A_282 : i1
        %parallel_loop3A_284 = arith.constant 1 : i32
        %parallel_loop3A_285 = arith.subi %parallel_loop3A_264, %parallel_loop3A_284 : i32
        %parallel_loop3A_286 = arith.select %parallel_loop3A_283, %parallel_loop3A_285, %parallel_loop3A_264 : i32
        %parallel_loop3A_287 = arith.constant 8 : i32
        %parallel_loop3A_288 = arith.constant 0 : i32
        %parallel_loop3A_289 = arith.cmpi eq, %parallel_loop3A_287, %parallel_loop3A_288 : i32
        %parallel_loop3A_290 = arith.constant 1 : i32
        %parallel_loop3A_291 = arith.select %parallel_loop3A_289, %parallel_loop3A_290, %parallel_loop3A_287 : i32
        %parallel_loop3A_292 = arith.remsi %parallel_loop3A_203, %parallel_loop3A_291 : i32
        %parallel_loop3A_293 = arith.constant 0 : i32
        %parallel_loop3A_294 = arith.cmpi ne, %parallel_loop3A_292, %parallel_loop3A_293 : i32
        %parallel_loop3A_295 = arith.constant 0 : i32
        %parallel_loop3A_296 = arith.cmpi slt, %parallel_loop3A_292, %parallel_loop3A_295 : i32
        %parallel_loop3A_297 = arith.constant 0 : i32
        %parallel_loop3A_298 = arith.cmpi slt, %parallel_loop3A_291, %parallel_loop3A_297 : i32
        %parallel_loop3A_299 = arith.xori %parallel_loop3A_296, %parallel_loop3A_298 : i1
        %parallel_loop3A_300 = arith.andi %parallel_loop3A_299, %parallel_loop3A_294 : i1
        %parallel_loop3A_301 = arith.addi %parallel_loop3A_292, %parallel_loop3A_291 : i32
        %parallel_loop3A_302 = arith.select %parallel_loop3A_300, %parallel_loop3A_301, %parallel_loop3A_292 : i32
        %parallel_loop3A_303 = arith.constant 0 : i32
        %parallel_loop3A_304 = arith.index_cast %parallel_loop3A_286 : i32 to index
        %parallel_loop3A_305 = arith.index_cast %parallel_loop3A_303 : i32 to index
        %parallel_loop3A_306 = arith.index_cast %parallel_loop3A_302 : i32 to index
        %parallel_loop3A_307 = arith.constant 16 : index
        %parallel_loop3A_308 = tpu.vector_load %arg12[%parallel_loop3A_304, %parallel_loop3A_305, %parallel_loop3A_306, %parallel_loop3A_307] {strides = array<i32>} : memref<8x1x8x128xf32, #tpu.memory_space<vmem>>, vector<16xf32>,
        tpu.vector_store %arg12[%parallel_loop3A_304, %parallel_loop3A_305, %parallel_loop3A_306, %parallel_loop3A_307], %parallel_loop3A_262 {strides = array<i32>} : memref<8x1x8x128xf32, #tpu.memory_space<vmem>>, vector<16xf32>,
        %parallel_loop3A_309 = arith.constant 32 : i32
        %parallel_loop3A_310 = vector.broadcast %parallel_loop3A_309 : i32 to vector<16xi32>
        %parallel_loop3A_311 = arith.addi %iota3A, %parallel_loop3A_310 : vector<16xi32>
        %parallel_loop3A_312 = tpu.vector_load_idx %arg10[%parallel_loop3A_311, %parallel_loop3A_208] : memref<128x64xf32, #tpu.memory_space<vmem>>[vector<16xi32>, vector<16xi32>], vector<16xf32>,
        %parallel_loop3A_313 = arith.constant 8 : i32
        %parallel_loop3A_314 = arith.divsi %parallel_loop3A_203, %parallel_loop3A_313 : i32
        %parallel_loop3A_315 = arith.constant 0 : i32
        %parallel_loop3A_316 = arith.cmpi sgt, %parallel_loop3A_203, %parallel_loop3A_315 : i32
        %parallel_loop3A_317 = arith.extui %parallel_loop3A_316 : i1 to i32
        %parallel_loop3A_318 = arith.constant 0 : i32
        %parallel_loop3A_319 = arith.cmpi slt, %parallel_loop3A_203, %parallel_loop3A_318 : i32
        %parallel_loop3A_320 = arith.extui %parallel_loop3A_319 : i1 to i32
        %parallel_loop3A_321 = arith.subi %parallel_loop3A_317, %parallel_loop3A_320 : i32
        %parallel_loop3A_322 = arith.constant 0 : i32
        %parallel_loop3A_323 = arith.cmpi sgt, %parallel_loop3A_313, %parallel_loop3A_322 : i32
        %parallel_loop3A_324 = arith.extui %parallel_loop3A_323 : i1 to i32
        %parallel_loop3A_325 = arith.constant 0 : i32
        %parallel_loop3A_326 = arith.cmpi slt, %parallel_loop3A_313, %parallel_loop3A_325 : i32
        %parallel_loop3A_327 = arith.extui %parallel_loop3A_326 : i1 to i32
        %parallel_loop3A_328 = arith.subi %parallel_loop3A_324, %parallel_loop3A_327 : i32
        %parallel_loop3A_329 = arith.cmpi ne, %parallel_loop3A_321, %parallel_loop3A_328 : i32
        %parallel_loop3A_330 = arith.remsi %parallel_loop3A_203, %parallel_loop3A_313 : i32
        %parallel_loop3A_331 = arith.constant 0 : i32
        %parallel_loop3A_332 = arith.cmpi ne, %parallel_loop3A_330, %parallel_loop3A_331 : i32
        %parallel_loop3A_333 = arith.andi %parallel_loop3A_329, %parallel_loop3A_332 : i1
        %parallel_loop3A_334 = arith.constant 1 : i32
        %parallel_loop3A_335 = arith.subi %parallel_loop3A_314, %parallel_loop3A_334 : i32
        %parallel_loop3A_336 = arith.select %parallel_loop3A_333, %parallel_loop3A_335, %parallel_loop3A_314 : i32
        %parallel_loop3A_337 = arith.constant 8 : i32
        %parallel_loop3A_338 = arith.constant 0 : i32
        %parallel_loop3A_339 = arith.cmpi eq, %parallel_loop3A_337, %parallel_loop3A_338 : i32
        %parallel_loop3A_340 = arith.constant 1 : i32
        %parallel_loop3A_341 = arith.select %parallel_loop3A_339, %parallel_loop3A_340, %parallel_loop3A_337 : i32
        %parallel_loop3A_342 = arith.remsi %parallel_loop3A_203, %parallel_loop3A_341 : i32
        %parallel_loop3A_343 = arith.constant 0 : i32
        %parallel_loop3A_344 = arith.cmpi ne, %parallel_loop3A_342, %parallel_loop3A_343 : i32
        %parallel_loop3A_345 = arith.constant 0 : i32
        %parallel_loop3A_346 = arith.cmpi slt, %parallel_loop3A_342, %parallel_loop3A_345 : i32
        %parallel_loop3A_347 = arith.constant 0 : i32
        %parallel_loop3A_348 = arith.cmpi slt, %parallel_loop3A_341, %parallel_loop3A_347 : i32
        %parallel_loop3A_349 = arith.xori %parallel_loop3A_346, %parallel_loop3A_348 : i1
        %parallel_loop3A_350 = arith.andi %parallel_loop3A_349, %parallel_loop3A_344 : i1
        %parallel_loop3A_351 = arith.addi %parallel_loop3A_342, %parallel_loop3A_341 : i32
        %parallel_loop3A_352 = arith.select %parallel_loop3A_350, %parallel_loop3A_351, %parallel_loop3A_342 : i32
        %parallel_loop3A_353 = arith.constant 0 : i32
        %parallel_loop3A_354 = arith.index_cast %parallel_loop3A_336 : i32 to index
        %parallel_loop3A_355 = arith.index_cast %parallel_loop3A_353 : i32 to index
        %parallel_loop3A_356 = arith.index_cast %parallel_loop3A_352 : i32 to index
        %parallel_loop3A_357 = arith.constant 32 : index
        %parallel_loop3A_358 = tpu.vector_load %arg12[%parallel_loop3A_354, %parallel_loop3A_355, %parallel_loop3A_356, %parallel_loop3A_357] {strides = array<i32>} : memref<8x1x8x128xf32, #tpu.memory_space<vmem>>, vector<16xf32>,
        tpu.vector_store %arg12[%parallel_loop3A_354, %parallel_loop3A_355, %parallel_loop3A_356, %parallel_loop3A_357], %parallel_loop3A_312 {strides = array<i32>} : memref<8x1x8x128xf32, #tpu.memory_space<vmem>>, vector<16xf32>,
        %parallel_loop3A_359 = arith.constant 48 : i32
        %parallel_loop3A_360 = vector.broadcast %parallel_loop3A_359 : i32 to vector<16xi32>
        %parallel_loop3A_361 = arith.addi %iota3A, %parallel_loop3A_360 : vector<16xi32>
        %parallel_loop3A_362 = tpu.vector_load_idx %arg10[%parallel_loop3A_361, %parallel_loop3A_208] : memref<128x64xf32, #tpu.memory_space<vmem>>[vector<16xi32>, vector<16xi32>], vector<16xf32>,
        %parallel_loop3A_363 = arith.constant 8 : i32
        %parallel_loop3A_364 = arith.divsi %parallel_loop3A_203, %parallel_loop3A_363 : i32
        %parallel_loop3A_365 = arith.constant 0 : i32
        %parallel_loop3A_366 = arith.cmpi sgt, %parallel_loop3A_203, %parallel_loop3A_365 : i32
        %parallel_loop3A_367 = arith.extui %parallel_loop3A_366 : i1 to i32
        %parallel_loop3A_368 = arith.constant 0 : i32
        %parallel_loop3A_369 = arith.cmpi slt, %parallel_loop3A_203, %parallel_loop3A_368 : i32
        %parallel_loop3A_370 = arith.extui %parallel_loop3A_369 : i1 to i32
        %parallel_loop3A_371 = arith.subi %parallel_loop3A_367, %parallel_loop3A_370 : i32
        %parallel_loop3A_372 = arith.constant 0 : i32
        %parallel_loop3A_373 = arith.cmpi sgt, %parallel_loop3A_363, %parallel_loop3A_372 : i32
        %parallel_loop3A_374 = arith.extui %parallel_loop3A_373 : i1 to i32
        %parallel_loop3A_375 = arith.constant 0 : i32
        %parallel_loop3A_376 = arith.cmpi slt, %parallel_loop3A_363, %parallel_loop3A_375 : i32
        %parallel_loop3A_377 = arith.extui %parallel_loop3A_376 : i1 to i32
        %parallel_loop3A_378 = arith.subi %parallel_loop3A_374, %parallel_loop3A_377 : i32
        %parallel_loop3A_379 = arith.cmpi ne, %parallel_loop3A_371, %parallel_loop3A_378 : i32
        %parallel_loop3A_380 = arith.remsi %parallel_loop3A_203, %parallel_loop3A_363 : i32
        %parallel_loop3A_381 = arith.constant 0 : i32
        %parallel_loop3A_382 = arith.cmpi ne, %parallel_loop3A_380, %parallel_loop3A_381 : i32
        %parallel_loop3A_383 = arith.andi %parallel_loop3A_379, %parallel_loop3A_382 : i1
        %parallel_loop3A_384 = arith.constant 1 : i32
        %parallel_loop3A_385 = arith.subi %parallel_loop3A_364, %parallel_loop3A_384 : i32
        %parallel_loop3A_386 = arith.select %parallel_loop3A_383, %parallel_loop3A_385, %parallel_loop3A_364 : i32
        %parallel_loop3A_387 = arith.constant 8 : i32
        %parallel_loop3A_388 = arith.constant 0 : i32
        %parallel_loop3A_389 = arith.cmpi eq, %parallel_loop3A_387, %parallel_loop3A_388 : i32
        %parallel_loop3A_390 = arith.constant 1 : i32
        %parallel_loop3A_391 = arith.select %parallel_loop3A_389, %parallel_loop3A_390, %parallel_loop3A_387 : i32
        %parallel_loop3A_392 = arith.remsi %parallel_loop3A_203, %parallel_loop3A_391 : i32
        %parallel_loop3A_393 = arith.constant 0 : i32
        %parallel_loop3A_394 = arith.cmpi ne, %parallel_loop3A_392, %parallel_loop3A_393 : i32
        %parallel_loop3A_395 = arith.constant 0 : i32
        %parallel_loop3A_396 = arith.cmpi slt, %parallel_loop3A_392, %parallel_loop3A_395 : i32
        %parallel_loop3A_397 = arith.constant 0 : i32
        %parallel_loop3A_398 = arith.cmpi slt, %parallel_loop3A_391, %parallel_loop3A_397 : i32
        %parallel_loop3A_399 = arith.xori %parallel_loop3A_396, %parallel_loop3A_398 : i1
        %parallel_loop3A_400 = arith.andi %parallel_loop3A_399, %parallel_loop3A_394 : i1
        %parallel_loop3A_401 = arith.addi %parallel_loop3A_392, %parallel_loop3A_391 : i32
        %parallel_loop3A_402 = arith.select %parallel_loop3A_400, %parallel_loop3A_401, %parallel_loop3A_392 : i32
        %parallel_loop3A_403 = arith.constant 0 : i32
        %parallel_loop3A_404 = arith.index_cast %parallel_loop3A_386 : i32 to index
        %parallel_loop3A_405 = arith.index_cast %parallel_loop3A_403 : i32 to index
        %parallel_loop3A_406 = arith.index_cast %parallel_loop3A_402 : i32 to index
        %parallel_loop3A_407 = arith.constant 48 : index
        %parallel_loop3A_408 = tpu.vector_load %arg12[%parallel_loop3A_404, %parallel_loop3A_405, %parallel_loop3A_406, %parallel_loop3A_407] {strides = array<i32>} : memref<8x1x8x128xf32, #tpu.memory_space<vmem>>, vector<16xf32>,
        tpu.vector_store %arg12[%parallel_loop3A_404, %parallel_loop3A_405, %parallel_loop3A_406, %parallel_loop3A_407], %parallel_loop3A_362 {strides = array<i32>} : memref<8x1x8x128xf32, #tpu.memory_space<vmem>>, vector<16xf32>,
        %parallel_loop3A_409 = arith.constant 64 : i32
        %parallel_loop3A_410 = vector.broadcast %parallel_loop3A_409 : i32 to vector<16xi32>
        %parallel_loop3A_411 = arith.addi %iota3A, %parallel_loop3A_410 : vector<16xi32>
        %parallel_loop3A_412 = tpu.vector_load_idx %arg10[%parallel_loop3A_411, %parallel_loop3A_208] : memref<128x64xf32, #tpu.memory_space<vmem>>[vector<16xi32>, vector<16xi32>], vector<16xf32>,
        %parallel_loop3A_413 = arith.constant 8 : i32
        %parallel_loop3A_414 = arith.divsi %parallel_loop3A_203, %parallel_loop3A_413 : i32
        %parallel_loop3A_415 = arith.constant 0 : i32
        %parallel_loop3A_416 = arith.cmpi sgt, %parallel_loop3A_203, %parallel_loop3A_415 : i32
        %parallel_loop3A_417 = arith.extui %parallel_loop3A_416 : i1 to i32
        %parallel_loop3A_418 = arith.constant 0 : i32
        %parallel_loop3A_419 = arith.cmpi slt, %parallel_loop3A_203, %parallel_loop3A_418 : i32
        %parallel_loop3A_420 = arith.extui %parallel_loop3A_419 : i1 to i32
        %parallel_loop3A_421 = arith.subi %parallel_loop3A_417, %parallel_loop3A_420 : i32
        %parallel_loop3A_422 = arith.constant 0 : i32
        %parallel_loop3A_423 = arith.cmpi sgt, %parallel_loop3A_413, %parallel_loop3A_422 : i32
        %parallel_loop3A_424 = arith.extui %parallel_loop3A_423 : i1 to i32
        %parallel_loop3A_425 = arith.constant 0 : i32
        %parallel_loop3A_426 = arith.cmpi slt, %parallel_loop3A_413, %parallel_loop3A_425 : i32
        %parallel_loop3A_427 = arith.extui %parallel_loop3A_426 : i1 to i32
        %parallel_loop3A_428 = arith.subi %parallel_loop3A_424, %parallel_loop3A_427 : i32
        %parallel_loop3A_429 = arith.cmpi ne, %parallel_loop3A_421, %parallel_loop3A_428 : i32
        %parallel_loop3A_430 = arith.remsi %parallel_loop3A_203, %parallel_loop3A_413 : i32
        %parallel_loop3A_431 = arith.constant 0 : i32
        %parallel_loop3A_432 = arith.cmpi ne, %parallel_loop3A_430, %parallel_loop3A_431 : i32
        %parallel_loop3A_433 = arith.andi %parallel_loop3A_429, %parallel_loop3A_432 : i1
        %parallel_loop3A_434 = arith.constant 1 : i32
        %parallel_loop3A_435 = arith.subi %parallel_loop3A_414, %parallel_loop3A_434 : i32
        %parallel_loop3A_436 = arith.select %parallel_loop3A_433, %parallel_loop3A_435, %parallel_loop3A_414 : i32
        %parallel_loop3A_437 = arith.constant 8 : i32
        %parallel_loop3A_438 = arith.constant 0 : i32
        %parallel_loop3A_439 = arith.cmpi eq, %parallel_loop3A_437, %parallel_loop3A_438 : i32
        %parallel_loop3A_440 = arith.constant 1 : i32
        %parallel_loop3A_441 = arith.select %parallel_loop3A_439, %parallel_loop3A_440, %parallel_loop3A_437 : i32
        %parallel_loop3A_442 = arith.remsi %parallel_loop3A_203, %parallel_loop3A_441 : i32
        %parallel_loop3A_443 = arith.constant 0 : i32
        %parallel_loop3A_444 = arith.cmpi ne, %parallel_loop3A_442, %parallel_loop3A_443 : i32
        %parallel_loop3A_445 = arith.constant 0 : i32
        %parallel_loop3A_446 = arith.cmpi slt, %parallel_loop3A_442, %parallel_loop3A_445 : i32
        %parallel_loop3A_447 = arith.constant 0 : i32
        %parallel_loop3A_448 = arith.cmpi slt, %parallel_loop3A_441, %parallel_loop3A_447 : i32
        %parallel_loop3A_449 = arith.xori %parallel_loop3A_446, %parallel_loop3A_448 : i1
        %parallel_loop3A_450 = arith.andi %parallel_loop3A_449, %parallel_loop3A_444 : i1
        %parallel_loop3A_451 = arith.addi %parallel_loop3A_442, %parallel_loop3A_441 : i32
        %parallel_loop3A_452 = arith.select %parallel_loop3A_450, %parallel_loop3A_451, %parallel_loop3A_442 : i32
        %parallel_loop3A_453 = arith.constant 0 : i32
        %parallel_loop3A_454 = arith.index_cast %parallel_loop3A_436 : i32 to index
        %parallel_loop3A_455 = arith.index_cast %parallel_loop3A_453 : i32 to index
        %parallel_loop3A_456 = arith.index_cast %parallel_loop3A_452 : i32 to index
        %parallel_loop3A_457 = arith.constant 64 : index
        %parallel_loop3A_458 = tpu.vector_load %arg12[%parallel_loop3A_454, %parallel_loop3A_455, %parallel_loop3A_456, %parallel_loop3A_457] {strides = array<i32>} : memref<8x1x8x128xf32, #tpu.memory_space<vmem>>, vector<16xf32>,
        tpu.vector_store %arg12[%parallel_loop3A_454, %parallel_loop3A_455, %parallel_loop3A_456, %parallel_loop3A_457], %parallel_loop3A_412 {strides = array<i32>} : memref<8x1x8x128xf32, #tpu.memory_space<vmem>>, vector<16xf32>,
        %parallel_loop3A_459 = arith.constant 80 : i32
        %parallel_loop3A_460 = vector.broadcast %parallel_loop3A_459 : i32 to vector<16xi32>
        %parallel_loop3A_461 = arith.addi %iota3A, %parallel_loop3A_460 : vector<16xi32>
        %parallel_loop3A_462 = tpu.vector_load_idx %arg10[%parallel_loop3A_461, %parallel_loop3A_208] : memref<128x64xf32, #tpu.memory_space<vmem>>[vector<16xi32>, vector<16xi32>], vector<16xf32>,
        %parallel_loop3A_463 = arith.constant 8 : i32
        %parallel_loop3A_464 = arith.divsi %parallel_loop3A_203, %parallel_loop3A_463 : i32
        %parallel_loop3A_465 = arith.constant 0 : i32
        %parallel_loop3A_466 = arith.cmpi sgt, %parallel_loop3A_203, %parallel_loop3A_465 : i32
        %parallel_loop3A_467 = arith.extui %parallel_loop3A_466 : i1 to i32
        %parallel_loop3A_468 = arith.constant 0 : i32
        %parallel_loop3A_469 = arith.cmpi slt, %parallel_loop3A_203, %parallel_loop3A_468 : i32
        %parallel_loop3A_470 = arith.extui %parallel_loop3A_469 : i1 to i32
        %parallel_loop3A_471 = arith.subi %parallel_loop3A_467, %parallel_loop3A_470 : i32
        %parallel_loop3A_472 = arith.constant 0 : i32
        %parallel_loop3A_473 = arith.cmpi sgt, %parallel_loop3A_463, %parallel_loop3A_472 : i32
        %parallel_loop3A_474 = arith.extui %parallel_loop3A_473 : i1 to i32
        %parallel_loop3A_475 = arith.constant 0 : i32
        %parallel_loop3A_476 = arith.cmpi slt, %parallel_loop3A_463, %parallel_loop3A_475 : i32
        %parallel_loop3A_477 = arith.extui %parallel_loop3A_476 : i1 to i32
        %parallel_loop3A_478 = arith.subi %parallel_loop3A_474, %parallel_loop3A_477 : i32
        %parallel_loop3A_479 = arith.cmpi ne, %parallel_loop3A_471, %parallel_loop3A_478 : i32
        %parallel_loop3A_480 = arith.remsi %parallel_loop3A_203, %parallel_loop3A_463 : i32
        %parallel_loop3A_481 = arith.constant 0 : i32
        %parallel_loop3A_482 = arith.cmpi ne, %parallel_loop3A_480, %parallel_loop3A_481 : i32
        %parallel_loop3A_483 = arith.andi %parallel_loop3A_479, %parallel_loop3A_482 : i1
        %parallel_loop3A_484 = arith.constant 1 : i32
        %parallel_loop3A_485 = arith.subi %parallel_loop3A_464, %parallel_loop3A_484 : i32
        %parallel_loop3A_486 = arith.select %parallel_loop3A_483, %parallel_loop3A_485, %parallel_loop3A_464 : i32
        %parallel_loop3A_487 = arith.constant 8 : i32
        %parallel_loop3A_488 = arith.constant 0 : i32
        %parallel_loop3A_489 = arith.cmpi eq, %parallel_loop3A_487, %parallel_loop3A_488 : i32
        %parallel_loop3A_490 = arith.constant 1 : i32
        %parallel_loop3A_491 = arith.select %parallel_loop3A_489, %parallel_loop3A_490, %parallel_loop3A_487 : i32
        %parallel_loop3A_492 = arith.remsi %parallel_loop3A_203, %parallel_loop3A_491 : i32
        %parallel_loop3A_493 = arith.constant 0 : i32
        %parallel_loop3A_494 = arith.cmpi ne, %parallel_loop3A_492, %parallel_loop3A_493 : i32
        %parallel_loop3A_495 = arith.constant 0 : i32
        %parallel_loop3A_496 = arith.cmpi slt, %parallel_loop3A_492, %parallel_loop3A_495 : i32
        %parallel_loop3A_497 = arith.constant 0 : i32
        %parallel_loop3A_498 = arith.cmpi slt, %parallel_loop3A_491, %parallel_loop3A_497 : i32
        %parallel_loop3A_499 = arith.xori %parallel_loop3A_496, %parallel_loop3A_498 : i1
        %parallel_loop3A_500 = arith.andi %parallel_loop3A_499, %parallel_loop3A_494 : i1
        %parallel_loop3A_501 = arith.addi %parallel_loop3A_492, %parallel_loop3A_491 : i32
        %parallel_loop3A_502 = arith.select %parallel_loop3A_500, %parallel_loop3A_501, %parallel_loop3A_492 : i32
        %parallel_loop3A_503 = arith.constant 0 : i32
        %parallel_loop3A_504 = arith.index_cast %parallel_loop3A_486 : i32 to index
        %parallel_loop3A_505 = arith.index_cast %parallel_loop3A_503 : i32 to index
        %parallel_loop3A_506 = arith.index_cast %parallel_loop3A_502 : i32 to index
        %parallel_loop3A_507 = arith.constant 80 : index
        %parallel_loop3A_508 = tpu.vector_load %arg12[%parallel_loop3A_504, %parallel_loop3A_505, %parallel_loop3A_506, %parallel_loop3A_507] {strides = array<i32>} : memref<8x1x8x128xf32, #tpu.memory_space<vmem>>, vector<16xf32>,
        tpu.vector_store %arg12[%parallel_loop3A_504, %parallel_loop3A_505, %parallel_loop3A_506, %parallel_loop3A_507], %parallel_loop3A_462 {strides = array<i32>} : memref<8x1x8x128xf32, #tpu.memory_space<vmem>>, vector<16xf32>,
        %parallel_loop3A_509 = arith.constant 96 : i32
        %parallel_loop3A_510 = vector.broadcast %parallel_loop3A_509 : i32 to vector<16xi32>
        %parallel_loop3A_511 = arith.addi %iota3A, %parallel_loop3A_510 : vector<16xi32>
        %parallel_loop3A_512 = tpu.vector_load_idx %arg10[%parallel_loop3A_511, %parallel_loop3A_208] : memref<128x64xf32, #tpu.memory_space<vmem>>[vector<16xi32>, vector<16xi32>], vector<16xf32>,
        %parallel_loop3A_513 = arith.constant 8 : i32
        %parallel_loop3A_514 = arith.divsi %parallel_loop3A_203, %parallel_loop3A_513 : i32
        %parallel_loop3A_515 = arith.constant 0 : i32
        %parallel_loop3A_516 = arith.cmpi sgt, %parallel_loop3A_203, %parallel_loop3A_515 : i32
        %parallel_loop3A_517 = arith.extui %parallel_loop3A_516 : i1 to i32
        %parallel_loop3A_518 = arith.constant 0 : i32
        %parallel_loop3A_519 = arith.cmpi slt, %parallel_loop3A_203, %parallel_loop3A_518 : i32
        %parallel_loop3A_520 = arith.extui %parallel_loop3A_519 : i1 to i32
        %parallel_loop3A_521 = arith.subi %parallel_loop3A_517, %parallel_loop3A_520 : i32
        %parallel_loop3A_522 = arith.constant 0 : i32
        %parallel_loop3A_523 = arith.cmpi sgt, %parallel_loop3A_513, %parallel_loop3A_522 : i32
        %parallel_loop3A_524 = arith.extui %parallel_loop3A_523 : i1 to i32
        %parallel_loop3A_525 = arith.constant 0 : i32
        %parallel_loop3A_526 = arith.cmpi slt, %parallel_loop3A_513, %parallel_loop3A_525 : i32
        %parallel_loop3A_527 = arith.extui %parallel_loop3A_526 : i1 to i32
        %parallel_loop3A_528 = arith.subi %parallel_loop3A_524, %parallel_loop3A_527 : i32
        %parallel_loop3A_529 = arith.cmpi ne, %parallel_loop3A_521, %parallel_loop3A_528 : i32
        %parallel_loop3A_530 = arith.remsi %parallel_loop3A_203, %parallel_loop3A_513 : i32
        %parallel_loop3A_531 = arith.constant 0 : i32
        %parallel_loop3A_532 = arith.cmpi ne, %parallel_loop3A_530, %parallel_loop3A_531 : i32
        %parallel_loop3A_533 = arith.andi %parallel_loop3A_529, %parallel_loop3A_532 : i1
        %parallel_loop3A_534 = arith.constant 1 : i32
        %parallel_loop3A_535 = arith.subi %parallel_loop3A_514, %parallel_loop3A_534 : i32
        %parallel_loop3A_536 = arith.select %parallel_loop3A_533, %parallel_loop3A_535, %parallel_loop3A_514 : i32
        %parallel_loop3A_537 = arith.constant 8 : i32
        %parallel_loop3A_538 = arith.constant 0 : i32
        %parallel_loop3A_539 = arith.cmpi eq, %parallel_loop3A_537, %parallel_loop3A_538 : i32
        %parallel_loop3A_540 = arith.constant 1 : i32
        %parallel_loop3A_541 = arith.select %parallel_loop3A_539, %parallel_loop3A_540, %parallel_loop3A_537 : i32
        %parallel_loop3A_542 = arith.remsi %parallel_loop3A_203, %parallel_loop3A_541 : i32
        %parallel_loop3A_543 = arith.constant 0 : i32
        %parallel_loop3A_544 = arith.cmpi ne, %parallel_loop3A_542, %parallel_loop3A_543 : i32
        %parallel_loop3A_545 = arith.constant 0 : i32
        %parallel_loop3A_546 = arith.cmpi slt, %parallel_loop3A_542, %parallel_loop3A_545 : i32
        %parallel_loop3A_547 = arith.constant 0 : i32
        %parallel_loop3A_548 = arith.cmpi slt, %parallel_loop3A_541, %parallel_loop3A_547 : i32
        %parallel_loop3A_549 = arith.xori %parallel_loop3A_546, %parallel_loop3A_548 : i1
        %parallel_loop3A_550 = arith.andi %parallel_loop3A_549, %parallel_loop3A_544 : i1
        %parallel_loop3A_551 = arith.addi %parallel_loop3A_542, %parallel_loop3A_541 : i32
        %parallel_loop3A_552 = arith.select %parallel_loop3A_550, %parallel_loop3A_551, %parallel_loop3A_542 : i32
        %parallel_loop3A_553 = arith.constant 0 : i32
        %parallel_loop3A_554 = arith.index_cast %parallel_loop3A_536 : i32 to index
        %parallel_loop3A_555 = arith.index_cast %parallel_loop3A_553 : i32 to index
        %parallel_loop3A_556 = arith.index_cast %parallel_loop3A_552 : i32 to index
        %parallel_loop3A_557 = arith.constant 96 : index
        %parallel_loop3A_558 = tpu.vector_load %arg12[%parallel_loop3A_554, %parallel_loop3A_555, %parallel_loop3A_556, %parallel_loop3A_557] {strides = array<i32>} : memref<8x1x8x128xf32, #tpu.memory_space<vmem>>, vector<16xf32>,
        tpu.vector_store %arg12[%parallel_loop3A_554, %parallel_loop3A_555, %parallel_loop3A_556, %parallel_loop3A_557], %parallel_loop3A_512 {strides = array<i32>} : memref<8x1x8x128xf32, #tpu.memory_space<vmem>>, vector<16xf32>,
        %parallel_loop3A_559 = arith.constant 112 : i32
        %parallel_loop3A_560 = vector.broadcast %parallel_loop3A_559 : i32 to vector<16xi32>
        %parallel_loop3A_561 = arith.addi %iota3A, %parallel_loop3A_560 : vector<16xi32>
        %parallel_loop3A_562 = tpu.vector_load_idx %arg10[%parallel_loop3A_561, %parallel_loop3A_208] : memref<128x64xf32, #tpu.memory_space<vmem>>[vector<16xi32>, vector<16xi32>], vector<16xf32>,
        %parallel_loop3A_563 = arith.constant 8 : i32
        %parallel_loop3A_564 = arith.divsi %parallel_loop3A_203, %parallel_loop3A_563 : i32
        %parallel_loop3A_565 = arith.constant 0 : i32
        %parallel_loop3A_566 = arith.cmpi sgt, %parallel_loop3A_203, %parallel_loop3A_565 : i32
        %parallel_loop3A_567 = arith.extui %parallel_loop3A_566 : i1 to i32
        %parallel_loop3A_568 = arith.constant 0 : i32
        %parallel_loop3A_569 = arith.cmpi slt, %parallel_loop3A_203, %parallel_loop3A_568 : i32
        %parallel_loop3A_570 = arith.extui %parallel_loop3A_569 : i1 to i32
        %parallel_loop3A_571 = arith.subi %parallel_loop3A_567, %parallel_loop3A_570 : i32
        %parallel_loop3A_572 = arith.constant 0 : i32
        %parallel_loop3A_573 = arith.cmpi sgt, %parallel_loop3A_563, %parallel_loop3A_572 : i32
        %parallel_loop3A_574 = arith.extui %parallel_loop3A_573 : i1 to i32
        %parallel_loop3A_575 = arith.constant 0 : i32
        %parallel_loop3A_576 = arith.cmpi slt, %parallel_loop3A_563, %parallel_loop3A_575 : i32
        %parallel_loop3A_577 = arith.extui %parallel_loop3A_576 : i1 to i32
        %parallel_loop3A_578 = arith.subi %parallel_loop3A_574, %parallel_loop3A_577 : i32
        %parallel_loop3A_579 = arith.cmpi ne, %parallel_loop3A_571, %parallel_loop3A_578 : i32
        %parallel_loop3A_580 = arith.remsi %parallel_loop3A_203, %parallel_loop3A_563 : i32
        %parallel_loop3A_581 = arith.constant 0 : i32
        %parallel_loop3A_582 = arith.cmpi ne, %parallel_loop3A_580, %parallel_loop3A_581 : i32
        %parallel_loop3A_583 = arith.andi %parallel_loop3A_579, %parallel_loop3A_582 : i1
        %parallel_loop3A_584 = arith.constant 1 : i32
        %parallel_loop3A_585 = arith.subi %parallel_loop3A_564, %parallel_loop3A_584 : i32
        %parallel_loop3A_586 = arith.select %parallel_loop3A_583, %parallel_loop3A_585, %parallel_loop3A_564 : i32
        %parallel_loop3A_587 = arith.constant 8 : i32
        %parallel_loop3A_588 = arith.constant 0 : i32
        %parallel_loop3A_589 = arith.cmpi eq, %parallel_loop3A_587, %parallel_loop3A_588 : i32
        %parallel_loop3A_590 = arith.constant 1 : i32
        %parallel_loop3A_591 = arith.select %parallel_loop3A_589, %parallel_loop3A_590, %parallel_loop3A_587 : i32
        %parallel_loop3A_592 = arith.remsi %parallel_loop3A_203, %parallel_loop3A_591 : i32
        %parallel_loop3A_593 = arith.constant 0 : i32
        %parallel_loop3A_594 = arith.cmpi ne, %parallel_loop3A_592, %parallel_loop3A_593 : i32
        %parallel_loop3A_595 = arith.constant 0 : i32
        %parallel_loop3A_596 = arith.cmpi slt, %parallel_loop3A_592, %parallel_loop3A_595 : i32
        %parallel_loop3A_597 = arith.constant 0 : i32
        %parallel_loop3A_598 = arith.cmpi slt, %parallel_loop3A_591, %parallel_loop3A_597 : i32
        %parallel_loop3A_599 = arith.xori %parallel_loop3A_596, %parallel_loop3A_598 : i1
        %parallel_loop3A_600 = arith.andi %parallel_loop3A_599, %parallel_loop3A_594 : i1
        %parallel_loop3A_601 = arith.addi %parallel_loop3A_592, %parallel_loop3A_591 : i32
        %parallel_loop3A_602 = arith.select %parallel_loop3A_600, %parallel_loop3A_601, %parallel_loop3A_592 : i32
        %parallel_loop3A_603 = arith.constant 0 : i32
        %parallel_loop3A_604 = arith.index_cast %parallel_loop3A_586 : i32 to index
        %parallel_loop3A_605 = arith.index_cast %parallel_loop3A_603 : i32 to index
        %parallel_loop3A_606 = arith.index_cast %parallel_loop3A_602 : i32 to index
        %parallel_loop3A_607 = arith.constant 112 : index
        %parallel_loop3A_608 = tpu.vector_load %arg12[%parallel_loop3A_604, %parallel_loop3A_605, %parallel_loop3A_606, %parallel_loop3A_607] {strides = array<i32>} : memref<8x1x8x128xf32, #tpu.memory_space<vmem>>, vector<16xf32>,
        tpu.vector_store %arg12[%parallel_loop3A_604, %parallel_loop3A_605, %parallel_loop3A_606, %parallel_loop3A_607], %parallel_loop3A_562 {strides = array<i32>} : memref<8x1x8x128xf32, #tpu.memory_space<vmem>>, vector<16xf32>,
      } {sc.loop_unroll_factor = 2 : i64, sc.parallel_access}
      %lt3A = arith.constant 24 : i32
      %lt3A_153 = arith.cmpi slt, %scan3A_139, %lt3A : i32
      %convert_element_type3A_154 = arith.extui %lt3A_153 : i1 to i32
      %cond3A_155 = arith.constant 0 : i32
      %cond3A_156 = arith.cmpi ne, %convert_element_type3A_154, %cond3A_155 : i32
      scf.if %cond3A_156 {
        %add3A_203 = arith.constant 2 : i32
        %add3A_204 = arith.addi %mul3A_142, %add3A_203 : i32
        %dma_start3A_205 = arith.constant 0 : i32
        %dma_start3A_206 = tpu.memref_slice %arg9[%add3A_204, %dma_start3A_205] : memref<50x128xi32, #tpu.memory_space<vmem>> -> memref<1x128xi32, #tpu.memory_space<vmem>>
        %dma_start3A_207 = tpu.memref_squeeze %dma_start3A_206 : memref<1x128xi32, #tpu.memory_space<vmem>> -> memref<128xi32, #tpu.memory_space<vmem>>
        %dma_start3A_208 = arith.constant 0 : i32
        %dma_start3A_209 = arith.constant 0 : i32
        %dma_start3A_210 = tpu.memref_slice %arg5[%dma_start3A_208, %dma_start3A_209] : memref<100000x64xf32, #tpu.memory_space<hbm>> -> memref<100000x64xf32, #tpu.memory_space<hbm>>
        tpu.enqueue_indirect_dma source(%dma_start3A_210 : memref<100000x64xf32, #tpu.memory_space<hbm>>) target(%arg10 : memref<128x64xf32, #tpu.memory_space<vmem>>) offsets(%dma_start3A_207 : memref<128xi32, #tpu.memory_space<vmem>>) semaphore(%arg14 : memref<!tpu.dma_semaphore, #tpu.memory_space<semaphore_mem>>)
      } else {
      }
      %dma_start3A_157 = arith.constant 0 : i32
      %dma_start3A_158 = arith.constant 0 : i32
      %dma_start3A_159 = arith.constant 0 : i32
      %dma_start3A_160 = arith.constant 0 : i32
      %dma_start3A_161 = tpu.memref_slice %arg8[%dma_start3A_157, %mul3A_142, %dma_start3A_158, %add3A, %dma_start3A_159, %dma_start3A_160] : memref<3x50x8x32x8x128xf32, #tpu.memory_space<hbm>> -> memref<1x1x8x1x8x128xf32, #tpu.memory_space<hbm>>
      %dma_start3A_162 = tpu.memref_squeeze %dma_start3A_161 : memref<1x1x8x1x8x128xf32, #tpu.memory_space<hbm>> -> memref<8x1x8x128xf32, #tpu.memory_space<hbm>>
      %dma_start3A_163 = arith.constant 0 : i32
      %dma_start3A_164 = arith.constant 0 : i32
      %dma_start3A_165 = arith.constant 0 : i32
      %dma_start3A_166 = tpu.memref_slice %arg8[%dma_start3A_157, %mul3A_142, %dma_start3A_163, %add3A, %dma_start3A_164, %dma_start3A_165] : memref<3x50x8x32x8x128xf32, #tpu.memory_space<hbm>> -> memref<1x1x8x1x8x128xf32, #tpu.memory_space<hbm>>
      %dma_start3A_167 = tpu.memref_squeeze %dma_start3A_166 : memref<1x1x8x1x8x128xf32, #tpu.memory_space<hbm>> -> memref<8x1x8x128xf32, #tpu.memory_space<hbm>>
      tpu.enqueue_dma source(%arg12 : memref<8x1x8x128xf32, #tpu.memory_space<vmem>>) target(%dma_start3A_167 : memref<8x1x8x128xf32, #tpu.memory_space<hbm>>) target_semaphore(%arg16 : memref<!tpu.dma_semaphore, #tpu.memory_space<semaphore_mem>>)
      %mul3A_168 = arith.constant 2 : i32
      %mul3A_169 = arith.muli %mul3A_168, %scan3A_139 : i32
      %add3A_170 = arith.constant 1 : i32
      %add3A_171 = arith.addi %mul3A_169, %add3A_170 : i32
      %dma_wait3A_172 = arith.constant 0 : i32
      %dma_wait3A_173 = tpu.memref_slice %arg9[%add3A_171, %dma_wait3A_172] : memref<50x128xi32, #tpu.memory_space<vmem>> -> memref<1x128xi32, #tpu.memory_space<vmem>>
      %dma_wait3A_174 = tpu.memref_squeeze %dma_wait3A_173 : memref<1x128xi32, #tpu.memory_space<vmem>> -> memref<128xi32, #tpu.memory_space<vmem>>
      %dma_wait3A_175 = arith.constant 0 : i32
      %dma_wait3A_176 = arith.constant 0 : i32
      %dma_wait3A_177 = tpu.memref_slice %arg5[%dma_wait3A_175, %dma_wait3A_176] : memref<100000x64xf32, #tpu.memory_space<hbm>> -> memref<100000x64xf32, #tpu.memory_space<hbm>>
      tpu.wait_indirect_dma semaphore(%arg15 : memref<!tpu.dma_semaphore, #tpu.memory_space<semaphore_mem>>) src(%dma_wait3A_177 : memref<100000x64xf32, #tpu.memory_space<hbm>>) dst(%arg11 : memref<128x64xf32, #tpu.memory_space<vmem>>)
      %gt3A_178 = arith.constant 0 : i32
      %gt3A_179 = arith.cmpi sgt, %scan3A_139, %gt3A_178 : i32
      %convert_element_type3A_180 = arith.extui %gt3A_179 : i1 to i32
      %cond3A_181 = arith.constant 0 : i32
      %cond3A_182 = arith.cmpi ne, %convert_element_type3A_180, %cond3A_181 : i32
      scf.if %cond3A_182 {
        %sub3A = arith.constant 2 : i32
        %sub3A_203 = arith.subi %add3A_171, %sub3A : i32
        %dma_wait3A_204 = arith.constant 0 : i32
        %dma_wait3A_205 = arith.constant 0 : i32
        %dma_wait3A_206 = arith.constant 0 : i32
        %dma_wait3A_207 = arith.constant 0 : i32
        %dma_wait3A_208 = tpu.memref_slice %arg8[%dma_wait3A_204, %sub3A_203, %dma_wait3A_205, %add3A, %dma_wait3A_206, %dma_wait3A_207] : memref<3x50x8x32x8x128xf32, #tpu.memory_space<hbm>> -> memref<1x1x8x1x8x128xf32, #tpu.memory_space<hbm>>
        %dma_wait3A_209 = tpu.memref_squeeze %dma_wait3A_208 : memref<1x1x8x1x8x128xf32, #tpu.memory_space<hbm>> -> memref<8x1x8x128xf32, #tpu.memory_space<hbm>>
        %dma_wait3A_210 = arith.constant 0 : i32
        %dma_wait3A_211 = arith.constant 0 : i32
        %dma_wait3A_212 = arith.constant 0 : i32
        %dma_wait3A_213 = tpu.memref_slice %arg8[%dma_wait3A_204, %sub3A_203, %dma_wait3A_210, %add3A, %dma_wait3A_211, %dma_wait3A_212] : memref<3x50x8x32x8x128xf32, #tpu.memory_space<hbm>> -> memref<1x1x8x1x8x128xf32, #tpu.memory_space<hbm>>
        %dma_wait3A_214 = tpu.memref_squeeze %dma_wait3A_213 : memref<1x1x8x1x8x128xf32, #tpu.memory_space<hbm>> -> memref<8x1x8x128xf32, #tpu.memory_space<hbm>>
        tpu.wait_dma2 semaphore(%arg17 : memref<!tpu.dma_semaphore, #tpu.memory_space<semaphore_mem>>) src(%arg13 : memref<8x1x8x128xf32, #tpu.memory_space<vmem>>) dst(%dma_wait3A_214 : memref<8x1x8x128xf32, #tpu.memory_space<hbm>>)
      } else {
      }
      %parallel_loop3A_183 = arith.constant 0 : i32
      %parallel_loop3A_184 = arith.constant 64 : i32
      %parallel_loop3A_185 = arith.constant 1 : i32
      scf.for %parallel_loop3A_203 = %parallel_loop3A_183 to %parallel_loop3A_184 step %parallel_loop3A_185  : i32 {
        %parallel_loop3A_204 = arith.constant 0 : i32
        %parallel_loop3A_205 = vector.broadcast %parallel_loop3A_204 : i32 to vector<16xi32>
        %parallel_loop3A_206 = arith.muli %iota3A, %parallel_loop3A_205 : vector<16xi32>
        %parallel_loop3A_207 = vector.broadcast %parallel_loop3A_203 : i32 to vector<16xi32>
        %parallel_loop3A_208 = arith.addi %parallel_loop3A_206, %parallel_loop3A_207 : vector<16xi32>
        %parallel_loop3A_209 = arith.constant 0 : i32
        %parallel_loop3A_210 = vector.broadcast %parallel_loop3A_209 : i32 to vector<16xi32>
        %parallel_loop3A_211 = arith.addi %iota3A, %parallel_loop3A_210 : vector<16xi32>
        %parallel_loop3A_212 = tpu.vector_load_idx %arg11[%parallel_loop3A_211, %parallel_loop3A_208] : memref<128x64xf32, #tpu.memory_space<vmem>>[vector<16xi32>, vector<16xi32>], vector<16xf32>,
        %parallel_loop3A_213 = arith.constant 8 : i32
        %parallel_loop3A_214 = arith.divsi %parallel_loop3A_203, %parallel_loop3A_213 : i32
        %parallel_loop3A_215 = arith.constant 0 : i32
        %parallel_loop3A_216 = arith.cmpi sgt, %parallel_loop3A_203, %parallel_loop3A_215 : i32
        %parallel_loop3A_217 = arith.extui %parallel_loop3A_216 : i1 to i32
        %parallel_loop3A_218 = arith.constant 0 : i32
        %parallel_loop3A_219 = arith.cmpi slt, %parallel_loop3A_203, %parallel_loop3A_218 : i32
        %parallel_loop3A_220 = arith.extui %parallel_loop3A_219 : i1 to i32
        %parallel_loop3A_221 = arith.subi %parallel_loop3A_217, %parallel_loop3A_220 : i32
        %parallel_loop3A_222 = arith.constant 0 : i32
        %parallel_loop3A_223 = arith.cmpi sgt, %parallel_loop3A_213, %parallel_loop3A_222 : i32
        %parallel_loop3A_224 = arith.extui %parallel_loop3A_223 : i1 to i32
        %parallel_loop3A_225 = arith.constant 0 : i32
        %parallel_loop3A_226 = arith.cmpi slt, %parallel_loop3A_213, %parallel_loop3A_225 : i32
        %parallel_loop3A_227 = arith.extui %parallel_loop3A_226 : i1 to i32
        %parallel_loop3A_228 = arith.subi %parallel_loop3A_224, %parallel_loop3A_227 : i32
        %parallel_loop3A_229 = arith.cmpi ne, %parallel_loop3A_221, %parallel_loop3A_228 : i32
        %parallel_loop3A_230 = arith.remsi %parallel_loop3A_203, %parallel_loop3A_213 : i32
        %parallel_loop3A_231 = arith.constant 0 : i32
        %parallel_loop3A_232 = arith.cmpi ne, %parallel_loop3A_230, %parallel_loop3A_231 : i32
        %parallel_loop3A_233 = arith.andi %parallel_loop3A_229, %parallel_loop3A_232 : i1
        %parallel_loop3A_234 = arith.constant 1 : i32
        %parallel_loop3A_235 = arith.subi %parallel_loop3A_214, %parallel_loop3A_234 : i32
        %parallel_loop3A_236 = arith.select %parallel_loop3A_233, %parallel_loop3A_235, %parallel_loop3A_214 : i32
        %parallel_loop3A_237 = arith.constant 8 : i32
        %parallel_loop3A_238 = arith.constant 0 : i32
        %parallel_loop3A_239 = arith.cmpi eq, %parallel_loop3A_237, %parallel_loop3A_238 : i32
        %parallel_loop3A_240 = arith.constant 1 : i32
        %parallel_loop3A_241 = arith.select %parallel_loop3A_239, %parallel_loop3A_240, %parallel_loop3A_237 : i32
        %parallel_loop3A_242 = arith.remsi %parallel_loop3A_203, %parallel_loop3A_241 : i32
        %parallel_loop3A_243 = arith.constant 0 : i32
        %parallel_loop3A_244 = arith.cmpi ne, %parallel_loop3A_242, %parallel_loop3A_243 : i32
        %parallel_loop3A_245 = arith.constant 0 : i32
        %parallel_loop3A_246 = arith.cmpi slt, %parallel_loop3A_242, %parallel_loop3A_245 : i32
        %parallel_loop3A_247 = arith.constant 0 : i32
        %parallel_loop3A_248 = arith.cmpi slt, %parallel_loop3A_241, %parallel_loop3A_247 : i32
        %parallel_loop3A_249 = arith.xori %parallel_loop3A_246, %parallel_loop3A_248 : i1
        %parallel_loop3A_250 = arith.andi %parallel_loop3A_249, %parallel_loop3A_244 : i1
        %parallel_loop3A_251 = arith.addi %parallel_loop3A_242, %parallel_loop3A_241 : i32
        %parallel_loop3A_252 = arith.select %parallel_loop3A_250, %parallel_loop3A_251, %parallel_loop3A_242 : i32
        %parallel_loop3A_253 = arith.constant 0 : i32
        %parallel_loop3A_254 = arith.index_cast %parallel_loop3A_236 : i32 to index
        %parallel_loop3A_255 = arith.index_cast %parallel_loop3A_253 : i32 to index
        %parallel_loop3A_256 = arith.index_cast %parallel_loop3A_252 : i32 to index
        %parallel_loop3A_257 = arith.constant 0 : index
        %parallel_loop3A_258 = tpu.vector_load %arg13[%parallel_loop3A_254, %parallel_loop3A_255, %parallel_loop3A_256, %parallel_loop3A_257] {strides = array<i32>} : memref<8x1x8x128xf32, #tpu.memory_space<vmem>>, vector<16xf32>,
        tpu.vector_store %arg13[%parallel_loop3A_254, %parallel_loop3A_255, %parallel_loop3A_256, %parallel_loop3A_257], %parallel_loop3A_212 {strides = array<i32>} : memref<8x1x8x128xf32, #tpu.memory_space<vmem>>, vector<16xf32>,
        %parallel_loop3A_259 = arith.constant 16 : i32
        %parallel_loop3A_260 = vector.broadcast %parallel_loop3A_259 : i32 to vector<16xi32>
        %parallel_loop3A_261 = arith.addi %iota3A, %parallel_loop3A_260 : vector<16xi32>
        %parallel_loop3A_262 = tpu.vector_load_idx %arg11[%parallel_loop3A_261, %parallel_loop3A_208] : memref<128x64xf32, #tpu.memory_space<vmem>>[vector<16xi32>, vector<16xi32>], vector<16xf32>,
        %parallel_loop3A_263 = arith.constant 8 : i32
        %parallel_loop3A_264 = arith.divsi %parallel_loop3A_203, %parallel_loop3A_263 : i32
        %parallel_loop3A_265 = arith.constant 0 : i32
        %parallel_loop3A_266 = arith.cmpi sgt, %parallel_loop3A_203, %parallel_loop3A_265 : i32
        %parallel_loop3A_267 = arith.extui %parallel_loop3A_266 : i1 to i32
        %parallel_loop3A_268 = arith.constant 0 : i32
        %parallel_loop3A_269 = arith.cmpi slt, %parallel_loop3A_203, %parallel_loop3A_268 : i32
        %parallel_loop3A_270 = arith.extui %parallel_loop3A_269 : i1 to i32
        %parallel_loop3A_271 = arith.subi %parallel_loop3A_267, %parallel_loop3A_270 : i32
        %parallel_loop3A_272 = arith.constant 0 : i32
        %parallel_loop3A_273 = arith.cmpi sgt, %parallel_loop3A_263, %parallel_loop3A_272 : i32
        %parallel_loop3A_274 = arith.extui %parallel_loop3A_273 : i1 to i32
        %parallel_loop3A_275 = arith.constant 0 : i32
        %parallel_loop3A_276 = arith.cmpi slt, %parallel_loop3A_263, %parallel_loop3A_275 : i32
        %parallel_loop3A_277 = arith.extui %parallel_loop3A_276 : i1 to i32
        %parallel_loop3A_278 = arith.subi %parallel_loop3A_274, %parallel_loop3A_277 : i32
        %parallel_loop3A_279 = arith.cmpi ne, %parallel_loop3A_271, %parallel_loop3A_278 : i32
        %parallel_loop3A_280 = arith.remsi %parallel_loop3A_203, %parallel_loop3A_263 : i32
        %parallel_loop3A_281 = arith.constant 0 : i32
        %parallel_loop3A_282 = arith.cmpi ne, %parallel_loop3A_280, %parallel_loop3A_281 : i32
        %parallel_loop3A_283 = arith.andi %parallel_loop3A_279, %parallel_loop3A_282 : i1
        %parallel_loop3A_284 = arith.constant 1 : i32
        %parallel_loop3A_285 = arith.subi %parallel_loop3A_264, %parallel_loop3A_284 : i32
        %parallel_loop3A_286 = arith.select %parallel_loop3A_283, %parallel_loop3A_285, %parallel_loop3A_264 : i32
        %parallel_loop3A_287 = arith.constant 8 : i32
        %parallel_loop3A_288 = arith.constant 0 : i32
        %parallel_loop3A_289 = arith.cmpi eq, %parallel_loop3A_287, %parallel_loop3A_288 : i32
        %parallel_loop3A_290 = arith.constant 1 : i32
        %parallel_loop3A_291 = arith.select %parallel_loop3A_289, %parallel_loop3A_290, %parallel_loop3A_287 : i32
        %parallel_loop3A_292 = arith.remsi %parallel_loop3A_203, %parallel_loop3A_291 : i32
        %parallel_loop3A_293 = arith.constant 0 : i32
        %parallel_loop3A_294 = arith.cmpi ne, %parallel_loop3A_292, %parallel_loop3A_293 : i32
        %parallel_loop3A_295 = arith.constant 0 : i32
        %parallel_loop3A_296 = arith.cmpi slt, %parallel_loop3A_292, %parallel_loop3A_295 : i32
        %parallel_loop3A_297 = arith.constant 0 : i32
        %parallel_loop3A_298 = arith.cmpi slt, %parallel_loop3A_291, %parallel_loop3A_297 : i32
        %parallel_loop3A_299 = arith.xori %parallel_loop3A_296, %parallel_loop3A_298 : i1
        %parallel_loop3A_300 = arith.andi %parallel_loop3A_299, %parallel_loop3A_294 : i1
        %parallel_loop3A_301 = arith.addi %parallel_loop3A_292, %parallel_loop3A_291 : i32
        %parallel_loop3A_302 = arith.select %parallel_loop3A_300, %parallel_loop3A_301, %parallel_loop3A_292 : i32
        %parallel_loop3A_303 = arith.constant 0 : i32
        %parallel_loop3A_304 = arith.index_cast %parallel_loop3A_286 : i32 to index
        %parallel_loop3A_305 = arith.index_cast %parallel_loop3A_303 : i32 to index
        %parallel_loop3A_306 = arith.index_cast %parallel_loop3A_302 : i32 to index
        %parallel_loop3A_307 = arith.constant 16 : index
        %parallel_loop3A_308 = tpu.vector_load %arg13[%parallel_loop3A_304, %parallel_loop3A_305, %parallel_loop3A_306, %parallel_loop3A_307] {strides = array<i32>} : memref<8x1x8x128xf32, #tpu.memory_space<vmem>>, vector<16xf32>,
        tpu.vector_store %arg13[%parallel_loop3A_304, %parallel_loop3A_305, %parallel_loop3A_306, %parallel_loop3A_307], %parallel_loop3A_262 {strides = array<i32>} : memref<8x1x8x128xf32, #tpu.memory_space<vmem>>, vector<16xf32>,
        %parallel_loop3A_309 = arith.constant 32 : i32
        %parallel_loop3A_310 = vector.broadcast %parallel_loop3A_309 : i32 to vector<16xi32>
        %parallel_loop3A_311 = arith.addi %iota3A, %parallel_loop3A_310 : vector<16xi32>
        %parallel_loop3A_312 = tpu.vector_load_idx %arg11[%parallel_loop3A_311, %parallel_loop3A_208] : memref<128x64xf32, #tpu.memory_space<vmem>>[vector<16xi32>, vector<16xi32>], vector<16xf32>,
        %parallel_loop3A_313 = arith.constant 8 : i32
        %parallel_loop3A_314 = arith.divsi %parallel_loop3A_203, %parallel_loop3A_313 : i32
        %parallel_loop3A_315 = arith.constant 0 : i32
        %parallel_loop3A_316 = arith.cmpi sgt, %parallel_loop3A_203, %parallel_loop3A_315 : i32
        %parallel_loop3A_317 = arith.extui %parallel_loop3A_316 : i1 to i32
        %parallel_loop3A_318 = arith.constant 0 : i32
        %parallel_loop3A_319 = arith.cmpi slt, %parallel_loop3A_203, %parallel_loop3A_318 : i32
        %parallel_loop3A_320 = arith.extui %parallel_loop3A_319 : i1 to i32
        %parallel_loop3A_321 = arith.subi %parallel_loop3A_317, %parallel_loop3A_320 : i32
        %parallel_loop3A_322 = arith.constant 0 : i32
        %parallel_loop3A_323 = arith.cmpi sgt, %parallel_loop3A_313, %parallel_loop3A_322 : i32
        %parallel_loop3A_324 = arith.extui %parallel_loop3A_323 : i1 to i32
        %parallel_loop3A_325 = arith.constant 0 : i32
        %parallel_loop3A_326 = arith.cmpi slt, %parallel_loop3A_313, %parallel_loop3A_325 : i32
        %parallel_loop3A_327 = arith.extui %parallel_loop3A_326 : i1 to i32
        %parallel_loop3A_328 = arith.subi %parallel_loop3A_324, %parallel_loop3A_327 : i32
        %parallel_loop3A_329 = arith.cmpi ne, %parallel_loop3A_321, %parallel_loop3A_328 : i32
        %parallel_loop3A_330 = arith.remsi %parallel_loop3A_203, %parallel_loop3A_313 : i32
        %parallel_loop3A_331 = arith.constant 0 : i32
        %parallel_loop3A_332 = arith.cmpi ne, %parallel_loop3A_330, %parallel_loop3A_331 : i32
        %parallel_loop3A_333 = arith.andi %parallel_loop3A_329, %parallel_loop3A_332 : i1
        %parallel_loop3A_334 = arith.constant 1 : i32
        %parallel_loop3A_335 = arith.subi %parallel_loop3A_314, %parallel_loop3A_334 : i32
        %parallel_loop3A_336 = arith.select %parallel_loop3A_333, %parallel_loop3A_335, %parallel_loop3A_314 : i32
        %parallel_loop3A_337 = arith.constant 8 : i32
        %parallel_loop3A_338 = arith.constant 0 : i32
        %parallel_loop3A_339 = arith.cmpi eq, %parallel_loop3A_337, %parallel_loop3A_338 : i32
        %parallel_loop3A_340 = arith.constant 1 : i32
        %parallel_loop3A_341 = arith.select %parallel_loop3A_339, %parallel_loop3A_340, %parallel_loop3A_337 : i32
        %parallel_loop3A_342 = arith.remsi %parallel_loop3A_203, %parallel_loop3A_341 : i32
        %parallel_loop3A_343 = arith.constant 0 : i32
        %parallel_loop3A_344 = arith.cmpi ne, %parallel_loop3A_342, %parallel_loop3A_343 : i32
        %parallel_loop3A_345 = arith.constant 0 : i32
        %parallel_loop3A_346 = arith.cmpi slt, %parallel_loop3A_342, %parallel_loop3A_345 : i32
        %parallel_loop3A_347 = arith.constant 0 : i32
        %parallel_loop3A_348 = arith.cmpi slt, %parallel_loop3A_341, %parallel_loop3A_347 : i32
        %parallel_loop3A_349 = arith.xori %parallel_loop3A_346, %parallel_loop3A_348 : i1
        %parallel_loop3A_350 = arith.andi %parallel_loop3A_349, %parallel_loop3A_344 : i1
        %parallel_loop3A_351 = arith.addi %parallel_loop3A_342, %parallel_loop3A_341 : i32
        %parallel_loop3A_352 = arith.select %parallel_loop3A_350, %parallel_loop3A_351, %parallel_loop3A_342 : i32
        %parallel_loop3A_353 = arith.constant 0 : i32
        %parallel_loop3A_354 = arith.index_cast %parallel_loop3A_336 : i32 to index
        %parallel_loop3A_355 = arith.index_cast %parallel_loop3A_353 : i32 to index
        %parallel_loop3A_356 = arith.index_cast %parallel_loop3A_352 : i32 to index
        %parallel_loop3A_357 = arith.constant 32 : index
        %parallel_loop3A_358 = tpu.vector_load %arg13[%parallel_loop3A_354, %parallel_loop3A_355, %parallel_loop3A_356, %parallel_loop3A_357] {strides = array<i32>} : memref<8x1x8x128xf32, #tpu.memory_space<vmem>>, vector<16xf32>,
        tpu.vector_store %arg13[%parallel_loop3A_354, %parallel_loop3A_355, %parallel_loop3A_356, %parallel_loop3A_357], %parallel_loop3A_312 {strides = array<i32>} : memref<8x1x8x128xf32, #tpu.memory_space<vmem>>, vector<16xf32>,
        %parallel_loop3A_359 = arith.constant 48 : i32
        %parallel_loop3A_360 = vector.broadcast %parallel_loop3A_359 : i32 to vector<16xi32>
        %parallel_loop3A_361 = arith.addi %iota3A, %parallel_loop3A_360 : vector<16xi32>
        %parallel_loop3A_362 = tpu.vector_load_idx %arg11[%parallel_loop3A_361, %parallel_loop3A_208] : memref<128x64xf32, #tpu.memory_space<vmem>>[vector<16xi32>, vector<16xi32>], vector<16xf32>,
        %parallel_loop3A_363 = arith.constant 8 : i32
        %parallel_loop3A_364 = arith.divsi %parallel_loop3A_203, %parallel_loop3A_363 : i32
        %parallel_loop3A_365 = arith.constant 0 : i32
        %parallel_loop3A_366 = arith.cmpi sgt, %parallel_loop3A_203, %parallel_loop3A_365 : i32
        %parallel_loop3A_367 = arith.extui %parallel_loop3A_366 : i1 to i32
        %parallel_loop3A_368 = arith.constant 0 : i32
        %parallel_loop3A_369 = arith.cmpi slt, %parallel_loop3A_203, %parallel_loop3A_368 : i32
        %parallel_loop3A_370 = arith.extui %parallel_loop3A_369 : i1 to i32
        %parallel_loop3A_371 = arith.subi %parallel_loop3A_367, %parallel_loop3A_370 : i32
        %parallel_loop3A_372 = arith.constant 0 : i32
        %parallel_loop3A_373 = arith.cmpi sgt, %parallel_loop3A_363, %parallel_loop3A_372 : i32
        %parallel_loop3A_374 = arith.extui %parallel_loop3A_373 : i1 to i32
        %parallel_loop3A_375 = arith.constant 0 : i32
        %parallel_loop3A_376 = arith.cmpi slt, %parallel_loop3A_363, %parallel_loop3A_375 : i32
        %parallel_loop3A_377 = arith.extui %parallel_loop3A_376 : i1 to i32
        %parallel_loop3A_378 = arith.subi %parallel_loop3A_374, %parallel_loop3A_377 : i32
        %parallel_loop3A_379 = arith.cmpi ne, %parallel_loop3A_371, %parallel_loop3A_378 : i32
        %parallel_loop3A_380 = arith.remsi %parallel_loop3A_203, %parallel_loop3A_363 : i32
        %parallel_loop3A_381 = arith.constant 0 : i32
        %parallel_loop3A_382 = arith.cmpi ne, %parallel_loop3A_380, %parallel_loop3A_381 : i32
        %parallel_loop3A_383 = arith.andi %parallel_loop3A_379, %parallel_loop3A_382 : i1
        %parallel_loop3A_384 = arith.constant 1 : i32
        %parallel_loop3A_385 = arith.subi %parallel_loop3A_364, %parallel_loop3A_384 : i32
        %parallel_loop3A_386 = arith.select %parallel_loop3A_383, %parallel_loop3A_385, %parallel_loop3A_364 : i32
        %parallel_loop3A_387 = arith.constant 8 : i32
        %parallel_loop3A_388 = arith.constant 0 : i32
        %parallel_loop3A_389 = arith.cmpi eq, %parallel_loop3A_387, %parallel_loop3A_388 : i32
        %parallel_loop3A_390 = arith.constant 1 : i32
        %parallel_loop3A_391 = arith.select %parallel_loop3A_389, %parallel_loop3A_390, %parallel_loop3A_387 : i32
        %parallel_loop3A_392 = arith.remsi %parallel_loop3A_203, %parallel_loop3A_391 : i32
        %parallel_loop3A_393 = arith.constant 0 : i32
        %parallel_loop3A_394 = arith.cmpi ne, %parallel_loop3A_392, %parallel_loop3A_393 : i32
        %parallel_loop3A_395 = arith.constant 0 : i32
        %parallel_loop3A_396 = arith.cmpi slt, %parallel_loop3A_392, %parallel_loop3A_395 : i32
        %parallel_loop3A_397 = arith.constant 0 : i32
        %parallel_loop3A_398 = arith.cmpi slt, %parallel_loop3A_391, %parallel_loop3A_397 : i32
        %parallel_loop3A_399 = arith.xori %parallel_loop3A_396, %parallel_loop3A_398 : i1
        %parallel_loop3A_400 = arith.andi %parallel_loop3A_399, %parallel_loop3A_394 : i1
        %parallel_loop3A_401 = arith.addi %parallel_loop3A_392, %parallel_loop3A_391 : i32
        %parallel_loop3A_402 = arith.select %parallel_loop3A_400, %parallel_loop3A_401, %parallel_loop3A_392 : i32
        %parallel_loop3A_403 = arith.constant 0 : i32
        %parallel_loop3A_404 = arith.index_cast %parallel_loop3A_386 : i32 to index
        %parallel_loop3A_405 = arith.index_cast %parallel_loop3A_403 : i32 to index
        %parallel_loop3A_406 = arith.index_cast %parallel_loop3A_402 : i32 to index
        %parallel_loop3A_407 = arith.constant 48 : index
        %parallel_loop3A_408 = tpu.vector_load %arg13[%parallel_loop3A_404, %parallel_loop3A_405, %parallel_loop3A_406, %parallel_loop3A_407] {strides = array<i32>} : memref<8x1x8x128xf32, #tpu.memory_space<vmem>>, vector<16xf32>,
        tpu.vector_store %arg13[%parallel_loop3A_404, %parallel_loop3A_405, %parallel_loop3A_406, %parallel_loop3A_407], %parallel_loop3A_362 {strides = array<i32>} : memref<8x1x8x128xf32, #tpu.memory_space<vmem>>, vector<16xf32>,
        %parallel_loop3A_409 = arith.constant 64 : i32
        %parallel_loop3A_410 = vector.broadcast %parallel_loop3A_409 : i32 to vector<16xi32>
        %parallel_loop3A_411 = arith.addi %iota3A, %parallel_loop3A_410 : vector<16xi32>
        %parallel_loop3A_412 = tpu.vector_load_idx %arg11[%parallel_loop3A_411, %parallel_loop3A_208] : memref<128x64xf32, #tpu.memory_space<vmem>>[vector<16xi32>, vector<16xi32>], vector<16xf32>,
        %parallel_loop3A_413 = arith.constant 8 : i32
        %parallel_loop3A_414 = arith.divsi %parallel_loop3A_203, %parallel_loop3A_413 : i32
        %parallel_loop3A_415 = arith.constant 0 : i32
        %parallel_loop3A_416 = arith.cmpi sgt, %parallel_loop3A_203, %parallel_loop3A_415 : i32
        %parallel_loop3A_417 = arith.extui %parallel_loop3A_416 : i1 to i32
        %parallel_loop3A_418 = arith.constant 0 : i32
        %parallel_loop3A_419 = arith.cmpi slt, %parallel_loop3A_203, %parallel_loop3A_418 : i32
        %parallel_loop3A_420 = arith.extui %parallel_loop3A_419 : i1 to i32
        %parallel_loop3A_421 = arith.subi %parallel_loop3A_417, %parallel_loop3A_420 : i32
        %parallel_loop3A_422 = arith.constant 0 : i32
        %parallel_loop3A_423 = arith.cmpi sgt, %parallel_loop3A_413, %parallel_loop3A_422 : i32
        %parallel_loop3A_424 = arith.extui %parallel_loop3A_423 : i1 to i32
        %parallel_loop3A_425 = arith.constant 0 : i32
        %parallel_loop3A_426 = arith.cmpi slt, %parallel_loop3A_413, %parallel_loop3A_425 : i32
        %parallel_loop3A_427 = arith.extui %parallel_loop3A_426 : i1 to i32
        %parallel_loop3A_428 = arith.subi %parallel_loop3A_424, %parallel_loop3A_427 : i32
        %parallel_loop3A_429 = arith.cmpi ne, %parallel_loop3A_421, %parallel_loop3A_428 : i32
        %parallel_loop3A_430 = arith.remsi %parallel_loop3A_203, %parallel_loop3A_413 : i32
        %parallel_loop3A_431 = arith.constant 0 : i32
        %parallel_loop3A_432 = arith.cmpi ne, %parallel_loop3A_430, %parallel_loop3A_431 : i32
        %parallel_loop3A_433 = arith.andi %parallel_loop3A_429, %parallel_loop3A_432 : i1
        %parallel_loop3A_434 = arith.constant 1 : i32
        %parallel_loop3A_435 = arith.subi %parallel_loop3A_414, %parallel_loop3A_434 : i32
        %parallel_loop3A_436 = arith.select %parallel_loop3A_433, %parallel_loop3A_435, %parallel_loop3A_414 : i32
        %parallel_loop3A_437 = arith.constant 8 : i32
        %parallel_loop3A_438 = arith.constant 0 : i32
        %parallel_loop3A_439 = arith.cmpi eq, %parallel_loop3A_437, %parallel_loop3A_438 : i32
        %parallel_loop3A_440 = arith.constant 1 : i32
        %parallel_loop3A_441 = arith.select %parallel_loop3A_439, %parallel_loop3A_440, %parallel_loop3A_437 : i32
        %parallel_loop3A_442 = arith.remsi %parallel_loop3A_203, %parallel_loop3A_441 : i32
        %parallel_loop3A_443 = arith.constant 0 : i32
        %parallel_loop3A_444 = arith.cmpi ne, %parallel_loop3A_442, %parallel_loop3A_443 : i32
        %parallel_loop3A_445 = arith.constant 0 : i32
        %parallel_loop3A_446 = arith.cmpi slt, %parallel_loop3A_442, %parallel_loop3A_445 : i32
        %parallel_loop3A_447 = arith.constant 0 : i32
        %parallel_loop3A_448 = arith.cmpi slt, %parallel_loop3A_441, %parallel_loop3A_447 : i32
        %parallel_loop3A_449 = arith.xori %parallel_loop3A_446, %parallel_loop3A_448 : i1
        %parallel_loop3A_450 = arith.andi %parallel_loop3A_449, %parallel_loop3A_444 : i1
        %parallel_loop3A_451 = arith.addi %parallel_loop3A_442, %parallel_loop3A_441 : i32
        %parallel_loop3A_452 = arith.select %parallel_loop3A_450, %parallel_loop3A_451, %parallel_loop3A_442 : i32
        %parallel_loop3A_453 = arith.constant 0 : i32
        %parallel_loop3A_454 = arith.index_cast %parallel_loop3A_436 : i32 to index
        %parallel_loop3A_455 = arith.index_cast %parallel_loop3A_453 : i32 to index
        %parallel_loop3A_456 = arith.index_cast %parallel_loop3A_452 : i32 to index
        %parallel_loop3A_457 = arith.constant 64 : index
        %parallel_loop3A_458 = tpu.vector_load %arg13[%parallel_loop3A_454, %parallel_loop3A_455, %parallel_loop3A_456, %parallel_loop3A_457] {strides = array<i32>} : memref<8x1x8x128xf32, #tpu.memory_space<vmem>>, vector<16xf32>,
        tpu.vector_store %arg13[%parallel_loop3A_454, %parallel_loop3A_455, %parallel_loop3A_456, %parallel_loop3A_457], %parallel_loop3A_412 {strides = array<i32>} : memref<8x1x8x128xf32, #tpu.memory_space<vmem>>, vector<16xf32>,
        %parallel_loop3A_459 = arith.constant 80 : i32
        %parallel_loop3A_460 = vector.broadcast %parallel_loop3A_459 : i32 to vector<16xi32>
        %parallel_loop3A_461 = arith.addi %iota3A, %parallel_loop3A_460 : vector<16xi32>
        %parallel_loop3A_462 = tpu.vector_load_idx %arg11[%parallel_loop3A_461, %parallel_loop3A_208] : memref<128x64xf32, #tpu.memory_space<vmem>>[vector<16xi32>, vector<16xi32>], vector<16xf32>,
        %parallel_loop3A_463 = arith.constant 8 : i32
        %parallel_loop3A_464 = arith.divsi %parallel_loop3A_203, %parallel_loop3A_463 : i32
        %parallel_loop3A_465 = arith.constant 0 : i32
        %parallel_loop3A_466 = arith.cmpi sgt, %parallel_loop3A_203, %parallel_loop3A_465 : i32
        %parallel_loop3A_467 = arith.extui %parallel_loop3A_466 : i1 to i32
        %parallel_loop3A_468 = arith.constant 0 : i32
        %parallel_loop3A_469 = arith.cmpi slt, %parallel_loop3A_203, %parallel_loop3A_468 : i32
        %parallel_loop3A_470 = arith.extui %parallel_loop3A_469 : i1 to i32
        %parallel_loop3A_471 = arith.subi %parallel_loop3A_467, %parallel_loop3A_470 : i32
        %parallel_loop3A_472 = arith.constant 0 : i32
        %parallel_loop3A_473 = arith.cmpi sgt, %parallel_loop3A_463, %parallel_loop3A_472 : i32
        %parallel_loop3A_474 = arith.extui %parallel_loop3A_473 : i1 to i32
        %parallel_loop3A_475 = arith.constant 0 : i32
        %parallel_loop3A_476 = arith.cmpi slt, %parallel_loop3A_463, %parallel_loop3A_475 : i32
        %parallel_loop3A_477 = arith.extui %parallel_loop3A_476 : i1 to i32
        %parallel_loop3A_478 = arith.subi %parallel_loop3A_474, %parallel_loop3A_477 : i32
        %parallel_loop3A_479 = arith.cmpi ne, %parallel_loop3A_471, %parallel_loop3A_478 : i32
        %parallel_loop3A_480 = arith.remsi %parallel_loop3A_203, %parallel_loop3A_463 : i32
        %parallel_loop3A_481 = arith.constant 0 : i32
        %parallel_loop3A_482 = arith.cmpi ne, %parallel_loop3A_480, %parallel_loop3A_481 : i32
        %parallel_loop3A_483 = arith.andi %parallel_loop3A_479, %parallel_loop3A_482 : i1
        %parallel_loop3A_484 = arith.constant 1 : i32
        %parallel_loop3A_485 = arith.subi %parallel_loop3A_464, %parallel_loop3A_484 : i32
        %parallel_loop3A_486 = arith.select %parallel_loop3A_483, %parallel_loop3A_485, %parallel_loop3A_464 : i32
        %parallel_loop3A_487 = arith.constant 8 : i32
        %parallel_loop3A_488 = arith.constant 0 : i32
        %parallel_loop3A_489 = arith.cmpi eq, %parallel_loop3A_487, %parallel_loop3A_488 : i32
        %parallel_loop3A_490 = arith.constant 1 : i32
        %parallel_loop3A_491 = arith.select %parallel_loop3A_489, %parallel_loop3A_490, %parallel_loop3A_487 : i32
        %parallel_loop3A_492 = arith.remsi %parallel_loop3A_203, %parallel_loop3A_491 : i32
        %parallel_loop3A_493 = arith.constant 0 : i32
        %parallel_loop3A_494 = arith.cmpi ne, %parallel_loop3A_492, %parallel_loop3A_493 : i32
        %parallel_loop3A_495 = arith.constant 0 : i32
        %parallel_loop3A_496 = arith.cmpi slt, %parallel_loop3A_492, %parallel_loop3A_495 : i32
        %parallel_loop3A_497 = arith.constant 0 : i32
        %parallel_loop3A_498 = arith.cmpi slt, %parallel_loop3A_491, %parallel_loop3A_497 : i32
        %parallel_loop3A_499 = arith.xori %parallel_loop3A_496, %parallel_loop3A_498 : i1
        %parallel_loop3A_500 = arith.andi %parallel_loop3A_499, %parallel_loop3A_494 : i1
        %parallel_loop3A_501 = arith.addi %parallel_loop3A_492, %parallel_loop3A_491 : i32
        %parallel_loop3A_502 = arith.select %parallel_loop3A_500, %parallel_loop3A_501, %parallel_loop3A_492 : i32
        %parallel_loop3A_503 = arith.constant 0 : i32
        %parallel_loop3A_504 = arith.index_cast %parallel_loop3A_486 : i32 to index
        %parallel_loop3A_505 = arith.index_cast %parallel_loop3A_503 : i32 to index
        %parallel_loop3A_506 = arith.index_cast %parallel_loop3A_502 : i32 to index
        %parallel_loop3A_507 = arith.constant 80 : index
        %parallel_loop3A_508 = tpu.vector_load %arg13[%parallel_loop3A_504, %parallel_loop3A_505, %parallel_loop3A_506, %parallel_loop3A_507] {strides = array<i32>} : memref<8x1x8x128xf32, #tpu.memory_space<vmem>>, vector<16xf32>,
        tpu.vector_store %arg13[%parallel_loop3A_504, %parallel_loop3A_505, %parallel_loop3A_506, %parallel_loop3A_507], %parallel_loop3A_462 {strides = array<i32>} : memref<8x1x8x128xf32, #tpu.memory_space<vmem>>, vector<16xf32>,
        %parallel_loop3A_509 = arith.constant 96 : i32
        %parallel_loop3A_510 = vector.broadcast %parallel_loop3A_509 : i32 to vector<16xi32>
        %parallel_loop3A_511 = arith.addi %iota3A, %parallel_loop3A_510 : vector<16xi32>
        %parallel_loop3A_512 = tpu.vector_load_idx %arg11[%parallel_loop3A_511, %parallel_loop3A_208] : memref<128x64xf32, #tpu.memory_space<vmem>>[vector<16xi32>, vector<16xi32>], vector<16xf32>,
        %parallel_loop3A_513 = arith.constant 8 : i32
        %parallel_loop3A_514 = arith.divsi %parallel_loop3A_203, %parallel_loop3A_513 : i32
        %parallel_loop3A_515 = arith.constant 0 : i32
        %parallel_loop3A_516 = arith.cmpi sgt, %parallel_loop3A_203, %parallel_loop3A_515 : i32
        %parallel_loop3A_517 = arith.extui %parallel_loop3A_516 : i1 to i32
        %parallel_loop3A_518 = arith.constant 0 : i32
        %parallel_loop3A_519 = arith.cmpi slt, %parallel_loop3A_203, %parallel_loop3A_518 : i32
        %parallel_loop3A_520 = arith.extui %parallel_loop3A_519 : i1 to i32
        %parallel_loop3A_521 = arith.subi %parallel_loop3A_517, %parallel_loop3A_520 : i32
        %parallel_loop3A_522 = arith.constant 0 : i32
        %parallel_loop3A_523 = arith.cmpi sgt, %parallel_loop3A_513, %parallel_loop3A_522 : i32
        %parallel_loop3A_524 = arith.extui %parallel_loop3A_523 : i1 to i32
        %parallel_loop3A_525 = arith.constant 0 : i32
        %parallel_loop3A_526 = arith.cmpi slt, %parallel_loop3A_513, %parallel_loop3A_525 : i32
        %parallel_loop3A_527 = arith.extui %parallel_loop3A_526 : i1 to i32
        %parallel_loop3A_528 = arith.subi %parallel_loop3A_524, %parallel_loop3A_527 : i32
        %parallel_loop3A_529 = arith.cmpi ne, %parallel_loop3A_521, %parallel_loop3A_528 : i32
        %parallel_loop3A_530 = arith.remsi %parallel_loop3A_203, %parallel_loop3A_513 : i32
        %parallel_loop3A_531 = arith.constant 0 : i32
        %parallel_loop3A_532 = arith.cmpi ne, %parallel_loop3A_530, %parallel_loop3A_531 : i32
        %parallel_loop3A_533 = arith.andi %parallel_loop3A_529, %parallel_loop3A_532 : i1
        %parallel_loop3A_534 = arith.constant 1 : i32
        %parallel_loop3A_535 = arith.subi %parallel_loop3A_514, %parallel_loop3A_534 : i32
        %parallel_loop3A_536 = arith.select %parallel_loop3A_533, %parallel_loop3A_535, %parallel_loop3A_514 : i32
        %parallel_loop3A_537 = arith.constant 8 : i32
        %parallel_loop3A_538 = arith.constant 0 : i32
        %parallel_loop3A_539 = arith.cmpi eq, %parallel_loop3A_537, %parallel_loop3A_538 : i32
        %parallel_loop3A_540 = arith.constant 1 : i32
        %parallel_loop3A_541 = arith.select %parallel_loop3A_539, %parallel_loop3A_540, %parallel_loop3A_537 : i32
        %parallel_loop3A_542 = arith.remsi %parallel_loop3A_203, %parallel_loop3A_541 : i32
        %parallel_loop3A_543 = arith.constant 0 : i32
        %parallel_loop3A_544 = arith.cmpi ne, %parallel_loop3A_542, %parallel_loop3A_543 : i32
        %parallel_loop3A_545 = arith.constant 0 : i32
        %parallel_loop3A_546 = arith.cmpi slt, %parallel_loop3A_542, %parallel_loop3A_545 : i32
        %parallel_loop3A_547 = arith.constant 0 : i32
        %parallel_loop3A_548 = arith.cmpi slt, %parallel_loop3A_541, %parallel_loop3A_547 : i32
        %parallel_loop3A_549 = arith.xori %parallel_loop3A_546, %parallel_loop3A_548 : i1
        %parallel_loop3A_550 = arith.andi %parallel_loop3A_549, %parallel_loop3A_544 : i1
        %parallel_loop3A_551 = arith.addi %parallel_loop3A_542, %parallel_loop3A_541 : i32
        %parallel_loop3A_552 = arith.select %parallel_loop3A_550, %parallel_loop3A_551, %parallel_loop3A_542 : i32
        %parallel_loop3A_553 = arith.constant 0 : i32
        %parallel_loop3A_554 = arith.index_cast %parallel_loop3A_536 : i32 to index
        %parallel_loop3A_555 = arith.index_cast %parallel_loop3A_553 : i32 to index
        %parallel_loop3A_556 = arith.index_cast %parallel_loop3A_552 : i32 to index
        %parallel_loop3A_557 = arith.constant 96 : index
        %parallel_loop3A_558 = tpu.vector_load %arg13[%parallel_loop3A_554, %parallel_loop3A_555, %parallel_loop3A_556, %parallel_loop3A_557] {strides = array<i32>} : memref<8x1x8x128xf32, #tpu.memory_space<vmem>>, vector<16xf32>,
        tpu.vector_store %arg13[%parallel_loop3A_554, %parallel_loop3A_555, %parallel_loop3A_556, %parallel_loop3A_557], %parallel_loop3A_512 {strides = array<i32>} : memref<8x1x8x128xf32, #tpu.memory_space<vmem>>, vector<16xf32>,
        %parallel_loop3A_559 = arith.constant 112 : i32
        %parallel_loop3A_560 = vector.broadcast %parallel_loop3A_559 : i32 to vector<16xi32>
        %parallel_loop3A_561 = arith.addi %iota3A, %parallel_loop3A_560 : vector<16xi32>
        %parallel_loop3A_562 = tpu.vector_load_idx %arg11[%parallel_loop3A_561, %parallel_loop3A_208] : memref<128x64xf32, #tpu.memory_space<vmem>>[vector<16xi32>, vector<16xi32>], vector<16xf32>,
        %parallel_loop3A_563 = arith.constant 8 : i32
        %parallel_loop3A_564 = arith.divsi %parallel_loop3A_203, %parallel_loop3A_563 : i32
        %parallel_loop3A_565 = arith.constant 0 : i32
        %parallel_loop3A_566 = arith.cmpi sgt, %parallel_loop3A_203, %parallel_loop3A_565 : i32
        %parallel_loop3A_567 = arith.extui %parallel_loop3A_566 : i1 to i32
        %parallel_loop3A_568 = arith.constant 0 : i32
        %parallel_loop3A_569 = arith.cmpi slt, %parallel_loop3A_203, %parallel_loop3A_568 : i32
        %parallel_loop3A_570 = arith.extui %parallel_loop3A_569 : i1 to i32
        %parallel_loop3A_571 = arith.subi %parallel_loop3A_567, %parallel_loop3A_570 : i32
        %parallel_loop3A_572 = arith.constant 0 : i32
        %parallel_loop3A_573 = arith.cmpi sgt, %parallel_loop3A_563, %parallel_loop3A_572 : i32
        %parallel_loop3A_574 = arith.extui %parallel_loop3A_573 : i1 to i32
        %parallel_loop3A_575 = arith.constant 0 : i32
        %parallel_loop3A_576 = arith.cmpi slt, %parallel_loop3A_563, %parallel_loop3A_575 : i32
        %parallel_loop3A_577 = arith.extui %parallel_loop3A_576 : i1 to i32
        %parallel_loop3A_578 = arith.subi %parallel_loop3A_574, %parallel_loop3A_577 : i32
        %parallel_loop3A_579 = arith.cmpi ne, %parallel_loop3A_571, %parallel_loop3A_578 : i32
        %parallel_loop3A_580 = arith.remsi %parallel_loop3A_203, %parallel_loop3A_563 : i32
        %parallel_loop3A_581 = arith.constant 0 : i32
        %parallel_loop3A_582 = arith.cmpi ne, %parallel_loop3A_580, %parallel_loop3A_581 : i32
        %parallel_loop3A_583 = arith.andi %parallel_loop3A_579, %parallel_loop3A_582 : i1
        %parallel_loop3A_584 = arith.constant 1 : i32
        %parallel_loop3A_585 = arith.subi %parallel_loop3A_564, %parallel_loop3A_584 : i32
        %parallel_loop3A_586 = arith.select %parallel_loop3A_583, %parallel_loop3A_585, %parallel_loop3A_564 : i32
        %parallel_loop3A_587 = arith.constant 8 : i32
        %parallel_loop3A_588 = arith.constant 0 : i32
        %parallel_loop3A_589 = arith.cmpi eq, %parallel_loop3A_587, %parallel_loop3A_588 : i32
        %parallel_loop3A_590 = arith.constant 1 : i32
        %parallel_loop3A_591 = arith.select %parallel_loop3A_589, %parallel_loop3A_590, %parallel_loop3A_587 : i32
        %parallel_loop3A_592 = arith.remsi %parallel_loop3A_203, %parallel_loop3A_591 : i32
        %parallel_loop3A_593 = arith.constant 0 : i32
        %parallel_loop3A_594 = arith.cmpi ne, %parallel_loop3A_592, %parallel_loop3A_593 : i32
        %parallel_loop3A_595 = arith.constant 0 : i32
        %parallel_loop3A_596 = arith.cmpi slt, %parallel_loop3A_592, %parallel_loop3A_595 : i32
        %parallel_loop3A_597 = arith.constant 0 : i32
        %parallel_loop3A_598 = arith.cmpi slt, %parallel_loop3A_591, %parallel_loop3A_597 : i32
        %parallel_loop3A_599 = arith.xori %parallel_loop3A_596, %parallel_loop3A_598 : i1
        %parallel_loop3A_600 = arith.andi %parallel_loop3A_599, %parallel_loop3A_594 : i1
        %parallel_loop3A_601 = arith.addi %parallel_loop3A_592, %parallel_loop3A_591 : i32
        %parallel_loop3A_602 = arith.select %parallel_loop3A_600, %parallel_loop3A_601, %parallel_loop3A_592 : i32
        %parallel_loop3A_603 = arith.constant 0 : i32
        %parallel_loop3A_604 = arith.index_cast %parallel_loop3A_586 : i32 to index
        %parallel_loop3A_605 = arith.index_cast %parallel_loop3A_603 : i32 to index
        %parallel_loop3A_606 = arith.index_cast %parallel_loop3A_602 : i32 to index
        %parallel_loop3A_607 = arith.constant 112 : index
        %parallel_loop3A_608 = tpu.vector_load %arg13[%parallel_loop3A_604, %parallel_loop3A_605, %parallel_loop3A_606, %parallel_loop3A_607] {strides = array<i32>} : memref<8x1x8x128xf32, #tpu.memory_space<vmem>>, vector<16xf32>,
        tpu.vector_store %arg13[%parallel_loop3A_604, %parallel_loop3A_605, %parallel_loop3A_606, %parallel_loop3A_607], %parallel_loop3A_562 {strides = array<i32>} : memref<8x1x8x128xf32, #tpu.memory_space<vmem>>, vector<16xf32>,
      } {sc.loop_unroll_factor = 2 : i64, sc.parallel_access}
      %lt3A_186 = arith.constant 24 : i32
      %lt3A_187 = arith.cmpi slt, %scan3A_139, %lt3A_186 : i32
      %convert_element_type3A_188 = arith.extui %lt3A_187 : i1 to i32
      %cond3A_189 = arith.constant 0 : i32
      %cond3A_190 = arith.cmpi ne, %convert_element_type3A_188, %cond3A_189 : i32
      scf.if %cond3A_190 {
        %add3A_203 = arith.constant 2 : i32
        %add3A_204 = arith.addi %add3A_171, %add3A_203 : i32
        %dma_start3A_205 = arith.constant 0 : i32
        %dma_start3A_206 = tpu.memref_slice %arg9[%add3A_204, %dma_start3A_205] : memref<50x128xi32, #tpu.memory_space<vmem>> -> memref<1x128xi32, #tpu.memory_space<vmem>>
        %dma_start3A_207 = tpu.memref_squeeze %dma_start3A_206 : memref<1x128xi32, #tpu.memory_space<vmem>> -> memref<128xi32, #tpu.memory_space<vmem>>
        %dma_start3A_208 = arith.constant 0 : i32
        %dma_start3A_209 = arith.constant 0 : i32
        %dma_start3A_210 = tpu.memref_slice %arg5[%dma_start3A_208, %dma_start3A_209] : memref<100000x64xf32, #tpu.memory_space<hbm>> -> memref<100000x64xf32, #tpu.memory_space<hbm>>
        tpu.enqueue_indirect_dma source(%dma_start3A_210 : memref<100000x64xf32, #tpu.memory_space<hbm>>) target(%arg11 : memref<128x64xf32, #tpu.memory_space<vmem>>) offsets(%dma_start3A_207 : memref<128xi32, #tpu.memory_space<vmem>>) semaphore(%arg15 : memref<!tpu.dma_semaphore, #tpu.memory_space<semaphore_mem>>)
      } else {
      }
      %dma_start3A_191 = arith.constant 0 : i32
      %dma_start3A_192 = arith.constant 0 : i32
      %dma_start3A_193 = arith.constant 0 : i32
      %dma_start3A_194 = arith.constant 0 : i32
      %dma_start3A_195 = tpu.memref_slice %arg8[%dma_start3A_191, %add3A_171, %dma_start3A_192, %add3A, %dma_start3A_193, %dma_start3A_194] : memref<3x50x8x32x8x128xf32, #tpu.memory_space<hbm>> -> memref<1x1x8x1x8x128xf32, #tpu.memory_space<hbm>>
      %dma_start3A_196 = tpu.memref_squeeze %dma_start3A_195 : memref<1x1x8x1x8x128xf32, #tpu.memory_space<hbm>> -> memref<8x1x8x128xf32, #tpu.memory_space<hbm>>
      %dma_start3A_197 = arith.constant 0 : i32
      %dma_start3A_198 = arith.constant 0 : i32
      %dma_start3A_199 = arith.constant 0 : i32
      %dma_start3A_200 = tpu.memref_slice %arg8[%dma_start3A_191, %add3A_171, %dma_start3A_197, %add3A, %dma_start3A_198, %dma_start3A_199] : memref<3x50x8x32x8x128xf32, #tpu.memory_space<hbm>> -> memref<1x1x8x1x8x128xf32, #tpu.memory_space<hbm>>
      %dma_start3A_201 = tpu.memref_squeeze %dma_start3A_200 : memref<1x1x8x1x8x128xf32, #tpu.memory_space<hbm>> -> memref<8x1x8x128xf32, #tpu.memory_space<hbm>>
      tpu.enqueue_dma source(%arg13 : memref<8x1x8x128xf32, #tpu.memory_space<vmem>>) target(%dma_start3A_201 : memref<8x1x8x128xf32, #tpu.memory_space<hbm>>) target_semaphore(%arg17 : memref<!tpu.dma_semaphore, #tpu.memory_space<semaphore_mem>>)
      %scan3A_202 = arith.constant 0 : i32
      scf.yield %scan3A_202 : i32
    }
    %scan3A_21 = arith.constant 25 : i32
    %dma_wait3A = arith.constant 0 : i32
    %dma_wait3A_22 = arith.constant 48 : i32
    %dma_wait3A_23 = arith.constant 0 : i32
    %dma_wait3A_24 = arith.constant 0 : i32
    %dma_wait3A_25 = arith.constant 0 : i32
    %dma_wait3A_26 = tpu.memref_slice %arg8[%dma_wait3A, %dma_wait3A_22, %dma_wait3A_23, %add3A, %dma_wait3A_24, %dma_wait3A_25] : memref<3x50x8x32x8x128xf32, #tpu.memory_space<hbm>> -> memref<1x1x8x1x8x128xf32, #tpu.memory_space<hbm>>
    %dma_wait3A_27 = tpu.memref_squeeze %dma_wait3A_26 : memref<1x1x8x1x8x128xf32, #tpu.memory_space<hbm>> -> memref<8x1x8x128xf32, #tpu.memory_space<hbm>>
    %dma_wait3A_28 = arith.constant 0 : i32
    %dma_wait3A_29 = arith.constant 0 : i32
    %dma_wait3A_30 = arith.constant 0 : i32
    %dma_wait3A_31 = tpu.memref_slice %arg8[%dma_wait3A, %dma_wait3A_22, %dma_wait3A_28, %add3A, %dma_wait3A_29, %dma_wait3A_30] : memref<3x50x8x32x8x128xf32, #tpu.memory_space<hbm>> -> memref<1x1x8x1x8x128xf32, #tpu.memory_space<hbm>>
    %dma_wait3A_32 = tpu.memref_squeeze %dma_wait3A_31 : memref<1x1x8x1x8x128xf32, #tpu.memory_space<hbm>> -> memref<8x1x8x128xf32, #tpu.memory_space<hbm>>
    tpu.wait_dma2 semaphore(%arg16 : memref<!tpu.dma_semaphore, #tpu.memory_space<semaphore_mem>>) src(%arg12 : memref<8x1x8x128xf32, #tpu.memory_space<vmem>>) dst(%dma_wait3A_32 : memref<8x1x8x128xf32, #tpu.memory_space<hbm>>)
    %dma_wait3A_33 = arith.constant 0 : i32
    %dma_wait3A_34 = arith.constant 49 : i32
    %dma_wait3A_35 = arith.constant 0 : i32
    %dma_wait3A_36 = arith.constant 0 : i32
    %dma_wait3A_37 = arith.constant 0 : i32
    %dma_wait3A_38 = tpu.memref_slice %arg8[%dma_wait3A_33, %dma_wait3A_34, %dma_wait3A_35, %add3A, %dma_wait3A_36, %dma_wait3A_37] : memref<3x50x8x32x8x128xf32, #tpu.memory_space<hbm>> -> memref<1x1x8x1x8x128xf32, #tpu.memory_space<hbm>>
    %dma_wait3A_39 = tpu.memref_squeeze %dma_wait3A_38 : memref<1x1x8x1x8x128xf32, #tpu.memory_space<hbm>> -> memref<8x1x8x128xf32, #tpu.memory_space<hbm>>
    %dma_wait3A_40 = arith.constant 0 : i32
    %dma_wait3A_41 = arith.constant 0 : i32
    %dma_wait3A_42 = arith.constant 0 : i32
    %dma_wait3A_43 = tpu.memref_slice %arg8[%dma_wait3A_33, %dma_wait3A_34, %dma_wait3A_40, %add3A, %dma_wait3A_41, %dma_wait3A_42] : memref<3x50x8x32x8x128xf32, #tpu.memory_space<hbm>> -> memref<1x1x8x1x8x128xf32, #tpu.memory_space<hbm>>
    %dma_wait3A_44 = tpu.memref_squeeze %dma_wait3A_43 : memref<1x1x8x1x8x128xf32, #tpu.memory_space<hbm>> -> memref<8x1x8x128xf32, #tpu.memory_space<hbm>>
    tpu.wait_dma2 semaphore(%arg17 : memref<!tpu.dma_semaphore, #tpu.memory_space<semaphore_mem>>) src(%arg13 : memref<8x1x8x128xf32, #tpu.memory_space<vmem>>) dst(%dma_wait3A_44 : memref<8x1x8x128xf32, #tpu.memory_space<hbm>>)
    %mul3A_45 = arith.constant 128 : i32
    %mul3A_46 = arith.muli %add3A, %mul3A_45 : i32
    "tpu.region"() ({
      %run_scoped3A = tpu.sem_alloc : memref<!tpu.dma_semaphore, #tpu.memory_space<semaphore_mem>>
      %dma_start3A_139 = arith.constant 0 : i32
      %dma_start3A_140 = tpu.memref_slice %arg3[%dma_start3A_139, %mul3A_46] : memref<50x4096xi32, #tpu.memory_space<hbm>> -> memref<50x128xi32, #tpu.memory_space<hbm>>
      %dma_start3A_141 = arith.constant 0 : i32
      %dma_start3A_142 = tpu.memref_slice %arg3[%dma_start3A_141, %mul3A_46] : memref<50x4096xi32, #tpu.memory_space<hbm>> -> memref<50x128xi32, #tpu.memory_space<hbm>>
      tpu.enqueue_dma source(%dma_start3A_142 : memref<50x128xi32, #tpu.memory_space<hbm>>) target(%arg9 : memref<50x128xi32, #tpu.memory_space<vmem>>) target_semaphore(%run_scoped3A : memref<!tpu.dma_semaphore, #tpu.memory_space<semaphore_mem>>)
      %dma_wait3A_143 = arith.constant 0 : i32
      %dma_wait3A_144 = tpu.memref_slice %arg3[%dma_wait3A_143, %mul3A_46] : memref<50x4096xi32, #tpu.memory_space<hbm>> -> memref<50x128xi32, #tpu.memory_space<hbm>>
      %dma_wait3A_145 = arith.constant 0 : i32
      %dma_wait3A_146 = tpu.memref_slice %arg3[%dma_wait3A_145, %mul3A_46] : memref<50x4096xi32, #tpu.memory_space<hbm>> -> memref<50x128xi32, #tpu.memory_space<hbm>>
      tpu.wait_dma2 semaphore(%run_scoped3A : memref<!tpu.dma_semaphore, #tpu.memory_space<semaphore_mem>>) src(%dma_wait3A_146 : memref<50x128xi32, #tpu.memory_space<hbm>>) dst(%arg9 : memref<50x128xi32, #tpu.memory_space<vmem>>)
      tpu.yield
    }) : () -> ()
    %dma_start3A_47 = arith.constant 0 : i32
    %dma_start3A_48 = arith.constant 0 : i32
    %dma_start3A_49 = tpu.memref_slice %arg9[%dma_start3A_47, %dma_start3A_48] : memref<50x128xi32, #tpu.memory_space<vmem>> -> memref<1x128xi32, #tpu.memory_space<vmem>>
    %dma_start3A_50 = tpu.memref_squeeze %dma_start3A_49 : memref<1x128xi32, #tpu.memory_space<vmem>> -> memref<128xi32, #tpu.memory_space<vmem>>
    %dma_start3A_51 = arith.constant 0 : i32
    %dma_start3A_52 = arith.constant 0 : i32
    %dma_start3A_53 = tpu.memref_slice %arg6[%dma_start3A_51, %dma_start3A_52] : memref<100000x64xf32, #tpu.memory_space<hbm>> -> memref<100000x64xf32, #tpu.memory_space<hbm>>
    tpu.enqueue_indirect_dma source(%dma_start3A_53 : memref<100000x64xf32, #tpu.memory_space<hbm>>) target(%arg10 : memref<128x64xf32, #tpu.memory_space<vmem>>) offsets(%dma_start3A_50 : memref<128xi32, #tpu.memory_space<vmem>>) semaphore(%arg14 : memref<!tpu.dma_semaphore, #tpu.memory_space<semaphore_mem>>)
    %dma_start3A_54 = arith.constant 1 : i32
    %dma_start3A_55 = arith.constant 0 : i32
    %dma_start3A_56 = tpu.memref_slice %arg9[%dma_start3A_54, %dma_start3A_55] : memref<50x128xi32, #tpu.memory_space<vmem>> -> memref<1x128xi32, #tpu.memory_space<vmem>>
    %dma_start3A_57 = tpu.memref_squeeze %dma_start3A_56 : memref<1x128xi32, #tpu.memory_space<vmem>> -> memref<128xi32, #tpu.memory_space<vmem>>
    %dma_start3A_58 = arith.constant 0 : i32
    %dma_start3A_59 = arith.constant 0 : i32
    %dma_start3A_60 = tpu.memref_slice %arg6[%dma_start3A_58, %dma_start3A_59] : memref<100000x64xf32, #tpu.memory_space<hbm>> -> memref<100000x64xf32, #tpu.memory_space<hbm>>
    tpu.enqueue_indirect_dma source(%dma_start3A_60 : memref<100000x64xf32, #tpu.memory_space<hbm>>) target(%arg11 : memref<128x64xf32, #tpu.memory_space<vmem>>) offsets(%dma_start3A_57 : memref<128xi32, #tpu.memory_space<vmem>>) semaphore(%arg15 : memref<!tpu.dma_semaphore, #tpu.memory_space<semaphore_mem>>)
    %scan3A_61 = arith.constant 0 : i32
    %scan3A_62 = arith.constant 0 : i32
    %scan3A_63 = arith.constant 25 : i32
    %scan3A_64 = arith.addi %scan3A_62, %scan3A_63 : i32
    %scan3A_65 = arith.constant 1 : i32
    %scan3A_66 = scf.for %scan3A_139 = %scan3A_62 to %scan3A_64 step %scan3A_65 iter_args(%scan3A_140 = %scan3A_61) -> (i32)  : i32 {
      %mul3A_141 = arith.constant 2 : i32
      %mul3A_142 = arith.muli %mul3A_141, %scan3A_139 : i32
      %dma_wait3A_143 = arith.constant 0 : i32
      %dma_wait3A_144 = tpu.memref_slice %arg9[%mul3A_142, %dma_wait3A_143] : memref<50x128xi32, #tpu.memory_space<vmem>> -> memref<1x128xi32, #tpu.memory_space<vmem>>
      %dma_wait3A_145 = tpu.memref_squeeze %dma_wait3A_144 : memref<1x128xi32, #tpu.memory_space<vmem>> -> memref<128xi32, #tpu.memory_space<vmem>>
      %dma_wait3A_146 = arith.constant 0 : i32
      %dma_wait3A_147 = arith.constant 0 : i32
      %dma_wait3A_148 = tpu.memref_slice %arg6[%dma_wait3A_146, %dma_wait3A_147] : memref<100000x64xf32, #tpu.memory_space<hbm>> -> memref<100000x64xf32, #tpu.memory_space<hbm>>
      tpu.wait_indirect_dma semaphore(%arg14 : memref<!tpu.dma_semaphore, #tpu.memory_space<semaphore_mem>>) src(%dma_wait3A_148 : memref<100000x64xf32, #tpu.memory_space<hbm>>) dst(%arg10 : memref<128x64xf32, #tpu.memory_space<vmem>>)
      %gt3A = arith.constant 0 : i32
      %gt3A_149 = arith.cmpi sgt, %scan3A_139, %gt3A : i32
      %convert_element_type3A = arith.extui %gt3A_149 : i1 to i32
      %cond3A = arith.constant 0 : i32
      %cond3A_150 = arith.cmpi ne, %convert_element_type3A, %cond3A : i32
      scf.if %cond3A_150 {
        %sub3A = arith.constant 2 : i32
        %sub3A_203 = arith.subi %mul3A_142, %sub3A : i32
        %dma_wait3A_204 = arith.constant 1 : i32
        %dma_wait3A_205 = arith.constant 0 : i32
        %dma_wait3A_206 = arith.constant 0 : i32
        %dma_wait3A_207 = arith.constant 0 : i32
        %dma_wait3A_208 = tpu.memref_slice %arg8[%dma_wait3A_204, %sub3A_203, %dma_wait3A_205, %add3A, %dma_wait3A_206, %dma_wait3A_207] : memref<3x50x8x32x8x128xf32, #tpu.memory_space<hbm>> -> memref<1x1x8x1x8x128xf32, #tpu.memory_space<hbm>>
        %dma_wait3A_209 = tpu.memref_squeeze %dma_wait3A_208 : memref<1x1x8x1x8x128xf32, #tpu.memory_space<hbm>> -> memref<8x1x8x128xf32, #tpu.memory_space<hbm>>
        %dma_wait3A_210 = arith.constant 0 : i32
        %dma_wait3A_211 = arith.constant 0 : i32
        %dma_wait3A_212 = arith.constant 0 : i32
        %dma_wait3A_213 = tpu.memref_slice %arg8[%dma_wait3A_204, %sub3A_203, %dma_wait3A_210, %add3A, %dma_wait3A_211, %dma_wait3A_212] : memref<3x50x8x32x8x128xf32, #tpu.memory_space<hbm>> -> memref<1x1x8x1x8x128xf32, #tpu.memory_space<hbm>>
        %dma_wait3A_214 = tpu.memref_squeeze %dma_wait3A_213 : memref<1x1x8x1x8x128xf32, #tpu.memory_space<hbm>> -> memref<8x1x8x128xf32, #tpu.memory_space<hbm>>
        tpu.wait_dma2 semaphore(%arg16 : memref<!tpu.dma_semaphore, #tpu.memory_space<semaphore_mem>>) src(%arg12 : memref<8x1x8x128xf32, #tpu.memory_space<vmem>>) dst(%dma_wait3A_214 : memref<8x1x8x128xf32, #tpu.memory_space<hbm>>)
      } else {
      }
      %parallel_loop3A = arith.constant 0 : i32
      %parallel_loop3A_151 = arith.constant 64 : i32
      %parallel_loop3A_152 = arith.constant 1 : i32
      scf.for %parallel_loop3A_203 = %parallel_loop3A to %parallel_loop3A_151 step %parallel_loop3A_152  : i32 {
        %parallel_loop3A_204 = arith.constant 0 : i32
        %parallel_loop3A_205 = vector.broadcast %parallel_loop3A_204 : i32 to vector<16xi32>
        %parallel_loop3A_206 = arith.muli %iota3A, %parallel_loop3A_205 : vector<16xi32>
        %parallel_loop3A_207 = vector.broadcast %parallel_loop3A_203 : i32 to vector<16xi32>
        %parallel_loop3A_208 = arith.addi %parallel_loop3A_206, %parallel_loop3A_207 : vector<16xi32>
        %parallel_loop3A_209 = arith.constant 0 : i32
        %parallel_loop3A_210 = vector.broadcast %parallel_loop3A_209 : i32 to vector<16xi32>
        %parallel_loop3A_211 = arith.addi %iota3A, %parallel_loop3A_210 : vector<16xi32>
        %parallel_loop3A_212 = tpu.vector_load_idx %arg10[%parallel_loop3A_211, %parallel_loop3A_208] : memref<128x64xf32, #tpu.memory_space<vmem>>[vector<16xi32>, vector<16xi32>], vector<16xf32>,
        %parallel_loop3A_213 = arith.constant 8 : i32
        %parallel_loop3A_214 = arith.divsi %parallel_loop3A_203, %parallel_loop3A_213 : i32
        %parallel_loop3A_215 = arith.constant 0 : i32
        %parallel_loop3A_216 = arith.cmpi sgt, %parallel_loop3A_203, %parallel_loop3A_215 : i32
        %parallel_loop3A_217 = arith.extui %parallel_loop3A_216 : i1 to i32
        %parallel_loop3A_218 = arith.constant 0 : i32
        %parallel_loop3A_219 = arith.cmpi slt, %parallel_loop3A_203, %parallel_loop3A_218 : i32
        %parallel_loop3A_220 = arith.extui %parallel_loop3A_219 : i1 to i32
        %parallel_loop3A_221 = arith.subi %parallel_loop3A_217, %parallel_loop3A_220 : i32
        %parallel_loop3A_222 = arith.constant 0 : i32
        %parallel_loop3A_223 = arith.cmpi sgt, %parallel_loop3A_213, %parallel_loop3A_222 : i32
        %parallel_loop3A_224 = arith.extui %parallel_loop3A_223 : i1 to i32
        %parallel_loop3A_225 = arith.constant 0 : i32
        %parallel_loop3A_226 = arith.cmpi slt, %parallel_loop3A_213, %parallel_loop3A_225 : i32
        %parallel_loop3A_227 = arith.extui %parallel_loop3A_226 : i1 to i32
        %parallel_loop3A_228 = arith.subi %parallel_loop3A_224, %parallel_loop3A_227 : i32
        %parallel_loop3A_229 = arith.cmpi ne, %parallel_loop3A_221, %parallel_loop3A_228 : i32
        %parallel_loop3A_230 = arith.remsi %parallel_loop3A_203, %parallel_loop3A_213 : i32
        %parallel_loop3A_231 = arith.constant 0 : i32
        %parallel_loop3A_232 = arith.cmpi ne, %parallel_loop3A_230, %parallel_loop3A_231 : i32
        %parallel_loop3A_233 = arith.andi %parallel_loop3A_229, %parallel_loop3A_232 : i1
        %parallel_loop3A_234 = arith.constant 1 : i32
        %parallel_loop3A_235 = arith.subi %parallel_loop3A_214, %parallel_loop3A_234 : i32
        %parallel_loop3A_236 = arith.select %parallel_loop3A_233, %parallel_loop3A_235, %parallel_loop3A_214 : i32
        %parallel_loop3A_237 = arith.constant 8 : i32
        %parallel_loop3A_238 = arith.constant 0 : i32
        %parallel_loop3A_239 = arith.cmpi eq, %parallel_loop3A_237, %parallel_loop3A_238 : i32
        %parallel_loop3A_240 = arith.constant 1 : i32
        %parallel_loop3A_241 = arith.select %parallel_loop3A_239, %parallel_loop3A_240, %parallel_loop3A_237 : i32
        %parallel_loop3A_242 = arith.remsi %parallel_loop3A_203, %parallel_loop3A_241 : i32
        %parallel_loop3A_243 = arith.constant 0 : i32
        %parallel_loop3A_244 = arith.cmpi ne, %parallel_loop3A_242, %parallel_loop3A_243 : i32
        %parallel_loop3A_245 = arith.constant 0 : i32
        %parallel_loop3A_246 = arith.cmpi slt, %parallel_loop3A_242, %parallel_loop3A_245 : i32
        %parallel_loop3A_247 = arith.constant 0 : i32
        %parallel_loop3A_248 = arith.cmpi slt, %parallel_loop3A_241, %parallel_loop3A_247 : i32
        %parallel_loop3A_249 = arith.xori %parallel_loop3A_246, %parallel_loop3A_248 : i1
        %parallel_loop3A_250 = arith.andi %parallel_loop3A_249, %parallel_loop3A_244 : i1
        %parallel_loop3A_251 = arith.addi %parallel_loop3A_242, %parallel_loop3A_241 : i32
        %parallel_loop3A_252 = arith.select %parallel_loop3A_250, %parallel_loop3A_251, %parallel_loop3A_242 : i32
        %parallel_loop3A_253 = arith.constant 0 : i32
        %parallel_loop3A_254 = arith.index_cast %parallel_loop3A_236 : i32 to index
        %parallel_loop3A_255 = arith.index_cast %parallel_loop3A_253 : i32 to index
        %parallel_loop3A_256 = arith.index_cast %parallel_loop3A_252 : i32 to index
        %parallel_loop3A_257 = arith.constant 0 : index
        %parallel_loop3A_258 = tpu.vector_load %arg12[%parallel_loop3A_254, %parallel_loop3A_255, %parallel_loop3A_256, %parallel_loop3A_257] {strides = array<i32>} : memref<8x1x8x128xf32, #tpu.memory_space<vmem>>, vector<16xf32>,
        tpu.vector_store %arg12[%parallel_loop3A_254, %parallel_loop3A_255, %parallel_loop3A_256, %parallel_loop3A_257], %parallel_loop3A_212 {strides = array<i32>} : memref<8x1x8x128xf32, #tpu.memory_space<vmem>>, vector<16xf32>,
        %parallel_loop3A_259 = arith.constant 16 : i32
        %parallel_loop3A_260 = vector.broadcast %parallel_loop3A_259 : i32 to vector<16xi32>
        %parallel_loop3A_261 = arith.addi %iota3A, %parallel_loop3A_260 : vector<16xi32>
        %parallel_loop3A_262 = tpu.vector_load_idx %arg10[%parallel_loop3A_261, %parallel_loop3A_208] : memref<128x64xf32, #tpu.memory_space<vmem>>[vector<16xi32>, vector<16xi32>], vector<16xf32>,
        %parallel_loop3A_263 = arith.constant 8 : i32
        %parallel_loop3A_264 = arith.divsi %parallel_loop3A_203, %parallel_loop3A_263 : i32
        %parallel_loop3A_265 = arith.constant 0 : i32
        %parallel_loop3A_266 = arith.cmpi sgt, %parallel_loop3A_203, %parallel_loop3A_265 : i32
        %parallel_loop3A_267 = arith.extui %parallel_loop3A_266 : i1 to i32
        %parallel_loop3A_268 = arith.constant 0 : i32
        %parallel_loop3A_269 = arith.cmpi slt, %parallel_loop3A_203, %parallel_loop3A_268 : i32
        %parallel_loop3A_270 = arith.extui %parallel_loop3A_269 : i1 to i32
        %parallel_loop3A_271 = arith.subi %parallel_loop3A_267, %parallel_loop3A_270 : i32
        %parallel_loop3A_272 = arith.constant 0 : i32
        %parallel_loop3A_273 = arith.cmpi sgt, %parallel_loop3A_263, %parallel_loop3A_272 : i32
        %parallel_loop3A_274 = arith.extui %parallel_loop3A_273 : i1 to i32
        %parallel_loop3A_275 = arith.constant 0 : i32
        %parallel_loop3A_276 = arith.cmpi slt, %parallel_loop3A_263, %parallel_loop3A_275 : i32
        %parallel_loop3A_277 = arith.extui %parallel_loop3A_276 : i1 to i32
        %parallel_loop3A_278 = arith.subi %parallel_loop3A_274, %parallel_loop3A_277 : i32
        %parallel_loop3A_279 = arith.cmpi ne, %parallel_loop3A_271, %parallel_loop3A_278 : i32
        %parallel_loop3A_280 = arith.remsi %parallel_loop3A_203, %parallel_loop3A_263 : i32
        %parallel_loop3A_281 = arith.constant 0 : i32
        %parallel_loop3A_282 = arith.cmpi ne, %parallel_loop3A_280, %parallel_loop3A_281 : i32
        %parallel_loop3A_283 = arith.andi %parallel_loop3A_279, %parallel_loop3A_282 : i1
        %parallel_loop3A_284 = arith.constant 1 : i32
        %parallel_loop3A_285 = arith.subi %parallel_loop3A_264, %parallel_loop3A_284 : i32
        %parallel_loop3A_286 = arith.select %parallel_loop3A_283, %parallel_loop3A_285, %parallel_loop3A_264 : i32
        %parallel_loop3A_287 = arith.constant 8 : i32
        %parallel_loop3A_288 = arith.constant 0 : i32
        %parallel_loop3A_289 = arith.cmpi eq, %parallel_loop3A_287, %parallel_loop3A_288 : i32
        %parallel_loop3A_290 = arith.constant 1 : i32
        %parallel_loop3A_291 = arith.select %parallel_loop3A_289, %parallel_loop3A_290, %parallel_loop3A_287 : i32
        %parallel_loop3A_292 = arith.remsi %parallel_loop3A_203, %parallel_loop3A_291 : i32
        %parallel_loop3A_293 = arith.constant 0 : i32
        %parallel_loop3A_294 = arith.cmpi ne, %parallel_loop3A_292, %parallel_loop3A_293 : i32
        %parallel_loop3A_295 = arith.constant 0 : i32
        %parallel_loop3A_296 = arith.cmpi slt, %parallel_loop3A_292, %parallel_loop3A_295 : i32
        %parallel_loop3A_297 = arith.constant 0 : i32
        %parallel_loop3A_298 = arith.cmpi slt, %parallel_loop3A_291, %parallel_loop3A_297 : i32
        %parallel_loop3A_299 = arith.xori %parallel_loop3A_296, %parallel_loop3A_298 : i1
        %parallel_loop3A_300 = arith.andi %parallel_loop3A_299, %parallel_loop3A_294 : i1
        %parallel_loop3A_301 = arith.addi %parallel_loop3A_292, %parallel_loop3A_291 : i32
        %parallel_loop3A_302 = arith.select %parallel_loop3A_300, %parallel_loop3A_301, %parallel_loop3A_292 : i32
        %parallel_loop3A_303 = arith.constant 0 : i32
        %parallel_loop3A_304 = arith.index_cast %parallel_loop3A_286 : i32 to index
        %parallel_loop3A_305 = arith.index_cast %parallel_loop3A_303 : i32 to index
        %parallel_loop3A_306 = arith.index_cast %parallel_loop3A_302 : i32 to index
        %parallel_loop3A_307 = arith.constant 16 : index
        %parallel_loop3A_308 = tpu.vector_load %arg12[%parallel_loop3A_304, %parallel_loop3A_305, %parallel_loop3A_306, %parallel_loop3A_307] {strides = array<i32>} : memref<8x1x8x128xf32, #tpu.memory_space<vmem>>, vector<16xf32>,
        tpu.vector_store %arg12[%parallel_loop3A_304, %parallel_loop3A_305, %parallel_loop3A_306, %parallel_loop3A_307], %parallel_loop3A_262 {strides = array<i32>} : memref<8x1x8x128xf32, #tpu.memory_space<vmem>>, vector<16xf32>,
        %parallel_loop3A_309 = arith.constant 32 : i32
        %parallel_loop3A_310 = vector.broadcast %parallel_loop3A_309 : i32 to vector<16xi32>
        %parallel_loop3A_311 = arith.addi %iota3A, %parallel_loop3A_310 : vector<16xi32>
        %parallel_loop3A_312 = tpu.vector_load_idx %arg10[%parallel_loop3A_311, %parallel_loop3A_208] : memref<128x64xf32, #tpu.memory_space<vmem>>[vector<16xi32>, vector<16xi32>], vector<16xf32>,
        %parallel_loop3A_313 = arith.constant 8 : i32
        %parallel_loop3A_314 = arith.divsi %parallel_loop3A_203, %parallel_loop3A_313 : i32
        %parallel_loop3A_315 = arith.constant 0 : i32
        %parallel_loop3A_316 = arith.cmpi sgt, %parallel_loop3A_203, %parallel_loop3A_315 : i32
        %parallel_loop3A_317 = arith.extui %parallel_loop3A_316 : i1 to i32
        %parallel_loop3A_318 = arith.constant 0 : i32
        %parallel_loop3A_319 = arith.cmpi slt, %parallel_loop3A_203, %parallel_loop3A_318 : i32
        %parallel_loop3A_320 = arith.extui %parallel_loop3A_319 : i1 to i32
        %parallel_loop3A_321 = arith.subi %parallel_loop3A_317, %parallel_loop3A_320 : i32
        %parallel_loop3A_322 = arith.constant 0 : i32
        %parallel_loop3A_323 = arith.cmpi sgt, %parallel_loop3A_313, %parallel_loop3A_322 : i32
        %parallel_loop3A_324 = arith.extui %parallel_loop3A_323 : i1 to i32
        %parallel_loop3A_325 = arith.constant 0 : i32
        %parallel_loop3A_326 = arith.cmpi slt, %parallel_loop3A_313, %parallel_loop3A_325 : i32
        %parallel_loop3A_327 = arith.extui %parallel_loop3A_326 : i1 to i32
        %parallel_loop3A_328 = arith.subi %parallel_loop3A_324, %parallel_loop3A_327 : i32
        %parallel_loop3A_329 = arith.cmpi ne, %parallel_loop3A_321, %parallel_loop3A_328 : i32
        %parallel_loop3A_330 = arith.remsi %parallel_loop3A_203, %parallel_loop3A_313 : i32
        %parallel_loop3A_331 = arith.constant 0 : i32
        %parallel_loop3A_332 = arith.cmpi ne, %parallel_loop3A_330, %parallel_loop3A_331 : i32
        %parallel_loop3A_333 = arith.andi %parallel_loop3A_329, %parallel_loop3A_332 : i1
        %parallel_loop3A_334 = arith.constant 1 : i32
        %parallel_loop3A_335 = arith.subi %parallel_loop3A_314, %parallel_loop3A_334 : i32
        %parallel_loop3A_336 = arith.select %parallel_loop3A_333, %parallel_loop3A_335, %parallel_loop3A_314 : i32
        %parallel_loop3A_337 = arith.constant 8 : i32
        %parallel_loop3A_338 = arith.constant 0 : i32
        %parallel_loop3A_339 = arith.cmpi eq, %parallel_loop3A_337, %parallel_loop3A_338 : i32
        %parallel_loop3A_340 = arith.constant 1 : i32
        %parallel_loop3A_341 = arith.select %parallel_loop3A_339, %parallel_loop3A_340, %parallel_loop3A_337 : i32
        %parallel_loop3A_342 = arith.remsi %parallel_loop3A_203, %parallel_loop3A_341 : i32
        %parallel_loop3A_343 = arith.constant 0 : i32
        %parallel_loop3A_344 = arith.cmpi ne, %parallel_loop3A_342, %parallel_loop3A_343 : i32
        %parallel_loop3A_345 = arith.constant 0 : i32
        %parallel_loop3A_346 = arith.cmpi slt, %parallel_loop3A_342, %parallel_loop3A_345 : i32
        %parallel_loop3A_347 = arith.constant 0 : i32
        %parallel_loop3A_348 = arith.cmpi slt, %parallel_loop3A_341, %parallel_loop3A_347 : i32
        %parallel_loop3A_349 = arith.xori %parallel_loop3A_346, %parallel_loop3A_348 : i1
        %parallel_loop3A_350 = arith.andi %parallel_loop3A_349, %parallel_loop3A_344 : i1
        %parallel_loop3A_351 = arith.addi %parallel_loop3A_342, %parallel_loop3A_341 : i32
        %parallel_loop3A_352 = arith.select %parallel_loop3A_350, %parallel_loop3A_351, %parallel_loop3A_342 : i32
        %parallel_loop3A_353 = arith.constant 0 : i32
        %parallel_loop3A_354 = arith.index_cast %parallel_loop3A_336 : i32 to index
        %parallel_loop3A_355 = arith.index_cast %parallel_loop3A_353 : i32 to index
        %parallel_loop3A_356 = arith.index_cast %parallel_loop3A_352 : i32 to index
        %parallel_loop3A_357 = arith.constant 32 : index
        %parallel_loop3A_358 = tpu.vector_load %arg12[%parallel_loop3A_354, %parallel_loop3A_355, %parallel_loop3A_356, %parallel_loop3A_357] {strides = array<i32>} : memref<8x1x8x128xf32, #tpu.memory_space<vmem>>, vector<16xf32>,
        tpu.vector_store %arg12[%parallel_loop3A_354, %parallel_loop3A_355, %parallel_loop3A_356, %parallel_loop3A_357], %parallel_loop3A_312 {strides = array<i32>} : memref<8x1x8x128xf32, #tpu.memory_space<vmem>>, vector<16xf32>,
        %parallel_loop3A_359 = arith.constant 48 : i32
        %parallel_loop3A_360 = vector.broadcast %parallel_loop3A_359 : i32 to vector<16xi32>
        %parallel_loop3A_361 = arith.addi %iota3A, %parallel_loop3A_360 : vector<16xi32>
        %parallel_loop3A_362 = tpu.vector_load_idx %arg10[%parallel_loop3A_361, %parallel_loop3A_208] : memref<128x64xf32, #tpu.memory_space<vmem>>[vector<16xi32>, vector<16xi32>], vector<16xf32>,
        %parallel_loop3A_363 = arith.constant 8 : i32
        %parallel_loop3A_364 = arith.divsi %parallel_loop3A_203, %parallel_loop3A_363 : i32
        %parallel_loop3A_365 = arith.constant 0 : i32
        %parallel_loop3A_366 = arith.cmpi sgt, %parallel_loop3A_203, %parallel_loop3A_365 : i32
        %parallel_loop3A_367 = arith.extui %parallel_loop3A_366 : i1 to i32
        %parallel_loop3A_368 = arith.constant 0 : i32
        %parallel_loop3A_369 = arith.cmpi slt, %parallel_loop3A_203, %parallel_loop3A_368 : i32
        %parallel_loop3A_370 = arith.extui %parallel_loop3A_369 : i1 to i32
        %parallel_loop3A_371 = arith.subi %parallel_loop3A_367, %parallel_loop3A_370 : i32
        %parallel_loop3A_372 = arith.constant 0 : i32
        %parallel_loop3A_373 = arith.cmpi sgt, %parallel_loop3A_363, %parallel_loop3A_372 : i32
        %parallel_loop3A_374 = arith.extui %parallel_loop3A_373 : i1 to i32
        %parallel_loop3A_375 = arith.constant 0 : i32
        %parallel_loop3A_376 = arith.cmpi slt, %parallel_loop3A_363, %parallel_loop3A_375 : i32
        %parallel_loop3A_377 = arith.extui %parallel_loop3A_376 : i1 to i32
        %parallel_loop3A_378 = arith.subi %parallel_loop3A_374, %parallel_loop3A_377 : i32
        %parallel_loop3A_379 = arith.cmpi ne, %parallel_loop3A_371, %parallel_loop3A_378 : i32
        %parallel_loop3A_380 = arith.remsi %parallel_loop3A_203, %parallel_loop3A_363 : i32
        %parallel_loop3A_381 = arith.constant 0 : i32
        %parallel_loop3A_382 = arith.cmpi ne, %parallel_loop3A_380, %parallel_loop3A_381 : i32
        %parallel_loop3A_383 = arith.andi %parallel_loop3A_379, %parallel_loop3A_382 : i1
        %parallel_loop3A_384 = arith.constant 1 : i32
        %parallel_loop3A_385 = arith.subi %parallel_loop3A_364, %parallel_loop3A_384 : i32
        %parallel_loop3A_386 = arith.select %parallel_loop3A_383, %parallel_loop3A_385, %parallel_loop3A_364 : i32
        %parallel_loop3A_387 = arith.constant 8 : i32
        %parallel_loop3A_388 = arith.constant 0 : i32
        %parallel_loop3A_389 = arith.cmpi eq, %parallel_loop3A_387, %parallel_loop3A_388 : i32
        %parallel_loop3A_390 = arith.constant 1 : i32
        %parallel_loop3A_391 = arith.select %parallel_loop3A_389, %parallel_loop3A_390, %parallel_loop3A_387 : i32
        %parallel_loop3A_392 = arith.remsi %parallel_loop3A_203, %parallel_loop3A_391 : i32
        %parallel_loop3A_393 = arith.constant 0 : i32
        %parallel_loop3A_394 = arith.cmpi ne, %parallel_loop3A_392, %parallel_loop3A_393 : i32
        %parallel_loop3A_395 = arith.constant 0 : i32
        %parallel_loop3A_396 = arith.cmpi slt, %parallel_loop3A_392, %parallel_loop3A_395 : i32
        %parallel_loop3A_397 = arith.constant 0 : i32
        %parallel_loop3A_398 = arith.cmpi slt, %parallel_loop3A_391, %parallel_loop3A_397 : i32
        %parallel_loop3A_399 = arith.xori %parallel_loop3A_396, %parallel_loop3A_398 : i1
        %parallel_loop3A_400 = arith.andi %parallel_loop3A_399, %parallel_loop3A_394 : i1
        %parallel_loop3A_401 = arith.addi %parallel_loop3A_392, %parallel_loop3A_391 : i32
        %parallel_loop3A_402 = arith.select %parallel_loop3A_400, %parallel_loop3A_401, %parallel_loop3A_392 : i32
        %parallel_loop3A_403 = arith.constant 0 : i32
        %parallel_loop3A_404 = arith.index_cast %parallel_loop3A_386 : i32 to index
        %parallel_loop3A_405 = arith.index_cast %parallel_loop3A_403 : i32 to index
        %parallel_loop3A_406 = arith.index_cast %parallel_loop3A_402 : i32 to index
        %parallel_loop3A_407 = arith.constant 48 : index
        %parallel_loop3A_408 = tpu.vector_load %arg12[%parallel_loop3A_404, %parallel_loop3A_405, %parallel_loop3A_406, %parallel_loop3A_407] {strides = array<i32>} : memref<8x1x8x128xf32, #tpu.memory_space<vmem>>, vector<16xf32>,
        tpu.vector_store %arg12[%parallel_loop3A_404, %parallel_loop3A_405, %parallel_loop3A_406, %parallel_loop3A_407], %parallel_loop3A_362 {strides = array<i32>} : memref<8x1x8x128xf32, #tpu.memory_space<vmem>>, vector<16xf32>,
        %parallel_loop3A_409 = arith.constant 64 : i32
        %parallel_loop3A_410 = vector.broadcast %parallel_loop3A_409 : i32 to vector<16xi32>
        %parallel_loop3A_411 = arith.addi %iota3A, %parallel_loop3A_410 : vector<16xi32>
        %parallel_loop3A_412 = tpu.vector_load_idx %arg10[%parallel_loop3A_411, %parallel_loop3A_208] : memref<128x64xf32, #tpu.memory_space<vmem>>[vector<16xi32>, vector<16xi32>], vector<16xf32>,
        %parallel_loop3A_413 = arith.constant 8 : i32
        %parallel_loop3A_414 = arith.divsi %parallel_loop3A_203, %parallel_loop3A_413 : i32
        %parallel_loop3A_415 = arith.constant 0 : i32
        %parallel_loop3A_416 = arith.cmpi sgt, %parallel_loop3A_203, %parallel_loop3A_415 : i32
        %parallel_loop3A_417 = arith.extui %parallel_loop3A_416 : i1 to i32
        %parallel_loop3A_418 = arith.constant 0 : i32
        %parallel_loop3A_419 = arith.cmpi slt, %parallel_loop3A_203, %parallel_loop3A_418 : i32
        %parallel_loop3A_420 = arith.extui %parallel_loop3A_419 : i1 to i32
        %parallel_loop3A_421 = arith.subi %parallel_loop3A_417, %parallel_loop3A_420 : i32
        %parallel_loop3A_422 = arith.constant 0 : i32
        %parallel_loop3A_423 = arith.cmpi sgt, %parallel_loop3A_413, %parallel_loop3A_422 : i32
        %parallel_loop3A_424 = arith.extui %parallel_loop3A_423 : i1 to i32
        %parallel_loop3A_425 = arith.constant 0 : i32
        %parallel_loop3A_426 = arith.cmpi slt, %parallel_loop3A_413, %parallel_loop3A_425 : i32
        %parallel_loop3A_427 = arith.extui %parallel_loop3A_426 : i1 to i32
        %parallel_loop3A_428 = arith.subi %parallel_loop3A_424, %parallel_loop3A_427 : i32
        %parallel_loop3A_429 = arith.cmpi ne, %parallel_loop3A_421, %parallel_loop3A_428 : i32
        %parallel_loop3A_430 = arith.remsi %parallel_loop3A_203, %parallel_loop3A_413 : i32
        %parallel_loop3A_431 = arith.constant 0 : i32
        %parallel_loop3A_432 = arith.cmpi ne, %parallel_loop3A_430, %parallel_loop3A_431 : i32
        %parallel_loop3A_433 = arith.andi %parallel_loop3A_429, %parallel_loop3A_432 : i1
        %parallel_loop3A_434 = arith.constant 1 : i32
        %parallel_loop3A_435 = arith.subi %parallel_loop3A_414, %parallel_loop3A_434 : i32
        %parallel_loop3A_436 = arith.select %parallel_loop3A_433, %parallel_loop3A_435, %parallel_loop3A_414 : i32
        %parallel_loop3A_437 = arith.constant 8 : i32
        %parallel_loop3A_438 = arith.constant 0 : i32
        %parallel_loop3A_439 = arith.cmpi eq, %parallel_loop3A_437, %parallel_loop3A_438 : i32
        %parallel_loop3A_440 = arith.constant 1 : i32
        %parallel_loop3A_441 = arith.select %parallel_loop3A_439, %parallel_loop3A_440, %parallel_loop3A_437 : i32
        %parallel_loop3A_442 = arith.remsi %parallel_loop3A_203, %parallel_loop3A_441 : i32
        %parallel_loop3A_443 = arith.constant 0 : i32
        %parallel_loop3A_444 = arith.cmpi ne, %parallel_loop3A_442, %parallel_loop3A_443 : i32
        %parallel_loop3A_445 = arith.constant 0 : i32
        %parallel_loop3A_446 = arith.cmpi slt, %parallel_loop3A_442, %parallel_loop3A_445 : i32
        %parallel_loop3A_447 = arith.constant 0 : i32
        %parallel_loop3A_448 = arith.cmpi slt, %parallel_loop3A_441, %parallel_loop3A_447 : i32
        %parallel_loop3A_449 = arith.xori %parallel_loop3A_446, %parallel_loop3A_448 : i1
        %parallel_loop3A_450 = arith.andi %parallel_loop3A_449, %parallel_loop3A_444 : i1
        %parallel_loop3A_451 = arith.addi %parallel_loop3A_442, %parallel_loop3A_441 : i32
        %parallel_loop3A_452 = arith.select %parallel_loop3A_450, %parallel_loop3A_451, %parallel_loop3A_442 : i32
        %parallel_loop3A_453 = arith.constant 0 : i32
        %parallel_loop3A_454 = arith.index_cast %parallel_loop3A_436 : i32 to index
        %parallel_loop3A_455 = arith.index_cast %parallel_loop3A_453 : i32 to index
        %parallel_loop3A_456 = arith.index_cast %parallel_loop3A_452 : i32 to index
        %parallel_loop3A_457 = arith.constant 64 : index
        %parallel_loop3A_458 = tpu.vector_load %arg12[%parallel_loop3A_454, %parallel_loop3A_455, %parallel_loop3A_456, %parallel_loop3A_457] {strides = array<i32>} : memref<8x1x8x128xf32, #tpu.memory_space<vmem>>, vector<16xf32>,
        tpu.vector_store %arg12[%parallel_loop3A_454, %parallel_loop3A_455, %parallel_loop3A_456, %parallel_loop3A_457], %parallel_loop3A_412 {strides = array<i32>} : memref<8x1x8x128xf32, #tpu.memory_space<vmem>>, vector<16xf32>,
        %parallel_loop3A_459 = arith.constant 80 : i32
        %parallel_loop3A_460 = vector.broadcast %parallel_loop3A_459 : i32 to vector<16xi32>
        %parallel_loop3A_461 = arith.addi %iota3A, %parallel_loop3A_460 : vector<16xi32>
        %parallel_loop3A_462 = tpu.vector_load_idx %arg10[%parallel_loop3A_461, %parallel_loop3A_208] : memref<128x64xf32, #tpu.memory_space<vmem>>[vector<16xi32>, vector<16xi32>], vector<16xf32>,
        %parallel_loop3A_463 = arith.constant 8 : i32
        %parallel_loop3A_464 = arith.divsi %parallel_loop3A_203, %parallel_loop3A_463 : i32
        %parallel_loop3A_465 = arith.constant 0 : i32
        %parallel_loop3A_466 = arith.cmpi sgt, %parallel_loop3A_203, %parallel_loop3A_465 : i32
        %parallel_loop3A_467 = arith.extui %parallel_loop3A_466 : i1 to i32
        %parallel_loop3A_468 = arith.constant 0 : i32
        %parallel_loop3A_469 = arith.cmpi slt, %parallel_loop3A_203, %parallel_loop3A_468 : i32
        %parallel_loop3A_470 = arith.extui %parallel_loop3A_469 : i1 to i32
        %parallel_loop3A_471 = arith.subi %parallel_loop3A_467, %parallel_loop3A_470 : i32
        %parallel_loop3A_472 = arith.constant 0 : i32
        %parallel_loop3A_473 = arith.cmpi sgt, %parallel_loop3A_463, %parallel_loop3A_472 : i32
        %parallel_loop3A_474 = arith.extui %parallel_loop3A_473 : i1 to i32
        %parallel_loop3A_475 = arith.constant 0 : i32
        %parallel_loop3A_476 = arith.cmpi slt, %parallel_loop3A_463, %parallel_loop3A_475 : i32
        %parallel_loop3A_477 = arith.extui %parallel_loop3A_476 : i1 to i32
        %parallel_loop3A_478 = arith.subi %parallel_loop3A_474, %parallel_loop3A_477 : i32
        %parallel_loop3A_479 = arith.cmpi ne, %parallel_loop3A_471, %parallel_loop3A_478 : i32
        %parallel_loop3A_480 = arith.remsi %parallel_loop3A_203, %parallel_loop3A_463 : i32
        %parallel_loop3A_481 = arith.constant 0 : i32
        %parallel_loop3A_482 = arith.cmpi ne, %parallel_loop3A_480, %parallel_loop3A_481 : i32
        %parallel_loop3A_483 = arith.andi %parallel_loop3A_479, %parallel_loop3A_482 : i1
        %parallel_loop3A_484 = arith.constant 1 : i32
        %parallel_loop3A_485 = arith.subi %parallel_loop3A_464, %parallel_loop3A_484 : i32
        %parallel_loop3A_486 = arith.select %parallel_loop3A_483, %parallel_loop3A_485, %parallel_loop3A_464 : i32
        %parallel_loop3A_487 = arith.constant 8 : i32
        %parallel_loop3A_488 = arith.constant 0 : i32
        %parallel_loop3A_489 = arith.cmpi eq, %parallel_loop3A_487, %parallel_loop3A_488 : i32
        %parallel_loop3A_490 = arith.constant 1 : i32
        %parallel_loop3A_491 = arith.select %parallel_loop3A_489, %parallel_loop3A_490, %parallel_loop3A_487 : i32
        %parallel_loop3A_492 = arith.remsi %parallel_loop3A_203, %parallel_loop3A_491 : i32
        %parallel_loop3A_493 = arith.constant 0 : i32
        %parallel_loop3A_494 = arith.cmpi ne, %parallel_loop3A_492, %parallel_loop3A_493 : i32
        %parallel_loop3A_495 = arith.constant 0 : i32
        %parallel_loop3A_496 = arith.cmpi slt, %parallel_loop3A_492, %parallel_loop3A_495 : i32
        %parallel_loop3A_497 = arith.constant 0 : i32
        %parallel_loop3A_498 = arith.cmpi slt, %parallel_loop3A_491, %parallel_loop3A_497 : i32
        %parallel_loop3A_499 = arith.xori %parallel_loop3A_496, %parallel_loop3A_498 : i1
        %parallel_loop3A_500 = arith.andi %parallel_loop3A_499, %parallel_loop3A_494 : i1
        %parallel_loop3A_501 = arith.addi %parallel_loop3A_492, %parallel_loop3A_491 : i32
        %parallel_loop3A_502 = arith.select %parallel_loop3A_500, %parallel_loop3A_501, %parallel_loop3A_492 : i32
        %parallel_loop3A_503 = arith.constant 0 : i32
        %parallel_loop3A_504 = arith.index_cast %parallel_loop3A_486 : i32 to index
        %parallel_loop3A_505 = arith.index_cast %parallel_loop3A_503 : i32 to index
        %parallel_loop3A_506 = arith.index_cast %parallel_loop3A_502 : i32 to index
        %parallel_loop3A_507 = arith.constant 80 : index
        %parallel_loop3A_508 = tpu.vector_load %arg12[%parallel_loop3A_504, %parallel_loop3A_505, %parallel_loop3A_506, %parallel_loop3A_507] {strides = array<i32>} : memref<8x1x8x128xf32, #tpu.memory_space<vmem>>, vector<16xf32>,
        tpu.vector_store %arg12[%parallel_loop3A_504, %parallel_loop3A_505, %parallel_loop3A_506, %parallel_loop3A_507], %parallel_loop3A_462 {strides = array<i32>} : memref<8x1x8x128xf32, #tpu.memory_space<vmem>>, vector<16xf32>,
        %parallel_loop3A_509 = arith.constant 96 : i32
        %parallel_loop3A_510 = vector.broadcast %parallel_loop3A_509 : i32 to vector<16xi32>
        %parallel_loop3A_511 = arith.addi %iota3A, %parallel_loop3A_510 : vector<16xi32>
        %parallel_loop3A_512 = tpu.vector_load_idx %arg10[%parallel_loop3A_511, %parallel_loop3A_208] : memref<128x64xf32, #tpu.memory_space<vmem>>[vector<16xi32>, vector<16xi32>], vector<16xf32>,
        %parallel_loop3A_513 = arith.constant 8 : i32
        %parallel_loop3A_514 = arith.divsi %parallel_loop3A_203, %parallel_loop3A_513 : i32
        %parallel_loop3A_515 = arith.constant 0 : i32
        %parallel_loop3A_516 = arith.cmpi sgt, %parallel_loop3A_203, %parallel_loop3A_515 : i32
        %parallel_loop3A_517 = arith.extui %parallel_loop3A_516 : i1 to i32
        %parallel_loop3A_518 = arith.constant 0 : i32
        %parallel_loop3A_519 = arith.cmpi slt, %parallel_loop3A_203, %parallel_loop3A_518 : i32
        %parallel_loop3A_520 = arith.extui %parallel_loop3A_519 : i1 to i32
        %parallel_loop3A_521 = arith.subi %parallel_loop3A_517, %parallel_loop3A_520 : i32
        %parallel_loop3A_522 = arith.constant 0 : i32
        %parallel_loop3A_523 = arith.cmpi sgt, %parallel_loop3A_513, %parallel_loop3A_522 : i32
        %parallel_loop3A_524 = arith.extui %parallel_loop3A_523 : i1 to i32
        %parallel_loop3A_525 = arith.constant 0 : i32
        %parallel_loop3A_526 = arith.cmpi slt, %parallel_loop3A_513, %parallel_loop3A_525 : i32
        %parallel_loop3A_527 = arith.extui %parallel_loop3A_526 : i1 to i32
        %parallel_loop3A_528 = arith.subi %parallel_loop3A_524, %parallel_loop3A_527 : i32
        %parallel_loop3A_529 = arith.cmpi ne, %parallel_loop3A_521, %parallel_loop3A_528 : i32
        %parallel_loop3A_530 = arith.remsi %parallel_loop3A_203, %parallel_loop3A_513 : i32
        %parallel_loop3A_531 = arith.constant 0 : i32
        %parallel_loop3A_532 = arith.cmpi ne, %parallel_loop3A_530, %parallel_loop3A_531 : i32
        %parallel_loop3A_533 = arith.andi %parallel_loop3A_529, %parallel_loop3A_532 : i1
        %parallel_loop3A_534 = arith.constant 1 : i32
        %parallel_loop3A_535 = arith.subi %parallel_loop3A_514, %parallel_loop3A_534 : i32
        %parallel_loop3A_536 = arith.select %parallel_loop3A_533, %parallel_loop3A_535, %parallel_loop3A_514 : i32
        %parallel_loop3A_537 = arith.constant 8 : i32
        %parallel_loop3A_538 = arith.constant 0 : i32
        %parallel_loop3A_539 = arith.cmpi eq, %parallel_loop3A_537, %parallel_loop3A_538 : i32
        %parallel_loop3A_540 = arith.constant 1 : i32
        %parallel_loop3A_541 = arith.select %parallel_loop3A_539, %parallel_loop3A_540, %parallel_loop3A_537 : i32
        %parallel_loop3A_542 = arith.remsi %parallel_loop3A_203, %parallel_loop3A_541 : i32
        %parallel_loop3A_543 = arith.constant 0 : i32
        %parallel_loop3A_544 = arith.cmpi ne, %parallel_loop3A_542, %parallel_loop3A_543 : i32
        %parallel_loop3A_545 = arith.constant 0 : i32
        %parallel_loop3A_546 = arith.cmpi slt, %parallel_loop3A_542, %parallel_loop3A_545 : i32
        %parallel_loop3A_547 = arith.constant 0 : i32
        %parallel_loop3A_548 = arith.cmpi slt, %parallel_loop3A_541, %parallel_loop3A_547 : i32
        %parallel_loop3A_549 = arith.xori %parallel_loop3A_546, %parallel_loop3A_548 : i1
        %parallel_loop3A_550 = arith.andi %parallel_loop3A_549, %parallel_loop3A_544 : i1
        %parallel_loop3A_551 = arith.addi %parallel_loop3A_542, %parallel_loop3A_541 : i32
        %parallel_loop3A_552 = arith.select %parallel_loop3A_550, %parallel_loop3A_551, %parallel_loop3A_542 : i32
        %parallel_loop3A_553 = arith.constant 0 : i32
        %parallel_loop3A_554 = arith.index_cast %parallel_loop3A_536 : i32 to index
        %parallel_loop3A_555 = arith.index_cast %parallel_loop3A_553 : i32 to index
        %parallel_loop3A_556 = arith.index_cast %parallel_loop3A_552 : i32 to index
        %parallel_loop3A_557 = arith.constant 96 : index
        %parallel_loop3A_558 = tpu.vector_load %arg12[%parallel_loop3A_554, %parallel_loop3A_555, %parallel_loop3A_556, %parallel_loop3A_557] {strides = array<i32>} : memref<8x1x8x128xf32, #tpu.memory_space<vmem>>, vector<16xf32>,
        tpu.vector_store %arg12[%parallel_loop3A_554, %parallel_loop3A_555, %parallel_loop3A_556, %parallel_loop3A_557], %parallel_loop3A_512 {strides = array<i32>} : memref<8x1x8x128xf32, #tpu.memory_space<vmem>>, vector<16xf32>,
        %parallel_loop3A_559 = arith.constant 112 : i32
        %parallel_loop3A_560 = vector.broadcast %parallel_loop3A_559 : i32 to vector<16xi32>
        %parallel_loop3A_561 = arith.addi %iota3A, %parallel_loop3A_560 : vector<16xi32>
        %parallel_loop3A_562 = tpu.vector_load_idx %arg10[%parallel_loop3A_561, %parallel_loop3A_208] : memref<128x64xf32, #tpu.memory_space<vmem>>[vector<16xi32>, vector<16xi32>], vector<16xf32>,
        %parallel_loop3A_563 = arith.constant 8 : i32
        %parallel_loop3A_564 = arith.divsi %parallel_loop3A_203, %parallel_loop3A_563 : i32
        %parallel_loop3A_565 = arith.constant 0 : i32
        %parallel_loop3A_566 = arith.cmpi sgt, %parallel_loop3A_203, %parallel_loop3A_565 : i32
        %parallel_loop3A_567 = arith.extui %parallel_loop3A_566 : i1 to i32
        %parallel_loop3A_568 = arith.constant 0 : i32
        %parallel_loop3A_569 = arith.cmpi slt, %parallel_loop3A_203, %parallel_loop3A_568 : i32
        %parallel_loop3A_570 = arith.extui %parallel_loop3A_569 : i1 to i32
        %parallel_loop3A_571 = arith.subi %parallel_loop3A_567, %parallel_loop3A_570 : i32
        %parallel_loop3A_572 = arith.constant 0 : i32
        %parallel_loop3A_573 = arith.cmpi sgt, %parallel_loop3A_563, %parallel_loop3A_572 : i32
        %parallel_loop3A_574 = arith.extui %parallel_loop3A_573 : i1 to i32
        %parallel_loop3A_575 = arith.constant 0 : i32
        %parallel_loop3A_576 = arith.cmpi slt, %parallel_loop3A_563, %parallel_loop3A_575 : i32
        %parallel_loop3A_577 = arith.extui %parallel_loop3A_576 : i1 to i32
        %parallel_loop3A_578 = arith.subi %parallel_loop3A_574, %parallel_loop3A_577 : i32
        %parallel_loop3A_579 = arith.cmpi ne, %parallel_loop3A_571, %parallel_loop3A_578 : i32
        %parallel_loop3A_580 = arith.remsi %parallel_loop3A_203, %parallel_loop3A_563 : i32
        %parallel_loop3A_581 = arith.constant 0 : i32
        %parallel_loop3A_582 = arith.cmpi ne, %parallel_loop3A_580, %parallel_loop3A_581 : i32
        %parallel_loop3A_583 = arith.andi %parallel_loop3A_579, %parallel_loop3A_582 : i1
        %parallel_loop3A_584 = arith.constant 1 : i32
        %parallel_loop3A_585 = arith.subi %parallel_loop3A_564, %parallel_loop3A_584 : i32
        %parallel_loop3A_586 = arith.select %parallel_loop3A_583, %parallel_loop3A_585, %parallel_loop3A_564 : i32
        %parallel_loop3A_587 = arith.constant 8 : i32
        %parallel_loop3A_588 = arith.constant 0 : i32
        %parallel_loop3A_589 = arith.cmpi eq, %parallel_loop3A_587, %parallel_loop3A_588 : i32
        %parallel_loop3A_590 = arith.constant 1 : i32
        %parallel_loop3A_591 = arith.select %parallel_loop3A_589, %parallel_loop3A_590, %parallel_loop3A_587 : i32
        %parallel_loop3A_592 = arith.remsi %parallel_loop3A_203, %parallel_loop3A_591 : i32
        %parallel_loop3A_593 = arith.constant 0 : i32
        %parallel_loop3A_594 = arith.cmpi ne, %parallel_loop3A_592, %parallel_loop3A_593 : i32
        %parallel_loop3A_595 = arith.constant 0 : i32
        %parallel_loop3A_596 = arith.cmpi slt, %parallel_loop3A_592, %parallel_loop3A_595 : i32
        %parallel_loop3A_597 = arith.constant 0 : i32
        %parallel_loop3A_598 = arith.cmpi slt, %parallel_loop3A_591, %parallel_loop3A_597 : i32
        %parallel_loop3A_599 = arith.xori %parallel_loop3A_596, %parallel_loop3A_598 : i1
        %parallel_loop3A_600 = arith.andi %parallel_loop3A_599, %parallel_loop3A_594 : i1
        %parallel_loop3A_601 = arith.addi %parallel_loop3A_592, %parallel_loop3A_591 : i32
        %parallel_loop3A_602 = arith.select %parallel_loop3A_600, %parallel_loop3A_601, %parallel_loop3A_592 : i32
        %parallel_loop3A_603 = arith.constant 0 : i32
        %parallel_loop3A_604 = arith.index_cast %parallel_loop3A_586 : i32 to index
        %parallel_loop3A_605 = arith.index_cast %parallel_loop3A_603 : i32 to index
        %parallel_loop3A_606 = arith.index_cast %parallel_loop3A_602 : i32 to index
        %parallel_loop3A_607 = arith.constant 112 : index
        %parallel_loop3A_608 = tpu.vector_load %arg12[%parallel_loop3A_604, %parallel_loop3A_605, %parallel_loop3A_606, %parallel_loop3A_607] {strides = array<i32>} : memref<8x1x8x128xf32, #tpu.memory_space<vmem>>, vector<16xf32>,
        tpu.vector_store %arg12[%parallel_loop3A_604, %parallel_loop3A_605, %parallel_loop3A_606, %parallel_loop3A_607], %parallel_loop3A_562 {strides = array<i32>} : memref<8x1x8x128xf32, #tpu.memory_space<vmem>>, vector<16xf32>,
      } {sc.loop_unroll_factor = 2 : i64, sc.parallel_access}
      %lt3A = arith.constant 24 : i32
      %lt3A_153 = arith.cmpi slt, %scan3A_139, %lt3A : i32
      %convert_element_type3A_154 = arith.extui %lt3A_153 : i1 to i32
      %cond3A_155 = arith.constant 0 : i32
      %cond3A_156 = arith.cmpi ne, %convert_element_type3A_154, %cond3A_155 : i32
      scf.if %cond3A_156 {
        %add3A_203 = arith.constant 2 : i32
        %add3A_204 = arith.addi %mul3A_142, %add3A_203 : i32
        %dma_start3A_205 = arith.constant 0 : i32
        %dma_start3A_206 = tpu.memref_slice %arg9[%add3A_204, %dma_start3A_205] : memref<50x128xi32, #tpu.memory_space<vmem>> -> memref<1x128xi32, #tpu.memory_space<vmem>>
        %dma_start3A_207 = tpu.memref_squeeze %dma_start3A_206 : memref<1x128xi32, #tpu.memory_space<vmem>> -> memref<128xi32, #tpu.memory_space<vmem>>
        %dma_start3A_208 = arith.constant 0 : i32
        %dma_start3A_209 = arith.constant 0 : i32
        %dma_start3A_210 = tpu.memref_slice %arg6[%dma_start3A_208, %dma_start3A_209] : memref<100000x64xf32, #tpu.memory_space<hbm>> -> memref<100000x64xf32, #tpu.memory_space<hbm>>
        tpu.enqueue_indirect_dma source(%dma_start3A_210 : memref<100000x64xf32, #tpu.memory_space<hbm>>) target(%arg10 : memref<128x64xf32, #tpu.memory_space<vmem>>) offsets(%dma_start3A_207 : memref<128xi32, #tpu.memory_space<vmem>>) semaphore(%arg14 : memref<!tpu.dma_semaphore, #tpu.memory_space<semaphore_mem>>)
      } else {
      }
      %dma_start3A_157 = arith.constant 1 : i32
      %dma_start3A_158 = arith.constant 0 : i32
      %dma_start3A_159 = arith.constant 0 : i32
      %dma_start3A_160 = arith.constant 0 : i32
      %dma_start3A_161 = tpu.memref_slice %arg8[%dma_start3A_157, %mul3A_142, %dma_start3A_158, %add3A, %dma_start3A_159, %dma_start3A_160] : memref<3x50x8x32x8x128xf32, #tpu.memory_space<hbm>> -> memref<1x1x8x1x8x128xf32, #tpu.memory_space<hbm>>
      %dma_start3A_162 = tpu.memref_squeeze %dma_start3A_161 : memref<1x1x8x1x8x128xf32, #tpu.memory_space<hbm>> -> memref<8x1x8x128xf32, #tpu.memory_space<hbm>>
      %dma_start3A_163 = arith.constant 0 : i32
      %dma_start3A_164 = arith.constant 0 : i32
      %dma_start3A_165 = arith.constant 0 : i32
      %dma_start3A_166 = tpu.memref_slice %arg8[%dma_start3A_157, %mul3A_142, %dma_start3A_163, %add3A, %dma_start3A_164, %dma_start3A_165] : memref<3x50x8x32x8x128xf32, #tpu.memory_space<hbm>> -> memref<1x1x8x1x8x128xf32, #tpu.memory_space<hbm>>
      %dma_start3A_167 = tpu.memref_squeeze %dma_start3A_166 : memref<1x1x8x1x8x128xf32, #tpu.memory_space<hbm>> -> memref<8x1x8x128xf32, #tpu.memory_space<hbm>>
      tpu.enqueue_dma source(%arg12 : memref<8x1x8x128xf32, #tpu.memory_space<vmem>>) target(%dma_start3A_167 : memref<8x1x8x128xf32, #tpu.memory_space<hbm>>) target_semaphore(%arg16 : memref<!tpu.dma_semaphore, #tpu.memory_space<semaphore_mem>>)
      %mul3A_168 = arith.constant 2 : i32
      %mul3A_169 = arith.muli %mul3A_168, %scan3A_139 : i32
      %add3A_170 = arith.constant 1 : i32
      %add3A_171 = arith.addi %mul3A_169, %add3A_170 : i32
      %dma_wait3A_172 = arith.constant 0 : i32
      %dma_wait3A_173 = tpu.memref_slice %arg9[%add3A_171, %dma_wait3A_172] : memref<50x128xi32, #tpu.memory_space<vmem>> -> memref<1x128xi32, #tpu.memory_space<vmem>>
      %dma_wait3A_174 = tpu.memref_squeeze %dma_wait3A_173 : memref<1x128xi32, #tpu.memory_space<vmem>> -> memref<128xi32, #tpu.memory_space<vmem>>
      %dma_wait3A_175 = arith.constant 0 : i32
      %dma_wait3A_176 = arith.constant 0 : i32
      %dma_wait3A_177 = tpu.memref_slice %arg6[%dma_wait3A_175, %dma_wait3A_176] : memref<100000x64xf32, #tpu.memory_space<hbm>> -> memref<100000x64xf32, #tpu.memory_space<hbm>>
      tpu.wait_indirect_dma semaphore(%arg15 : memref<!tpu.dma_semaphore, #tpu.memory_space<semaphore_mem>>) src(%dma_wait3A_177 : memref<100000x64xf32, #tpu.memory_space<hbm>>) dst(%arg11 : memref<128x64xf32, #tpu.memory_space<vmem>>)
      %gt3A_178 = arith.constant 0 : i32
      %gt3A_179 = arith.cmpi sgt, %scan3A_139, %gt3A_178 : i32
      %convert_element_type3A_180 = arith.extui %gt3A_179 : i1 to i32
      %cond3A_181 = arith.constant 0 : i32
      %cond3A_182 = arith.cmpi ne, %convert_element_type3A_180, %cond3A_181 : i32
      scf.if %cond3A_182 {
        %sub3A = arith.constant 2 : i32
        %sub3A_203 = arith.subi %add3A_171, %sub3A : i32
        %dma_wait3A_204 = arith.constant 1 : i32
        %dma_wait3A_205 = arith.constant 0 : i32
        %dma_wait3A_206 = arith.constant 0 : i32
        %dma_wait3A_207 = arith.constant 0 : i32
        %dma_wait3A_208 = tpu.memref_slice %arg8[%dma_wait3A_204, %sub3A_203, %dma_wait3A_205, %add3A, %dma_wait3A_206, %dma_wait3A_207] : memref<3x50x8x32x8x128xf32, #tpu.memory_space<hbm>> -> memref<1x1x8x1x8x128xf32, #tpu.memory_space<hbm>>
        %dma_wait3A_209 = tpu.memref_squeeze %dma_wait3A_208 : memref<1x1x8x1x8x128xf32, #tpu.memory_space<hbm>> -> memref<8x1x8x128xf32, #tpu.memory_space<hbm>>
        %dma_wait3A_210 = arith.constant 0 : i32
        %dma_wait3A_211 = arith.constant 0 : i32
        %dma_wait3A_212 = arith.constant 0 : i32
        %dma_wait3A_213 = tpu.memref_slice %arg8[%dma_wait3A_204, %sub3A_203, %dma_wait3A_210, %add3A, %dma_wait3A_211, %dma_wait3A_212] : memref<3x50x8x32x8x128xf32, #tpu.memory_space<hbm>> -> memref<1x1x8x1x8x128xf32, #tpu.memory_space<hbm>>
        %dma_wait3A_214 = tpu.memref_squeeze %dma_wait3A_213 : memref<1x1x8x1x8x128xf32, #tpu.memory_space<hbm>> -> memref<8x1x8x128xf32, #tpu.memory_space<hbm>>
        tpu.wait_dma2 semaphore(%arg17 : memref<!tpu.dma_semaphore, #tpu.memory_space<semaphore_mem>>) src(%arg13 : memref<8x1x8x128xf32, #tpu.memory_space<vmem>>) dst(%dma_wait3A_214 : memref<8x1x8x128xf32, #tpu.memory_space<hbm>>)
      } else {
      }
      %parallel_loop3A_183 = arith.constant 0 : i32
      %parallel_loop3A_184 = arith.constant 64 : i32
      %parallel_loop3A_185 = arith.constant 1 : i32
      scf.for %parallel_loop3A_203 = %parallel_loop3A_183 to %parallel_loop3A_184 step %parallel_loop3A_185  : i32 {
        %parallel_loop3A_204 = arith.constant 0 : i32
        %parallel_loop3A_205 = vector.broadcast %parallel_loop3A_204 : i32 to vector<16xi32>
        %parallel_loop3A_206 = arith.muli %iota3A, %parallel_loop3A_205 : vector<16xi32>
        %parallel_loop3A_207 = vector.broadcast %parallel_loop3A_203 : i32 to vector<16xi32>
        %parallel_loop3A_208 = arith.addi %parallel_loop3A_206, %parallel_loop3A_207 : vector<16xi32>
        %parallel_loop3A_209 = arith.constant 0 : i32
        %parallel_loop3A_210 = vector.broadcast %parallel_loop3A_209 : i32 to vector<16xi32>
        %parallel_loop3A_211 = arith.addi %iota3A, %parallel_loop3A_210 : vector<16xi32>
        %parallel_loop3A_212 = tpu.vector_load_idx %arg11[%parallel_loop3A_211, %parallel_loop3A_208] : memref<128x64xf32, #tpu.memory_space<vmem>>[vector<16xi32>, vector<16xi32>], vector<16xf32>,
        %parallel_loop3A_213 = arith.constant 8 : i32
        %parallel_loop3A_214 = arith.divsi %parallel_loop3A_203, %parallel_loop3A_213 : i32
        %parallel_loop3A_215 = arith.constant 0 : i32
        %parallel_loop3A_216 = arith.cmpi sgt, %parallel_loop3A_203, %parallel_loop3A_215 : i32
        %parallel_loop3A_217 = arith.extui %parallel_loop3A_216 : i1 to i32
        %parallel_loop3A_218 = arith.constant 0 : i32
        %parallel_loop3A_219 = arith.cmpi slt, %parallel_loop3A_203, %parallel_loop3A_218 : i32
        %parallel_loop3A_220 = arith.extui %parallel_loop3A_219 : i1 to i32
        %parallel_loop3A_221 = arith.subi %parallel_loop3A_217, %parallel_loop3A_220 : i32
        %parallel_loop3A_222 = arith.constant 0 : i32
        %parallel_loop3A_223 = arith.cmpi sgt, %parallel_loop3A_213, %parallel_loop3A_222 : i32
        %parallel_loop3A_224 = arith.extui %parallel_loop3A_223 : i1 to i32
        %parallel_loop3A_225 = arith.constant 0 : i32
        %parallel_loop3A_226 = arith.cmpi slt, %parallel_loop3A_213, %parallel_loop3A_225 : i32
        %parallel_loop3A_227 = arith.extui %parallel_loop3A_226 : i1 to i32
        %parallel_loop3A_228 = arith.subi %parallel_loop3A_224, %parallel_loop3A_227 : i32
        %parallel_loop3A_229 = arith.cmpi ne, %parallel_loop3A_221, %parallel_loop3A_228 : i32
        %parallel_loop3A_230 = arith.remsi %parallel_loop3A_203, %parallel_loop3A_213 : i32
        %parallel_loop3A_231 = arith.constant 0 : i32
        %parallel_loop3A_232 = arith.cmpi ne, %parallel_loop3A_230, %parallel_loop3A_231 : i32
        %parallel_loop3A_233 = arith.andi %parallel_loop3A_229, %parallel_loop3A_232 : i1
        %parallel_loop3A_234 = arith.constant 1 : i32
        %parallel_loop3A_235 = arith.subi %parallel_loop3A_214, %parallel_loop3A_234 : i32
        %parallel_loop3A_236 = arith.select %parallel_loop3A_233, %parallel_loop3A_235, %parallel_loop3A_214 : i32
        %parallel_loop3A_237 = arith.constant 8 : i32
        %parallel_loop3A_238 = arith.constant 0 : i32
        %parallel_loop3A_239 = arith.cmpi eq, %parallel_loop3A_237, %parallel_loop3A_238 : i32
        %parallel_loop3A_240 = arith.constant 1 : i32
        %parallel_loop3A_241 = arith.select %parallel_loop3A_239, %parallel_loop3A_240, %parallel_loop3A_237 : i32
        %parallel_loop3A_242 = arith.remsi %parallel_loop3A_203, %parallel_loop3A_241 : i32
        %parallel_loop3A_243 = arith.constant 0 : i32
        %parallel_loop3A_244 = arith.cmpi ne, %parallel_loop3A_242, %parallel_loop3A_243 : i32
        %parallel_loop3A_245 = arith.constant 0 : i32
        %parallel_loop3A_246 = arith.cmpi slt, %parallel_loop3A_242, %parallel_loop3A_245 : i32
        %parallel_loop3A_247 = arith.constant 0 : i32
        %parallel_loop3A_248 = arith.cmpi slt, %parallel_loop3A_241, %parallel_loop3A_247 : i32
        %parallel_loop3A_249 = arith.xori %parallel_loop3A_246, %parallel_loop3A_248 : i1
        %parallel_loop3A_250 = arith.andi %parallel_loop3A_249, %parallel_loop3A_244 : i1
        %parallel_loop3A_251 = arith.addi %parallel_loop3A_242, %parallel_loop3A_241 : i32
        %parallel_loop3A_252 = arith.select %parallel_loop3A_250, %parallel_loop3A_251, %parallel_loop3A_242 : i32
        %parallel_loop3A_253 = arith.constant 0 : i32
        %parallel_loop3A_254 = arith.index_cast %parallel_loop3A_236 : i32 to index
        %parallel_loop3A_255 = arith.index_cast %parallel_loop3A_253 : i32 to index
        %parallel_loop3A_256 = arith.index_cast %parallel_loop3A_252 : i32 to index
        %parallel_loop3A_257 = arith.constant 0 : index
        %parallel_loop3A_258 = tpu.vector_load %arg13[%parallel_loop3A_254, %parallel_loop3A_255, %parallel_loop3A_256, %parallel_loop3A_257] {strides = array<i32>} : memref<8x1x8x128xf32, #tpu.memory_space<vmem>>, vector<16xf32>,
        tpu.vector_store %arg13[%parallel_loop3A_254, %parallel_loop3A_255, %parallel_loop3A_256, %parallel_loop3A_257], %parallel_loop3A_212 {strides = array<i32>} : memref<8x1x8x128xf32, #tpu.memory_space<vmem>>, vector<16xf32>,
        %parallel_loop3A_259 = arith.constant 16 : i32
        %parallel_loop3A_260 = vector.broadcast %parallel_loop3A_259 : i32 to vector<16xi32>
        %parallel_loop3A_261 = arith.addi %iota3A, %parallel_loop3A_260 : vector<16xi32>
        %parallel_loop3A_262 = tpu.vector_load_idx %arg11[%parallel_loop3A_261, %parallel_loop3A_208] : memref<128x64xf32, #tpu.memory_space<vmem>>[vector<16xi32>, vector<16xi32>], vector<16xf32>,
        %parallel_loop3A_263 = arith.constant 8 : i32
        %parallel_loop3A_264 = arith.divsi %parallel_loop3A_203, %parallel_loop3A_263 : i32
        %parallel_loop3A_265 = arith.constant 0 : i32
        %parallel_loop3A_266 = arith.cmpi sgt, %parallel_loop3A_203, %parallel_loop3A_265 : i32
        %parallel_loop3A_267 = arith.extui %parallel_loop3A_266 : i1 to i32
        %parallel_loop3A_268 = arith.constant 0 : i32
        %parallel_loop3A_269 = arith.cmpi slt, %parallel_loop3A_203, %parallel_loop3A_268 : i32
        %parallel_loop3A_270 = arith.extui %parallel_loop3A_269 : i1 to i32
        %parallel_loop3A_271 = arith.subi %parallel_loop3A_267, %parallel_loop3A_270 : i32
        %parallel_loop3A_272 = arith.constant 0 : i32
        %parallel_loop3A_273 = arith.cmpi sgt, %parallel_loop3A_263, %parallel_loop3A_272 : i32
        %parallel_loop3A_274 = arith.extui %parallel_loop3A_273 : i1 to i32
        %parallel_loop3A_275 = arith.constant 0 : i32
        %parallel_loop3A_276 = arith.cmpi slt, %parallel_loop3A_263, %parallel_loop3A_275 : i32
        %parallel_loop3A_277 = arith.extui %parallel_loop3A_276 : i1 to i32
        %parallel_loop3A_278 = arith.subi %parallel_loop3A_274, %parallel_loop3A_277 : i32
        %parallel_loop3A_279 = arith.cmpi ne, %parallel_loop3A_271, %parallel_loop3A_278 : i32
        %parallel_loop3A_280 = arith.remsi %parallel_loop3A_203, %parallel_loop3A_263 : i32
        %parallel_loop3A_281 = arith.constant 0 : i32
        %parallel_loop3A_282 = arith.cmpi ne, %parallel_loop3A_280, %parallel_loop3A_281 : i32
        %parallel_loop3A_283 = arith.andi %parallel_loop3A_279, %parallel_loop3A_282 : i1
        %parallel_loop3A_284 = arith.constant 1 : i32
        %parallel_loop3A_285 = arith.subi %parallel_loop3A_264, %parallel_loop3A_284 : i32
        %parallel_loop3A_286 = arith.select %parallel_loop3A_283, %parallel_loop3A_285, %parallel_loop3A_264 : i32
        %parallel_loop3A_287 = arith.constant 8 : i32
        %parallel_loop3A_288 = arith.constant 0 : i32
        %parallel_loop3A_289 = arith.cmpi eq, %parallel_loop3A_287, %parallel_loop3A_288 : i32
        %parallel_loop3A_290 = arith.constant 1 : i32
        %parallel_loop3A_291 = arith.select %parallel_loop3A_289, %parallel_loop3A_290, %parallel_loop3A_287 : i32
        %parallel_loop3A_292 = arith.remsi %parallel_loop3A_203, %parallel_loop3A_291 : i32
        %parallel_loop3A_293 = arith.constant 0 : i32
        %parallel_loop3A_294 = arith.cmpi ne, %parallel_loop3A_292, %parallel_loop3A_293 : i32
        %parallel_loop3A_295 = arith.constant 0 : i32
        %parallel_loop3A_296 = arith.cmpi slt, %parallel_loop3A_292, %parallel_loop3A_295 : i32
        %parallel_loop3A_297 = arith.constant 0 : i32
        %parallel_loop3A_298 = arith.cmpi slt, %parallel_loop3A_291, %parallel_loop3A_297 : i32
        %parallel_loop3A_299 = arith.xori %parallel_loop3A_296, %parallel_loop3A_298 : i1
        %parallel_loop3A_300 = arith.andi %parallel_loop3A_299, %parallel_loop3A_294 : i1
        %parallel_loop3A_301 = arith.addi %parallel_loop3A_292, %parallel_loop3A_291 : i32
        %parallel_loop3A_302 = arith.select %parallel_loop3A_300, %parallel_loop3A_301, %parallel_loop3A_292 : i32
        %parallel_loop3A_303 = arith.constant 0 : i32
        %parallel_loop3A_304 = arith.index_cast %parallel_loop3A_286 : i32 to index
        %parallel_loop3A_305 = arith.index_cast %parallel_loop3A_303 : i32 to index
        %parallel_loop3A_306 = arith.index_cast %parallel_loop3A_302 : i32 to index
        %parallel_loop3A_307 = arith.constant 16 : index
        %parallel_loop3A_308 = tpu.vector_load %arg13[%parallel_loop3A_304, %parallel_loop3A_305, %parallel_loop3A_306, %parallel_loop3A_307] {strides = array<i32>} : memref<8x1x8x128xf32, #tpu.memory_space<vmem>>, vector<16xf32>,
        tpu.vector_store %arg13[%parallel_loop3A_304, %parallel_loop3A_305, %parallel_loop3A_306, %parallel_loop3A_307], %parallel_loop3A_262 {strides = array<i32>} : memref<8x1x8x128xf32, #tpu.memory_space<vmem>>, vector<16xf32>,
        %parallel_loop3A_309 = arith.constant 32 : i32
        %parallel_loop3A_310 = vector.broadcast %parallel_loop3A_309 : i32 to vector<16xi32>
        %parallel_loop3A_311 = arith.addi %iota3A, %parallel_loop3A_310 : vector<16xi32>
        %parallel_loop3A_312 = tpu.vector_load_idx %arg11[%parallel_loop3A_311, %parallel_loop3A_208] : memref<128x64xf32, #tpu.memory_space<vmem>>[vector<16xi32>, vector<16xi32>], vector<16xf32>,
        %parallel_loop3A_313 = arith.constant 8 : i32
        %parallel_loop3A_314 = arith.divsi %parallel_loop3A_203, %parallel_loop3A_313 : i32
        %parallel_loop3A_315 = arith.constant 0 : i32
        %parallel_loop3A_316 = arith.cmpi sgt, %parallel_loop3A_203, %parallel_loop3A_315 : i32
        %parallel_loop3A_317 = arith.extui %parallel_loop3A_316 : i1 to i32
        %parallel_loop3A_318 = arith.constant 0 : i32
        %parallel_loop3A_319 = arith.cmpi slt, %parallel_loop3A_203, %parallel_loop3A_318 : i32
        %parallel_loop3A_320 = arith.extui %parallel_loop3A_319 : i1 to i32
        %parallel_loop3A_321 = arith.subi %parallel_loop3A_317, %parallel_loop3A_320 : i32
        %parallel_loop3A_322 = arith.constant 0 : i32
        %parallel_loop3A_323 = arith.cmpi sgt, %parallel_loop3A_313, %parallel_loop3A_322 : i32
        %parallel_loop3A_324 = arith.extui %parallel_loop3A_323 : i1 to i32
        %parallel_loop3A_325 = arith.constant 0 : i32
        %parallel_loop3A_326 = arith.cmpi slt, %parallel_loop3A_313, %parallel_loop3A_325 : i32
        %parallel_loop3A_327 = arith.extui %parallel_loop3A_326 : i1 to i32
        %parallel_loop3A_328 = arith.subi %parallel_loop3A_324, %parallel_loop3A_327 : i32
        %parallel_loop3A_329 = arith.cmpi ne, %parallel_loop3A_321, %parallel_loop3A_328 : i32
        %parallel_loop3A_330 = arith.remsi %parallel_loop3A_203, %parallel_loop3A_313 : i32
        %parallel_loop3A_331 = arith.constant 0 : i32
        %parallel_loop3A_332 = arith.cmpi ne, %parallel_loop3A_330, %parallel_loop3A_331 : i32
        %parallel_loop3A_333 = arith.andi %parallel_loop3A_329, %parallel_loop3A_332 : i1
        %parallel_loop3A_334 = arith.constant 1 : i32
        %parallel_loop3A_335 = arith.subi %parallel_loop3A_314, %parallel_loop3A_334 : i32
        %parallel_loop3A_336 = arith.select %parallel_loop3A_333, %parallel_loop3A_335, %parallel_loop3A_314 : i32
        %parallel_loop3A_337 = arith.constant 8 : i32
        %parallel_loop3A_338 = arith.constant 0 : i32
        %parallel_loop3A_339 = arith.cmpi eq, %parallel_loop3A_337, %parallel_loop3A_338 : i32
        %parallel_loop3A_340 = arith.constant 1 : i32
        %parallel_loop3A_341 = arith.select %parallel_loop3A_339, %parallel_loop3A_340, %parallel_loop3A_337 : i32
        %parallel_loop3A_342 = arith.remsi %parallel_loop3A_203, %parallel_loop3A_341 : i32
        %parallel_loop3A_343 = arith.constant 0 : i32
        %parallel_loop3A_344 = arith.cmpi ne, %parallel_loop3A_342, %parallel_loop3A_343 : i32
        %parallel_loop3A_345 = arith.constant 0 : i32
        %parallel_loop3A_346 = arith.cmpi slt, %parallel_loop3A_342, %parallel_loop3A_345 : i32
        %parallel_loop3A_347 = arith.constant 0 : i32
        %parallel_loop3A_348 = arith.cmpi slt, %parallel_loop3A_341, %parallel_loop3A_347 : i32
        %parallel_loop3A_349 = arith.xori %parallel_loop3A_346, %parallel_loop3A_348 : i1
        %parallel_loop3A_350 = arith.andi %parallel_loop3A_349, %parallel_loop3A_344 : i1
        %parallel_loop3A_351 = arith.addi %parallel_loop3A_342, %parallel_loop3A_341 : i32
        %parallel_loop3A_352 = arith.select %parallel_loop3A_350, %parallel_loop3A_351, %parallel_loop3A_342 : i32
        %parallel_loop3A_353 = arith.constant 0 : i32
        %parallel_loop3A_354 = arith.index_cast %parallel_loop3A_336 : i32 to index
        %parallel_loop3A_355 = arith.index_cast %parallel_loop3A_353 : i32 to index
        %parallel_loop3A_356 = arith.index_cast %parallel_loop3A_352 : i32 to index
        %parallel_loop3A_357 = arith.constant 32 : index
        %parallel_loop3A_358 = tpu.vector_load %arg13[%parallel_loop3A_354, %parallel_loop3A_355, %parallel_loop3A_356, %parallel_loop3A_357] {strides = array<i32>} : memref<8x1x8x128xf32, #tpu.memory_space<vmem>>, vector<16xf32>,
        tpu.vector_store %arg13[%parallel_loop3A_354, %parallel_loop3A_355, %parallel_loop3A_356, %parallel_loop3A_357], %parallel_loop3A_312 {strides = array<i32>} : memref<8x1x8x128xf32, #tpu.memory_space<vmem>>, vector<16xf32>,
        %parallel_loop3A_359 = arith.constant 48 : i32
        %parallel_loop3A_360 = vector.broadcast %parallel_loop3A_359 : i32 to vector<16xi32>
        %parallel_loop3A_361 = arith.addi %iota3A, %parallel_loop3A_360 : vector<16xi32>
        %parallel_loop3A_362 = tpu.vector_load_idx %arg11[%parallel_loop3A_361, %parallel_loop3A_208] : memref<128x64xf32, #tpu.memory_space<vmem>>[vector<16xi32>, vector<16xi32>], vector<16xf32>,
        %parallel_loop3A_363 = arith.constant 8 : i32
        %parallel_loop3A_364 = arith.divsi %parallel_loop3A_203, %parallel_loop3A_363 : i32
        %parallel_loop3A_365 = arith.constant 0 : i32
        %parallel_loop3A_366 = arith.cmpi sgt, %parallel_loop3A_203, %parallel_loop3A_365 : i32
        %parallel_loop3A_367 = arith.extui %parallel_loop3A_366 : i1 to i32
        %parallel_loop3A_368 = arith.constant 0 : i32
        %parallel_loop3A_369 = arith.cmpi slt, %parallel_loop3A_203, %parallel_loop3A_368 : i32
        %parallel_loop3A_370 = arith.extui %parallel_loop3A_369 : i1 to i32
        %parallel_loop3A_371 = arith.subi %parallel_loop3A_367, %parallel_loop3A_370 : i32
        %parallel_loop3A_372 = arith.constant 0 : i32
        %parallel_loop3A_373 = arith.cmpi sgt, %parallel_loop3A_363, %parallel_loop3A_372 : i32
        %parallel_loop3A_374 = arith.extui %parallel_loop3A_373 : i1 to i32
        %parallel_loop3A_375 = arith.constant 0 : i32
        %parallel_loop3A_376 = arith.cmpi slt, %parallel_loop3A_363, %parallel_loop3A_375 : i32
        %parallel_loop3A_377 = arith.extui %parallel_loop3A_376 : i1 to i32
        %parallel_loop3A_378 = arith.subi %parallel_loop3A_374, %parallel_loop3A_377 : i32
        %parallel_loop3A_379 = arith.cmpi ne, %parallel_loop3A_371, %parallel_loop3A_378 : i32
        %parallel_loop3A_380 = arith.remsi %parallel_loop3A_203, %parallel_loop3A_363 : i32
        %parallel_loop3A_381 = arith.constant 0 : i32
        %parallel_loop3A_382 = arith.cmpi ne, %parallel_loop3A_380, %parallel_loop3A_381 : i32
        %parallel_loop3A_383 = arith.andi %parallel_loop3A_379, %parallel_loop3A_382 : i1
        %parallel_loop3A_384 = arith.constant 1 : i32
        %parallel_loop3A_385 = arith.subi %parallel_loop3A_364, %parallel_loop3A_384 : i32
        %parallel_loop3A_386 = arith.select %parallel_loop3A_383, %parallel_loop3A_385, %parallel_loop3A_364 : i32
        %parallel_loop3A_387 = arith.constant 8 : i32
        %parallel_loop3A_388 = arith.constant 0 : i32
        %parallel_loop3A_389 = arith.cmpi eq, %parallel_loop3A_387, %parallel_loop3A_388 : i32
        %parallel_loop3A_390 = arith.constant 1 : i32
        %parallel_loop3A_391 = arith.select %parallel_loop3A_389, %parallel_loop3A_390, %parallel_loop3A_387 : i32
        %parallel_loop3A_392 = arith.remsi %parallel_loop3A_203, %parallel_loop3A_391 : i32
        %parallel_loop3A_393 = arith.constant 0 : i32
        %parallel_loop3A_394 = arith.cmpi ne, %parallel_loop3A_392, %parallel_loop3A_393 : i32
        %parallel_loop3A_395 = arith.constant 0 : i32
        %parallel_loop3A_396 = arith.cmpi slt, %parallel_loop3A_392, %parallel_loop3A_395 : i32
        %parallel_loop3A_397 = arith.constant 0 : i32
        %parallel_loop3A_398 = arith.cmpi slt, %parallel_loop3A_391, %parallel_loop3A_397 : i32
        %parallel_loop3A_399 = arith.xori %parallel_loop3A_396, %parallel_loop3A_398 : i1
        %parallel_loop3A_400 = arith.andi %parallel_loop3A_399, %parallel_loop3A_394 : i1
        %parallel_loop3A_401 = arith.addi %parallel_loop3A_392, %parallel_loop3A_391 : i32
        %parallel_loop3A_402 = arith.select %parallel_loop3A_400, %parallel_loop3A_401, %parallel_loop3A_392 : i32
        %parallel_loop3A_403 = arith.constant 0 : i32
        %parallel_loop3A_404 = arith.index_cast %parallel_loop3A_386 : i32 to index
        %parallel_loop3A_405 = arith.index_cast %parallel_loop3A_403 : i32 to index
        %parallel_loop3A_406 = arith.index_cast %parallel_loop3A_402 : i32 to index
        %parallel_loop3A_407 = arith.constant 48 : index
        %parallel_loop3A_408 = tpu.vector_load %arg13[%parallel_loop3A_404, %parallel_loop3A_405, %parallel_loop3A_406, %parallel_loop3A_407] {strides = array<i32>} : memref<8x1x8x128xf32, #tpu.memory_space<vmem>>, vector<16xf32>,
        tpu.vector_store %arg13[%parallel_loop3A_404, %parallel_loop3A_405, %parallel_loop3A_406, %parallel_loop3A_407], %parallel_loop3A_362 {strides = array<i32>} : memref<8x1x8x128xf32, #tpu.memory_space<vmem>>, vector<16xf32>,
        %parallel_loop3A_409 = arith.constant 64 : i32
        %parallel_loop3A_410 = vector.broadcast %parallel_loop3A_409 : i32 to vector<16xi32>
        %parallel_loop3A_411 = arith.addi %iota3A, %parallel_loop3A_410 : vector<16xi32>
        %parallel_loop3A_412 = tpu.vector_load_idx %arg11[%parallel_loop3A_411, %parallel_loop3A_208] : memref<128x64xf32, #tpu.memory_space<vmem>>[vector<16xi32>, vector<16xi32>], vector<16xf32>,
        %parallel_loop3A_413 = arith.constant 8 : i32
        %parallel_loop3A_414 = arith.divsi %parallel_loop3A_203, %parallel_loop3A_413 : i32
        %parallel_loop3A_415 = arith.constant 0 : i32
        %parallel_loop3A_416 = arith.cmpi sgt, %parallel_loop3A_203, %parallel_loop3A_415 : i32
        %parallel_loop3A_417 = arith.extui %parallel_loop3A_416 : i1 to i32
        %parallel_loop3A_418 = arith.constant 0 : i32
        %parallel_loop3A_419 = arith.cmpi slt, %parallel_loop3A_203, %parallel_loop3A_418 : i32
        %parallel_loop3A_420 = arith.extui %parallel_loop3A_419 : i1 to i32
        %parallel_loop3A_421 = arith.subi %parallel_loop3A_417, %parallel_loop3A_420 : i32
        %parallel_loop3A_422 = arith.constant 0 : i32
        %parallel_loop3A_423 = arith.cmpi sgt, %parallel_loop3A_413, %parallel_loop3A_422 : i32
        %parallel_loop3A_424 = arith.extui %parallel_loop3A_423 : i1 to i32
        %parallel_loop3A_425 = arith.constant 0 : i32
        %parallel_loop3A_426 = arith.cmpi slt, %parallel_loop3A_413, %parallel_loop3A_425 : i32
        %parallel_loop3A_427 = arith.extui %parallel_loop3A_426 : i1 to i32
        %parallel_loop3A_428 = arith.subi %parallel_loop3A_424, %parallel_loop3A_427 : i32
        %parallel_loop3A_429 = arith.cmpi ne, %parallel_loop3A_421, %parallel_loop3A_428 : i32
        %parallel_loop3A_430 = arith.remsi %parallel_loop3A_203, %parallel_loop3A_413 : i32
        %parallel_loop3A_431 = arith.constant 0 : i32
        %parallel_loop3A_432 = arith.cmpi ne, %parallel_loop3A_430, %parallel_loop3A_431 : i32
        %parallel_loop3A_433 = arith.andi %parallel_loop3A_429, %parallel_loop3A_432 : i1
        %parallel_loop3A_434 = arith.constant 1 : i32
        %parallel_loop3A_435 = arith.subi %parallel_loop3A_414, %parallel_loop3A_434 : i32
        %parallel_loop3A_436 = arith.select %parallel_loop3A_433, %parallel_loop3A_435, %parallel_loop3A_414 : i32
        %parallel_loop3A_437 = arith.constant 8 : i32
        %parallel_loop3A_438 = arith.constant 0 : i32
        %parallel_loop3A_439 = arith.cmpi eq, %parallel_loop3A_437, %parallel_loop3A_438 : i32
        %parallel_loop3A_440 = arith.constant 1 : i32
        %parallel_loop3A_441 = arith.select %parallel_loop3A_439, %parallel_loop3A_440, %parallel_loop3A_437 : i32
        %parallel_loop3A_442 = arith.remsi %parallel_loop3A_203, %parallel_loop3A_441 : i32
        %parallel_loop3A_443 = arith.constant 0 : i32
        %parallel_loop3A_444 = arith.cmpi ne, %parallel_loop3A_442, %parallel_loop3A_443 : i32
        %parallel_loop3A_445 = arith.constant 0 : i32
        %parallel_loop3A_446 = arith.cmpi slt, %parallel_loop3A_442, %parallel_loop3A_445 : i32
        %parallel_loop3A_447 = arith.constant 0 : i32
        %parallel_loop3A_448 = arith.cmpi slt, %parallel_loop3A_441, %parallel_loop3A_447 : i32
        %parallel_loop3A_449 = arith.xori %parallel_loop3A_446, %parallel_loop3A_448 : i1
        %parallel_loop3A_450 = arith.andi %parallel_loop3A_449, %parallel_loop3A_444 : i1
        %parallel_loop3A_451 = arith.addi %parallel_loop3A_442, %parallel_loop3A_441 : i32
        %parallel_loop3A_452 = arith.select %parallel_loop3A_450, %parallel_loop3A_451, %parallel_loop3A_442 : i32
        %parallel_loop3A_453 = arith.constant 0 : i32
        %parallel_loop3A_454 = arith.index_cast %parallel_loop3A_436 : i32 to index
        %parallel_loop3A_455 = arith.index_cast %parallel_loop3A_453 : i32 to index
        %parallel_loop3A_456 = arith.index_cast %parallel_loop3A_452 : i32 to index
        %parallel_loop3A_457 = arith.constant 64 : index
        %parallel_loop3A_458 = tpu.vector_load %arg13[%parallel_loop3A_454, %parallel_loop3A_455, %parallel_loop3A_456, %parallel_loop3A_457] {strides = array<i32>} : memref<8x1x8x128xf32, #tpu.memory_space<vmem>>, vector<16xf32>,
        tpu.vector_store %arg13[%parallel_loop3A_454, %parallel_loop3A_455, %parallel_loop3A_456, %parallel_loop3A_457], %parallel_loop3A_412 {strides = array<i32>} : memref<8x1x8x128xf32, #tpu.memory_space<vmem>>, vector<16xf32>,
        %parallel_loop3A_459 = arith.constant 80 : i32
        %parallel_loop3A_460 = vector.broadcast %parallel_loop3A_459 : i32 to vector<16xi32>
        %parallel_loop3A_461 = arith.addi %iota3A, %parallel_loop3A_460 : vector<16xi32>
        %parallel_loop3A_462 = tpu.vector_load_idx %arg11[%parallel_loop3A_461, %parallel_loop3A_208] : memref<128x64xf32, #tpu.memory_space<vmem>>[vector<16xi32>, vector<16xi32>], vector<16xf32>,
        %parallel_loop3A_463 = arith.constant 8 : i32
        %parallel_loop3A_464 = arith.divsi %parallel_loop3A_203, %parallel_loop3A_463 : i32
        %parallel_loop3A_465 = arith.constant 0 : i32
        %parallel_loop3A_466 = arith.cmpi sgt, %parallel_loop3A_203, %parallel_loop3A_465 : i32
        %parallel_loop3A_467 = arith.extui %parallel_loop3A_466 : i1 to i32
        %parallel_loop3A_468 = arith.constant 0 : i32
        %parallel_loop3A_469 = arith.cmpi slt, %parallel_loop3A_203, %parallel_loop3A_468 : i32
        %parallel_loop3A_470 = arith.extui %parallel_loop3A_469 : i1 to i32
        %parallel_loop3A_471 = arith.subi %parallel_loop3A_467, %parallel_loop3A_470 : i32
        %parallel_loop3A_472 = arith.constant 0 : i32
        %parallel_loop3A_473 = arith.cmpi sgt, %parallel_loop3A_463, %parallel_loop3A_472 : i32
        %parallel_loop3A_474 = arith.extui %parallel_loop3A_473 : i1 to i32
        %parallel_loop3A_475 = arith.constant 0 : i32
        %parallel_loop3A_476 = arith.cmpi slt, %parallel_loop3A_463, %parallel_loop3A_475 : i32
        %parallel_loop3A_477 = arith.extui %parallel_loop3A_476 : i1 to i32
        %parallel_loop3A_478 = arith.subi %parallel_loop3A_474, %parallel_loop3A_477 : i32
        %parallel_loop3A_479 = arith.cmpi ne, %parallel_loop3A_471, %parallel_loop3A_478 : i32
        %parallel_loop3A_480 = arith.remsi %parallel_loop3A_203, %parallel_loop3A_463 : i32
        %parallel_loop3A_481 = arith.constant 0 : i32
        %parallel_loop3A_482 = arith.cmpi ne, %parallel_loop3A_480, %parallel_loop3A_481 : i32
        %parallel_loop3A_483 = arith.andi %parallel_loop3A_479, %parallel_loop3A_482 : i1
        %parallel_loop3A_484 = arith.constant 1 : i32
        %parallel_loop3A_485 = arith.subi %parallel_loop3A_464, %parallel_loop3A_484 : i32
        %parallel_loop3A_486 = arith.select %parallel_loop3A_483, %parallel_loop3A_485, %parallel_loop3A_464 : i32
        %parallel_loop3A_487 = arith.constant 8 : i32
        %parallel_loop3A_488 = arith.constant 0 : i32
        %parallel_loop3A_489 = arith.cmpi eq, %parallel_loop3A_487, %parallel_loop3A_488 : i32
        %parallel_loop3A_490 = arith.constant 1 : i32
        %parallel_loop3A_491 = arith.select %parallel_loop3A_489, %parallel_loop3A_490, %parallel_loop3A_487 : i32
        %parallel_loop3A_492 = arith.remsi %parallel_loop3A_203, %parallel_loop3A_491 : i32
        %parallel_loop3A_493 = arith.constant 0 : i32
        %parallel_loop3A_494 = arith.cmpi ne, %parallel_loop3A_492, %parallel_loop3A_493 : i32
        %parallel_loop3A_495 = arith.constant 0 : i32
        %parallel_loop3A_496 = arith.cmpi slt, %parallel_loop3A_492, %parallel_loop3A_495 : i32
        %parallel_loop3A_497 = arith.constant 0 : i32
        %parallel_loop3A_498 = arith.cmpi slt, %parallel_loop3A_491, %parallel_loop3A_497 : i32
        %parallel_loop3A_499 = arith.xori %parallel_loop3A_496, %parallel_loop3A_498 : i1
        %parallel_loop3A_500 = arith.andi %parallel_loop3A_499, %parallel_loop3A_494 : i1
        %parallel_loop3A_501 = arith.addi %parallel_loop3A_492, %parallel_loop3A_491 : i32
        %parallel_loop3A_502 = arith.select %parallel_loop3A_500, %parallel_loop3A_501, %parallel_loop3A_492 : i32
        %parallel_loop3A_503 = arith.constant 0 : i32
        %parallel_loop3A_504 = arith.index_cast %parallel_loop3A_486 : i32 to index
        %parallel_loop3A_505 = arith.index_cast %parallel_loop3A_503 : i32 to index
        %parallel_loop3A_506 = arith.index_cast %parallel_loop3A_502 : i32 to index
        %parallel_loop3A_507 = arith.constant 80 : index
        %parallel_loop3A_508 = tpu.vector_load %arg13[%parallel_loop3A_504, %parallel_loop3A_505, %parallel_loop3A_506, %parallel_loop3A_507] {strides = array<i32>} : memref<8x1x8x128xf32, #tpu.memory_space<vmem>>, vector<16xf32>,
        tpu.vector_store %arg13[%parallel_loop3A_504, %parallel_loop3A_505, %parallel_loop3A_506, %parallel_loop3A_507], %parallel_loop3A_462 {strides = array<i32>} : memref<8x1x8x128xf32, #tpu.memory_space<vmem>>, vector<16xf32>,
        %parallel_loop3A_509 = arith.constant 96 : i32
        %parallel_loop3A_510 = vector.broadcast %parallel_loop3A_509 : i32 to vector<16xi32>
        %parallel_loop3A_511 = arith.addi %iota3A, %parallel_loop3A_510 : vector<16xi32>
        %parallel_loop3A_512 = tpu.vector_load_idx %arg11[%parallel_loop3A_511, %parallel_loop3A_208] : memref<128x64xf32, #tpu.memory_space<vmem>>[vector<16xi32>, vector<16xi32>], vector<16xf32>,
        %parallel_loop3A_513 = arith.constant 8 : i32
        %parallel_loop3A_514 = arith.divsi %parallel_loop3A_203, %parallel_loop3A_513 : i32
        %parallel_loop3A_515 = arith.constant 0 : i32
        %parallel_loop3A_516 = arith.cmpi sgt, %parallel_loop3A_203, %parallel_loop3A_515 : i32
        %parallel_loop3A_517 = arith.extui %parallel_loop3A_516 : i1 to i32
        %parallel_loop3A_518 = arith.constant 0 : i32
        %parallel_loop3A_519 = arith.cmpi slt, %parallel_loop3A_203, %parallel_loop3A_518 : i32
        %parallel_loop3A_520 = arith.extui %parallel_loop3A_519 : i1 to i32
        %parallel_loop3A_521 = arith.subi %parallel_loop3A_517, %parallel_loop3A_520 : i32
        %parallel_loop3A_522 = arith.constant 0 : i32
        %parallel_loop3A_523 = arith.cmpi sgt, %parallel_loop3A_513, %parallel_loop3A_522 : i32
        %parallel_loop3A_524 = arith.extui %parallel_loop3A_523 : i1 to i32
        %parallel_loop3A_525 = arith.constant 0 : i32
        %parallel_loop3A_526 = arith.cmpi slt, %parallel_loop3A_513, %parallel_loop3A_525 : i32
        %parallel_loop3A_527 = arith.extui %parallel_loop3A_526 : i1 to i32
        %parallel_loop3A_528 = arith.subi %parallel_loop3A_524, %parallel_loop3A_527 : i32
        %parallel_loop3A_529 = arith.cmpi ne, %parallel_loop3A_521, %parallel_loop3A_528 : i32
        %parallel_loop3A_530 = arith.remsi %parallel_loop3A_203, %parallel_loop3A_513 : i32
        %parallel_loop3A_531 = arith.constant 0 : i32
        %parallel_loop3A_532 = arith.cmpi ne, %parallel_loop3A_530, %parallel_loop3A_531 : i32
        %parallel_loop3A_533 = arith.andi %parallel_loop3A_529, %parallel_loop3A_532 : i1
        %parallel_loop3A_534 = arith.constant 1 : i32
        %parallel_loop3A_535 = arith.subi %parallel_loop3A_514, %parallel_loop3A_534 : i32
        %parallel_loop3A_536 = arith.select %parallel_loop3A_533, %parallel_loop3A_535, %parallel_loop3A_514 : i32
        %parallel_loop3A_537 = arith.constant 8 : i32
        %parallel_loop3A_538 = arith.constant 0 : i32
        %parallel_loop3A_539 = arith.cmpi eq, %parallel_loop3A_537, %parallel_loop3A_538 : i32
        %parallel_loop3A_540 = arith.constant 1 : i32
        %parallel_loop3A_541 = arith.select %parallel_loop3A_539, %parallel_loop3A_540, %parallel_loop3A_537 : i32
        %parallel_loop3A_542 = arith.remsi %parallel_loop3A_203, %parallel_loop3A_541 : i32
        %parallel_loop3A_543 = arith.constant 0 : i32
        %parallel_loop3A_544 = arith.cmpi ne, %parallel_loop3A_542, %parallel_loop3A_543 : i32
        %parallel_loop3A_545 = arith.constant 0 : i32
        %parallel_loop3A_546 = arith.cmpi slt, %parallel_loop3A_542, %parallel_loop3A_545 : i32
        %parallel_loop3A_547 = arith.constant 0 : i32
        %parallel_loop3A_548 = arith.cmpi slt, %parallel_loop3A_541, %parallel_loop3A_547 : i32
        %parallel_loop3A_549 = arith.xori %parallel_loop3A_546, %parallel_loop3A_548 : i1
        %parallel_loop3A_550 = arith.andi %parallel_loop3A_549, %parallel_loop3A_544 : i1
        %parallel_loop3A_551 = arith.addi %parallel_loop3A_542, %parallel_loop3A_541 : i32
        %parallel_loop3A_552 = arith.select %parallel_loop3A_550, %parallel_loop3A_551, %parallel_loop3A_542 : i32
        %parallel_loop3A_553 = arith.constant 0 : i32
        %parallel_loop3A_554 = arith.index_cast %parallel_loop3A_536 : i32 to index
        %parallel_loop3A_555 = arith.index_cast %parallel_loop3A_553 : i32 to index
        %parallel_loop3A_556 = arith.index_cast %parallel_loop3A_552 : i32 to index
        %parallel_loop3A_557 = arith.constant 96 : index
        %parallel_loop3A_558 = tpu.vector_load %arg13[%parallel_loop3A_554, %parallel_loop3A_555, %parallel_loop3A_556, %parallel_loop3A_557] {strides = array<i32>} : memref<8x1x8x128xf32, #tpu.memory_space<vmem>>, vector<16xf32>,
        tpu.vector_store %arg13[%parallel_loop3A_554, %parallel_loop3A_555, %parallel_loop3A_556, %parallel_loop3A_557], %parallel_loop3A_512 {strides = array<i32>} : memref<8x1x8x128xf32, #tpu.memory_space<vmem>>, vector<16xf32>,
        %parallel_loop3A_559 = arith.constant 112 : i32
        %parallel_loop3A_560 = vector.broadcast %parallel_loop3A_559 : i32 to vector<16xi32>
        %parallel_loop3A_561 = arith.addi %iota3A, %parallel_loop3A_560 : vector<16xi32>
        %parallel_loop3A_562 = tpu.vector_load_idx %arg11[%parallel_loop3A_561, %parallel_loop3A_208] : memref<128x64xf32, #tpu.memory_space<vmem>>[vector<16xi32>, vector<16xi32>], vector<16xf32>,
        %parallel_loop3A_563 = arith.constant 8 : i32
        %parallel_loop3A_564 = arith.divsi %parallel_loop3A_203, %parallel_loop3A_563 : i32
        %parallel_loop3A_565 = arith.constant 0 : i32
        %parallel_loop3A_566 = arith.cmpi sgt, %parallel_loop3A_203, %parallel_loop3A_565 : i32
        %parallel_loop3A_567 = arith.extui %parallel_loop3A_566 : i1 to i32
        %parallel_loop3A_568 = arith.constant 0 : i32
        %parallel_loop3A_569 = arith.cmpi slt, %parallel_loop3A_203, %parallel_loop3A_568 : i32
        %parallel_loop3A_570 = arith.extui %parallel_loop3A_569 : i1 to i32
        %parallel_loop3A_571 = arith.subi %parallel_loop3A_567, %parallel_loop3A_570 : i32
        %parallel_loop3A_572 = arith.constant 0 : i32
        %parallel_loop3A_573 = arith.cmpi sgt, %parallel_loop3A_563, %parallel_loop3A_572 : i32
        %parallel_loop3A_574 = arith.extui %parallel_loop3A_573 : i1 to i32
        %parallel_loop3A_575 = arith.constant 0 : i32
        %parallel_loop3A_576 = arith.cmpi slt, %parallel_loop3A_563, %parallel_loop3A_575 : i32
        %parallel_loop3A_577 = arith.extui %parallel_loop3A_576 : i1 to i32
        %parallel_loop3A_578 = arith.subi %parallel_loop3A_574, %parallel_loop3A_577 : i32
        %parallel_loop3A_579 = arith.cmpi ne, %parallel_loop3A_571, %parallel_loop3A_578 : i32
        %parallel_loop3A_580 = arith.remsi %parallel_loop3A_203, %parallel_loop3A_563 : i32
        %parallel_loop3A_581 = arith.constant 0 : i32
        %parallel_loop3A_582 = arith.cmpi ne, %parallel_loop3A_580, %parallel_loop3A_581 : i32
        %parallel_loop3A_583 = arith.andi %parallel_loop3A_579, %parallel_loop3A_582 : i1
        %parallel_loop3A_584 = arith.constant 1 : i32
        %parallel_loop3A_585 = arith.subi %parallel_loop3A_564, %parallel_loop3A_584 : i32
        %parallel_loop3A_586 = arith.select %parallel_loop3A_583, %parallel_loop3A_585, %parallel_loop3A_564 : i32
        %parallel_loop3A_587 = arith.constant 8 : i32
        %parallel_loop3A_588 = arith.constant 0 : i32
        %parallel_loop3A_589 = arith.cmpi eq, %parallel_loop3A_587, %parallel_loop3A_588 : i32
        %parallel_loop3A_590 = arith.constant 1 : i32
        %parallel_loop3A_591 = arith.select %parallel_loop3A_589, %parallel_loop3A_590, %parallel_loop3A_587 : i32
        %parallel_loop3A_592 = arith.remsi %parallel_loop3A_203, %parallel_loop3A_591 : i32
        %parallel_loop3A_593 = arith.constant 0 : i32
        %parallel_loop3A_594 = arith.cmpi ne, %parallel_loop3A_592, %parallel_loop3A_593 : i32
        %parallel_loop3A_595 = arith.constant 0 : i32
        %parallel_loop3A_596 = arith.cmpi slt, %parallel_loop3A_592, %parallel_loop3A_595 : i32
        %parallel_loop3A_597 = arith.constant 0 : i32
        %parallel_loop3A_598 = arith.cmpi slt, %parallel_loop3A_591, %parallel_loop3A_597 : i32
        %parallel_loop3A_599 = arith.xori %parallel_loop3A_596, %parallel_loop3A_598 : i1
        %parallel_loop3A_600 = arith.andi %parallel_loop3A_599, %parallel_loop3A_594 : i1
        %parallel_loop3A_601 = arith.addi %parallel_loop3A_592, %parallel_loop3A_591 : i32
        %parallel_loop3A_602 = arith.select %parallel_loop3A_600, %parallel_loop3A_601, %parallel_loop3A_592 : i32
        %parallel_loop3A_603 = arith.constant 0 : i32
        %parallel_loop3A_604 = arith.index_cast %parallel_loop3A_586 : i32 to index
        %parallel_loop3A_605 = arith.index_cast %parallel_loop3A_603 : i32 to index
        %parallel_loop3A_606 = arith.index_cast %parallel_loop3A_602 : i32 to index
        %parallel_loop3A_607 = arith.constant 112 : index
        %parallel_loop3A_608 = tpu.vector_load %arg13[%parallel_loop3A_604, %parallel_loop3A_605, %parallel_loop3A_606, %parallel_loop3A_607] {strides = array<i32>} : memref<8x1x8x128xf32, #tpu.memory_space<vmem>>, vector<16xf32>,
        tpu.vector_store %arg13[%parallel_loop3A_604, %parallel_loop3A_605, %parallel_loop3A_606, %parallel_loop3A_607], %parallel_loop3A_562 {strides = array<i32>} : memref<8x1x8x128xf32, #tpu.memory_space<vmem>>, vector<16xf32>,
      } {sc.loop_unroll_factor = 2 : i64, sc.parallel_access}
      %lt3A_186 = arith.constant 24 : i32
      %lt3A_187 = arith.cmpi slt, %scan3A_139, %lt3A_186 : i32
      %convert_element_type3A_188 = arith.extui %lt3A_187 : i1 to i32
      %cond3A_189 = arith.constant 0 : i32
      %cond3A_190 = arith.cmpi ne, %convert_element_type3A_188, %cond3A_189 : i32
      scf.if %cond3A_190 {
        %add3A_203 = arith.constant 2 : i32
        %add3A_204 = arith.addi %add3A_171, %add3A_203 : i32
        %dma_start3A_205 = arith.constant 0 : i32
        %dma_start3A_206 = tpu.memref_slice %arg9[%add3A_204, %dma_start3A_205] : memref<50x128xi32, #tpu.memory_space<vmem>> -> memref<1x128xi32, #tpu.memory_space<vmem>>
        %dma_start3A_207 = tpu.memref_squeeze %dma_start3A_206 : memref<1x128xi32, #tpu.memory_space<vmem>> -> memref<128xi32, #tpu.memory_space<vmem>>
        %dma_start3A_208 = arith.constant 0 : i32
        %dma_start3A_209 = arith.constant 0 : i32
        %dma_start3A_210 = tpu.memref_slice %arg6[%dma_start3A_208, %dma_start3A_209] : memref<100000x64xf32, #tpu.memory_space<hbm>> -> memref<100000x64xf32, #tpu.memory_space<hbm>>
        tpu.enqueue_indirect_dma source(%dma_start3A_210 : memref<100000x64xf32, #tpu.memory_space<hbm>>) target(%arg11 : memref<128x64xf32, #tpu.memory_space<vmem>>) offsets(%dma_start3A_207 : memref<128xi32, #tpu.memory_space<vmem>>) semaphore(%arg15 : memref<!tpu.dma_semaphore, #tpu.memory_space<semaphore_mem>>)
      } else {
      }
      %dma_start3A_191 = arith.constant 1 : i32
      %dma_start3A_192 = arith.constant 0 : i32
      %dma_start3A_193 = arith.constant 0 : i32
      %dma_start3A_194 = arith.constant 0 : i32
      %dma_start3A_195 = tpu.memref_slice %arg8[%dma_start3A_191, %add3A_171, %dma_start3A_192, %add3A, %dma_start3A_193, %dma_start3A_194] : memref<3x50x8x32x8x128xf32, #tpu.memory_space<hbm>> -> memref<1x1x8x1x8x128xf32, #tpu.memory_space<hbm>>
      %dma_start3A_196 = tpu.memref_squeeze %dma_start3A_195 : memref<1x1x8x1x8x128xf32, #tpu.memory_space<hbm>> -> memref<8x1x8x128xf32, #tpu.memory_space<hbm>>
      %dma_start3A_197 = arith.constant 0 : i32
      %dma_start3A_198 = arith.constant 0 : i32
      %dma_start3A_199 = arith.constant 0 : i32
      %dma_start3A_200 = tpu.memref_slice %arg8[%dma_start3A_191, %add3A_171, %dma_start3A_197, %add3A, %dma_start3A_198, %dma_start3A_199] : memref<3x50x8x32x8x128xf32, #tpu.memory_space<hbm>> -> memref<1x1x8x1x8x128xf32, #tpu.memory_space<hbm>>
      %dma_start3A_201 = tpu.memref_squeeze %dma_start3A_200 : memref<1x1x8x1x8x128xf32, #tpu.memory_space<hbm>> -> memref<8x1x8x128xf32, #tpu.memory_space<hbm>>
      tpu.enqueue_dma source(%arg13 : memref<8x1x8x128xf32, #tpu.memory_space<vmem>>) target(%dma_start3A_201 : memref<8x1x8x128xf32, #tpu.memory_space<hbm>>) target_semaphore(%arg17 : memref<!tpu.dma_semaphore, #tpu.memory_space<semaphore_mem>>)
      %scan3A_202 = arith.constant 0 : i32
      scf.yield %scan3A_202 : i32
    }
    %scan3A_67 = arith.constant 25 : i32
    %dma_wait3A_68 = arith.constant 1 : i32
    %dma_wait3A_69 = arith.constant 48 : i32
    %dma_wait3A_70 = arith.constant 0 : i32
    %dma_wait3A_71 = arith.constant 0 : i32
    %dma_wait3A_72 = arith.constant 0 : i32
    %dma_wait3A_73 = tpu.memref_slice %arg8[%dma_wait3A_68, %dma_wait3A_69, %dma_wait3A_70, %add3A, %dma_wait3A_71, %dma_wait3A_72] : memref<3x50x8x32x8x128xf32, #tpu.memory_space<hbm>> -> memref<1x1x8x1x8x128xf32, #tpu.memory_space<hbm>>
    %dma_wait3A_74 = tpu.memref_squeeze %dma_wait3A_73 : memref<1x1x8x1x8x128xf32, #tpu.memory_space<hbm>> -> memref<8x1x8x128xf32, #tpu.memory_space<hbm>>
    %dma_wait3A_75 = arith.constant 0 : i32
    %dma_wait3A_76 = arith.constant 0 : i32
    %dma_wait3A_77 = arith.constant 0 : i32
    %dma_wait3A_78 = tpu.memref_slice %arg8[%dma_wait3A_68, %dma_wait3A_69, %dma_wait3A_75, %add3A, %dma_wait3A_76, %dma_wait3A_77] : memref<3x50x8x32x8x128xf32, #tpu.memory_space<hbm>> -> memref<1x1x8x1x8x128xf32, #tpu.memory_space<hbm>>
    %dma_wait3A_79 = tpu.memref_squeeze %dma_wait3A_78 : memref<1x1x8x1x8x128xf32, #tpu.memory_space<hbm>> -> memref<8x1x8x128xf32, #tpu.memory_space<hbm>>
    tpu.wait_dma2 semaphore(%arg16 : memref<!tpu.dma_semaphore, #tpu.memory_space<semaphore_mem>>) src(%arg12 : memref<8x1x8x128xf32, #tpu.memory_space<vmem>>) dst(%dma_wait3A_79 : memref<8x1x8x128xf32, #tpu.memory_space<hbm>>)
    %dma_wait3A_80 = arith.constant 1 : i32
    %dma_wait3A_81 = arith.constant 49 : i32
    %dma_wait3A_82 = arith.constant 0 : i32
    %dma_wait3A_83 = arith.constant 0 : i32
    %dma_wait3A_84 = arith.constant 0 : i32
    %dma_wait3A_85 = tpu.memref_slice %arg8[%dma_wait3A_80, %dma_wait3A_81, %dma_wait3A_82, %add3A, %dma_wait3A_83, %dma_wait3A_84] : memref<3x50x8x32x8x128xf32, #tpu.memory_space<hbm>> -> memref<1x1x8x1x8x128xf32, #tpu.memory_space<hbm>>
    %dma_wait3A_86 = tpu.memref_squeeze %dma_wait3A_85 : memref<1x1x8x1x8x128xf32, #tpu.memory_space<hbm>> -> memref<8x1x8x128xf32, #tpu.memory_space<hbm>>
    %dma_wait3A_87 = arith.constant 0 : i32
    %dma_wait3A_88 = arith.constant 0 : i32
    %dma_wait3A_89 = arith.constant 0 : i32
    %dma_wait3A_90 = tpu.memref_slice %arg8[%dma_wait3A_80, %dma_wait3A_81, %dma_wait3A_87, %add3A, %dma_wait3A_88, %dma_wait3A_89] : memref<3x50x8x32x8x128xf32, #tpu.memory_space<hbm>> -> memref<1x1x8x1x8x128xf32, #tpu.memory_space<hbm>>
    %dma_wait3A_91 = tpu.memref_squeeze %dma_wait3A_90 : memref<1x1x8x1x8x128xf32, #tpu.memory_space<hbm>> -> memref<8x1x8x128xf32, #tpu.memory_space<hbm>>
    tpu.wait_dma2 semaphore(%arg17 : memref<!tpu.dma_semaphore, #tpu.memory_space<semaphore_mem>>) src(%arg13 : memref<8x1x8x128xf32, #tpu.memory_space<vmem>>) dst(%dma_wait3A_91 : memref<8x1x8x128xf32, #tpu.memory_space<hbm>>)
    %mul3A_92 = arith.constant 128 : i32
    %mul3A_93 = arith.muli %add3A, %mul3A_92 : i32
    "tpu.region"() ({
      %run_scoped3A = tpu.sem_alloc : memref<!tpu.dma_semaphore, #tpu.memory_space<semaphore_mem>>
      %dma_start3A_139 = arith.constant 0 : i32
      %dma_start3A_140 = tpu.memref_slice %arg4[%dma_start3A_139, %mul3A_93] : memref<50x4096xi32, #tpu.memory_space<hbm>> -> memref<50x128xi32, #tpu.memory_space<hbm>>
      %dma_start3A_141 = arith.constant 0 : i32
      %dma_start3A_142 = tpu.memref_slice %arg4[%dma_start3A_141, %mul3A_93] : memref<50x4096xi32, #tpu.memory_space<hbm>> -> memref<50x128xi32, #tpu.memory_space<hbm>>
      tpu.enqueue_dma source(%dma_start3A_142 : memref<50x128xi32, #tpu.memory_space<hbm>>) target(%arg9 : memref<50x128xi32, #tpu.memory_space<vmem>>) target_semaphore(%run_scoped3A : memref<!tpu.dma_semaphore, #tpu.memory_space<semaphore_mem>>)
      %dma_wait3A_143 = arith.constant 0 : i32
      %dma_wait3A_144 = tpu.memref_slice %arg4[%dma_wait3A_143, %mul3A_93] : memref<50x4096xi32, #tpu.memory_space<hbm>> -> memref<50x128xi32, #tpu.memory_space<hbm>>
      %dma_wait3A_145 = arith.constant 0 : i32
      %dma_wait3A_146 = tpu.memref_slice %arg4[%dma_wait3A_145, %mul3A_93] : memref<50x4096xi32, #tpu.memory_space<hbm>> -> memref<50x128xi32, #tpu.memory_space<hbm>>
      tpu.wait_dma2 semaphore(%run_scoped3A : memref<!tpu.dma_semaphore, #tpu.memory_space<semaphore_mem>>) src(%dma_wait3A_146 : memref<50x128xi32, #tpu.memory_space<hbm>>) dst(%arg9 : memref<50x128xi32, #tpu.memory_space<vmem>>)
      tpu.yield
    }) : () -> ()
    %dma_start3A_94 = arith.constant 0 : i32
    %dma_start3A_95 = arith.constant 0 : i32
    %dma_start3A_96 = tpu.memref_slice %arg9[%dma_start3A_94, %dma_start3A_95] : memref<50x128xi32, #tpu.memory_space<vmem>> -> memref<1x128xi32, #tpu.memory_space<vmem>>
    %dma_start3A_97 = tpu.memref_squeeze %dma_start3A_96 : memref<1x128xi32, #tpu.memory_space<vmem>> -> memref<128xi32, #tpu.memory_space<vmem>>
    %dma_start3A_98 = arith.constant 0 : i32
    %dma_start3A_99 = arith.constant 0 : i32
    %dma_start3A_100 = tpu.memref_slice %arg7[%dma_start3A_98, %dma_start3A_99] : memref<10000x64xf32, #tpu.memory_space<hbm>> -> memref<10000x64xf32, #tpu.memory_space<hbm>>
    tpu.enqueue_indirect_dma source(%dma_start3A_100 : memref<10000x64xf32, #tpu.memory_space<hbm>>) target(%arg10 : memref<128x64xf32, #tpu.memory_space<vmem>>) offsets(%dma_start3A_97 : memref<128xi32, #tpu.memory_space<vmem>>) semaphore(%arg14 : memref<!tpu.dma_semaphore, #tpu.memory_space<semaphore_mem>>)
    %dma_start3A_101 = arith.constant 1 : i32
    %dma_start3A_102 = arith.constant 0 : i32
    %dma_start3A_103 = tpu.memref_slice %arg9[%dma_start3A_101, %dma_start3A_102] : memref<50x128xi32, #tpu.memory_space<vmem>> -> memref<1x128xi32, #tpu.memory_space<vmem>>
    %dma_start3A_104 = tpu.memref_squeeze %dma_start3A_103 : memref<1x128xi32, #tpu.memory_space<vmem>> -> memref<128xi32, #tpu.memory_space<vmem>>
    %dma_start3A_105 = arith.constant 0 : i32
    %dma_start3A_106 = arith.constant 0 : i32
    %dma_start3A_107 = tpu.memref_slice %arg7[%dma_start3A_105, %dma_start3A_106] : memref<10000x64xf32, #tpu.memory_space<hbm>> -> memref<10000x64xf32, #tpu.memory_space<hbm>>
    tpu.enqueue_indirect_dma source(%dma_start3A_107 : memref<10000x64xf32, #tpu.memory_space<hbm>>) target(%arg11 : memref<128x64xf32, #tpu.memory_space<vmem>>) offsets(%dma_start3A_104 : memref<128xi32, #tpu.memory_space<vmem>>) semaphore(%arg15 : memref<!tpu.dma_semaphore, #tpu.memory_space<semaphore_mem>>)
    %scan3A_108 = arith.constant 0 : i32
    %scan3A_109 = arith.constant 0 : i32
    %scan3A_110 = arith.constant 25 : i32
    %scan3A_111 = arith.addi %scan3A_109, %scan3A_110 : i32
    %scan3A_112 = arith.constant 1 : i32
    %scan3A_113 = scf.for %scan3A_139 = %scan3A_109 to %scan3A_111 step %scan3A_112 iter_args(%scan3A_140 = %scan3A_108) -> (i32)  : i32 {
      %mul3A_141 = arith.constant 2 : i32
      %mul3A_142 = arith.muli %mul3A_141, %scan3A_139 : i32
      %dma_wait3A_143 = arith.constant 0 : i32
      %dma_wait3A_144 = tpu.memref_slice %arg9[%mul3A_142, %dma_wait3A_143] : memref<50x128xi32, #tpu.memory_space<vmem>> -> memref<1x128xi32, #tpu.memory_space<vmem>>
      %dma_wait3A_145 = tpu.memref_squeeze %dma_wait3A_144 : memref<1x128xi32, #tpu.memory_space<vmem>> -> memref<128xi32, #tpu.memory_space<vmem>>
      %dma_wait3A_146 = arith.constant 0 : i32
      %dma_wait3A_147 = arith.constant 0 : i32
      %dma_wait3A_148 = tpu.memref_slice %arg7[%dma_wait3A_146, %dma_wait3A_147] : memref<10000x64xf32, #tpu.memory_space<hbm>> -> memref<10000x64xf32, #tpu.memory_space<hbm>>
      tpu.wait_indirect_dma semaphore(%arg14 : memref<!tpu.dma_semaphore, #tpu.memory_space<semaphore_mem>>) src(%dma_wait3A_148 : memref<10000x64xf32, #tpu.memory_space<hbm>>) dst(%arg10 : memref<128x64xf32, #tpu.memory_space<vmem>>)
      %gt3A = arith.constant 0 : i32
      %gt3A_149 = arith.cmpi sgt, %scan3A_139, %gt3A : i32
      %convert_element_type3A = arith.extui %gt3A_149 : i1 to i32
      %cond3A = arith.constant 0 : i32
      %cond3A_150 = arith.cmpi ne, %convert_element_type3A, %cond3A : i32
      scf.if %cond3A_150 {
        %sub3A = arith.constant 2 : i32
        %sub3A_203 = arith.subi %mul3A_142, %sub3A : i32
        %dma_wait3A_204 = arith.constant 2 : i32
        %dma_wait3A_205 = arith.constant 0 : i32
        %dma_wait3A_206 = arith.constant 0 : i32
        %dma_wait3A_207 = arith.constant 0 : i32
        %dma_wait3A_208 = tpu.memref_slice %arg8[%dma_wait3A_204, %sub3A_203, %dma_wait3A_205, %add3A, %dma_wait3A_206, %dma_wait3A_207] : memref<3x50x8x32x8x128xf32, #tpu.memory_space<hbm>> -> memref<1x1x8x1x8x128xf32, #tpu.memory_space<hbm>>
        %dma_wait3A_209 = tpu.memref_squeeze %dma_wait3A_208 : memref<1x1x8x1x8x128xf32, #tpu.memory_space<hbm>> -> memref<8x1x8x128xf32, #tpu.memory_space<hbm>>
        %dma_wait3A_210 = arith.constant 0 : i32
        %dma_wait3A_211 = arith.constant 0 : i32
        %dma_wait3A_212 = arith.constant 0 : i32
        %dma_wait3A_213 = tpu.memref_slice %arg8[%dma_wait3A_204, %sub3A_203, %dma_wait3A_210, %add3A, %dma_wait3A_211, %dma_wait3A_212] : memref<3x50x8x32x8x128xf32, #tpu.memory_space<hbm>> -> memref<1x1x8x1x8x128xf32, #tpu.memory_space<hbm>>
        %dma_wait3A_214 = tpu.memref_squeeze %dma_wait3A_213 : memref<1x1x8x1x8x128xf32, #tpu.memory_space<hbm>> -> memref<8x1x8x128xf32, #tpu.memory_space<hbm>>
        tpu.wait_dma2 semaphore(%arg16 : memref<!tpu.dma_semaphore, #tpu.memory_space<semaphore_mem>>) src(%arg12 : memref<8x1x8x128xf32, #tpu.memory_space<vmem>>) dst(%dma_wait3A_214 : memref<8x1x8x128xf32, #tpu.memory_space<hbm>>)
      } else {
      }
      %parallel_loop3A = arith.constant 0 : i32
      %parallel_loop3A_151 = arith.constant 64 : i32
      %parallel_loop3A_152 = arith.constant 1 : i32
      scf.for %parallel_loop3A_203 = %parallel_loop3A to %parallel_loop3A_151 step %parallel_loop3A_152  : i32 {
        %parallel_loop3A_204 = arith.constant 0 : i32
        %parallel_loop3A_205 = vector.broadcast %parallel_loop3A_204 : i32 to vector<16xi32>
        %parallel_loop3A_206 = arith.muli %iota3A, %parallel_loop3A_205 : vector<16xi32>
        %parallel_loop3A_207 = vector.broadcast %parallel_loop3A_203 : i32 to vector<16xi32>
        %parallel_loop3A_208 = arith.addi %parallel_loop3A_206, %parallel_loop3A_207 : vector<16xi32>
        %parallel_loop3A_209 = arith.constant 0 : i32
        %parallel_loop3A_210 = vector.broadcast %parallel_loop3A_209 : i32 to vector<16xi32>
        %parallel_loop3A_211 = arith.addi %iota3A, %parallel_loop3A_210 : vector<16xi32>
        %parallel_loop3A_212 = tpu.vector_load_idx %arg10[%parallel_loop3A_211, %parallel_loop3A_208] : memref<128x64xf32, #tpu.memory_space<vmem>>[vector<16xi32>, vector<16xi32>], vector<16xf32>,
        %parallel_loop3A_213 = arith.constant 8 : i32
        %parallel_loop3A_214 = arith.divsi %parallel_loop3A_203, %parallel_loop3A_213 : i32
        %parallel_loop3A_215 = arith.constant 0 : i32
        %parallel_loop3A_216 = arith.cmpi sgt, %parallel_loop3A_203, %parallel_loop3A_215 : i32
        %parallel_loop3A_217 = arith.extui %parallel_loop3A_216 : i1 to i32
        %parallel_loop3A_218 = arith.constant 0 : i32
        %parallel_loop3A_219 = arith.cmpi slt, %parallel_loop3A_203, %parallel_loop3A_218 : i32
        %parallel_loop3A_220 = arith.extui %parallel_loop3A_219 : i1 to i32
        %parallel_loop3A_221 = arith.subi %parallel_loop3A_217, %parallel_loop3A_220 : i32
        %parallel_loop3A_222 = arith.constant 0 : i32
        %parallel_loop3A_223 = arith.cmpi sgt, %parallel_loop3A_213, %parallel_loop3A_222 : i32
        %parallel_loop3A_224 = arith.extui %parallel_loop3A_223 : i1 to i32
        %parallel_loop3A_225 = arith.constant 0 : i32
        %parallel_loop3A_226 = arith.cmpi slt, %parallel_loop3A_213, %parallel_loop3A_225 : i32
        %parallel_loop3A_227 = arith.extui %parallel_loop3A_226 : i1 to i32
        %parallel_loop3A_228 = arith.subi %parallel_loop3A_224, %parallel_loop3A_227 : i32
        %parallel_loop3A_229 = arith.cmpi ne, %parallel_loop3A_221, %parallel_loop3A_228 : i32
        %parallel_loop3A_230 = arith.remsi %parallel_loop3A_203, %parallel_loop3A_213 : i32
        %parallel_loop3A_231 = arith.constant 0 : i32
        %parallel_loop3A_232 = arith.cmpi ne, %parallel_loop3A_230, %parallel_loop3A_231 : i32
        %parallel_loop3A_233 = arith.andi %parallel_loop3A_229, %parallel_loop3A_232 : i1
        %parallel_loop3A_234 = arith.constant 1 : i32
        %parallel_loop3A_235 = arith.subi %parallel_loop3A_214, %parallel_loop3A_234 : i32
        %parallel_loop3A_236 = arith.select %parallel_loop3A_233, %parallel_loop3A_235, %parallel_loop3A_214 : i32
        %parallel_loop3A_237 = arith.constant 8 : i32
        %parallel_loop3A_238 = arith.constant 0 : i32
        %parallel_loop3A_239 = arith.cmpi eq, %parallel_loop3A_237, %parallel_loop3A_238 : i32
        %parallel_loop3A_240 = arith.constant 1 : i32
        %parallel_loop3A_241 = arith.select %parallel_loop3A_239, %parallel_loop3A_240, %parallel_loop3A_237 : i32
        %parallel_loop3A_242 = arith.remsi %parallel_loop3A_203, %parallel_loop3A_241 : i32
        %parallel_loop3A_243 = arith.constant 0 : i32
        %parallel_loop3A_244 = arith.cmpi ne, %parallel_loop3A_242, %parallel_loop3A_243 : i32
        %parallel_loop3A_245 = arith.constant 0 : i32
        %parallel_loop3A_246 = arith.cmpi slt, %parallel_loop3A_242, %parallel_loop3A_245 : i32
        %parallel_loop3A_247 = arith.constant 0 : i32
        %parallel_loop3A_248 = arith.cmpi slt, %parallel_loop3A_241, %parallel_loop3A_247 : i32
        %parallel_loop3A_249 = arith.xori %parallel_loop3A_246, %parallel_loop3A_248 : i1
        %parallel_loop3A_250 = arith.andi %parallel_loop3A_249, %parallel_loop3A_244 : i1
        %parallel_loop3A_251 = arith.addi %parallel_loop3A_242, %parallel_loop3A_241 : i32
        %parallel_loop3A_252 = arith.select %parallel_loop3A_250, %parallel_loop3A_251, %parallel_loop3A_242 : i32
        %parallel_loop3A_253 = arith.constant 0 : i32
        %parallel_loop3A_254 = arith.index_cast %parallel_loop3A_236 : i32 to index
        %parallel_loop3A_255 = arith.index_cast %parallel_loop3A_253 : i32 to index
        %parallel_loop3A_256 = arith.index_cast %parallel_loop3A_252 : i32 to index
        %parallel_loop3A_257 = arith.constant 0 : index
        %parallel_loop3A_258 = tpu.vector_load %arg12[%parallel_loop3A_254, %parallel_loop3A_255, %parallel_loop3A_256, %parallel_loop3A_257] {strides = array<i32>} : memref<8x1x8x128xf32, #tpu.memory_space<vmem>>, vector<16xf32>,
        tpu.vector_store %arg12[%parallel_loop3A_254, %parallel_loop3A_255, %parallel_loop3A_256, %parallel_loop3A_257], %parallel_loop3A_212 {strides = array<i32>} : memref<8x1x8x128xf32, #tpu.memory_space<vmem>>, vector<16xf32>,
        %parallel_loop3A_259 = arith.constant 16 : i32
        %parallel_loop3A_260 = vector.broadcast %parallel_loop3A_259 : i32 to vector<16xi32>
        %parallel_loop3A_261 = arith.addi %iota3A, %parallel_loop3A_260 : vector<16xi32>
        %parallel_loop3A_262 = tpu.vector_load_idx %arg10[%parallel_loop3A_261, %parallel_loop3A_208] : memref<128x64xf32, #tpu.memory_space<vmem>>[vector<16xi32>, vector<16xi32>], vector<16xf32>,
        %parallel_loop3A_263 = arith.constant 8 : i32
        %parallel_loop3A_264 = arith.divsi %parallel_loop3A_203, %parallel_loop3A_263 : i32
        %parallel_loop3A_265 = arith.constant 0 : i32
        %parallel_loop3A_266 = arith.cmpi sgt, %parallel_loop3A_203, %parallel_loop3A_265 : i32
        %parallel_loop3A_267 = arith.extui %parallel_loop3A_266 : i1 to i32
        %parallel_loop3A_268 = arith.constant 0 : i32
        %parallel_loop3A_269 = arith.cmpi slt, %parallel_loop3A_203, %parallel_loop3A_268 : i32
        %parallel_loop3A_270 = arith.extui %parallel_loop3A_269 : i1 to i32
        %parallel_loop3A_271 = arith.subi %parallel_loop3A_267, %parallel_loop3A_270 : i32
        %parallel_loop3A_272 = arith.constant 0 : i32
        %parallel_loop3A_273 = arith.cmpi sgt, %parallel_loop3A_263, %parallel_loop3A_272 : i32
        %parallel_loop3A_274 = arith.extui %parallel_loop3A_273 : i1 to i32
        %parallel_loop3A_275 = arith.constant 0 : i32
        %parallel_loop3A_276 = arith.cmpi slt, %parallel_loop3A_263, %parallel_loop3A_275 : i32
        %parallel_loop3A_277 = arith.extui %parallel_loop3A_276 : i1 to i32
        %parallel_loop3A_278 = arith.subi %parallel_loop3A_274, %parallel_loop3A_277 : i32
        %parallel_loop3A_279 = arith.cmpi ne, %parallel_loop3A_271, %parallel_loop3A_278 : i32
        %parallel_loop3A_280 = arith.remsi %parallel_loop3A_203, %parallel_loop3A_263 : i32
        %parallel_loop3A_281 = arith.constant 0 : i32
        %parallel_loop3A_282 = arith.cmpi ne, %parallel_loop3A_280, %parallel_loop3A_281 : i32
        %parallel_loop3A_283 = arith.andi %parallel_loop3A_279, %parallel_loop3A_282 : i1
        %parallel_loop3A_284 = arith.constant 1 : i32
        %parallel_loop3A_285 = arith.subi %parallel_loop3A_264, %parallel_loop3A_284 : i32
        %parallel_loop3A_286 = arith.select %parallel_loop3A_283, %parallel_loop3A_285, %parallel_loop3A_264 : i32
        %parallel_loop3A_287 = arith.constant 8 : i32
        %parallel_loop3A_288 = arith.constant 0 : i32
        %parallel_loop3A_289 = arith.cmpi eq, %parallel_loop3A_287, %parallel_loop3A_288 : i32
        %parallel_loop3A_290 = arith.constant 1 : i32
        %parallel_loop3A_291 = arith.select %parallel_loop3A_289, %parallel_loop3A_290, %parallel_loop3A_287 : i32
        %parallel_loop3A_292 = arith.remsi %parallel_loop3A_203, %parallel_loop3A_291 : i32
        %parallel_loop3A_293 = arith.constant 0 : i32
        %parallel_loop3A_294 = arith.cmpi ne, %parallel_loop3A_292, %parallel_loop3A_293 : i32
        %parallel_loop3A_295 = arith.constant 0 : i32
        %parallel_loop3A_296 = arith.cmpi slt, %parallel_loop3A_292, %parallel_loop3A_295 : i32
        %parallel_loop3A_297 = arith.constant 0 : i32
        %parallel_loop3A_298 = arith.cmpi slt, %parallel_loop3A_291, %parallel_loop3A_297 : i32
        %parallel_loop3A_299 = arith.xori %parallel_loop3A_296, %parallel_loop3A_298 : i1
        %parallel_loop3A_300 = arith.andi %parallel_loop3A_299, %parallel_loop3A_294 : i1
        %parallel_loop3A_301 = arith.addi %parallel_loop3A_292, %parallel_loop3A_291 : i32
        %parallel_loop3A_302 = arith.select %parallel_loop3A_300, %parallel_loop3A_301, %parallel_loop3A_292 : i32
        %parallel_loop3A_303 = arith.constant 0 : i32
        %parallel_loop3A_304 = arith.index_cast %parallel_loop3A_286 : i32 to index
        %parallel_loop3A_305 = arith.index_cast %parallel_loop3A_303 : i32 to index
        %parallel_loop3A_306 = arith.index_cast %parallel_loop3A_302 : i32 to index
        %parallel_loop3A_307 = arith.constant 16 : index
        %parallel_loop3A_308 = tpu.vector_load %arg12[%parallel_loop3A_304, %parallel_loop3A_305, %parallel_loop3A_306, %parallel_loop3A_307] {strides = array<i32>} : memref<8x1x8x128xf32, #tpu.memory_space<vmem>>, vector<16xf32>,
        tpu.vector_store %arg12[%parallel_loop3A_304, %parallel_loop3A_305, %parallel_loop3A_306, %parallel_loop3A_307], %parallel_loop3A_262 {strides = array<i32>} : memref<8x1x8x128xf32, #tpu.memory_space<vmem>>, vector<16xf32>,
        %parallel_loop3A_309 = arith.constant 32 : i32
        %parallel_loop3A_310 = vector.broadcast %parallel_loop3A_309 : i32 to vector<16xi32>
        %parallel_loop3A_311 = arith.addi %iota3A, %parallel_loop3A_310 : vector<16xi32>
        %parallel_loop3A_312 = tpu.vector_load_idx %arg10[%parallel_loop3A_311, %parallel_loop3A_208] : memref<128x64xf32, #tpu.memory_space<vmem>>[vector<16xi32>, vector<16xi32>], vector<16xf32>,
        %parallel_loop3A_313 = arith.constant 8 : i32
        %parallel_loop3A_314 = arith.divsi %parallel_loop3A_203, %parallel_loop3A_313 : i32
        %parallel_loop3A_315 = arith.constant 0 : i32
        %parallel_loop3A_316 = arith.cmpi sgt, %parallel_loop3A_203, %parallel_loop3A_315 : i32
        %parallel_loop3A_317 = arith.extui %parallel_loop3A_316 : i1 to i32
        %parallel_loop3A_318 = arith.constant 0 : i32
        %parallel_loop3A_319 = arith.cmpi slt, %parallel_loop3A_203, %parallel_loop3A_318 : i32
        %parallel_loop3A_320 = arith.extui %parallel_loop3A_319 : i1 to i32
        %parallel_loop3A_321 = arith.subi %parallel_loop3A_317, %parallel_loop3A_320 : i32
        %parallel_loop3A_322 = arith.constant 0 : i32
        %parallel_loop3A_323 = arith.cmpi sgt, %parallel_loop3A_313, %parallel_loop3A_322 : i32
        %parallel_loop3A_324 = arith.extui %parallel_loop3A_323 : i1 to i32
        %parallel_loop3A_325 = arith.constant 0 : i32
        %parallel_loop3A_326 = arith.cmpi slt, %parallel_loop3A_313, %parallel_loop3A_325 : i32
        %parallel_loop3A_327 = arith.extui %parallel_loop3A_326 : i1 to i32
        %parallel_loop3A_328 = arith.subi %parallel_loop3A_324, %parallel_loop3A_327 : i32
        %parallel_loop3A_329 = arith.cmpi ne, %parallel_loop3A_321, %parallel_loop3A_328 : i32
        %parallel_loop3A_330 = arith.remsi %parallel_loop3A_203, %parallel_loop3A_313 : i32
        %parallel_loop3A_331 = arith.constant 0 : i32
        %parallel_loop3A_332 = arith.cmpi ne, %parallel_loop3A_330, %parallel_loop3A_331 : i32
        %parallel_loop3A_333 = arith.andi %parallel_loop3A_329, %parallel_loop3A_332 : i1
        %parallel_loop3A_334 = arith.constant 1 : i32
        %parallel_loop3A_335 = arith.subi %parallel_loop3A_314, %parallel_loop3A_334 : i32
        %parallel_loop3A_336 = arith.select %parallel_loop3A_333, %parallel_loop3A_335, %parallel_loop3A_314 : i32
        %parallel_loop3A_337 = arith.constant 8 : i32
        %parallel_loop3A_338 = arith.constant 0 : i32
        %parallel_loop3A_339 = arith.cmpi eq, %parallel_loop3A_337, %parallel_loop3A_338 : i32
        %parallel_loop3A_340 = arith.constant 1 : i32
        %parallel_loop3A_341 = arith.select %parallel_loop3A_339, %parallel_loop3A_340, %parallel_loop3A_337 : i32
        %parallel_loop3A_342 = arith.remsi %parallel_loop3A_203, %parallel_loop3A_341 : i32
        %parallel_loop3A_343 = arith.constant 0 : i32
        %parallel_loop3A_344 = arith.cmpi ne, %parallel_loop3A_342, %parallel_loop3A_343 : i32
        %parallel_loop3A_345 = arith.constant 0 : i32
        %parallel_loop3A_346 = arith.cmpi slt, %parallel_loop3A_342, %parallel_loop3A_345 : i32
        %parallel_loop3A_347 = arith.constant 0 : i32
        %parallel_loop3A_348 = arith.cmpi slt, %parallel_loop3A_341, %parallel_loop3A_347 : i32
        %parallel_loop3A_349 = arith.xori %parallel_loop3A_346, %parallel_loop3A_348 : i1
        %parallel_loop3A_350 = arith.andi %parallel_loop3A_349, %parallel_loop3A_344 : i1
        %parallel_loop3A_351 = arith.addi %parallel_loop3A_342, %parallel_loop3A_341 : i32
        %parallel_loop3A_352 = arith.select %parallel_loop3A_350, %parallel_loop3A_351, %parallel_loop3A_342 : i32
        %parallel_loop3A_353 = arith.constant 0 : i32
        %parallel_loop3A_354 = arith.index_cast %parallel_loop3A_336 : i32 to index
        %parallel_loop3A_355 = arith.index_cast %parallel_loop3A_353 : i32 to index
        %parallel_loop3A_356 = arith.index_cast %parallel_loop3A_352 : i32 to index
        %parallel_loop3A_357 = arith.constant 32 : index
        %parallel_loop3A_358 = tpu.vector_load %arg12[%parallel_loop3A_354, %parallel_loop3A_355, %parallel_loop3A_356, %parallel_loop3A_357] {strides = array<i32>} : memref<8x1x8x128xf32, #tpu.memory_space<vmem>>, vector<16xf32>,
        tpu.vector_store %arg12[%parallel_loop3A_354, %parallel_loop3A_355, %parallel_loop3A_356, %parallel_loop3A_357], %parallel_loop3A_312 {strides = array<i32>} : memref<8x1x8x128xf32, #tpu.memory_space<vmem>>, vector<16xf32>,
        %parallel_loop3A_359 = arith.constant 48 : i32
        %parallel_loop3A_360 = vector.broadcast %parallel_loop3A_359 : i32 to vector<16xi32>
        %parallel_loop3A_361 = arith.addi %iota3A, %parallel_loop3A_360 : vector<16xi32>
        %parallel_loop3A_362 = tpu.vector_load_idx %arg10[%parallel_loop3A_361, %parallel_loop3A_208] : memref<128x64xf32, #tpu.memory_space<vmem>>[vector<16xi32>, vector<16xi32>], vector<16xf32>,
        %parallel_loop3A_363 = arith.constant 8 : i32
        %parallel_loop3A_364 = arith.divsi %parallel_loop3A_203, %parallel_loop3A_363 : i32
        %parallel_loop3A_365 = arith.constant 0 : i32
        %parallel_loop3A_366 = arith.cmpi sgt, %parallel_loop3A_203, %parallel_loop3A_365 : i32
        %parallel_loop3A_367 = arith.extui %parallel_loop3A_366 : i1 to i32
        %parallel_loop3A_368 = arith.constant 0 : i32
        %parallel_loop3A_369 = arith.cmpi slt, %parallel_loop3A_203, %parallel_loop3A_368 : i32
        %parallel_loop3A_370 = arith.extui %parallel_loop3A_369 : i1 to i32
        %parallel_loop3A_371 = arith.subi %parallel_loop3A_367, %parallel_loop3A_370 : i32
        %parallel_loop3A_372 = arith.constant 0 : i32
        %parallel_loop3A_373 = arith.cmpi sgt, %parallel_loop3A_363, %parallel_loop3A_372 : i32
        %parallel_loop3A_374 = arith.extui %parallel_loop3A_373 : i1 to i32
        %parallel_loop3A_375 = arith.constant 0 : i32
        %parallel_loop3A_376 = arith.cmpi slt, %parallel_loop3A_363, %parallel_loop3A_375 : i32
        %parallel_loop3A_377 = arith.extui %parallel_loop3A_376 : i1 to i32
        %parallel_loop3A_378 = arith.subi %parallel_loop3A_374, %parallel_loop3A_377 : i32
        %parallel_loop3A_379 = arith.cmpi ne, %parallel_loop3A_371, %parallel_loop3A_378 : i32
        %parallel_loop3A_380 = arith.remsi %parallel_loop3A_203, %parallel_loop3A_363 : i32
        %parallel_loop3A_381 = arith.constant 0 : i32
        %parallel_loop3A_382 = arith.cmpi ne, %parallel_loop3A_380, %parallel_loop3A_381 : i32
        %parallel_loop3A_383 = arith.andi %parallel_loop3A_379, %parallel_loop3A_382 : i1
        %parallel_loop3A_384 = arith.constant 1 : i32
        %parallel_loop3A_385 = arith.subi %parallel_loop3A_364, %parallel_loop3A_384 : i32
        %parallel_loop3A_386 = arith.select %parallel_loop3A_383, %parallel_loop3A_385, %parallel_loop3A_364 : i32
        %parallel_loop3A_387 = arith.constant 8 : i32
        %parallel_loop3A_388 = arith.constant 0 : i32
        %parallel_loop3A_389 = arith.cmpi eq, %parallel_loop3A_387, %parallel_loop3A_388 : i32
        %parallel_loop3A_390 = arith.constant 1 : i32
        %parallel_loop3A_391 = arith.select %parallel_loop3A_389, %parallel_loop3A_390, %parallel_loop3A_387 : i32
        %parallel_loop3A_392 = arith.remsi %parallel_loop3A_203, %parallel_loop3A_391 : i32
        %parallel_loop3A_393 = arith.constant 0 : i32
        %parallel_loop3A_394 = arith.cmpi ne, %parallel_loop3A_392, %parallel_loop3A_393 : i32
        %parallel_loop3A_395 = arith.constant 0 : i32
        %parallel_loop3A_396 = arith.cmpi slt, %parallel_loop3A_392, %parallel_loop3A_395 : i32
        %parallel_loop3A_397 = arith.constant 0 : i32
        %parallel_loop3A_398 = arith.cmpi slt, %parallel_loop3A_391, %parallel_loop3A_397 : i32
        %parallel_loop3A_399 = arith.xori %parallel_loop3A_396, %parallel_loop3A_398 : i1
        %parallel_loop3A_400 = arith.andi %parallel_loop3A_399, %parallel_loop3A_394 : i1
        %parallel_loop3A_401 = arith.addi %parallel_loop3A_392, %parallel_loop3A_391 : i32
        %parallel_loop3A_402 = arith.select %parallel_loop3A_400, %parallel_loop3A_401, %parallel_loop3A_392 : i32
        %parallel_loop3A_403 = arith.constant 0 : i32
        %parallel_loop3A_404 = arith.index_cast %parallel_loop3A_386 : i32 to index
        %parallel_loop3A_405 = arith.index_cast %parallel_loop3A_403 : i32 to index
        %parallel_loop3A_406 = arith.index_cast %parallel_loop3A_402 : i32 to index
        %parallel_loop3A_407 = arith.constant 48 : index
        %parallel_loop3A_408 = tpu.vector_load %arg12[%parallel_loop3A_404, %parallel_loop3A_405, %parallel_loop3A_406, %parallel_loop3A_407] {strides = array<i32>} : memref<8x1x8x128xf32, #tpu.memory_space<vmem>>, vector<16xf32>,
        tpu.vector_store %arg12[%parallel_loop3A_404, %parallel_loop3A_405, %parallel_loop3A_406, %parallel_loop3A_407], %parallel_loop3A_362 {strides = array<i32>} : memref<8x1x8x128xf32, #tpu.memory_space<vmem>>, vector<16xf32>,
        %parallel_loop3A_409 = arith.constant 64 : i32
        %parallel_loop3A_410 = vector.broadcast %parallel_loop3A_409 : i32 to vector<16xi32>
        %parallel_loop3A_411 = arith.addi %iota3A, %parallel_loop3A_410 : vector<16xi32>
        %parallel_loop3A_412 = tpu.vector_load_idx %arg10[%parallel_loop3A_411, %parallel_loop3A_208] : memref<128x64xf32, #tpu.memory_space<vmem>>[vector<16xi32>, vector<16xi32>], vector<16xf32>,
        %parallel_loop3A_413 = arith.constant 8 : i32
        %parallel_loop3A_414 = arith.divsi %parallel_loop3A_203, %parallel_loop3A_413 : i32
        %parallel_loop3A_415 = arith.constant 0 : i32
        %parallel_loop3A_416 = arith.cmpi sgt, %parallel_loop3A_203, %parallel_loop3A_415 : i32
        %parallel_loop3A_417 = arith.extui %parallel_loop3A_416 : i1 to i32
        %parallel_loop3A_418 = arith.constant 0 : i32
        %parallel_loop3A_419 = arith.cmpi slt, %parallel_loop3A_203, %parallel_loop3A_418 : i32
        %parallel_loop3A_420 = arith.extui %parallel_loop3A_419 : i1 to i32
        %parallel_loop3A_421 = arith.subi %parallel_loop3A_417, %parallel_loop3A_420 : i32
        %parallel_loop3A_422 = arith.constant 0 : i32
        %parallel_loop3A_423 = arith.cmpi sgt, %parallel_loop3A_413, %parallel_loop3A_422 : i32
        %parallel_loop3A_424 = arith.extui %parallel_loop3A_423 : i1 to i32
        %parallel_loop3A_425 = arith.constant 0 : i32
        %parallel_loop3A_426 = arith.cmpi slt, %parallel_loop3A_413, %parallel_loop3A_425 : i32
        %parallel_loop3A_427 = arith.extui %parallel_loop3A_426 : i1 to i32
        %parallel_loop3A_428 = arith.subi %parallel_loop3A_424, %parallel_loop3A_427 : i32
        %parallel_loop3A_429 = arith.cmpi ne, %parallel_loop3A_421, %parallel_loop3A_428 : i32
        %parallel_loop3A_430 = arith.remsi %parallel_loop3A_203, %parallel_loop3A_413 : i32
        %parallel_loop3A_431 = arith.constant 0 : i32
        %parallel_loop3A_432 = arith.cmpi ne, %parallel_loop3A_430, %parallel_loop3A_431 : i32
        %parallel_loop3A_433 = arith.andi %parallel_loop3A_429, %parallel_loop3A_432 : i1
        %parallel_loop3A_434 = arith.constant 1 : i32
        %parallel_loop3A_435 = arith.subi %parallel_loop3A_414, %parallel_loop3A_434 : i32
        %parallel_loop3A_436 = arith.select %parallel_loop3A_433, %parallel_loop3A_435, %parallel_loop3A_414 : i32
        %parallel_loop3A_437 = arith.constant 8 : i32
        %parallel_loop3A_438 = arith.constant 0 : i32
        %parallel_loop3A_439 = arith.cmpi eq, %parallel_loop3A_437, %parallel_loop3A_438 : i32
        %parallel_loop3A_440 = arith.constant 1 : i32
        %parallel_loop3A_441 = arith.select %parallel_loop3A_439, %parallel_loop3A_440, %parallel_loop3A_437 : i32
        %parallel_loop3A_442 = arith.remsi %parallel_loop3A_203, %parallel_loop3A_441 : i32
        %parallel_loop3A_443 = arith.constant 0 : i32
        %parallel_loop3A_444 = arith.cmpi ne, %parallel_loop3A_442, %parallel_loop3A_443 : i32
        %parallel_loop3A_445 = arith.constant 0 : i32
        %parallel_loop3A_446 = arith.cmpi slt, %parallel_loop3A_442, %parallel_loop3A_445 : i32
        %parallel_loop3A_447 = arith.constant 0 : i32
        %parallel_loop3A_448 = arith.cmpi slt, %parallel_loop3A_441, %parallel_loop3A_447 : i32
        %parallel_loop3A_449 = arith.xori %parallel_loop3A_446, %parallel_loop3A_448 : i1
        %parallel_loop3A_450 = arith.andi %parallel_loop3A_449, %parallel_loop3A_444 : i1
        %parallel_loop3A_451 = arith.addi %parallel_loop3A_442, %parallel_loop3A_441 : i32
        %parallel_loop3A_452 = arith.select %parallel_loop3A_450, %parallel_loop3A_451, %parallel_loop3A_442 : i32
        %parallel_loop3A_453 = arith.constant 0 : i32
        %parallel_loop3A_454 = arith.index_cast %parallel_loop3A_436 : i32 to index
        %parallel_loop3A_455 = arith.index_cast %parallel_loop3A_453 : i32 to index
        %parallel_loop3A_456 = arith.index_cast %parallel_loop3A_452 : i32 to index
        %parallel_loop3A_457 = arith.constant 64 : index
        %parallel_loop3A_458 = tpu.vector_load %arg12[%parallel_loop3A_454, %parallel_loop3A_455, %parallel_loop3A_456, %parallel_loop3A_457] {strides = array<i32>} : memref<8x1x8x128xf32, #tpu.memory_space<vmem>>, vector<16xf32>,
        tpu.vector_store %arg12[%parallel_loop3A_454, %parallel_loop3A_455, %parallel_loop3A_456, %parallel_loop3A_457], %parallel_loop3A_412 {strides = array<i32>} : memref<8x1x8x128xf32, #tpu.memory_space<vmem>>, vector<16xf32>,
        %parallel_loop3A_459 = arith.constant 80 : i32
        %parallel_loop3A_460 = vector.broadcast %parallel_loop3A_459 : i32 to vector<16xi32>
        %parallel_loop3A_461 = arith.addi %iota3A, %parallel_loop3A_460 : vector<16xi32>
        %parallel_loop3A_462 = tpu.vector_load_idx %arg10[%parallel_loop3A_461, %parallel_loop3A_208] : memref<128x64xf32, #tpu.memory_space<vmem>>[vector<16xi32>, vector<16xi32>], vector<16xf32>,
        %parallel_loop3A_463 = arith.constant 8 : i32
        %parallel_loop3A_464 = arith.divsi %parallel_loop3A_203, %parallel_loop3A_463 : i32
        %parallel_loop3A_465 = arith.constant 0 : i32
        %parallel_loop3A_466 = arith.cmpi sgt, %parallel_loop3A_203, %parallel_loop3A_465 : i32
        %parallel_loop3A_467 = arith.extui %parallel_loop3A_466 : i1 to i32
        %parallel_loop3A_468 = arith.constant 0 : i32
        %parallel_loop3A_469 = arith.cmpi slt, %parallel_loop3A_203, %parallel_loop3A_468 : i32
        %parallel_loop3A_470 = arith.extui %parallel_loop3A_469 : i1 to i32
        %parallel_loop3A_471 = arith.subi %parallel_loop3A_467, %parallel_loop3A_470 : i32
        %parallel_loop3A_472 = arith.constant 0 : i32
        %parallel_loop3A_473 = arith.cmpi sgt, %parallel_loop3A_463, %parallel_loop3A_472 : i32
        %parallel_loop3A_474 = arith.extui %parallel_loop3A_473 : i1 to i32
        %parallel_loop3A_475 = arith.constant 0 : i32
        %parallel_loop3A_476 = arith.cmpi slt, %parallel_loop3A_463, %parallel_loop3A_475 : i32
        %parallel_loop3A_477 = arith.extui %parallel_loop3A_476 : i1 to i32
        %parallel_loop3A_478 = arith.subi %parallel_loop3A_474, %parallel_loop3A_477 : i32
        %parallel_loop3A_479 = arith.cmpi ne, %parallel_loop3A_471, %parallel_loop3A_478 : i32
        %parallel_loop3A_480 = arith.remsi %parallel_loop3A_203, %parallel_loop3A_463 : i32
        %parallel_loop3A_481 = arith.constant 0 : i32
        %parallel_loop3A_482 = arith.cmpi ne, %parallel_loop3A_480, %parallel_loop3A_481 : i32
        %parallel_loop3A_483 = arith.andi %parallel_loop3A_479, %parallel_loop3A_482 : i1
        %parallel_loop3A_484 = arith.constant 1 : i32
        %parallel_loop3A_485 = arith.subi %parallel_loop3A_464, %parallel_loop3A_484 : i32
        %parallel_loop3A_486 = arith.select %parallel_loop3A_483, %parallel_loop3A_485, %parallel_loop3A_464 : i32
        %parallel_loop3A_487 = arith.constant 8 : i32
        %parallel_loop3A_488 = arith.constant 0 : i32
        %parallel_loop3A_489 = arith.cmpi eq, %parallel_loop3A_487, %parallel_loop3A_488 : i32
        %parallel_loop3A_490 = arith.constant 1 : i32
        %parallel_loop3A_491 = arith.select %parallel_loop3A_489, %parallel_loop3A_490, %parallel_loop3A_487 : i32
        %parallel_loop3A_492 = arith.remsi %parallel_loop3A_203, %parallel_loop3A_491 : i32
        %parallel_loop3A_493 = arith.constant 0 : i32
        %parallel_loop3A_494 = arith.cmpi ne, %parallel_loop3A_492, %parallel_loop3A_493 : i32
        %parallel_loop3A_495 = arith.constant 0 : i32
        %parallel_loop3A_496 = arith.cmpi slt, %parallel_loop3A_492, %parallel_loop3A_495 : i32
        %parallel_loop3A_497 = arith.constant 0 : i32
        %parallel_loop3A_498 = arith.cmpi slt, %parallel_loop3A_491, %parallel_loop3A_497 : i32
        %parallel_loop3A_499 = arith.xori %parallel_loop3A_496, %parallel_loop3A_498 : i1
        %parallel_loop3A_500 = arith.andi %parallel_loop3A_499, %parallel_loop3A_494 : i1
        %parallel_loop3A_501 = arith.addi %parallel_loop3A_492, %parallel_loop3A_491 : i32
        %parallel_loop3A_502 = arith.select %parallel_loop3A_500, %parallel_loop3A_501, %parallel_loop3A_492 : i32
        %parallel_loop3A_503 = arith.constant 0 : i32
        %parallel_loop3A_504 = arith.index_cast %parallel_loop3A_486 : i32 to index
        %parallel_loop3A_505 = arith.index_cast %parallel_loop3A_503 : i32 to index
        %parallel_loop3A_506 = arith.index_cast %parallel_loop3A_502 : i32 to index
        %parallel_loop3A_507 = arith.constant 80 : index
        %parallel_loop3A_508 = tpu.vector_load %arg12[%parallel_loop3A_504, %parallel_loop3A_505, %parallel_loop3A_506, %parallel_loop3A_507] {strides = array<i32>} : memref<8x1x8x128xf32, #tpu.memory_space<vmem>>, vector<16xf32>,
        tpu.vector_store %arg12[%parallel_loop3A_504, %parallel_loop3A_505, %parallel_loop3A_506, %parallel_loop3A_507], %parallel_loop3A_462 {strides = array<i32>} : memref<8x1x8x128xf32, #tpu.memory_space<vmem>>, vector<16xf32>,
        %parallel_loop3A_509 = arith.constant 96 : i32
        %parallel_loop3A_510 = vector.broadcast %parallel_loop3A_509 : i32 to vector<16xi32>
        %parallel_loop3A_511 = arith.addi %iota3A, %parallel_loop3A_510 : vector<16xi32>
        %parallel_loop3A_512 = tpu.vector_load_idx %arg10[%parallel_loop3A_511, %parallel_loop3A_208] : memref<128x64xf32, #tpu.memory_space<vmem>>[vector<16xi32>, vector<16xi32>], vector<16xf32>,
        %parallel_loop3A_513 = arith.constant 8 : i32
        %parallel_loop3A_514 = arith.divsi %parallel_loop3A_203, %parallel_loop3A_513 : i32
        %parallel_loop3A_515 = arith.constant 0 : i32
        %parallel_loop3A_516 = arith.cmpi sgt, %parallel_loop3A_203, %parallel_loop3A_515 : i32
        %parallel_loop3A_517 = arith.extui %parallel_loop3A_516 : i1 to i32
        %parallel_loop3A_518 = arith.constant 0 : i32
        %parallel_loop3A_519 = arith.cmpi slt, %parallel_loop3A_203, %parallel_loop3A_518 : i32
        %parallel_loop3A_520 = arith.extui %parallel_loop3A_519 : i1 to i32
        %parallel_loop3A_521 = arith.subi %parallel_loop3A_517, %parallel_loop3A_520 : i32
        %parallel_loop3A_522 = arith.constant 0 : i32
        %parallel_loop3A_523 = arith.cmpi sgt, %parallel_loop3A_513, %parallel_loop3A_522 : i32
        %parallel_loop3A_524 = arith.extui %parallel_loop3A_523 : i1 to i32
        %parallel_loop3A_525 = arith.constant 0 : i32
        %parallel_loop3A_526 = arith.cmpi slt, %parallel_loop3A_513, %parallel_loop3A_525 : i32
        %parallel_loop3A_527 = arith.extui %parallel_loop3A_526 : i1 to i32
        %parallel_loop3A_528 = arith.subi %parallel_loop3A_524, %parallel_loop3A_527 : i32
        %parallel_loop3A_529 = arith.cmpi ne, %parallel_loop3A_521, %parallel_loop3A_528 : i32
        %parallel_loop3A_530 = arith.remsi %parallel_loop3A_203, %parallel_loop3A_513 : i32
        %parallel_loop3A_531 = arith.constant 0 : i32
        %parallel_loop3A_532 = arith.cmpi ne, %parallel_loop3A_530, %parallel_loop3A_531 : i32
        %parallel_loop3A_533 = arith.andi %parallel_loop3A_529, %parallel_loop3A_532 : i1
        %parallel_loop3A_534 = arith.constant 1 : i32
        %parallel_loop3A_535 = arith.subi %parallel_loop3A_514, %parallel_loop3A_534 : i32
        %parallel_loop3A_536 = arith.select %parallel_loop3A_533, %parallel_loop3A_535, %parallel_loop3A_514 : i32
        %parallel_loop3A_537 = arith.constant 8 : i32
        %parallel_loop3A_538 = arith.constant 0 : i32
        %parallel_loop3A_539 = arith.cmpi eq, %parallel_loop3A_537, %parallel_loop3A_538 : i32
        %parallel_loop3A_540 = arith.constant 1 : i32
        %parallel_loop3A_541 = arith.select %parallel_loop3A_539, %parallel_loop3A_540, %parallel_loop3A_537 : i32
        %parallel_loop3A_542 = arith.remsi %parallel_loop3A_203, %parallel_loop3A_541 : i32
        %parallel_loop3A_543 = arith.constant 0 : i32
        %parallel_loop3A_544 = arith.cmpi ne, %parallel_loop3A_542, %parallel_loop3A_543 : i32
        %parallel_loop3A_545 = arith.constant 0 : i32
        %parallel_loop3A_546 = arith.cmpi slt, %parallel_loop3A_542, %parallel_loop3A_545 : i32
        %parallel_loop3A_547 = arith.constant 0 : i32
        %parallel_loop3A_548 = arith.cmpi slt, %parallel_loop3A_541, %parallel_loop3A_547 : i32
        %parallel_loop3A_549 = arith.xori %parallel_loop3A_546, %parallel_loop3A_548 : i1
        %parallel_loop3A_550 = arith.andi %parallel_loop3A_549, %parallel_loop3A_544 : i1
        %parallel_loop3A_551 = arith.addi %parallel_loop3A_542, %parallel_loop3A_541 : i32
        %parallel_loop3A_552 = arith.select %parallel_loop3A_550, %parallel_loop3A_551, %parallel_loop3A_542 : i32
        %parallel_loop3A_553 = arith.constant 0 : i32
        %parallel_loop3A_554 = arith.index_cast %parallel_loop3A_536 : i32 to index
        %parallel_loop3A_555 = arith.index_cast %parallel_loop3A_553 : i32 to index
        %parallel_loop3A_556 = arith.index_cast %parallel_loop3A_552 : i32 to index
        %parallel_loop3A_557 = arith.constant 96 : index
        %parallel_loop3A_558 = tpu.vector_load %arg12[%parallel_loop3A_554, %parallel_loop3A_555, %parallel_loop3A_556, %parallel_loop3A_557] {strides = array<i32>} : memref<8x1x8x128xf32, #tpu.memory_space<vmem>>, vector<16xf32>,
        tpu.vector_store %arg12[%parallel_loop3A_554, %parallel_loop3A_555, %parallel_loop3A_556, %parallel_loop3A_557], %parallel_loop3A_512 {strides = array<i32>} : memref<8x1x8x128xf32, #tpu.memory_space<vmem>>, vector<16xf32>,
        %parallel_loop3A_559 = arith.constant 112 : i32
        %parallel_loop3A_560 = vector.broadcast %parallel_loop3A_559 : i32 to vector<16xi32>
        %parallel_loop3A_561 = arith.addi %iota3A, %parallel_loop3A_560 : vector<16xi32>
        %parallel_loop3A_562 = tpu.vector_load_idx %arg10[%parallel_loop3A_561, %parallel_loop3A_208] : memref<128x64xf32, #tpu.memory_space<vmem>>[vector<16xi32>, vector<16xi32>], vector<16xf32>,
        %parallel_loop3A_563 = arith.constant 8 : i32
        %parallel_loop3A_564 = arith.divsi %parallel_loop3A_203, %parallel_loop3A_563 : i32
        %parallel_loop3A_565 = arith.constant 0 : i32
        %parallel_loop3A_566 = arith.cmpi sgt, %parallel_loop3A_203, %parallel_loop3A_565 : i32
        %parallel_loop3A_567 = arith.extui %parallel_loop3A_566 : i1 to i32
        %parallel_loop3A_568 = arith.constant 0 : i32
        %parallel_loop3A_569 = arith.cmpi slt, %parallel_loop3A_203, %parallel_loop3A_568 : i32
        %parallel_loop3A_570 = arith.extui %parallel_loop3A_569 : i1 to i32
        %parallel_loop3A_571 = arith.subi %parallel_loop3A_567, %parallel_loop3A_570 : i32
        %parallel_loop3A_572 = arith.constant 0 : i32
        %parallel_loop3A_573 = arith.cmpi sgt, %parallel_loop3A_563, %parallel_loop3A_572 : i32
        %parallel_loop3A_574 = arith.extui %parallel_loop3A_573 : i1 to i32
        %parallel_loop3A_575 = arith.constant 0 : i32
        %parallel_loop3A_576 = arith.cmpi slt, %parallel_loop3A_563, %parallel_loop3A_575 : i32
        %parallel_loop3A_577 = arith.extui %parallel_loop3A_576 : i1 to i32
        %parallel_loop3A_578 = arith.subi %parallel_loop3A_574, %parallel_loop3A_577 : i32
        %parallel_loop3A_579 = arith.cmpi ne, %parallel_loop3A_571, %parallel_loop3A_578 : i32
        %parallel_loop3A_580 = arith.remsi %parallel_loop3A_203, %parallel_loop3A_563 : i32
        %parallel_loop3A_581 = arith.constant 0 : i32
        %parallel_loop3A_582 = arith.cmpi ne, %parallel_loop3A_580, %parallel_loop3A_581 : i32
        %parallel_loop3A_583 = arith.andi %parallel_loop3A_579, %parallel_loop3A_582 : i1
        %parallel_loop3A_584 = arith.constant 1 : i32
        %parallel_loop3A_585 = arith.subi %parallel_loop3A_564, %parallel_loop3A_584 : i32
        %parallel_loop3A_586 = arith.select %parallel_loop3A_583, %parallel_loop3A_585, %parallel_loop3A_564 : i32
        %parallel_loop3A_587 = arith.constant 8 : i32
        %parallel_loop3A_588 = arith.constant 0 : i32
        %parallel_loop3A_589 = arith.cmpi eq, %parallel_loop3A_587, %parallel_loop3A_588 : i32
        %parallel_loop3A_590 = arith.constant 1 : i32
        %parallel_loop3A_591 = arith.select %parallel_loop3A_589, %parallel_loop3A_590, %parallel_loop3A_587 : i32
        %parallel_loop3A_592 = arith.remsi %parallel_loop3A_203, %parallel_loop3A_591 : i32
        %parallel_loop3A_593 = arith.constant 0 : i32
        %parallel_loop3A_594 = arith.cmpi ne, %parallel_loop3A_592, %parallel_loop3A_593 : i32
        %parallel_loop3A_595 = arith.constant 0 : i32
        %parallel_loop3A_596 = arith.cmpi slt, %parallel_loop3A_592, %parallel_loop3A_595 : i32
        %parallel_loop3A_597 = arith.constant 0 : i32
        %parallel_loop3A_598 = arith.cmpi slt, %parallel_loop3A_591, %parallel_loop3A_597 : i32
        %parallel_loop3A_599 = arith.xori %parallel_loop3A_596, %parallel_loop3A_598 : i1
        %parallel_loop3A_600 = arith.andi %parallel_loop3A_599, %parallel_loop3A_594 : i1
        %parallel_loop3A_601 = arith.addi %parallel_loop3A_592, %parallel_loop3A_591 : i32
        %parallel_loop3A_602 = arith.select %parallel_loop3A_600, %parallel_loop3A_601, %parallel_loop3A_592 : i32
        %parallel_loop3A_603 = arith.constant 0 : i32
        %parallel_loop3A_604 = arith.index_cast %parallel_loop3A_586 : i32 to index
        %parallel_loop3A_605 = arith.index_cast %parallel_loop3A_603 : i32 to index
        %parallel_loop3A_606 = arith.index_cast %parallel_loop3A_602 : i32 to index
        %parallel_loop3A_607 = arith.constant 112 : index
        %parallel_loop3A_608 = tpu.vector_load %arg12[%parallel_loop3A_604, %parallel_loop3A_605, %parallel_loop3A_606, %parallel_loop3A_607] {strides = array<i32>} : memref<8x1x8x128xf32, #tpu.memory_space<vmem>>, vector<16xf32>,
        tpu.vector_store %arg12[%parallel_loop3A_604, %parallel_loop3A_605, %parallel_loop3A_606, %parallel_loop3A_607], %parallel_loop3A_562 {strides = array<i32>} : memref<8x1x8x128xf32, #tpu.memory_space<vmem>>, vector<16xf32>,
      } {sc.loop_unroll_factor = 2 : i64, sc.parallel_access}
      %lt3A = arith.constant 24 : i32
      %lt3A_153 = arith.cmpi slt, %scan3A_139, %lt3A : i32
      %convert_element_type3A_154 = arith.extui %lt3A_153 : i1 to i32
      %cond3A_155 = arith.constant 0 : i32
      %cond3A_156 = arith.cmpi ne, %convert_element_type3A_154, %cond3A_155 : i32
      scf.if %cond3A_156 {
        %add3A_203 = arith.constant 2 : i32
        %add3A_204 = arith.addi %mul3A_142, %add3A_203 : i32
        %dma_start3A_205 = arith.constant 0 : i32
        %dma_start3A_206 = tpu.memref_slice %arg9[%add3A_204, %dma_start3A_205] : memref<50x128xi32, #tpu.memory_space<vmem>> -> memref<1x128xi32, #tpu.memory_space<vmem>>
        %dma_start3A_207 = tpu.memref_squeeze %dma_start3A_206 : memref<1x128xi32, #tpu.memory_space<vmem>> -> memref<128xi32, #tpu.memory_space<vmem>>
        %dma_start3A_208 = arith.constant 0 : i32
        %dma_start3A_209 = arith.constant 0 : i32
        %dma_start3A_210 = tpu.memref_slice %arg7[%dma_start3A_208, %dma_start3A_209] : memref<10000x64xf32, #tpu.memory_space<hbm>> -> memref<10000x64xf32, #tpu.memory_space<hbm>>
        tpu.enqueue_indirect_dma source(%dma_start3A_210 : memref<10000x64xf32, #tpu.memory_space<hbm>>) target(%arg10 : memref<128x64xf32, #tpu.memory_space<vmem>>) offsets(%dma_start3A_207 : memref<128xi32, #tpu.memory_space<vmem>>) semaphore(%arg14 : memref<!tpu.dma_semaphore, #tpu.memory_space<semaphore_mem>>)
      } else {
      }
      %dma_start3A_157 = arith.constant 2 : i32
      %dma_start3A_158 = arith.constant 0 : i32
      %dma_start3A_159 = arith.constant 0 : i32
      %dma_start3A_160 = arith.constant 0 : i32
      %dma_start3A_161 = tpu.memref_slice %arg8[%dma_start3A_157, %mul3A_142, %dma_start3A_158, %add3A, %dma_start3A_159, %dma_start3A_160] : memref<3x50x8x32x8x128xf32, #tpu.memory_space<hbm>> -> memref<1x1x8x1x8x128xf32, #tpu.memory_space<hbm>>
      %dma_start3A_162 = tpu.memref_squeeze %dma_start3A_161 : memref<1x1x8x1x8x128xf32, #tpu.memory_space<hbm>> -> memref<8x1x8x128xf32, #tpu.memory_space<hbm>>
      %dma_start3A_163 = arith.constant 0 : i32
      %dma_start3A_164 = arith.constant 0 : i32
      %dma_start3A_165 = arith.constant 0 : i32
      %dma_start3A_166 = tpu.memref_slice %arg8[%dma_start3A_157, %mul3A_142, %dma_start3A_163, %add3A, %dma_start3A_164, %dma_start3A_165] : memref<3x50x8x32x8x128xf32, #tpu.memory_space<hbm>> -> memref<1x1x8x1x8x128xf32, #tpu.memory_space<hbm>>
      %dma_start3A_167 = tpu.memref_squeeze %dma_start3A_166 : memref<1x1x8x1x8x128xf32, #tpu.memory_space<hbm>> -> memref<8x1x8x128xf32, #tpu.memory_space<hbm>>
      tpu.enqueue_dma source(%arg12 : memref<8x1x8x128xf32, #tpu.memory_space<vmem>>) target(%dma_start3A_167 : memref<8x1x8x128xf32, #tpu.memory_space<hbm>>) target_semaphore(%arg16 : memref<!tpu.dma_semaphore, #tpu.memory_space<semaphore_mem>>)
      %mul3A_168 = arith.constant 2 : i32
      %mul3A_169 = arith.muli %mul3A_168, %scan3A_139 : i32
      %add3A_170 = arith.constant 1 : i32
      %add3A_171 = arith.addi %mul3A_169, %add3A_170 : i32
      %dma_wait3A_172 = arith.constant 0 : i32
      %dma_wait3A_173 = tpu.memref_slice %arg9[%add3A_171, %dma_wait3A_172] : memref<50x128xi32, #tpu.memory_space<vmem>> -> memref<1x128xi32, #tpu.memory_space<vmem>>
      %dma_wait3A_174 = tpu.memref_squeeze %dma_wait3A_173 : memref<1x128xi32, #tpu.memory_space<vmem>> -> memref<128xi32, #tpu.memory_space<vmem>>
      %dma_wait3A_175 = arith.constant 0 : i32
      %dma_wait3A_176 = arith.constant 0 : i32
      %dma_wait3A_177 = tpu.memref_slice %arg7[%dma_wait3A_175, %dma_wait3A_176] : memref<10000x64xf32, #tpu.memory_space<hbm>> -> memref<10000x64xf32, #tpu.memory_space<hbm>>
      tpu.wait_indirect_dma semaphore(%arg15 : memref<!tpu.dma_semaphore, #tpu.memory_space<semaphore_mem>>) src(%dma_wait3A_177 : memref<10000x64xf32, #tpu.memory_space<hbm>>) dst(%arg11 : memref<128x64xf32, #tpu.memory_space<vmem>>)
      %gt3A_178 = arith.constant 0 : i32
      %gt3A_179 = arith.cmpi sgt, %scan3A_139, %gt3A_178 : i32
      %convert_element_type3A_180 = arith.extui %gt3A_179 : i1 to i32
      %cond3A_181 = arith.constant 0 : i32
      %cond3A_182 = arith.cmpi ne, %convert_element_type3A_180, %cond3A_181 : i32
      scf.if %cond3A_182 {
        %sub3A = arith.constant 2 : i32
        %sub3A_203 = arith.subi %add3A_171, %sub3A : i32
        %dma_wait3A_204 = arith.constant 2 : i32
        %dma_wait3A_205 = arith.constant 0 : i32
        %dma_wait3A_206 = arith.constant 0 : i32
        %dma_wait3A_207 = arith.constant 0 : i32
        %dma_wait3A_208 = tpu.memref_slice %arg8[%dma_wait3A_204, %sub3A_203, %dma_wait3A_205, %add3A, %dma_wait3A_206, %dma_wait3A_207] : memref<3x50x8x32x8x128xf32, #tpu.memory_space<hbm>> -> memref<1x1x8x1x8x128xf32, #tpu.memory_space<hbm>>
        %dma_wait3A_209 = tpu.memref_squeeze %dma_wait3A_208 : memref<1x1x8x1x8x128xf32, #tpu.memory_space<hbm>> -> memref<8x1x8x128xf32, #tpu.memory_space<hbm>>
        %dma_wait3A_210 = arith.constant 0 : i32
        %dma_wait3A_211 = arith.constant 0 : i32
        %dma_wait3A_212 = arith.constant 0 : i32
        %dma_wait3A_213 = tpu.memref_slice %arg8[%dma_wait3A_204, %sub3A_203, %dma_wait3A_210, %add3A, %dma_wait3A_211, %dma_wait3A_212] : memref<3x50x8x32x8x128xf32, #tpu.memory_space<hbm>> -> memref<1x1x8x1x8x128xf32, #tpu.memory_space<hbm>>
        %dma_wait3A_214 = tpu.memref_squeeze %dma_wait3A_213 : memref<1x1x8x1x8x128xf32, #tpu.memory_space<hbm>> -> memref<8x1x8x128xf32, #tpu.memory_space<hbm>>
        tpu.wait_dma2 semaphore(%arg17 : memref<!tpu.dma_semaphore, #tpu.memory_space<semaphore_mem>>) src(%arg13 : memref<8x1x8x128xf32, #tpu.memory_space<vmem>>) dst(%dma_wait3A_214 : memref<8x1x8x128xf32, #tpu.memory_space<hbm>>)
      } else {
      }
      %parallel_loop3A_183 = arith.constant 0 : i32
      %parallel_loop3A_184 = arith.constant 64 : i32
      %parallel_loop3A_185 = arith.constant 1 : i32
      scf.for %parallel_loop3A_203 = %parallel_loop3A_183 to %parallel_loop3A_184 step %parallel_loop3A_185  : i32 {
        %parallel_loop3A_204 = arith.constant 0 : i32
        %parallel_loop3A_205 = vector.broadcast %parallel_loop3A_204 : i32 to vector<16xi32>
        %parallel_loop3A_206 = arith.muli %iota3A, %parallel_loop3A_205 : vector<16xi32>
        %parallel_loop3A_207 = vector.broadcast %parallel_loop3A_203 : i32 to vector<16xi32>
        %parallel_loop3A_208 = arith.addi %parallel_loop3A_206, %parallel_loop3A_207 : vector<16xi32>
        %parallel_loop3A_209 = arith.constant 0 : i32
        %parallel_loop3A_210 = vector.broadcast %parallel_loop3A_209 : i32 to vector<16xi32>
        %parallel_loop3A_211 = arith.addi %iota3A, %parallel_loop3A_210 : vector<16xi32>
        %parallel_loop3A_212 = tpu.vector_load_idx %arg11[%parallel_loop3A_211, %parallel_loop3A_208] : memref<128x64xf32, #tpu.memory_space<vmem>>[vector<16xi32>, vector<16xi32>], vector<16xf32>,
        %parallel_loop3A_213 = arith.constant 8 : i32
        %parallel_loop3A_214 = arith.divsi %parallel_loop3A_203, %parallel_loop3A_213 : i32
        %parallel_loop3A_215 = arith.constant 0 : i32
        %parallel_loop3A_216 = arith.cmpi sgt, %parallel_loop3A_203, %parallel_loop3A_215 : i32
        %parallel_loop3A_217 = arith.extui %parallel_loop3A_216 : i1 to i32
        %parallel_loop3A_218 = arith.constant 0 : i32
        %parallel_loop3A_219 = arith.cmpi slt, %parallel_loop3A_203, %parallel_loop3A_218 : i32
        %parallel_loop3A_220 = arith.extui %parallel_loop3A_219 : i1 to i32
        %parallel_loop3A_221 = arith.subi %parallel_loop3A_217, %parallel_loop3A_220 : i32
        %parallel_loop3A_222 = arith.constant 0 : i32
        %parallel_loop3A_223 = arith.cmpi sgt, %parallel_loop3A_213, %parallel_loop3A_222 : i32
        %parallel_loop3A_224 = arith.extui %parallel_loop3A_223 : i1 to i32
        %parallel_loop3A_225 = arith.constant 0 : i32
        %parallel_loop3A_226 = arith.cmpi slt, %parallel_loop3A_213, %parallel_loop3A_225 : i32
        %parallel_loop3A_227 = arith.extui %parallel_loop3A_226 : i1 to i32
        %parallel_loop3A_228 = arith.subi %parallel_loop3A_224, %parallel_loop3A_227 : i32
        %parallel_loop3A_229 = arith.cmpi ne, %parallel_loop3A_221, %parallel_loop3A_228 : i32
        %parallel_loop3A_230 = arith.remsi %parallel_loop3A_203, %parallel_loop3A_213 : i32
        %parallel_loop3A_231 = arith.constant 0 : i32
        %parallel_loop3A_232 = arith.cmpi ne, %parallel_loop3A_230, %parallel_loop3A_231 : i32
        %parallel_loop3A_233 = arith.andi %parallel_loop3A_229, %parallel_loop3A_232 : i1
        %parallel_loop3A_234 = arith.constant 1 : i32
        %parallel_loop3A_235 = arith.subi %parallel_loop3A_214, %parallel_loop3A_234 : i32
        %parallel_loop3A_236 = arith.select %parallel_loop3A_233, %parallel_loop3A_235, %parallel_loop3A_214 : i32
        %parallel_loop3A_237 = arith.constant 8 : i32
        %parallel_loop3A_238 = arith.constant 0 : i32
        %parallel_loop3A_239 = arith.cmpi eq, %parallel_loop3A_237, %parallel_loop3A_238 : i32
        %parallel_loop3A_240 = arith.constant 1 : i32
        %parallel_loop3A_241 = arith.select %parallel_loop3A_239, %parallel_loop3A_240, %parallel_loop3A_237 : i32
        %parallel_loop3A_242 = arith.remsi %parallel_loop3A_203, %parallel_loop3A_241 : i32
        %parallel_loop3A_243 = arith.constant 0 : i32
        %parallel_loop3A_244 = arith.cmpi ne, %parallel_loop3A_242, %parallel_loop3A_243 : i32
        %parallel_loop3A_245 = arith.constant 0 : i32
        %parallel_loop3A_246 = arith.cmpi slt, %parallel_loop3A_242, %parallel_loop3A_245 : i32
        %parallel_loop3A_247 = arith.constant 0 : i32
        %parallel_loop3A_248 = arith.cmpi slt, %parallel_loop3A_241, %parallel_loop3A_247 : i32
        %parallel_loop3A_249 = arith.xori %parallel_loop3A_246, %parallel_loop3A_248 : i1
        %parallel_loop3A_250 = arith.andi %parallel_loop3A_249, %parallel_loop3A_244 : i1
        %parallel_loop3A_251 = arith.addi %parallel_loop3A_242, %parallel_loop3A_241 : i32
        %parallel_loop3A_252 = arith.select %parallel_loop3A_250, %parallel_loop3A_251, %parallel_loop3A_242 : i32
        %parallel_loop3A_253 = arith.constant 0 : i32
        %parallel_loop3A_254 = arith.index_cast %parallel_loop3A_236 : i32 to index
        %parallel_loop3A_255 = arith.index_cast %parallel_loop3A_253 : i32 to index
        %parallel_loop3A_256 = arith.index_cast %parallel_loop3A_252 : i32 to index
        %parallel_loop3A_257 = arith.constant 0 : index
        %parallel_loop3A_258 = tpu.vector_load %arg13[%parallel_loop3A_254, %parallel_loop3A_255, %parallel_loop3A_256, %parallel_loop3A_257] {strides = array<i32>} : memref<8x1x8x128xf32, #tpu.memory_space<vmem>>, vector<16xf32>,
        tpu.vector_store %arg13[%parallel_loop3A_254, %parallel_loop3A_255, %parallel_loop3A_256, %parallel_loop3A_257], %parallel_loop3A_212 {strides = array<i32>} : memref<8x1x8x128xf32, #tpu.memory_space<vmem>>, vector<16xf32>,
        %parallel_loop3A_259 = arith.constant 16 : i32
        %parallel_loop3A_260 = vector.broadcast %parallel_loop3A_259 : i32 to vector<16xi32>
        %parallel_loop3A_261 = arith.addi %iota3A, %parallel_loop3A_260 : vector<16xi32>
        %parallel_loop3A_262 = tpu.vector_load_idx %arg11[%parallel_loop3A_261, %parallel_loop3A_208] : memref<128x64xf32, #tpu.memory_space<vmem>>[vector<16xi32>, vector<16xi32>], vector<16xf32>,
        %parallel_loop3A_263 = arith.constant 8 : i32
        %parallel_loop3A_264 = arith.divsi %parallel_loop3A_203, %parallel_loop3A_263 : i32
        %parallel_loop3A_265 = arith.constant 0 : i32
        %parallel_loop3A_266 = arith.cmpi sgt, %parallel_loop3A_203, %parallel_loop3A_265 : i32
        %parallel_loop3A_267 = arith.extui %parallel_loop3A_266 : i1 to i32
        %parallel_loop3A_268 = arith.constant 0 : i32
        %parallel_loop3A_269 = arith.cmpi slt, %parallel_loop3A_203, %parallel_loop3A_268 : i32
        %parallel_loop3A_270 = arith.extui %parallel_loop3A_269 : i1 to i32
        %parallel_loop3A_271 = arith.subi %parallel_loop3A_267, %parallel_loop3A_270 : i32
        %parallel_loop3A_272 = arith.constant 0 : i32
        %parallel_loop3A_273 = arith.cmpi sgt, %parallel_loop3A_263, %parallel_loop3A_272 : i32
        %parallel_loop3A_274 = arith.extui %parallel_loop3A_273 : i1 to i32
        %parallel_loop3A_275 = arith.constant 0 : i32
        %parallel_loop3A_276 = arith.cmpi slt, %parallel_loop3A_263, %parallel_loop3A_275 : i32
        %parallel_loop3A_277 = arith.extui %parallel_loop3A_276 : i1 to i32
        %parallel_loop3A_278 = arith.subi %parallel_loop3A_274, %parallel_loop3A_277 : i32
        %parallel_loop3A_279 = arith.cmpi ne, %parallel_loop3A_271, %parallel_loop3A_278 : i32
        %parallel_loop3A_280 = arith.remsi %parallel_loop3A_203, %parallel_loop3A_263 : i32
        %parallel_loop3A_281 = arith.constant 0 : i32
        %parallel_loop3A_282 = arith.cmpi ne, %parallel_loop3A_280, %parallel_loop3A_281 : i32
        %parallel_loop3A_283 = arith.andi %parallel_loop3A_279, %parallel_loop3A_282 : i1
        %parallel_loop3A_284 = arith.constant 1 : i32
        %parallel_loop3A_285 = arith.subi %parallel_loop3A_264, %parallel_loop3A_284 : i32
        %parallel_loop3A_286 = arith.select %parallel_loop3A_283, %parallel_loop3A_285, %parallel_loop3A_264 : i32
        %parallel_loop3A_287 = arith.constant 8 : i32
        %parallel_loop3A_288 = arith.constant 0 : i32
        %parallel_loop3A_289 = arith.cmpi eq, %parallel_loop3A_287, %parallel_loop3A_288 : i32
        %parallel_loop3A_290 = arith.constant 1 : i32
        %parallel_loop3A_291 = arith.select %parallel_loop3A_289, %parallel_loop3A_290, %parallel_loop3A_287 : i32
        %parallel_loop3A_292 = arith.remsi %parallel_loop3A_203, %parallel_loop3A_291 : i32
        %parallel_loop3A_293 = arith.constant 0 : i32
        %parallel_loop3A_294 = arith.cmpi ne, %parallel_loop3A_292, %parallel_loop3A_293 : i32
        %parallel_loop3A_295 = arith.constant 0 : i32
        %parallel_loop3A_296 = arith.cmpi slt, %parallel_loop3A_292, %parallel_loop3A_295 : i32
        %parallel_loop3A_297 = arith.constant 0 : i32
        %parallel_loop3A_298 = arith.cmpi slt, %parallel_loop3A_291, %parallel_loop3A_297 : i32
        %parallel_loop3A_299 = arith.xori %parallel_loop3A_296, %parallel_loop3A_298 : i1
        %parallel_loop3A_300 = arith.andi %parallel_loop3A_299, %parallel_loop3A_294 : i1
        %parallel_loop3A_301 = arith.addi %parallel_loop3A_292, %parallel_loop3A_291 : i32
        %parallel_loop3A_302 = arith.select %parallel_loop3A_300, %parallel_loop3A_301, %parallel_loop3A_292 : i32
        %parallel_loop3A_303 = arith.constant 0 : i32
        %parallel_loop3A_304 = arith.index_cast %parallel_loop3A_286 : i32 to index
        %parallel_loop3A_305 = arith.index_cast %parallel_loop3A_303 : i32 to index
        %parallel_loop3A_306 = arith.index_cast %parallel_loop3A_302 : i32 to index
        %parallel_loop3A_307 = arith.constant 16 : index
        %parallel_loop3A_308 = tpu.vector_load %arg13[%parallel_loop3A_304, %parallel_loop3A_305, %parallel_loop3A_306, %parallel_loop3A_307] {strides = array<i32>} : memref<8x1x8x128xf32, #tpu.memory_space<vmem>>, vector<16xf32>,
        tpu.vector_store %arg13[%parallel_loop3A_304, %parallel_loop3A_305, %parallel_loop3A_306, %parallel_loop3A_307], %parallel_loop3A_262 {strides = array<i32>} : memref<8x1x8x128xf32, #tpu.memory_space<vmem>>, vector<16xf32>,
        %parallel_loop3A_309 = arith.constant 32 : i32
        %parallel_loop3A_310 = vector.broadcast %parallel_loop3A_309 : i32 to vector<16xi32>
        %parallel_loop3A_311 = arith.addi %iota3A, %parallel_loop3A_310 : vector<16xi32>
        %parallel_loop3A_312 = tpu.vector_load_idx %arg11[%parallel_loop3A_311, %parallel_loop3A_208] : memref<128x64xf32, #tpu.memory_space<vmem>>[vector<16xi32>, vector<16xi32>], vector<16xf32>,
        %parallel_loop3A_313 = arith.constant 8 : i32
        %parallel_loop3A_314 = arith.divsi %parallel_loop3A_203, %parallel_loop3A_313 : i32
        %parallel_loop3A_315 = arith.constant 0 : i32
        %parallel_loop3A_316 = arith.cmpi sgt, %parallel_loop3A_203, %parallel_loop3A_315 : i32
        %parallel_loop3A_317 = arith.extui %parallel_loop3A_316 : i1 to i32
        %parallel_loop3A_318 = arith.constant 0 : i32
        %parallel_loop3A_319 = arith.cmpi slt, %parallel_loop3A_203, %parallel_loop3A_318 : i32
        %parallel_loop3A_320 = arith.extui %parallel_loop3A_319 : i1 to i32
        %parallel_loop3A_321 = arith.subi %parallel_loop3A_317, %parallel_loop3A_320 : i32
        %parallel_loop3A_322 = arith.constant 0 : i32
        %parallel_loop3A_323 = arith.cmpi sgt, %parallel_loop3A_313, %parallel_loop3A_322 : i32
        %parallel_loop3A_324 = arith.extui %parallel_loop3A_323 : i1 to i32
        %parallel_loop3A_325 = arith.constant 0 : i32
        %parallel_loop3A_326 = arith.cmpi slt, %parallel_loop3A_313, %parallel_loop3A_325 : i32
        %parallel_loop3A_327 = arith.extui %parallel_loop3A_326 : i1 to i32
        %parallel_loop3A_328 = arith.subi %parallel_loop3A_324, %parallel_loop3A_327 : i32
        %parallel_loop3A_329 = arith.cmpi ne, %parallel_loop3A_321, %parallel_loop3A_328 : i32
        %parallel_loop3A_330 = arith.remsi %parallel_loop3A_203, %parallel_loop3A_313 : i32
        %parallel_loop3A_331 = arith.constant 0 : i32
        %parallel_loop3A_332 = arith.cmpi ne, %parallel_loop3A_330, %parallel_loop3A_331 : i32
        %parallel_loop3A_333 = arith.andi %parallel_loop3A_329, %parallel_loop3A_332 : i1
        %parallel_loop3A_334 = arith.constant 1 : i32
        %parallel_loop3A_335 = arith.subi %parallel_loop3A_314, %parallel_loop3A_334 : i32
        %parallel_loop3A_336 = arith.select %parallel_loop3A_333, %parallel_loop3A_335, %parallel_loop3A_314 : i32
        %parallel_loop3A_337 = arith.constant 8 : i32
        %parallel_loop3A_338 = arith.constant 0 : i32
        %parallel_loop3A_339 = arith.cmpi eq, %parallel_loop3A_337, %parallel_loop3A_338 : i32
        %parallel_loop3A_340 = arith.constant 1 : i32
        %parallel_loop3A_341 = arith.select %parallel_loop3A_339, %parallel_loop3A_340, %parallel_loop3A_337 : i32
        %parallel_loop3A_342 = arith.remsi %parallel_loop3A_203, %parallel_loop3A_341 : i32
        %parallel_loop3A_343 = arith.constant 0 : i32
        %parallel_loop3A_344 = arith.cmpi ne, %parallel_loop3A_342, %parallel_loop3A_343 : i32
        %parallel_loop3A_345 = arith.constant 0 : i32
        %parallel_loop3A_346 = arith.cmpi slt, %parallel_loop3A_342, %parallel_loop3A_345 : i32
        %parallel_loop3A_347 = arith.constant 0 : i32
        %parallel_loop3A_348 = arith.cmpi slt, %parallel_loop3A_341, %parallel_loop3A_347 : i32
        %parallel_loop3A_349 = arith.xori %parallel_loop3A_346, %parallel_loop3A_348 : i1
        %parallel_loop3A_350 = arith.andi %parallel_loop3A_349, %parallel_loop3A_344 : i1
        %parallel_loop3A_351 = arith.addi %parallel_loop3A_342, %parallel_loop3A_341 : i32
        %parallel_loop3A_352 = arith.select %parallel_loop3A_350, %parallel_loop3A_351, %parallel_loop3A_342 : i32
        %parallel_loop3A_353 = arith.constant 0 : i32
        %parallel_loop3A_354 = arith.index_cast %parallel_loop3A_336 : i32 to index
        %parallel_loop3A_355 = arith.index_cast %parallel_loop3A_353 : i32 to index
        %parallel_loop3A_356 = arith.index_cast %parallel_loop3A_352 : i32 to index
        %parallel_loop3A_357 = arith.constant 32 : index
        %parallel_loop3A_358 = tpu.vector_load %arg13[%parallel_loop3A_354, %parallel_loop3A_355, %parallel_loop3A_356, %parallel_loop3A_357] {strides = array<i32>} : memref<8x1x8x128xf32, #tpu.memory_space<vmem>>, vector<16xf32>,
        tpu.vector_store %arg13[%parallel_loop3A_354, %parallel_loop3A_355, %parallel_loop3A_356, %parallel_loop3A_357], %parallel_loop3A_312 {strides = array<i32>} : memref<8x1x8x128xf32, #tpu.memory_space<vmem>>, vector<16xf32>,
        %parallel_loop3A_359 = arith.constant 48 : i32
        %parallel_loop3A_360 = vector.broadcast %parallel_loop3A_359 : i32 to vector<16xi32>
        %parallel_loop3A_361 = arith.addi %iota3A, %parallel_loop3A_360 : vector<16xi32>
        %parallel_loop3A_362 = tpu.vector_load_idx %arg11[%parallel_loop3A_361, %parallel_loop3A_208] : memref<128x64xf32, #tpu.memory_space<vmem>>[vector<16xi32>, vector<16xi32>], vector<16xf32>,
        %parallel_loop3A_363 = arith.constant 8 : i32
        %parallel_loop3A_364 = arith.divsi %parallel_loop3A_203, %parallel_loop3A_363 : i32
        %parallel_loop3A_365 = arith.constant 0 : i32
        %parallel_loop3A_366 = arith.cmpi sgt, %parallel_loop3A_203, %parallel_loop3A_365 : i32
        %parallel_loop3A_367 = arith.extui %parallel_loop3A_366 : i1 to i32
        %parallel_loop3A_368 = arith.constant 0 : i32
        %parallel_loop3A_369 = arith.cmpi slt, %parallel_loop3A_203, %parallel_loop3A_368 : i32
        %parallel_loop3A_370 = arith.extui %parallel_loop3A_369 : i1 to i32
        %parallel_loop3A_371 = arith.subi %parallel_loop3A_367, %parallel_loop3A_370 : i32
        %parallel_loop3A_372 = arith.constant 0 : i32
        %parallel_loop3A_373 = arith.cmpi sgt, %parallel_loop3A_363, %parallel_loop3A_372 : i32
        %parallel_loop3A_374 = arith.extui %parallel_loop3A_373 : i1 to i32
        %parallel_loop3A_375 = arith.constant 0 : i32
        %parallel_loop3A_376 = arith.cmpi slt, %parallel_loop3A_363, %parallel_loop3A_375 : i32
        %parallel_loop3A_377 = arith.extui %parallel_loop3A_376 : i1 to i32
        %parallel_loop3A_378 = arith.subi %parallel_loop3A_374, %parallel_loop3A_377 : i32
        %parallel_loop3A_379 = arith.cmpi ne, %parallel_loop3A_371, %parallel_loop3A_378 : i32
        %parallel_loop3A_380 = arith.remsi %parallel_loop3A_203, %parallel_loop3A_363 : i32
        %parallel_loop3A_381 = arith.constant 0 : i32
        %parallel_loop3A_382 = arith.cmpi ne, %parallel_loop3A_380, %parallel_loop3A_381 : i32
        %parallel_loop3A_383 = arith.andi %parallel_loop3A_379, %parallel_loop3A_382 : i1
        %parallel_loop3A_384 = arith.constant 1 : i32
        %parallel_loop3A_385 = arith.subi %parallel_loop3A_364, %parallel_loop3A_384 : i32
        %parallel_loop3A_386 = arith.select %parallel_loop3A_383, %parallel_loop3A_385, %parallel_loop3A_364 : i32
        %parallel_loop3A_387 = arith.constant 8 : i32
        %parallel_loop3A_388 = arith.constant 0 : i32
        %parallel_loop3A_389 = arith.cmpi eq, %parallel_loop3A_387, %parallel_loop3A_388 : i32
        %parallel_loop3A_390 = arith.constant 1 : i32
        %parallel_loop3A_391 = arith.select %parallel_loop3A_389, %parallel_loop3A_390, %parallel_loop3A_387 : i32
        %parallel_loop3A_392 = arith.remsi %parallel_loop3A_203, %parallel_loop3A_391 : i32
        %parallel_loop3A_393 = arith.constant 0 : i32
        %parallel_loop3A_394 = arith.cmpi ne, %parallel_loop3A_392, %parallel_loop3A_393 : i32
        %parallel_loop3A_395 = arith.constant 0 : i32
        %parallel_loop3A_396 = arith.cmpi slt, %parallel_loop3A_392, %parallel_loop3A_395 : i32
        %parallel_loop3A_397 = arith.constant 0 : i32
        %parallel_loop3A_398 = arith.cmpi slt, %parallel_loop3A_391, %parallel_loop3A_397 : i32
        %parallel_loop3A_399 = arith.xori %parallel_loop3A_396, %parallel_loop3A_398 : i1
        %parallel_loop3A_400 = arith.andi %parallel_loop3A_399, %parallel_loop3A_394 : i1
        %parallel_loop3A_401 = arith.addi %parallel_loop3A_392, %parallel_loop3A_391 : i32
        %parallel_loop3A_402 = arith.select %parallel_loop3A_400, %parallel_loop3A_401, %parallel_loop3A_392 : i32
        %parallel_loop3A_403 = arith.constant 0 : i32
        %parallel_loop3A_404 = arith.index_cast %parallel_loop3A_386 : i32 to index
        %parallel_loop3A_405 = arith.index_cast %parallel_loop3A_403 : i32 to index
        %parallel_loop3A_406 = arith.index_cast %parallel_loop3A_402 : i32 to index
        %parallel_loop3A_407 = arith.constant 48 : index
        %parallel_loop3A_408 = tpu.vector_load %arg13[%parallel_loop3A_404, %parallel_loop3A_405, %parallel_loop3A_406, %parallel_loop3A_407] {strides = array<i32>} : memref<8x1x8x128xf32, #tpu.memory_space<vmem>>, vector<16xf32>,
        tpu.vector_store %arg13[%parallel_loop3A_404, %parallel_loop3A_405, %parallel_loop3A_406, %parallel_loop3A_407], %parallel_loop3A_362 {strides = array<i32>} : memref<8x1x8x128xf32, #tpu.memory_space<vmem>>, vector<16xf32>,
        %parallel_loop3A_409 = arith.constant 64 : i32
        %parallel_loop3A_410 = vector.broadcast %parallel_loop3A_409 : i32 to vector<16xi32>
        %parallel_loop3A_411 = arith.addi %iota3A, %parallel_loop3A_410 : vector<16xi32>
        %parallel_loop3A_412 = tpu.vector_load_idx %arg11[%parallel_loop3A_411, %parallel_loop3A_208] : memref<128x64xf32, #tpu.memory_space<vmem>>[vector<16xi32>, vector<16xi32>], vector<16xf32>,
        %parallel_loop3A_413 = arith.constant 8 : i32
        %parallel_loop3A_414 = arith.divsi %parallel_loop3A_203, %parallel_loop3A_413 : i32
        %parallel_loop3A_415 = arith.constant 0 : i32
        %parallel_loop3A_416 = arith.cmpi sgt, %parallel_loop3A_203, %parallel_loop3A_415 : i32
        %parallel_loop3A_417 = arith.extui %parallel_loop3A_416 : i1 to i32
        %parallel_loop3A_418 = arith.constant 0 : i32
        %parallel_loop3A_419 = arith.cmpi slt, %parallel_loop3A_203, %parallel_loop3A_418 : i32
        %parallel_loop3A_420 = arith.extui %parallel_loop3A_419 : i1 to i32
        %parallel_loop3A_421 = arith.subi %parallel_loop3A_417, %parallel_loop3A_420 : i32
        %parallel_loop3A_422 = arith.constant 0 : i32
        %parallel_loop3A_423 = arith.cmpi sgt, %parallel_loop3A_413, %parallel_loop3A_422 : i32
        %parallel_loop3A_424 = arith.extui %parallel_loop3A_423 : i1 to i32
        %parallel_loop3A_425 = arith.constant 0 : i32
        %parallel_loop3A_426 = arith.cmpi slt, %parallel_loop3A_413, %parallel_loop3A_425 : i32
        %parallel_loop3A_427 = arith.extui %parallel_loop3A_426 : i1 to i32
        %parallel_loop3A_428 = arith.subi %parallel_loop3A_424, %parallel_loop3A_427 : i32
        %parallel_loop3A_429 = arith.cmpi ne, %parallel_loop3A_421, %parallel_loop3A_428 : i32
        %parallel_loop3A_430 = arith.remsi %parallel_loop3A_203, %parallel_loop3A_413 : i32
        %parallel_loop3A_431 = arith.constant 0 : i32
        %parallel_loop3A_432 = arith.cmpi ne, %parallel_loop3A_430, %parallel_loop3A_431 : i32
        %parallel_loop3A_433 = arith.andi %parallel_loop3A_429, %parallel_loop3A_432 : i1
        %parallel_loop3A_434 = arith.constant 1 : i32
        %parallel_loop3A_435 = arith.subi %parallel_loop3A_414, %parallel_loop3A_434 : i32
        %parallel_loop3A_436 = arith.select %parallel_loop3A_433, %parallel_loop3A_435, %parallel_loop3A_414 : i32
        %parallel_loop3A_437 = arith.constant 8 : i32
        %parallel_loop3A_438 = arith.constant 0 : i32
        %parallel_loop3A_439 = arith.cmpi eq, %parallel_loop3A_437, %parallel_loop3A_438 : i32
        %parallel_loop3A_440 = arith.constant 1 : i32
        %parallel_loop3A_441 = arith.select %parallel_loop3A_439, %parallel_loop3A_440, %parallel_loop3A_437 : i32
        %parallel_loop3A_442 = arith.remsi %parallel_loop3A_203, %parallel_loop3A_441 : i32
        %parallel_loop3A_443 = arith.constant 0 : i32
        %parallel_loop3A_444 = arith.cmpi ne, %parallel_loop3A_442, %parallel_loop3A_443 : i32
        %parallel_loop3A_445 = arith.constant 0 : i32
        %parallel_loop3A_446 = arith.cmpi slt, %parallel_loop3A_442, %parallel_loop3A_445 : i32
        %parallel_loop3A_447 = arith.constant 0 : i32
        %parallel_loop3A_448 = arith.cmpi slt, %parallel_loop3A_441, %parallel_loop3A_447 : i32
        %parallel_loop3A_449 = arith.xori %parallel_loop3A_446, %parallel_loop3A_448 : i1
        %parallel_loop3A_450 = arith.andi %parallel_loop3A_449, %parallel_loop3A_444 : i1
        %parallel_loop3A_451 = arith.addi %parallel_loop3A_442, %parallel_loop3A_441 : i32
        %parallel_loop3A_452 = arith.select %parallel_loop3A_450, %parallel_loop3A_451, %parallel_loop3A_442 : i32
        %parallel_loop3A_453 = arith.constant 0 : i32
        %parallel_loop3A_454 = arith.index_cast %parallel_loop3A_436 : i32 to index
        %parallel_loop3A_455 = arith.index_cast %parallel_loop3A_453 : i32 to index
        %parallel_loop3A_456 = arith.index_cast %parallel_loop3A_452 : i32 to index
        %parallel_loop3A_457 = arith.constant 64 : index
        %parallel_loop3A_458 = tpu.vector_load %arg13[%parallel_loop3A_454, %parallel_loop3A_455, %parallel_loop3A_456, %parallel_loop3A_457] {strides = array<i32>} : memref<8x1x8x128xf32, #tpu.memory_space<vmem>>, vector<16xf32>,
        tpu.vector_store %arg13[%parallel_loop3A_454, %parallel_loop3A_455, %parallel_loop3A_456, %parallel_loop3A_457], %parallel_loop3A_412 {strides = array<i32>} : memref<8x1x8x128xf32, #tpu.memory_space<vmem>>, vector<16xf32>,
        %parallel_loop3A_459 = arith.constant 80 : i32
        %parallel_loop3A_460 = vector.broadcast %parallel_loop3A_459 : i32 to vector<16xi32>
        %parallel_loop3A_461 = arith.addi %iota3A, %parallel_loop3A_460 : vector<16xi32>
        %parallel_loop3A_462 = tpu.vector_load_idx %arg11[%parallel_loop3A_461, %parallel_loop3A_208] : memref<128x64xf32, #tpu.memory_space<vmem>>[vector<16xi32>, vector<16xi32>], vector<16xf32>,
        %parallel_loop3A_463 = arith.constant 8 : i32
        %parallel_loop3A_464 = arith.divsi %parallel_loop3A_203, %parallel_loop3A_463 : i32
        %parallel_loop3A_465 = arith.constant 0 : i32
        %parallel_loop3A_466 = arith.cmpi sgt, %parallel_loop3A_203, %parallel_loop3A_465 : i32
        %parallel_loop3A_467 = arith.extui %parallel_loop3A_466 : i1 to i32
        %parallel_loop3A_468 = arith.constant 0 : i32
        %parallel_loop3A_469 = arith.cmpi slt, %parallel_loop3A_203, %parallel_loop3A_468 : i32
        %parallel_loop3A_470 = arith.extui %parallel_loop3A_469 : i1 to i32
        %parallel_loop3A_471 = arith.subi %parallel_loop3A_467, %parallel_loop3A_470 : i32
        %parallel_loop3A_472 = arith.constant 0 : i32
        %parallel_loop3A_473 = arith.cmpi sgt, %parallel_loop3A_463, %parallel_loop3A_472 : i32
        %parallel_loop3A_474 = arith.extui %parallel_loop3A_473 : i1 to i32
        %parallel_loop3A_475 = arith.constant 0 : i32
        %parallel_loop3A_476 = arith.cmpi slt, %parallel_loop3A_463, %parallel_loop3A_475 : i32
        %parallel_loop3A_477 = arith.extui %parallel_loop3A_476 : i1 to i32
        %parallel_loop3A_478 = arith.subi %parallel_loop3A_474, %parallel_loop3A_477 : i32
        %parallel_loop3A_479 = arith.cmpi ne, %parallel_loop3A_471, %parallel_loop3A_478 : i32
        %parallel_loop3A_480 = arith.remsi %parallel_loop3A_203, %parallel_loop3A_463 : i32
        %parallel_loop3A_481 = arith.constant 0 : i32
        %parallel_loop3A_482 = arith.cmpi ne, %parallel_loop3A_480, %parallel_loop3A_481 : i32
        %parallel_loop3A_483 = arith.andi %parallel_loop3A_479, %parallel_loop3A_482 : i1
        %parallel_loop3A_484 = arith.constant 1 : i32
        %parallel_loop3A_485 = arith.subi %parallel_loop3A_464, %parallel_loop3A_484 : i32
        %parallel_loop3A_486 = arith.select %parallel_loop3A_483, %parallel_loop3A_485, %parallel_loop3A_464 : i32
        %parallel_loop3A_487 = arith.constant 8 : i32
        %parallel_loop3A_488 = arith.constant 0 : i32
        %parallel_loop3A_489 = arith.cmpi eq, %parallel_loop3A_487, %parallel_loop3A_488 : i32
        %parallel_loop3A_490 = arith.constant 1 : i32
        %parallel_loop3A_491 = arith.select %parallel_loop3A_489, %parallel_loop3A_490, %parallel_loop3A_487 : i32
        %parallel_loop3A_492 = arith.remsi %parallel_loop3A_203, %parallel_loop3A_491 : i32
        %parallel_loop3A_493 = arith.constant 0 : i32
        %parallel_loop3A_494 = arith.cmpi ne, %parallel_loop3A_492, %parallel_loop3A_493 : i32
        %parallel_loop3A_495 = arith.constant 0 : i32
        %parallel_loop3A_496 = arith.cmpi slt, %parallel_loop3A_492, %parallel_loop3A_495 : i32
        %parallel_loop3A_497 = arith.constant 0 : i32
        %parallel_loop3A_498 = arith.cmpi slt, %parallel_loop3A_491, %parallel_loop3A_497 : i32
        %parallel_loop3A_499 = arith.xori %parallel_loop3A_496, %parallel_loop3A_498 : i1
        %parallel_loop3A_500 = arith.andi %parallel_loop3A_499, %parallel_loop3A_494 : i1
        %parallel_loop3A_501 = arith.addi %parallel_loop3A_492, %parallel_loop3A_491 : i32
        %parallel_loop3A_502 = arith.select %parallel_loop3A_500, %parallel_loop3A_501, %parallel_loop3A_492 : i32
        %parallel_loop3A_503 = arith.constant 0 : i32
        %parallel_loop3A_504 = arith.index_cast %parallel_loop3A_486 : i32 to index
        %parallel_loop3A_505 = arith.index_cast %parallel_loop3A_503 : i32 to index
        %parallel_loop3A_506 = arith.index_cast %parallel_loop3A_502 : i32 to index
        %parallel_loop3A_507 = arith.constant 80 : index
        %parallel_loop3A_508 = tpu.vector_load %arg13[%parallel_loop3A_504, %parallel_loop3A_505, %parallel_loop3A_506, %parallel_loop3A_507] {strides = array<i32>} : memref<8x1x8x128xf32, #tpu.memory_space<vmem>>, vector<16xf32>,
        tpu.vector_store %arg13[%parallel_loop3A_504, %parallel_loop3A_505, %parallel_loop3A_506, %parallel_loop3A_507], %parallel_loop3A_462 {strides = array<i32>} : memref<8x1x8x128xf32, #tpu.memory_space<vmem>>, vector<16xf32>,
        %parallel_loop3A_509 = arith.constant 96 : i32
        %parallel_loop3A_510 = vector.broadcast %parallel_loop3A_509 : i32 to vector<16xi32>
        %parallel_loop3A_511 = arith.addi %iota3A, %parallel_loop3A_510 : vector<16xi32>
        %parallel_loop3A_512 = tpu.vector_load_idx %arg11[%parallel_loop3A_511, %parallel_loop3A_208] : memref<128x64xf32, #tpu.memory_space<vmem>>[vector<16xi32>, vector<16xi32>], vector<16xf32>,
        %parallel_loop3A_513 = arith.constant 8 : i32
        %parallel_loop3A_514 = arith.divsi %parallel_loop3A_203, %parallel_loop3A_513 : i32
        %parallel_loop3A_515 = arith.constant 0 : i32
        %parallel_loop3A_516 = arith.cmpi sgt, %parallel_loop3A_203, %parallel_loop3A_515 : i32
        %parallel_loop3A_517 = arith.extui %parallel_loop3A_516 : i1 to i32
        %parallel_loop3A_518 = arith.constant 0 : i32
        %parallel_loop3A_519 = arith.cmpi slt, %parallel_loop3A_203, %parallel_loop3A_518 : i32
        %parallel_loop3A_520 = arith.extui %parallel_loop3A_519 : i1 to i32
        %parallel_loop3A_521 = arith.subi %parallel_loop3A_517, %parallel_loop3A_520 : i32
        %parallel_loop3A_522 = arith.constant 0 : i32
        %parallel_loop3A_523 = arith.cmpi sgt, %parallel_loop3A_513, %parallel_loop3A_522 : i32
        %parallel_loop3A_524 = arith.extui %parallel_loop3A_523 : i1 to i32
        %parallel_loop3A_525 = arith.constant 0 : i32
        %parallel_loop3A_526 = arith.cmpi slt, %parallel_loop3A_513, %parallel_loop3A_525 : i32
        %parallel_loop3A_527 = arith.extui %parallel_loop3A_526 : i1 to i32
        %parallel_loop3A_528 = arith.subi %parallel_loop3A_524, %parallel_loop3A_527 : i32
        %parallel_loop3A_529 = arith.cmpi ne, %parallel_loop3A_521, %parallel_loop3A_528 : i32
        %parallel_loop3A_530 = arith.remsi %parallel_loop3A_203, %parallel_loop3A_513 : i32
        %parallel_loop3A_531 = arith.constant 0 : i32
        %parallel_loop3A_532 = arith.cmpi ne, %parallel_loop3A_530, %parallel_loop3A_531 : i32
        %parallel_loop3A_533 = arith.andi %parallel_loop3A_529, %parallel_loop3A_532 : i1
        %parallel_loop3A_534 = arith.constant 1 : i32
        %parallel_loop3A_535 = arith.subi %parallel_loop3A_514, %parallel_loop3A_534 : i32
        %parallel_loop3A_536 = arith.select %parallel_loop3A_533, %parallel_loop3A_535, %parallel_loop3A_514 : i32
        %parallel_loop3A_537 = arith.constant 8 : i32
        %parallel_loop3A_538 = arith.constant 0 : i32
        %parallel_loop3A_539 = arith.cmpi eq, %parallel_loop3A_537, %parallel_loop3A_538 : i32
        %parallel_loop3A_540 = arith.constant 1 : i32
        %parallel_loop3A_541 = arith.select %parallel_loop3A_539, %parallel_loop3A_540, %parallel_loop3A_537 : i32
        %parallel_loop3A_542 = arith.remsi %parallel_loop3A_203, %parallel_loop3A_541 : i32
        %parallel_loop3A_543 = arith.constant 0 : i32
        %parallel_loop3A_544 = arith.cmpi ne, %parallel_loop3A_542, %parallel_loop3A_543 : i32
        %parallel_loop3A_545 = arith.constant 0 : i32
        %parallel_loop3A_546 = arith.cmpi slt, %parallel_loop3A_542, %parallel_loop3A_545 : i32
        %parallel_loop3A_547 = arith.constant 0 : i32
        %parallel_loop3A_548 = arith.cmpi slt, %parallel_loop3A_541, %parallel_loop3A_547 : i32
        %parallel_loop3A_549 = arith.xori %parallel_loop3A_546, %parallel_loop3A_548 : i1
        %parallel_loop3A_550 = arith.andi %parallel_loop3A_549, %parallel_loop3A_544 : i1
        %parallel_loop3A_551 = arith.addi %parallel_loop3A_542, %parallel_loop3A_541 : i32
        %parallel_loop3A_552 = arith.select %parallel_loop3A_550, %parallel_loop3A_551, %parallel_loop3A_542 : i32
        %parallel_loop3A_553 = arith.constant 0 : i32
        %parallel_loop3A_554 = arith.index_cast %parallel_loop3A_536 : i32 to index
        %parallel_loop3A_555 = arith.index_cast %parallel_loop3A_553 : i32 to index
        %parallel_loop3A_556 = arith.index_cast %parallel_loop3A_552 : i32 to index
        %parallel_loop3A_557 = arith.constant 96 : index
        %parallel_loop3A_558 = tpu.vector_load %arg13[%parallel_loop3A_554, %parallel_loop3A_555, %parallel_loop3A_556, %parallel_loop3A_557] {strides = array<i32>} : memref<8x1x8x128xf32, #tpu.memory_space<vmem>>, vector<16xf32>,
        tpu.vector_store %arg13[%parallel_loop3A_554, %parallel_loop3A_555, %parallel_loop3A_556, %parallel_loop3A_557], %parallel_loop3A_512 {strides = array<i32>} : memref<8x1x8x128xf32, #tpu.memory_space<vmem>>, vector<16xf32>,
        %parallel_loop3A_559 = arith.constant 112 : i32
        %parallel_loop3A_560 = vector.broadcast %parallel_loop3A_559 : i32 to vector<16xi32>
        %parallel_loop3A_561 = arith.addi %iota3A, %parallel_loop3A_560 : vector<16xi32>
        %parallel_loop3A_562 = tpu.vector_load_idx %arg11[%parallel_loop3A_561, %parallel_loop3A_208] : memref<128x64xf32, #tpu.memory_space<vmem>>[vector<16xi32>, vector<16xi32>], vector<16xf32>,
        %parallel_loop3A_563 = arith.constant 8 : i32
        %parallel_loop3A_564 = arith.divsi %parallel_loop3A_203, %parallel_loop3A_563 : i32
        %parallel_loop3A_565 = arith.constant 0 : i32
        %parallel_loop3A_566 = arith.cmpi sgt, %parallel_loop3A_203, %parallel_loop3A_565 : i32
        %parallel_loop3A_567 = arith.extui %parallel_loop3A_566 : i1 to i32
        %parallel_loop3A_568 = arith.constant 0 : i32
        %parallel_loop3A_569 = arith.cmpi slt, %parallel_loop3A_203, %parallel_loop3A_568 : i32
        %parallel_loop3A_570 = arith.extui %parallel_loop3A_569 : i1 to i32
        %parallel_loop3A_571 = arith.subi %parallel_loop3A_567, %parallel_loop3A_570 : i32
        %parallel_loop3A_572 = arith.constant 0 : i32
        %parallel_loop3A_573 = arith.cmpi sgt, %parallel_loop3A_563, %parallel_loop3A_572 : i32
        %parallel_loop3A_574 = arith.extui %parallel_loop3A_573 : i1 to i32
        %parallel_loop3A_575 = arith.constant 0 : i32
        %parallel_loop3A_576 = arith.cmpi slt, %parallel_loop3A_563, %parallel_loop3A_575 : i32
        %parallel_loop3A_577 = arith.extui %parallel_loop3A_576 : i1 to i32
        %parallel_loop3A_578 = arith.subi %parallel_loop3A_574, %parallel_loop3A_577 : i32
        %parallel_loop3A_579 = arith.cmpi ne, %parallel_loop3A_571, %parallel_loop3A_578 : i32
        %parallel_loop3A_580 = arith.remsi %parallel_loop3A_203, %parallel_loop3A_563 : i32
        %parallel_loop3A_581 = arith.constant 0 : i32
        %parallel_loop3A_582 = arith.cmpi ne, %parallel_loop3A_580, %parallel_loop3A_581 : i32
        %parallel_loop3A_583 = arith.andi %parallel_loop3A_579, %parallel_loop3A_582 : i1
        %parallel_loop3A_584 = arith.constant 1 : i32
        %parallel_loop3A_585 = arith.subi %parallel_loop3A_564, %parallel_loop3A_584 : i32
        %parallel_loop3A_586 = arith.select %parallel_loop3A_583, %parallel_loop3A_585, %parallel_loop3A_564 : i32
        %parallel_loop3A_587 = arith.constant 8 : i32
        %parallel_loop3A_588 = arith.constant 0 : i32
        %parallel_loop3A_589 = arith.cmpi eq, %parallel_loop3A_587, %parallel_loop3A_588 : i32
        %parallel_loop3A_590 = arith.constant 1 : i32
        %parallel_loop3A_591 = arith.select %parallel_loop3A_589, %parallel_loop3A_590, %parallel_loop3A_587 : i32
        %parallel_loop3A_592 = arith.remsi %parallel_loop3A_203, %parallel_loop3A_591 : i32
        %parallel_loop3A_593 = arith.constant 0 : i32
        %parallel_loop3A_594 = arith.cmpi ne, %parallel_loop3A_592, %parallel_loop3A_593 : i32
        %parallel_loop3A_595 = arith.constant 0 : i32
        %parallel_loop3A_596 = arith.cmpi slt, %parallel_loop3A_592, %parallel_loop3A_595 : i32
        %parallel_loop3A_597 = arith.constant 0 : i32
        %parallel_loop3A_598 = arith.cmpi slt, %parallel_loop3A_591, %parallel_loop3A_597 : i32
        %parallel_loop3A_599 = arith.xori %parallel_loop3A_596, %parallel_loop3A_598 : i1
        %parallel_loop3A_600 = arith.andi %parallel_loop3A_599, %parallel_loop3A_594 : i1
        %parallel_loop3A_601 = arith.addi %parallel_loop3A_592, %parallel_loop3A_591 : i32
        %parallel_loop3A_602 = arith.select %parallel_loop3A_600, %parallel_loop3A_601, %parallel_loop3A_592 : i32
        %parallel_loop3A_603 = arith.constant 0 : i32
        %parallel_loop3A_604 = arith.index_cast %parallel_loop3A_586 : i32 to index
        %parallel_loop3A_605 = arith.index_cast %parallel_loop3A_603 : i32 to index
        %parallel_loop3A_606 = arith.index_cast %parallel_loop3A_602 : i32 to index
        %parallel_loop3A_607 = arith.constant 112 : index
        %parallel_loop3A_608 = tpu.vector_load %arg13[%parallel_loop3A_604, %parallel_loop3A_605, %parallel_loop3A_606, %parallel_loop3A_607] {strides = array<i32>} : memref<8x1x8x128xf32, #tpu.memory_space<vmem>>, vector<16xf32>,
        tpu.vector_store %arg13[%parallel_loop3A_604, %parallel_loop3A_605, %parallel_loop3A_606, %parallel_loop3A_607], %parallel_loop3A_562 {strides = array<i32>} : memref<8x1x8x128xf32, #tpu.memory_space<vmem>>, vector<16xf32>,
      } {sc.loop_unroll_factor = 2 : i64, sc.parallel_access}
      %lt3A_186 = arith.constant 24 : i32
      %lt3A_187 = arith.cmpi slt, %scan3A_139, %lt3A_186 : i32
      %convert_element_type3A_188 = arith.extui %lt3A_187 : i1 to i32
      %cond3A_189 = arith.constant 0 : i32
      %cond3A_190 = arith.cmpi ne, %convert_element_type3A_188, %cond3A_189 : i32
      scf.if %cond3A_190 {
        %add3A_203 = arith.constant 2 : i32
        %add3A_204 = arith.addi %add3A_171, %add3A_203 : i32
        %dma_start3A_205 = arith.constant 0 : i32
        %dma_start3A_206 = tpu.memref_slice %arg9[%add3A_204, %dma_start3A_205] : memref<50x128xi32, #tpu.memory_space<vmem>> -> memref<1x128xi32, #tpu.memory_space<vmem>>
        %dma_start3A_207 = tpu.memref_squeeze %dma_start3A_206 : memref<1x128xi32, #tpu.memory_space<vmem>> -> memref<128xi32, #tpu.memory_space<vmem>>
        %dma_start3A_208 = arith.constant 0 : i32
        %dma_start3A_209 = arith.constant 0 : i32
        %dma_start3A_210 = tpu.memref_slice %arg7[%dma_start3A_208, %dma_start3A_209] : memref<10000x64xf32, #tpu.memory_space<hbm>> -> memref<10000x64xf32, #tpu.memory_space<hbm>>
        tpu.enqueue_indirect_dma source(%dma_start3A_210 : memref<10000x64xf32, #tpu.memory_space<hbm>>) target(%arg11 : memref<128x64xf32, #tpu.memory_space<vmem>>) offsets(%dma_start3A_207 : memref<128xi32, #tpu.memory_space<vmem>>) semaphore(%arg15 : memref<!tpu.dma_semaphore, #tpu.memory_space<semaphore_mem>>)
      } else {
      }
      %dma_start3A_191 = arith.constant 2 : i32
      %dma_start3A_192 = arith.constant 0 : i32
      %dma_start3A_193 = arith.constant 0 : i32
      %dma_start3A_194 = arith.constant 0 : i32
      %dma_start3A_195 = tpu.memref_slice %arg8[%dma_start3A_191, %add3A_171, %dma_start3A_192, %add3A, %dma_start3A_193, %dma_start3A_194] : memref<3x50x8x32x8x128xf32, #tpu.memory_space<hbm>> -> memref<1x1x8x1x8x128xf32, #tpu.memory_space<hbm>>
      %dma_start3A_196 = tpu.memref_squeeze %dma_start3A_195 : memref<1x1x8x1x8x128xf32, #tpu.memory_space<hbm>> -> memref<8x1x8x128xf32, #tpu.memory_space<hbm>>
      %dma_start3A_197 = arith.constant 0 : i32
      %dma_start3A_198 = arith.constant 0 : i32
      %dma_start3A_199 = arith.constant 0 : i32
      %dma_start3A_200 = tpu.memref_slice %arg8[%dma_start3A_191, %add3A_171, %dma_start3A_197, %add3A, %dma_start3A_198, %dma_start3A_199] : memref<3x50x8x32x8x128xf32, #tpu.memory_space<hbm>> -> memref<1x1x8x1x8x128xf32, #tpu.memory_space<hbm>>
      %dma_start3A_201 = tpu.memref_squeeze %dma_start3A_200 : memref<1x1x8x1x8x128xf32, #tpu.memory_space<hbm>> -> memref<8x1x8x128xf32, #tpu.memory_space<hbm>>
      tpu.enqueue_dma source(%arg13 : memref<8x1x8x128xf32, #tpu.memory_space<vmem>>) target(%dma_start3A_201 : memref<8x1x8x128xf32, #tpu.memory_space<hbm>>) target_semaphore(%arg17 : memref<!tpu.dma_semaphore, #tpu.memory_space<semaphore_mem>>)
      %scan3A_202 = arith.constant 0 : i32
      scf.yield %scan3A_202 : i32
    }
    %scan3A_114 = arith.constant 25 : i32
    %dma_wait3A_115 = arith.constant 2 : i32
    %dma_wait3A_116 = arith.constant 48 : i32
    %dma_wait3A_117 = arith.constant 0 : i32
    %dma_wait3A_118 = arith.constant 0 : i32
    %dma_wait3A_119 = arith.constant 0 : i32
    %dma_wait3A_120 = tpu.memref_slice %arg8[%dma_wait3A_115, %dma_wait3A_116, %dma_wait3A_117, %add3A, %dma_wait3A_118, %dma_wait3A_119] : memref<3x50x8x32x8x128xf32, #tpu.memory_space<hbm>> -> memref<1x1x8x1x8x128xf32, #tpu.memory_space<hbm>>
    %dma_wait3A_121 = tpu.memref_squeeze %dma_wait3A_120 : memref<1x1x8x1x8x128xf32, #tpu.memory_space<hbm>> -> memref<8x1x8x128xf32, #tpu.memory_space<hbm>>
    %dma_wait3A_122 = arith.constant 0 : i32
    %dma_wait3A_123 = arith.constant 0 : i32
    %dma_wait3A_124 = arith.constant 0 : i32
    %dma_wait3A_125 = tpu.memref_slice %arg8[%dma_wait3A_115, %dma_wait3A_116, %dma_wait3A_122, %add3A, %dma_wait3A_123, %dma_wait3A_124] : memref<3x50x8x32x8x128xf32, #tpu.memory_space<hbm>> -> memref<1x1x8x1x8x128xf32, #tpu.memory_space<hbm>>
    %dma_wait3A_126 = tpu.memref_squeeze %dma_wait3A_125 : memref<1x1x8x1x8x128xf32, #tpu.memory_space<hbm>> -> memref<8x1x8x128xf32, #tpu.memory_space<hbm>>
    tpu.wait_dma2 semaphore(%arg16 : memref<!tpu.dma_semaphore, #tpu.memory_space<semaphore_mem>>) src(%arg12 : memref<8x1x8x128xf32, #tpu.memory_space<vmem>>) dst(%dma_wait3A_126 : memref<8x1x8x128xf32, #tpu.memory_space<hbm>>)
    %dma_wait3A_127 = arith.constant 2 : i32
    %dma_wait3A_128 = arith.constant 49 : i32
    %dma_wait3A_129 = arith.constant 0 : i32
    %dma_wait3A_130 = arith.constant 0 : i32
    %dma_wait3A_131 = arith.constant 0 : i32
    %dma_wait3A_132 = tpu.memref_slice %arg8[%dma_wait3A_127, %dma_wait3A_128, %dma_wait3A_129, %add3A, %dma_wait3A_130, %dma_wait3A_131] : memref<3x50x8x32x8x128xf32, #tpu.memory_space<hbm>> -> memref<1x1x8x1x8x128xf32, #tpu.memory_space<hbm>>
    %dma_wait3A_133 = tpu.memref_squeeze %dma_wait3A_132 : memref<1x1x8x1x8x128xf32, #tpu.memory_space<hbm>> -> memref<8x1x8x128xf32, #tpu.memory_space<hbm>>
    %dma_wait3A_134 = arith.constant 0 : i32
    %dma_wait3A_135 = arith.constant 0 : i32
    %dma_wait3A_136 = arith.constant 0 : i32
    %dma_wait3A_137 = tpu.memref_slice %arg8[%dma_wait3A_127, %dma_wait3A_128, %dma_wait3A_134, %add3A, %dma_wait3A_135, %dma_wait3A_136] : memref<3x50x8x32x8x128xf32, #tpu.memory_space<hbm>> -> memref<1x1x8x1x8x128xf32, #tpu.memory_space<hbm>>
    %dma_wait3A_138 = tpu.memref_squeeze %dma_wait3A_137 : memref<1x1x8x1x8x128xf32, #tpu.memory_space<hbm>> -> memref<8x1x8x128xf32, #tpu.memory_space<hbm>>
    tpu.wait_dma2 semaphore(%arg17 : memref<!tpu.dma_semaphore, #tpu.memory_space<semaphore_mem>>) src(%arg13 : memref<8x1x8x128xf32, #tpu.memory_space<vmem>>) dst(%dma_wait3A_138 : memref<8x1x8x128xf32, #tpu.memory_space<hbm>>)
    return
  }
}

</mosaic_0001>

<sc_bundles>
// kernel: kernel.3.cloned.1.call-start
scs
__scs_entry_jumppad:
0x0: {  	(pc) =	sbr.rel $0x88, $3  }
0x1: {  	(tag) =	ssettag $0x0;
	lr =	simm.s32 $0x1  }
0x2: {  	[smem:$0x3F9B] =	sst lr;
	_ =	strace $0xD0000000  }
0x3: {  	_ = 	snop  }
0x4: {  	_ = 	snop  }
0x5: {  	_ = 	snop  }
0x6: {  	_ = 	snop  }
0x7: {  	_ = 	snop  }
__scs_overlays_trampoline_lowered:
0x8: {  	[smem:$0x3FAA] =	sst s0  }
0x9: {  	[smem:$0x3FAB] =	sst s1  }
0xa: {  	[smem:$0x3FAC] =	sst s2  }
0xb: {  	[smem:$0x3FAD] =	sst s3  }
0xc: {  	[smem:$0x3FAE] =	sst s4  }
0xd: {  	[smem:$0x3FAF] =	sst s5  }
0xe: {  	[smem:$0x3FB0] =	sst s6  }
0xf: {  	[smem:$0x3FB1] =	sst s7  }
0x10: {  	[smem:$0x3FB2] =	sst s8  }
0x11: {  	[smem:$0x3FB3] =	sst s9;
	s0 =	simm.s32 @!p0 $0x0  }
0x12: {  	s1 =	sld [smem:$0x3F99];
	s0 =	simm.s32 @p0 $0x1  }
0x13: {  	[smem:$0x3FB4] =	sst s0;
	s0 =	simm.s32 @!p1 $0x0  }
0x14: {  	s2 =	sld [smem:$0x3F98];
	s0 =	simm.s32 @p1 $0x1  }
0x15: {  	[smem:$0x3FB5] =	sst s0;
	s0 =	simm.s32 @!p2 $0x0  }
0x16: {  	s3 =	sld [smem:$0x3FDB];
	s0 =	simm.s32 @p2 $0x1  }
0x17: {  	s4 =	simm.s32 $0x1BF5;
	[smem:$0x3FB7] =	sst s0  }
0x18: {  	s0 =	sld [smem:$0x3F9A];
	_ =	swait.ge [sflag:s4], $0x0  }
0x19: {  	s7 =	sld [smem:$0x3F9B]  }
0x1a: {  	s8 =	sadd.s32 $0xFFFFE003, lr  }
0x1b: {  	s9 =	sadd.s32 $0xFFFFFEF7, lr;
	s5 =	simm.s32 $0xFFFFFFFF;
	p2 =	slt.u32 s8, $0xFFFFF086  }
0x1c: {  	p1 =	slt.u32 s9, $0xF7A;
	s5 =	simm.s32 @!p2 $0x0  }
0x1d: {  	s5 =	simm.s32 @p1 $0x1;
	p0 =	seq.s32 s7, s2  }
0x1e: {  	s7 =	smul.u32 @!p0 $0xF7A, s2;
	p2 =	seq.s32 @!p0 s5, $0x0  }
0x1f: {  	s9 =	smul.u32 $0xF7A, s1;
	s8 =	simm.s32 @!p0 $0x1BF5;
	p2 =	por !p2, p0  }
0x20: {  	[sflag:s8] =	ssyncset.s32 @!p0 $0xFFFFF086;
	s6 =	sadd.s32 @!p0 s3, s7;
	s7 =	simm.s32 @!p0 $0x108  }
0x21: {  	s3 =	sadd.s32 s3, s9;
	s6 =	sadd.s32 @!p0 $0x88, s6;
	s7 =	simm.s32 @p2 $0x1082  }
0x22: {  	[simem:s7], [sflag:s8] =	dma.local @!p0 [hbm:s6], $0xF7A  }
0x23: {  	s9 =	sor.u32 $0xD0000000, s2;
	s6 =	simm.s32 $0x108;
	_ =	swait.ge @!p0 [sflag:s8], $0x0  }
0x24: {  	s3 =	sadd.s32 $0x88, s3;
	s6 =	simm.s32 @!p1 $0x1082;
	[sflag:s4] =	ssyncset.s32 $0xFFFFF086  }
0x25: {  	[simem:s6], [sflag:s4] =	dma.local [hbm:s3], $0xF7A  }
0x26: {  	[smem:$0x3F9B] =	sst s1;
	(tag) =	ssettag s2;
	_ =	strace s9  }
0x27: {  	s1 =	sld [smem:$0x3FAB]  }
0x28: {  	s2 =	sld [smem:$0x3FAC]  }
0x29: {  	s4 =	sld [smem:$0x3FAE]  }
0x2a: {  	p0 =	seq.s32 s5, $0x0;
	s5 =	sld [smem:$0x3FAF]  }
0x2b: {  	s6 =	sld [smem:$0x3FB0]  }
0x2c: {  	s7 =	sld [smem:$0x3FB1]  }
0x2d: {  	s3 =	simm.s32 $0x108;
	s8 =	sld [smem:$0x3FB2]  }
0x2e: {  	s3 =	simm.s32 @!p0 $0x1082;
	s9 =	sld [smem:$0x3FB3]  }
0x2f: {  	lr =	sadd.s32 s0, s3;
	s0 =	sld [smem:$0x3FAA]  }
0x30: {  	s3 =	sld [smem:$0x3FAD]  }
0x31: {  	[smem:$0x3FB6] =	sst s10  }
0x32: {  	s10 =	sld [smem:$0x3FB4];
	_ =	sdelay $0x3  }
0x33: {  	p0 =	seq.s32 s10, $0x1;
	s10 =	sld [smem:$0x3FB6];
	_ =	sdelay $0x3  }
0x34: {  	[smem:$0x3FB6] =	sst s10  }
0x35: {  	s10 =	sld [smem:$0x3FB5];
	_ =	sdelay $0x3  }
0x36: {  	p1 =	seq.s32 s10, $0x1;
	s10 =	sld [smem:$0x3FB6];
	_ =	sdelay $0x3  }
0x37: {  	[smem:$0x3FB6] =	sst s10  }
0x38: {  	s10 =	sld [smem:$0x3FB7]  }
0x39: {  	_ = 	snop;
	(pc) =	sbr.ind lr, $3  }
0x3a: {  	_ = 	snop  }
0x3b: {  	_ = 	snop  }
0x3c: {  	p2 =	seq.s32 s10, $0x1;
	s10 =	sld [smem:$0x3FB6]  }
0x3d: {  	_ =	shalt  }
0x3e: {  	_ =	shalt  }
0x3f: {  	_ =	shalt  }
0x40: {  	_ =	shalt  }
0x41: {  	_ =	shalt  }
0x42: {  	_ =	shalt  }
0x43: {  	_ =	shalt  }
0x44: {  	_ =	shalt  }
0x45: {  	_ =	shalt  }
0x46: {  	_ =	shalt  }
0x47: {  	_ =	shalt  }
0x48: {  	_ =	shalt  }
0x49: {  	_ =	shalt  }
0x4a: {  	_ =	shalt  }
0x4b: {  	_ =	shalt  }
0x4c: {  	_ =	shalt  }
0x4d: {  	_ =	shalt  }
0x4e: {  	_ =	shalt  }
0x4f: {  	_ =	shalt  }
0x50: {  	_ =	shalt  }
0x51: {  	_ =	shalt  }
0x52: {  	_ =	shalt  }
0x53: {  	_ =	shalt  }
0x54: {  	_ =	shalt  }
0x55: {  	_ =	shalt  }
0x56: {  	_ =	shalt  }
0x57: {  	_ =	shalt  }
0x58: {  	_ =	shalt  }
0x59: {  	_ =	shalt  }
0x5a: {  	_ =	shalt  }
0x5b: {  	_ =	shalt  }
0x5c: {  	_ =	shalt  }
0x5d: {  	_ =	shalt  }
0x5e: {  	_ =	shalt  }
0x5f: {  	_ =	shalt  }
0x60: {  	_ =	shalt  }
0x61: {  	_ =	shalt  }
0x62: {  	_ =	shalt  }
0x63: {  	_ =	shalt  }
0x64: {  	_ =	shalt  }
0x65: {  	_ =	shalt  }
0x66: {  	_ =	shalt  }
0x67: {  	_ =	shalt  }
0x68: {  	_ =	shalt  }
0x69: {  	_ =	shalt  }
0x6a: {  	_ =	shalt  }
0x6b: {  	_ =	shalt  }
0x6c: {  	_ =	shalt  }
0x6d: {  	_ =	shalt  }
0x6e: {  	_ =	shalt  }
0x6f: {  	_ =	shalt  }
0x70: {  	_ =	shalt  }
0x71: {  	_ =	shalt  }
0x72: {  	_ =	shalt  }
0x73: {  	_ =	shalt  }
0x74: {  	_ =	shalt  }
0x75: {  	_ =	shalt  }
0x76: {  	_ =	shalt  }
0x77: {  	_ =	shalt  }
0x78: {  	_ =	shalt  }
0x79: {  	_ =	shalt  }
0x7a: {  	_ =	shalt  }
0x7b: {  	_ =	shalt  }
0x7c: {  	_ =	shalt  }
0x7d: {  	_ =	shalt  }
0x7e: {  	_ =	shalt  }
0x7f: {  	_ =	shalt  }
0x80: {  	_ =	shalt  }
0x81: {  	_ =	shalt  }
0x82: {  	_ =	shalt  }
0x83: {  	_ =	shalt  }
0x84: {  	_ =	shalt  }
0x85: {  	_ =	shalt  }
0x86: {  	_ =	shalt  }
0x87: {  	_ =	shalt  }
.Lfunc_end0:
.L_simem_size_0:
called_computation_lowered:
.L_overlay_start_0:
0x88: {  	s2 =	sld [smem:$0x3FD9]  }
0x89: {  	s3 =	sld [smem:$0x3FFE];
	_ =	sdelay $0x1  }
0x8a: {  	s1 =	srdreg.scid  }
0x8b: {  	s0 =	sand.u32 $0x1, s1  }
0x8c: {  	s17 =	sshll.u32 s0, $0xA;
	s2 =	sadd.s32 s3, s2  }
0x8d: {  	s2 =	sadd.s32 s2, s17  }
0x8e: {  	[smem:$0x3FC2] =	sst s2  }
0x8f: {  	_ = 	snop  }
0x90: {  	s2 =	sld [smem:$0x3FD0];
	(tm) =	ssettm $0x1  }
0x91: {  	s18 =	sld [smem:$0x3FFB];
	_ =	sdelay $0x3  }
0x92: {  	_ =	strace s18  }
0x93: {  	s3 =	sld [smem:$0x3FFC];
	_ =	sdelay $0x3  }
0x94: {  	_ =	strace s3  }
0x95: {  	s3 =	sld [smem:$0x3FFD];
	_ =	sdelay $0x3  }
0x96: {  	_ =	strace s3  }
0x97: {  	_ =	strace $0x8FFFFFFF  }
0x98: {  	s19 =	sld [smem:$0x3FDB];
	_ =	sdelay $0x1  }
0x99: {  	s4 =	simm.s32 $_scs_section_size  }
0x9a: {  	s5 =	simm.s32 $_size__tile_overlayer_lowered;
	s6 =	simm.s32 $_tile_overlayer_lowered  }
0x9b: {  	s22 =	simm.s32 $0x1BFF;
	s21 =	sshll.u32 s6, $0x1;
	s3 =	sadd.s32 s4, s19  }
0x9c: {  	s7 =	simm.s32 $0x0;
	s20 =	sshll.u32 s5, $0x1;
	s5 =	sadd.s32 s21, s3  }
0x9d: {  	[timem:s7], [sflag:s22] =	dma.local [hbm:s5], s20  }
0x9e: {  	_ =	swait.ge [sflag:s22], s20  }
0x9f: {  	s4 =	ssub.s32 $0x0, s20;
	[sflag:s22] =	ssyncset.done $0x0  }
0xa0: {  	[sflag:s22] =	ssyncadd.s32 s4;
	_ =	sdelay $0x1  }
0xa1: {  	s23 =	simm.s32 $0x1B8B  }
0xa2: {  	_ =	swait.ge [sflag:s23], $0x1  }
0xa3: {  	[sflag:s23] =	ssyncset.done $0x0  }
0xa4: {  	s25 =	simm.s32 $0x1B8E;
	s24 =	sld [smem:$0x3FFE];
	[sflag:s23] =	ssyncadd.s32 $0xFFFFFFFF  }
0xa5: {  	s26 =	simm.s32 $execute0_lowered;
	[smem:$0x3FD2] =	sst s25  }
0xa6: {  	s5 =	sshll.u32 s26, $0x1;
	_ =	strace $0x80000046;
	[dreg:$0x1] =	wrdreg $0xFFFFFFFF  }
0xa7: {  	s28 =	simm.s32 $_size_execute0_lowered;
	s3 =	sadd.s32 s3, s5;
	[dreg:$0x0] =	wrdreg $0x0  }
0xa8: {  	s5 =	sshll.u32 s28, $0x1;
	[dreg:$0x2] =	wrdreg s3  }
0xa9: {  	[dreg:$0x3] =	wrdreg s5  }
0xaa: {  	[dreg:$0x4] =	wrdreg $0xC0  }
0xab: {  	_ =	task [dreg:s7], $0x5FFFF  }
0xac: {  	[dreg:$0x1] =	wrdreg $0xFFFFFFFF  }
0xad: {  	[dreg:$0x0] =	wrdreg $0x60  }
0xae: {  	[dreg:$0x2] =	wrdreg s24  }
0xaf: {  	[dreg:$0x3] =	wrdreg s2  }
0xb0: {  	[dreg:$0x4] =	wrdreg $0x9  }
0xb1: {  	_ =	task.clear_ibuf [dreg:s7], $0x5FFFF;
	_ =	strace $0x90000046  }
0xb2: {  	s29 =	simm.s32 $0x9;
	_ =	strace $0x80000048  }
0xb3: {  	_ =	swait.ge [sflag:s29], $0x1  }
0xb4: {  	[sflag:s29] =	ssyncadd.s32 $0xFFFFFFFF  }
0xb5: {  	_ =	strace $0x90000048  }
0xb6: {  	_ =	sfence  }
0xb7: {  	s30 =	sld [smem:$0x0];
	_ =	sdelay $0x2  }
0xb8: {  	s31 =	sshll.u32 s1, $0xD;
	s1 =	sshrl.u32 s1, $0x2  }
0xb9: {  	s3 =	sand.u32 $0x4000, s31;
	s1 =	sadd.s32 s1, s30  }
0xba: {  	s0 =	sor.u32 s3, s0;
	s1 =	sshll.u32 s1, $0x11  }
0xbb: {  	s0 =	sor.u32 s1, s0  }
0xbc: {  	s0 =	sadd.s32 $0x8F2B, s0  }
0xbd: {  	[sflag:s0] =	ssyncadd.remote.s32 $0x1  }
0xbe: {  	_ =	sfence.sel $0xFFFF  }
0xbf: {  	[dreg:$0x0] =	wrdreg $0xFFFFFFFF;
	(pc) =	sbr.abs _section_cstart, $3  }
0xc0: {  	[dreg:$0x1] =	wrdreg $0xFFFFFFFF  }
0xc1: {  	_ =	task.clear_ibuf [dreg:s7], $0x2FFFF;
	_ =	strace $0x9FFFFFFF  }
0xc2: {  	(tm) =	ssettm $0x7FFFFFFF  }
0xc3: {  	_ =	shalt  }
tec
execute0_lowered:
.L_overlay_start_1:
0x0: {  	(tag) =	ssettag $0x1  }
0x1: {  	s0 =	rddreg [dreg:$0x0]  }
0x2: {  	s2 =	rddreg [dreg:$0x1]  }
0x3: {  	s1 =	srdreg.scid;
	s3 =	stileid.u32;
	s4 =	simm.s32 $0x0  }
0x4: {  	s17 =	simm.s32 $0x1900;
	s18 =	simm.s32 $0x3900;
	s19 =	simm.s32 $0x1  }
0x5: {  	s20 =	simm.s32 $0x400;
	s21 =	simm.s32 $0x8000;
	s22 =	simm.s32 $0x5900  }
0x6: {  	s23 =	simm.s32 $0x2;
	s1 =	sand.u32 $0x1, s1;
	s3 =	sshll.u32 s3, $0x1  }
0x7: {  	s24 =	simm.s32 $0x7900;
	s28 =	simm.s32 $0x0;
	s3 =	sor.u32 s1, s3  }
0x8: {  	[smem:$0x7FF] =	sst s4;
	s4 =	sadd.s32 $0x28600, s0;
	s25 =	sshll.u32 s3, $0x4  }
0x9: {  	v0 =	vlaneseq.u32;
	s5 =	sadd.s32 $0xEBC00, s0;
	s6 =	sadd.s32 $0x14C00, s0;
	s7 =	sadd.s32 s25, s0  }
0xa: {  	v0 =	vmul.u32 $0x40, v0;
	_ =	strace $0x80000047;
	s1 =	ssub.s32 $0x2, s1;
	s29 =	sadd.s32 $0x2000, s7  }
0xb: {  	s8 =	sshrl.u32 s1, $0x1;
	s30 =	sadd.s32 $0x8400, s7;
	[dreg:$0x3] =	wrdreg s29  }
0xc: {  	v1 =	vor.u32 $0x400, v0;
	s26 =	ssub.s32 s1, s8;
	s31 =	sadd.s32 $0xE800, s7;
	[dreg:$0x4] =	wrdreg s30  }
0xd: {  	s9 =	sadd.s32 $0x8000, s2;
	v2 =	vor.u32 $0x800, v0;
	v3 =	vor.u32 $0xC00, v0;
	v4 =	vor.u32 $0x1000, v0;
	s0 =	smax.u32 s26, $0x1;
	[dreg:$0x5] =	wrdreg s31  }
0xe: {  	s11 =	sshll.u32 s3, $0xA;
	v5 =	vor.u32 $0x1400, v0;
	v6 =	vor.u32 $0x1800, v0;
	v7 =	vor.u32 $0x1C00, v0;
	s8 =	sshll.u32 s3, $0x7;
	[dreg:$0x6] =	wrdreg s0  }
.LBB2_1:
0xf: {  	s0 =	simm.s32 $0x0;
	s1 =	rddreg [dreg:$0x3]  }
0x10: {  	s3 =	simm.s32 $0x80;
	s7 =	simm.s32 $0x1000;
	s31 =	simm.s32 $0x5  }
0x11: {  	[tilespmem:s0], [sflag:$0x5] =	stream.strided.gather [hbm4b:s1+s3], $0x1900, s7, s3, $0x38;
	[tilespmem:$0x9900] =	vst v63  }
0x12: {  	_ =	swait.ge [sflag:s31], $0x1900  }
0x13: {  	[sflag:s31] =	ssyncset.done $0x0  }
0x14: {  	[sflag:s31] =	ssyncadd.s32 $0xFFFFE700  }
0x15: {  	[tilespmem:s17], [sflag:$0x1] =	stream.indirect.gather [hbm4b:s4+s3], $0x40, s0, s3, $0xb8;
	[tilespmem:$0x9900] =	vst v63  }
0x16: {  	s29 =	simm.s32 $0x0  }
0x17: {  	[tilespmem:s18], [sflag:$0x2] =	stream.indirect.gather [hbm4b:s4+s3], $0x40, s3, s3, $0xb8;
	[tilespmem:$0x9900] =	vst v63  }
.LBB2_2:
0x18: {  	s0 =	simm.s32 $0x0  }
0x19: {  	v8 =	vmov s0  }
0x1a: {  	v8 =	vand.u32 $0x3E, v8  }
0x1b: {  	s3 =	simm.s32 $0x1;
	v14 =	vbroadcast v8, $0x0  }
0x1c: {  	_ =	swait.ge [sflag:s19], $0x2000;
	v8 =	vmov s3  }
0x1d: {  	p0 =	seq.s32 s29, $0x0;
	[sflag:s19] =	ssyncset.done $0x0;
	v8 =	vand.u32 $0x3F, v8;
	v9 =	vor.u32 v0, v14  }
0x1e: {  	s0 =	simm.s32 @!p0 $0x3;
	[sflag:s19] =	ssyncadd.s32 $0xFFFFE000;
	v15 =	vbroadcast v8, $0x0  }
0x1f: {  	_ =	swait.ge @!p0 [sflag:s0], $0x2000  }
0x20: {  	[sflag:s0] =	ssyncset.done @!p0 $0x0;
	v8 =	vor.u32 v0, v15  }
0x21: {  	[sflag:s0] =	ssyncadd.s32 @!p0 $0xFFFFE000  }
0x22: {  	s7 =	simm.s32 $0x2;
	v10 =	vld.idx.msk [tilespmem:v9+s17+$0x0], $0xffff  }
0x23: {  	v11 =	vor.u32 v1, v14;
	v9 =	vmov s7  }
0x24: {  	v9 =	vand.u32 $0x3E, v9  }
0x25: {  	v9 =	vbroadcast v9, $0x0;
	v8 =	vld.idx.msk [tilespmem:v8+s17+$0x0], $0xffff  }
0x26: {  	s30 =	simm.s32 $0x5940;
	v12 =	vor.u32 v1, v15  }
0x27: {  	s10 =	simm.s32 $0x80;
	s1 =	simm.s32 $0x0;
	[tilespmem:s30+$0xFFFFFFC0] =	vst v10;
	v10 =	vor.u32 v0, v9  }
0x28: {  	s1 =	sand.u32 $0x1C00, s1;
	s0 =	sand.u32 $0x380, s10;
	v11 =	vld.idx.msk [tilespmem:v11+s17+$0x0], $0xffff  }
0x29: {  	s12 =	simm.s32 $0x3;
	v13 =	vor.u32 v2, v14;
	s10 =	sor.u32 s0, s1  }
0x2a: {  	[tilespmem:s10+$0x5900] =	vst v8;
	v8 =	vmov s12  }
0x2b: {  	v12 =	vld.idx.msk [tilespmem:v12+s17+$0x0], $0xffff;
	v8 =	vand.u32 $0x3F, v8  }
0x2c: {  	s13 =	simm.s32 $0x4;
	v17 =	vor.u32 v2, v15;
	v16 =	vld.idx.msk [tilespmem:v10+s17+$0x0], $0xffff;
	v10 =	vbroadcast v8, $0x0  }
0x2d: {  	v8 =	vmov s13;
	[tilespmem:s30+$0xFFFFFFD0] =	vst v11;
	v11 =	vor.u32 v1, v9  }
0x2e: {  	v8 =	vand.u32 $0x3E, v8;
	v13 =	vld.idx.msk [tilespmem:v13+s17+$0x0], $0xffff;
	v18 =	vor.u32 v0, v10  }
0x2f: {  	v19 =	vor.u32 v3, v14;
	v8 =	vbroadcast v8, $0x0  }
0x30: {  	s1 =	simm.s32 $0x5A40;
	[tilespmem:s10+$0x5910] =	vst v12  }
0x31: {  	v12 =	vor.u32 v0, v8;
	[tilespmem:s1+$0xFFFFFFC0] =	vst v16;
	v16 =	vld.idx.msk [tilespmem:v17+s17+$0x0], $0xffff  }
0x32: {  	v17 =	vor.u32 v3, v15;
	v11 =	vld.idx.msk [tilespmem:v11+s17+$0x0], $0xffff  }
0x33: {  	[tilespmem:s30+$0xFFFFFFE0] =	vst v13;
	v13 =	vor.u32 v2, v9;
	v18 =	vld.idx.msk [tilespmem:v18+s17+$0x0], $0xffff  }
0x34: {  	v20 =	vor.u32 v1, v10;
	v19 =	vld.idx.msk [tilespmem:v19+s17+$0x0], $0xffff  }
0x35: {  	s14 =	simm.s32 $0x180;
	s3 =	simm.s32 $0x100;
	v21 =	vor.u32 v4, v14  }
0x36: {  	s3 =	sand.u32 $0x1C00, s3;
	s0 =	sand.u32 $0x380, s14;
	v12 =	vld.idx.msk [tilespmem:v12+s17+$0x0], $0xffff;
	[tilespmem:s10+$0x5920] =	vst v16  }
0x37: {  	s15 =	simm.s32 $0x5;
	s3 =	sor.u32 s0, s3;
	v16 =	vor.u32 v1, v8;
	[tilespmem:s1+$0xFFFFFFD0] =	vst v11;
	v17 =	vld.idx.msk [tilespmem:v17+s17+$0x0], $0xffff  }
0x38: {  	s7 =	simm.s32 $0x6;
	v11 =	vmov s15;
	v13 =	vld.idx.msk [tilespmem:v13+s17+$0x0], $0xffff;
	[tilespmem:s3+$0x5900] =	vst v18;
	v18 =	vor.u32 v4, v15  }
0x39: {  	v22 =	vmov s7;
	v11 =	vand.u32 $0x3F, v11;
	[tilespmem:s30+$0xFFFFFFF0] =	vst v19;
	v19 =	vor.u32 v3, v9;
	v20 =	vld.idx.msk [tilespmem:v20+s17+$0x0], $0xffff  }
0x3a: {  	s0 =	simm.s32 $0x5B40;
	v22 =	vand.u32 $0x3E, v22;
	v23 =	vor.u32 v2, v10;
	v11 =	vbroadcast v11, $0x0;
	v21 =	vld.idx.msk [tilespmem:v21+s17+$0x0], $0xffff  }
0x3b: {  	v24 =	vor.u32 v5, v14;
	[tilespmem:s0+$0xFFFFFFC0] =	vst v12;
	v12 =	vbroadcast v22, $0x0  }
0x3c: {  	v16 =	vld.idx.msk [tilespmem:v16+s17+$0x0], $0xffff;
	v22 =	vor.u32 v0, v11;
	[tilespmem:s10+$0x5930] =	vst v17  }
0x3d: {  	v17 =	vor.u32 v0, v12;
	[tilespmem:s1+$0xFFFFFFE0] =	vst v13;
	v13 =	vld.idx.msk [tilespmem:v18+s17+$0x0], $0xffff  }
0x3e: {  	v18 =	vld.idx.msk [tilespmem:v19+s17+$0x0], $0xffff;
	[tilespmem:s3+$0x5910] =	vst v20;
	v19 =	vor.u32 v5, v15  }
0x3f: {  	[tilespmem:s30+$0x0] =	vst v21;
	v20 =	vld.idx.msk [tilespmem:v23+s17+$0x0], $0xffff;
	v21 =	vor.u32 v2, v8  }
0x40: {  	v23 =	vld.idx.msk [tilespmem:v24+s17+$0x0], $0xffff;
	v24 =	vor.u32 v3, v10  }
0x41: {  	v25 =	vor.u32 v4, v9;
	v22 =	vld.idx.msk [tilespmem:v22+s17+$0x0], $0xffff  }
0x42: {  	v26 =	vor.u32 v1, v11;
	v17 =	vld.idx.msk [tilespmem:v17+s17+$0x0], $0xffff;
	[tilespmem:s10+$0x5940] =	vst v13  }
0x43: {  	s16 =	simm.s32 $0x280;
	s12 =	simm.s32 $0x200;
	[tilespmem:s0+$0xFFFFFFD0] =	vst v16;
	v13 =	vor.u32 v6, v14;
	v16 =	vld.idx.msk [tilespmem:v19+s17+$0x0], $0xffff  }
0x44: {  	s7 =	sand.u32 $0x380, s16;
	s12 =	sand.u32 $0x1C00, s12;
	v19 =	vor.u32 v1, v12;
	v21 =	vld.idx.msk [tilespmem:v21+s17+$0x0], $0xffff;
	[tilespmem:s3+$0x5920] =	vst v20  }
0x45: {  	s7 =	sor.u32 s7, s12;
	[tilespmem:s1+$0xFFFFFFF0] =	vst v18;
	v20 =	vor.u32 v6, v15;
	v18 =	vld.idx.msk [tilespmem:v24+s17+$0x0], $0xffff  }
0x46: {  	s25 =	simm.s32 $0x7;
	v24 =	vor.u32 v3, v8;
	[tilespmem:s7+$0x5900] =	vst v22;
	v22 =	vld.idx.msk [tilespmem:v25+s17+$0x0], $0xffff  }
0x47: {  	s13 =	simm.s32 $0x5C40;
	[tilespmem:s30+$0x10] =	vst v23;
	v23 =	vmov s25;
	v25 =	vld.idx.msk [tilespmem:v26+s17+$0x0], $0xffff;
	v26 =	vor.u32 v4, v10  }
0x48: {  	s26 =	simm.s32 $0x8;
	[tilespmem:s13+$0xFFFFFFC0] =	vst v17;
	v17 =	vand.u32 $0x3F, v23;
	v23 =	vor.u32 v5, v9;
	v27 =	vld.idx.msk [tilespmem:v13+s17+$0x0], $0xffff  }
0x49: {  	v28 =	vmov s26;
	v13 =	vbroadcast v17, $0x0;
	v17 =	vor.u32 v2, v11;
	v19 =	vld.idx.msk [tilespmem:v19+s17+$0x0], $0xffff;
	[tilespmem:s10+$0x5950] =	vst v16  }
0x4a: {  	v16 =	vand.u32 $0x3E, v28;
	[tilespmem:s0+$0xFFFFFFE0] =	vst v21;
	v21 =	vor.u32 v7, v14;
	v20 =	vld.idx.msk [tilespmem:v20+s17+$0x0], $0xffff  }
0x4b: {  	v14 =	vbroadcast v16, $0x0;
	v16 =	vor.u32 v0, v13;
	v24 =	vld.idx.msk [tilespmem:v24+s17+$0x0], $0xffff;
	[tilespmem:s3+$0x5930] =	vst v18  }
0x4c: {  	v15 =	vor.u32 v7, v15;
	[tilespmem:s1+$0x0] =	vst v22;
	v18 =	vld.idx.msk [tilespmem:v26+s17+$0x0], $0xffff  }
0x4d: {  	[tilespmem:s7+$0x5910] =	vst v25;
	v23 =	vld.idx.msk [tilespmem:v23+s17+$0x0], $0xffff;
	v25 =	vor.u32 v5, v10  }
0x4e: {  	v22 =	vor.u32 v0, v14;
	v26 =	vld.idx.msk [tilespmem:v17+s17+$0x0], $0xffff;
	[tilespmem:s30+$0x20] =	vst v27  }
0x4f: {  	v30 =	vor.u32 v4, v8;
	[tilespmem:s13+$0xFFFFFFD0] =	vst v19;
	v27 =	vld.idx.msk [tilespmem:v21+s17+$0x0], $0xffff  }
0x50: {  	v19 =	vor.u32 v2, v12;
	v63 =	vld.idx.msk [tilespmem:v16+s17+$0x0], $0xffff;
	[tilespmem:s10+$0x5960] =	vst v20  }
0x51: {  	v29 =	vor.u32 v3, v11;
	v17 =	vld.idx.msk [tilespmem:v15+s17+$0x0], $0xffff;
	[tilespmem:s3+$0x5940] =	vst v18  }
0x52: {  	[tilespmem:s0+$0xFFFFFFF0] =	vst v24;
	v16 =	vld.idx.msk [tilespmem:v25+s17+$0x0], $0xffff;
	v25 =	vor.u32 v1, v13  }
0x53: {  	s31 =	simm.s32 $0x300;
	s14 =	simm.s32 $0x380;
	v21 =	vld.idx.msk [tilespmem:v22+s17+$0x0], $0xffff;
	[tilespmem:s1+$0x10] =	vst v23;
	v23 =	vor.u32 v6, v9  }
0x54: {  	s16 =	sand.u32 $0x380, s14;
	s15 =	sand.u32 $0x1C00, s31;
	v24 =	vor.u32 v1, v14;
	v22 =	vld.idx.msk [tilespmem:v30+s17+$0x0], $0xffff;
	[tilespmem:s7+$0x5920] =	vst v26  }
0x55: {  	s12 =	sshll.u32 s29, $0x10;
	s15 =	sor.u32 s16, s15;
	v18 =	vld.idx.msk [tilespmem:v19+s17+$0x0], $0xffff;
	v19 =	vor.u32 v6, v10;
	[tilespmem:s30+$0x30] =	vst v27  }
0x56: {  	s16 =	simm.s32 $0xA;
	s25 =	simm.s32 $0x9;
	v20 =	vor.u32 v3, v12;
	v15 =	vld.idx.msk [tilespmem:v29+s17+$0x0], $0xffff;
	[tilespmem:s15+$0x5900] =	vst v63;
	s30 =	simm.s32 $0x5C40  }
.LBB2_3:
0x57: {  	p1 =	slt.u32 s16, $0x3E;
	v26 =	vmov s25;
	v25 =	vld.idx.msk [tilespmem:v25+s17+$0x0], $0xffff;
	s13 =	sadd.s32 $0x100, s13;
	v27 =	vor.u32 v4, v11;
	[tilespmem:s10+$0x5970] =	vst v17;
	s10 =	smov.u32 s3  }
0x58: {  	s3 =	smov.u32 s7;
	s7 =	smov.u32 s15;
	[tilespmem:s13+$0xFFFFFFC0] =	vst v21;
	v17 =	vand.u32 $0x3F, v26;
	v21 =	vor.u32 v5, v8;
	v23 =	vld.idx.msk [tilespmem:v23+s17+$0x0], $0xffff  }
0x59: {  	v28 =	vor.u32 v2, v13;
	v26 =	vmov s16;
	v24 =	vld.idx.msk [tilespmem:v24+s17+$0x0], $0xffff;
	v17 =	vbroadcast v17, $0x0;
	[tilespmem:s10+$0x5950] =	vst v16  }
0x5a: {  	v16 =	vand.u32 $0x3E, v26;
	[tilespmem:s30+$0xFFFFFFE0] =	vst v18;
	v18 =	vor.u32 v7, v9;
	v19 =	vld.idx.msk [tilespmem:v19+s17+$0x0], $0xffff;
	v9 =	vmovc v8;
	v8 =	vmov v12  }
0x5b: {  	v12 =	vmov v14;
	v14 =	vbroadcast v16, $0x0;
	v26 =	vor.u32 v0, v17;
	v20 =	vld.idx.msk [tilespmem:v20+s17+$0x0], $0xffff;
	[tilespmem:s3+$0x5930] =	vst v15  }
0x5c: {  	v16 =	vor.u32 v7, v10;
	v10 =	vmovc v11;
	v11 =	vmov v13;
	v13 =	vmov v17;
	[tilespmem:s0+$0x0] =	vst v22;
	v15 =	vld.idx.msk [tilespmem:v27+s17+$0x0], $0xffff  }
0x5d: {  	v22 =	vor.u32 v0, v14;
	[tilespmem:s7+$0x5910] =	vst v25;
	v27 =	vld.idx.msk [tilespmem:v21+s17+$0x0], $0xffff  }
0x5e: {  	v29 =	vor.u32 v5, v10;
	v28 =	vld.idx.msk [tilespmem:v28+s17+$0x0], $0xffff;
	[tilespmem:s1+$0x20] =	vst v23  }
0x5f: {  	v30 =	vor.u32 v2, v12;
	[tilespmem:s13+$0xFFFFFFD0] =	vst v24;
	v31 =	vld.idx.msk [tilespmem:v18+s17+$0x0], $0xffff  }
0x60: {  	v32 =	vor.u32 v3, v11;
	v26 =	vld.idx.msk [tilespmem:v26+s17+$0x0], $0xffff;
	[tilespmem:s10+$0x5960] =	vst v19  }
0x61: {  	v33 =	vor.u32 v4, v8;
	[tilespmem:s30+$0xFFFFFFF0] =	vst v20;
	v17 =	vld.idx.msk [tilespmem:v16+s17+$0x0], $0xffff  }
.Ltmp0:
0x62: {  	s14 =	sadd.s32 $0x100, s14;
	v25 =	vor.u32 v1, v13;
	v21 =	vld.idx.msk [tilespmem:v22+s17+$0x0], $0xffff;
	[tilespmem:s3+$0x5940] =	vst v15;
	(pc) =	sbr.rel @p1 .LBB2_3-.Ltmp0, $4  }
0x63: {  	s15 =	sadd.s32 $0xFFFFFF80, s14;
	v23 =	vor.u32 v6, v9;
	[tilespmem:s0+$0x10] =	vst v27;
	v16 =	vld.idx.msk [tilespmem:v29+s17+$0x0], $0xffff  }
0x64: {  	s25 =	sand.u32 $0x380, s14;
	s15 =	sand.u32 $0x1C00, s15;
	v24 =	vor.u32 v1, v14;
	v18 =	vld.idx.msk [tilespmem:v30+s17+$0x0], $0xffff;
	[tilespmem:s7+$0x5920] =	vst v28  }
0x65: {  	s15 =	sor.u32 s25, s15;
	v19 =	vor.u32 v6, v10;
	v15 =	vld.idx.msk [tilespmem:v32+s17+$0x0], $0xffff;
	[tilespmem:s1+$0x30] =	vst v31;
	s1 =	smov.u32 s0;
	s0 =	smov.u32 s30  }
0x66: {  	s25 =	sadd.s32 $0x1, s16;
	s16 =	sadd.s32 $0x2, s16;
	v20 =	vor.u32 v3, v12;
	s30 =	smov.u32 s13;
	[tilespmem:s15+$0x5900] =	vst v26;
	v22 =	vld.idx.msk [tilespmem:v33+s17+$0x0], $0xffff  }
0x67: {  	v26 =	vmov s25  }
0x68: {  	v26 =	vand.u32 $0x3F, v26  }
0x69: {  	v26 =	vbroadcast v26, $0x0;
	_ =	sdelay $0x1  }
0x6a: {  	v27 =	vor.u32 v0, v26;
	_ =	sdelay $0x4  }
0x6b: {  	v27 =	vld.idx.msk [tilespmem:v27+s17+$0x0], $0xffff  }
0x6c: {  	s14 =	sadd.s32 $0x100, s14;
	v28 =	vor.u32 v1, v26  }
0x6d: {  	s16 =	sadd.s32 $0xFFFFFF80, s14  }
0x6e: {  	s13 =	sadd.s32 $0x100, s13;
	[tilespmem:s10+$0x5970] =	vst v17;
	s14 =	sand.u32 $0x380, s14;
	s16 =	sand.u32 $0x1C00, s16  }
0x6f: {  	v25 =	vld.idx.msk [tilespmem:v25+s17+$0x0], $0xffff;
	[tilespmem:s13+$0xFFFFFFC0] =	vst v21;
	s14 =	sor.u32 s14, s16  }
0x70: {  	v21 =	vld.idx.msk [tilespmem:v24+s17+$0x0], $0xffff;
	v24 =	vor.u32 v2, v13;
	[tilespmem:s14+$0x5900] =	vst v27  }
0x71: {  	v17 =	vor.u32 v2, v14;
	[tilespmem:s3+$0x5950] =	vst v16;
	v27 =	vld.idx.msk [tilespmem:v28+s17+$0x0], $0xffff  }
0x72: {  	[tilespmem:s30+$0xFFFFFFE0] =	vst v18;
	v16 =	vor.u32 v2, v26  }
0x73: {  	v18 =	vld.idx.msk [tilespmem:v23+s17+$0x0], $0xffff;
	[tilespmem:s7+$0x5930] =	vst v15  }
0x74: {  	v23 =	vor.u32 v4, v11;
	v19 =	vld.idx.msk [tilespmem:v19+s17+$0x0], $0xffff;
	[tilespmem:s15+$0x5910] =	vst v25  }
0x75: {  	v9 =	vor.u32 v7, v9;
	v24 =	vld.idx.msk [tilespmem:v24+s17+$0x0], $0xffff;
	[tilespmem:s13+$0xFFFFFFD0] =	vst v21  }
0x76: {  	v21 =	vor.u32 v3, v13;
	v17 =	vld.idx.msk [tilespmem:v17+s17+$0x0], $0xffff;
	[tilespmem:s14+$0x5910] =	vst v27  }
0x77: {  	v15 =	vor.u32 v3, v14;
	[tilespmem:s0+$0x0] =	vst v22;
	v16 =	vld.idx.msk [tilespmem:v16+s17+$0x0], $0xffff  }
0x78: {  	v20 =	vld.idx.msk [tilespmem:v20+s17+$0x0], $0xffff;
	v22 =	vor.u32 v3, v26;
	[tilespmem:s1+$0x20] =	vst v18  }
0x79: {  	v10 =	vor.u32 v7, v10;
	v18 =	vld.idx.msk [tilespmem:v23+s17+$0x0], $0xffff;
	[tilespmem:s3+$0x5960] =	vst v19  }
0x7a: {  	v23 =	vor.u32 v4, v12;
	v9 =	vld.idx.msk [tilespmem:v9+s17+$0x0], $0xffff;
	[tilespmem:s15+$0x5920] =	vst v24  }
0x7b: {  	v25 =	vor.u32 v5, v8;
	v21 =	vld.idx.msk [tilespmem:v21+s17+$0x0], $0xffff;
	[tilespmem:s13+$0xFFFFFFE0] =	vst v17  }
0x7c: {  	v17 =	vor.u32 v4, v13;
	v15 =	vld.idx.msk [tilespmem:v15+s17+$0x0], $0xffff;
	[tilespmem:s14+$0x5920] =	vst v16  }
0x7d: {  	[tilespmem:s30+$0xFFFFFFF0] =	vst v20;
	v16 =	vor.u32 v4, v14;
	v19 =	vld.idx.msk [tilespmem:v22+s17+$0x0], $0xffff  }
0x7e: {  	v20 =	vor.u32 v4, v26;
	v10 =	vld.idx.msk [tilespmem:v10+s17+$0x0], $0xffff;
	[tilespmem:s7+$0x5940] =	vst v18  }
0x7f: {  	v18 =	vor.u32 v5, v11;
	v23 =	vld.idx.msk [tilespmem:v23+s17+$0x0], $0xffff;
	[tilespmem:s1+$0x30] =	vst v9  }
0x80: {  	[tilespmem:s15+$0x5930] =	vst v21;
	v21 =	vor.u32 v5, v12;
	v22 =	vld.idx.msk [tilespmem:v25+s17+$0x0], $0xffff  }
0x81: {  	v17 =	vld.idx.msk [tilespmem:v17+s17+$0x0], $0xffff;
	[tilespmem:s13+$0xFFFFFFF0] =	vst v15  }
0x82: {  	v15 =	vor.u32 v5, v13;
	v16 =	vld.idx.msk [tilespmem:v16+s17+$0x0], $0xffff;
	[tilespmem:s14+$0x5930] =	vst v19  }
0x83: {  	[tilespmem:s3+$0x5970] =	vst v10;
	v19 =	vor.u32 v5, v14;
	v20 =	vld.idx.msk [tilespmem:v20+s17+$0x0], $0xffff  }
0x84: {  	v9 =	vor.u32 v5, v26;
	v18 =	vld.idx.msk [tilespmem:v18+s17+$0x0], $0xffff;
	[tilespmem:s30+$0x0] =	vst v23  }
0x85: {  	v21 =	vld.idx.msk [tilespmem:v21+s17+$0x0], $0xffff;
	[tilespmem:s0+$0x10] =	vst v22;
	v22 =	vor.u32 v6, v8  }
0x86: {  	[tilespmem:s15+$0x5940] =	vst v17;
	v17 =	vor.u32 v6, v12  }
0x87: {  	v23 =	vor.u32 v6, v11;
	v15 =	vld.idx.msk [tilespmem:v15+s17+$0x0], $0xffff;
	[tilespmem:s13+$0x0] =	vst v16  }
0x88: {  	v16 =	vor.u32 v6, v13;
	v19 =	vld.idx.msk [tilespmem:v19+s17+$0x0], $0xffff;
	[tilespmem:s14+$0x5940] =	vst v20  }
0x89: {  	v10 =	vor.u32 v6, v14;
	[tilespmem:s7+$0x5950] =	vst v18;
	v9 =	vld.idx.msk [tilespmem:v9+s17+$0x0], $0xffff  }
0x8a: {  	v18 =	vor.u32 v6, v26;
	[tilespmem:s30+$0x10] =	vst v21;
	v20 =	vld.idx.msk [tilespmem:v22+s17+$0x0], $0xffff  }
0x8b: {  	v17 =	vld.idx.msk [tilespmem:v17+s17+$0x0], $0xffff;
	v8 =	vor.u32 v7, v8  }
0x8c: {  	v12 =	vor.u32 v7, v12;
	[tilespmem:s15+$0x5950] =	vst v15;
	v22 =	vld.idx.msk [tilespmem:v23+s17+$0x0], $0xffff  }
0x8d: {  	v11 =	vor.u32 v7, v11;
	v15 =	vld.idx.msk [tilespmem:v16+s17+$0x0], $0xffff;
	[tilespmem:s13+$0x10] =	vst v19  }
0x8e: {  	v13 =	vor.u32 v7, v13;
	v10 =	vld.idx.msk [tilespmem:v10+s17+$0x0], $0xffff;
	[tilespmem:s14+$0x5950] =	vst v9  }
0x8f: {  	[tilespmem:s0+$0x20] =	vst v20;
	v9 =	vor.u32 v7, v14;
	v14 =	vld.idx.msk [tilespmem:v18+s17+$0x0], $0xffff  }
0x90: {  	[tilespmem:s30+$0x20] =	vst v17;
	v16 =	vor.u32 v7, v26;
	v8 =	vld.idx.msk [tilespmem:v8+s17+$0x0], $0xffff  }
0x91: {  	v12 =	vld.idx.msk [tilespmem:v12+s17+$0x0], $0xffff;
	[tilespmem:s7+$0x5960] =	vst v22  }
0x92: {  	v11 =	vld.idx.msk [tilespmem:v11+s17+$0x0], $0xffff;
	[tilespmem:s15+$0x5960] =	vst v15  }
0x93: {  	v13 =	vld.idx.msk [tilespmem:v13+s17+$0x0], $0xffff;
	[tilespmem:s13+$0x20] =	vst v10  }
0x94: {  	v9 =	vld.idx.msk [tilespmem:v9+s17+$0x0], $0xffff;
	[tilespmem:s14+$0x5960] =	vst v14  }
0x95: {  	[tilespmem:s0+$0x30] =	vst v8;
	v8 =	vld.idx.msk [tilespmem:v16+s17+$0x0], $0xffff  }
0x96: {  	[tilespmem:s30+$0x30] =	vst v12  }
0x97: {  	p1 =	seq.s32 s29, $0x18;
	[tilespmem:s7+$0x5970] =	vst v11  }
0x98: {  	s0 =	sshll.u32 @!p1 s29, $0x8;
	[tilespmem:s15+$0x5970] =	vst v13  }
0x99: {  	s31 =	sor.u32 s8, s12;
	s1 =	simm.s32 @!p1 $0x80;
	s30 =	sand.u32 @!p1 $0x3FFFFF00, s0;
	[tilespmem:s13+$0x30] =	vst v9  }
0x9a: {  	s3 =	simm.s32 @!p1 $0x1900;
	s0 =	sadd.s32 @!p1 $0x100, s30;
	[tilespmem:s14+$0x5970] =	vst v8;
	s14 =	simm.s32 $0x0  }
0x9b: {  	[tilespmem:s3], [sflag:$0x1] =	stream.indirect.gather @!p1 [hbm4b:s4+s1], $0x40, s0, s1, $0xb8;
	v8 =	vmov s14;
	[tilespmem:$0x9900] =	vst v63  }
0x9c: {  	s16 =	simm.s32 $0x1;
	s15 =	sadd.s32 s2, s31;
	v8 =	vand.u32 $0x3E, v8  }
0x9d: {  	[hbm4b:s15+s20] =	stream.strided.scatter [tilespmem:s22], [sflag:$0x3], $0x2000, s21, s20, $0x38;
	v14 =	vbroadcast v8, $0x0;
	[tilespmem:$0x9900] =	vst v63  }
0x9e: {  	v8 =	vmov s16;
	_ =	swait.ge [sflag:s23], $0x2000  }
0x9f: {  	v8 =	vand.u32 $0x3F, v8;
	[sflag:s23] =	ssyncset.done $0x0;
	v9 =	vor.u32 v0, v14  }
0xa0: {  	s0 =	simm.s32 @!p0 $0x4;
	v15 =	vbroadcast v8, $0x0;
	[sflag:s23] =	ssyncadd.s32 $0xFFFFE000  }
0xa1: {  	_ =	swait.ge @!p0 [sflag:s0], $0x2000  }
0xa2: {  	v8 =	vor.u32 v0, v15;
	[sflag:s0] =	ssyncset.done @!p0 $0x0  }
0xa3: {  	[sflag:s0] =	ssyncadd.s32 @!p0 $0xFFFFE000  }
0xa4: {  	s25 =	simm.s32 $0x2;
	v10 =	vld.idx.msk [tilespmem:v9+s18+$0x0], $0xffff  }
0xa5: {  	v11 =	vor.u32 v1, v14;
	v9 =	vmov s25  }
0xa6: {  	v9 =	vand.u32 $0x3E, v9  }
0xa7: {  	v9 =	vbroadcast v9, $0x0;
	v8 =	vld.idx.msk [tilespmem:v8+s18+$0x0], $0xffff  }
0xa8: {  	s12 =	simm.s32 $0x7940;
	v12 =	vor.u32 v1, v15  }
0xa9: {  	s26 =	simm.s32 $0x80;
	s3 =	simm.s32 $0x0;
	[tilespmem:s12+$0xFFFFFFC0] =	vst v10;
	v10 =	vor.u32 v0, v9  }
0xaa: {  	s1 =	sand.u32 $0x1C00, s3;
	s0 =	sand.u32 $0x380, s26;
	v11 =	vld.idx.msk [tilespmem:v11+s18+$0x0], $0xffff  }
0xab: {  	s7 =	simm.s32 $0x3;
	v13 =	vor.u32 v2, v14;
	s10 =	sor.u32 s0, s1  }
0xac: {  	[tilespmem:s10+$0x7900] =	vst v8;
	v8 =	vmov s7  }
0xad: {  	v12 =	vld.idx.msk [tilespmem:v12+s18+$0x0], $0xffff;
	v8 =	vand.u32 $0x3F, v8  }
0xae: {  	s13 =	simm.s32 $0x4;
	v17 =	vor.u32 v2, v15;
	v16 =	vld.idx.msk [tilespmem:v10+s18+$0x0], $0xffff;
	v10 =	vbroadcast v8, $0x0  }
0xaf: {  	v8 =	vmov s13;
	[tilespmem:s12+$0xFFFFFFD0] =	vst v11;
	v11 =	vor.u32 v1, v9  }
0xb0: {  	v8 =	vand.u32 $0x3E, v8;
	v13 =	vld.idx.msk [tilespmem:v13+s18+$0x0], $0xffff;
	v18 =	vor.u32 v0, v10  }
0xb1: {  	v19 =	vor.u32 v3, v14;
	v8 =	vbroadcast v8, $0x0  }
0xb2: {  	s1 =	simm.s32 $0x7A40;
	[tilespmem:s10+$0x7910] =	vst v12  }
0xb3: {  	v12 =	vor.u32 v0, v8;
	[tilespmem:s1+$0xFFFFFFC0] =	vst v16;
	v16 =	vld.idx.msk [tilespmem:v17+s18+$0x0], $0xffff  }
0xb4: {  	v17 =	vor.u32 v3, v15;
	v11 =	vld.idx.msk [tilespmem:v11+s18+$0x0], $0xffff  }
0xb5: {  	[tilespmem:s12+$0xFFFFFFE0] =	vst v13;
	v13 =	vor.u32 v2, v9;
	v18 =	vld.idx.msk [tilespmem:v18+s18+$0x0], $0xffff  }
0xb6: {  	v20 =	vor.u32 v1, v10;
	v19 =	vld.idx.msk [tilespmem:v19+s18+$0x0], $0xffff  }
0xb7: {  	s14 =	simm.s32 $0x180;
	s15 =	simm.s32 $0x100;
	v21 =	vor.u32 v4, v14  }
0xb8: {  	s3 =	sand.u32 $0x1C00, s15;
	s0 =	sand.u32 $0x380, s14;
	v12 =	vld.idx.msk [tilespmem:v12+s18+$0x0], $0xffff;
	[tilespmem:s10+$0x7920] =	vst v16  }
0xb9: {  	s16 =	simm.s32 $0x5;
	s3 =	sor.u32 s0, s3;
	v16 =	vor.u32 v1, v8;
	[tilespmem:s1+$0xFFFFFFD0] =	vst v11;
	v17 =	vld.idx.msk [tilespmem:v17+s18+$0x0], $0xffff  }
0xba: {  	s25 =	simm.s32 $0x6;
	v11 =	vmov s16;
	v13 =	vld.idx.msk [tilespmem:v13+s18+$0x0], $0xffff;
	[tilespmem:s3+$0x7900] =	vst v18;
	v18 =	vor.u32 v4, v15  }
0xbb: {  	v22 =	vmov s25;
	v11 =	vand.u32 $0x3F, v11;
	[tilespmem:s12+$0xFFFFFFF0] =	vst v19;
	v19 =	vor.u32 v3, v9;
	v20 =	vld.idx.msk [tilespmem:v20+s18+$0x0], $0xffff  }
0xbc: {  	s0 =	simm.s32 $0x7B40;
	v22 =	vand.u32 $0x3E, v22;
	v23 =	vor.u32 v2, v10;
	v11 =	vbroadcast v11, $0x0;
	v21 =	vld.idx.msk [tilespmem:v21+s18+$0x0], $0xffff  }
0xbd: {  	v24 =	vor.u32 v5, v14;
	[tilespmem:s0+$0xFFFFFFC0] =	vst v12;
	v12 =	vbroadcast v22, $0x0  }
0xbe: {  	v16 =	vld.idx.msk [tilespmem:v16+s18+$0x0], $0xffff;
	v22 =	vor.u32 v0, v11;
	[tilespmem:s10+$0x7930] =	vst v17  }
0xbf: {  	v17 =	vor.u32 v0, v12;
	[tilespmem:s1+$0xFFFFFFE0] =	vst v13;
	v13 =	vld.idx.msk [tilespmem:v18+s18+$0x0], $0xffff  }
0xc0: {  	v18 =	vld.idx.msk [tilespmem:v19+s18+$0x0], $0xffff;
	[tilespmem:s3+$0x7910] =	vst v20;
	v19 =	vor.u32 v5, v15  }
0xc1: {  	[tilespmem:s12+$0x0] =	vst v21;
	v20 =	vld.idx.msk [tilespmem:v23+s18+$0x0], $0xffff;
	v21 =	vor.u32 v2, v8  }
0xc2: {  	v23 =	vld.idx.msk [tilespmem:v24+s18+$0x0], $0xffff;
	v24 =	vor.u32 v3, v10  }
0xc3: {  	v25 =	vor.u32 v4, v9;
	v22 =	vld.idx.msk [tilespmem:v22+s18+$0x0], $0xffff  }
0xc4: {  	v26 =	vor.u32 v1, v11;
	v17 =	vld.idx.msk [tilespmem:v17+s18+$0x0], $0xffff;
	[tilespmem:s10+$0x7940] =	vst v13  }
0xc5: {  	s26 =	simm.s32 $0x280;
	s14 =	simm.s32 $0x200;
	[tilespmem:s0+$0xFFFFFFD0] =	vst v16;
	v13 =	vor.u32 v6, v14;
	v16 =	vld.idx.msk [tilespmem:v19+s18+$0x0], $0xffff  }
0xc6: {  	s7 =	sand.u32 $0x380, s26;
	s13 =	sand.u32 $0x1C00, s14;
	v19 =	vor.u32 v1, v12;
	v21 =	vld.idx.msk [tilespmem:v21+s18+$0x0], $0xffff;
	[tilespmem:s3+$0x7920] =	vst v20  }
0xc7: {  	s7 =	sor.u32 s7, s13;
	[tilespmem:s1+$0xFFFFFFF0] =	vst v18;
	v20 =	vor.u32 v6, v15;
	v18 =	vld.idx.msk [tilespmem:v24+s18+$0x0], $0xffff  }
0xc8: {  	s15 =	simm.s32 $0x7;
	v24 =	vor.u32 v3, v8;
	[tilespmem:s7+$0x7900] =	vst v22;
	v22 =	vld.idx.msk [tilespmem:v25+s18+$0x0], $0xffff  }
0xc9: {  	s13 =	simm.s32 $0x7C40;
	[tilespmem:s12+$0x10] =	vst v23;
	v23 =	vmov s15;
	v25 =	vld.idx.msk [tilespmem:v26+s18+$0x0], $0xffff;
	v26 =	vor.u32 v4, v10  }
0xca: {  	s16 =	simm.s32 $0x8;
	[tilespmem:s13+$0xFFFFFFC0] =	vst v17;
	v17 =	vand.u32 $0x3F, v23;
	v23 =	vor.u32 v5, v9;
	v27 =	vld.idx.msk [tilespmem:v13+s18+$0x0], $0xffff  }
0xcb: {  	v62 =	vmov s16;
	v13 =	vbroadcast v17, $0x0;
	v17 =	vor.u32 v2, v11;
	v19 =	vld.idx.msk [tilespmem:v19+s18+$0x0], $0xffff;
	[tilespmem:s10+$0x7950] =	vst v16  }
0xcc: {  	v16 =	vand.u32 $0x3E, v62;
	[tilespmem:s0+$0xFFFFFFE0] =	vst v21;
	v21 =	vor.u32 v7, v14;
	v20 =	vld.idx.msk [tilespmem:v20+s18+$0x0], $0xffff  }
0xcd: {  	v14 =	vbroadcast v16, $0x0;
	v16 =	vor.u32 v0, v13;
	v24 =	vld.idx.msk [tilespmem:v24+s18+$0x0], $0xffff;
	[tilespmem:s3+$0x7930] =	vst v18  }
0xce: {  	v15 =	vor.u32 v7, v15;
	[tilespmem:s1+$0x0] =	vst v22;
	v18 =	vld.idx.msk [tilespmem:v26+s18+$0x0], $0xffff  }
0xcf: {  	[tilespmem:s7+$0x7910] =	vst v25;
	v23 =	vld.idx.msk [tilespmem:v23+s18+$0x0], $0xffff;
	v25 =	vor.u32 v5, v10  }
0xd0: {  	v22 =	vor.u32 v0, v14;
	v26 =	vld.idx.msk [tilespmem:v17+s18+$0x0], $0xffff;
	[tilespmem:s12+$0x20] =	vst v27  }
0xd1: {  	[tilespmem:s13+$0xFFFFFFD0] =	vst v19;
	v19 =	vor.u32 v2, v12;
	v21 =	vld.idx.msk [tilespmem:v21+s18+$0x0], $0xffff  }
0xd2: {  	v63 =	vor.u32 v3, v11;
	v27 =	vld.idx.msk [tilespmem:v16+s18+$0x0], $0xffff;
	[tilespmem:s10+$0x7960] =	vst v20  }
0xd3: {  	v29 =	vor.u32 v4, v8;
	v17 =	vld.idx.msk [tilespmem:v15+s18+$0x0], $0xffff;
	[tilespmem:s3+$0x7940] =	vst v18  }
0xd4: {  	[tilespmem:s0+$0xFFFFFFF0] =	vst v24;
	v16 =	vld.idx.msk [tilespmem:v25+s18+$0x0], $0xffff;
	v25 =	vor.u32 v1, v13  }
0xd5: {  	s25 =	simm.s32 $0x300;
	s14 =	simm.s32 $0x380;
	v22 =	vld.idx.msk [tilespmem:v22+s18+$0x0], $0xffff;
	[tilespmem:s1+$0x10] =	vst v23;
	v23 =	vor.u32 v6, v9  }
0xd6: {  	s26 =	sand.u32 $0x380, s14;
	s15 =	sand.u32 $0x1C00, s25;
	v24 =	vor.u32 v1, v14;
	[tilespmem:s7+$0x7920] =	vst v26;
	v18 =	vld.idx.msk [tilespmem:v19+s18+$0x0], $0xffff  }
0xd7: {  	s15 =	sor.u32 s26, s15;
	v15 =	vld.idx.msk [tilespmem:v63+s18+$0x0], $0xffff;
	v19 =	vor.u32 v6, v10;
	[tilespmem:s12+$0x30] =	vst v21  }
0xd8: {  	s16 =	simm.s32 $0xA;
	s25 =	simm.s32 $0x9;
	v20 =	vor.u32 v3, v12;
	[tilespmem:s15+$0x7900] =	vst v27;
	v21 =	vld.idx.msk [tilespmem:v29+s18+$0x0], $0xffff;
	s12 =	simm.s32 $0x7C40  }
.LBB2_5:
0xd9: {  	p0 =	slt.u32 s16, $0x3E;
	v26 =	vmov s25;
	v25 =	vld.idx.msk [tilespmem:v25+s18+$0x0], $0xffff;
	s13 =	sadd.s32 $0x100, s13;
	v27 =	vor.u32 v4, v11;
	[tilespmem:s10+$0x7970] =	vst v17;
	s10 =	smov.u32 s3  }
0xda: {  	s3 =	smov.u32 s7;
	s7 =	smov.u32 s15;
	[tilespmem:s13+$0xFFFFFFC0] =	vst v22;
	v17 =	vand.u32 $0x3F, v26;
	v22 =	vor.u32 v5, v8;
	v23 =	vld.idx.msk [tilespmem:v23+s18+$0x0], $0xffff  }
0xdb: {  	v28 =	vor.u32 v2, v13;
	v26 =	vmov s16;
	v24 =	vld.idx.msk [tilespmem:v24+s18+$0x0], $0xffff;
	v17 =	vbroadcast v17, $0x0;
	[tilespmem:s10+$0x7950] =	vst v16  }
0xdc: {  	v16 =	vand.u32 $0x3E, v26;
	[tilespmem:s12+$0xFFFFFFE0] =	vst v18;
	v18 =	vor.u32 v7, v9;
	v19 =	vld.idx.msk [tilespmem:v19+s18+$0x0], $0xffff;
	v9 =	vmovc v8;
	v8 =	vmov v12  }
0xdd: {  	v12 =	vmov v14;
	v14 =	vbroadcast v16, $0x0;
	v26 =	vor.u32 v0, v17;
	v20 =	vld.idx.msk [tilespmem:v20+s18+$0x0], $0xffff;
	[tilespmem:s3+$0x7930] =	vst v15  }
0xde: {  	v16 =	vor.u32 v7, v10;
	v10 =	vmovc v11;
	v11 =	vmov v13;
	v13 =	vmov v17;
	[tilespmem:s0+$0x0] =	vst v21;
	v15 =	vld.idx.msk [tilespmem:v27+s18+$0x0], $0xffff  }
0xdf: {  	v21 =	vor.u32 v0, v14;
	[tilespmem:s7+$0x7910] =	vst v25;
	v27 =	vld.idx.msk [tilespmem:v22+s18+$0x0], $0xffff  }
0xe0: {  	v29 =	vor.u32 v5, v10;
	v28 =	vld.idx.msk [tilespmem:v28+s18+$0x0], $0xffff;
	[tilespmem:s1+$0x20] =	vst v23  }
0xe1: {  	v30 =	vor.u32 v2, v12;
	[tilespmem:s13+$0xFFFFFFD0] =	vst v24;
	v31 =	vld.idx.msk [tilespmem:v18+s18+$0x0], $0xffff  }
0xe2: {  	v32 =	vor.u32 v3, v11;
	v26 =	vld.idx.msk [tilespmem:v26+s18+$0x0], $0xffff;
	[tilespmem:s10+$0x7960] =	vst v19  }
0xe3: {  	v33 =	vor.u32 v4, v8;
	[tilespmem:s12+$0xFFFFFFF0] =	vst v20;
	v17 =	vld.idx.msk [tilespmem:v16+s18+$0x0], $0xffff  }
.Ltmp1:
0xe4: {  	s14 =	sadd.s32 $0x100, s14;
	v25 =	vor.u32 v1, v13;
	v22 =	vld.idx.msk [tilespmem:v21+s18+$0x0], $0xffff;
	[tilespmem:s3+$0x7940] =	vst v15;
	(pc) =	sbr.rel @p0 .LBB2_5-.Ltmp1, $4  }
0xe5: {  	s15 =	sadd.s32 $0xFFFFFF80, s14;
	v23 =	vor.u32 v6, v9;
	[tilespmem:s0+$0x10] =	vst v27;
	v16 =	vld.idx.msk [tilespmem:v29+s18+$0x0], $0xffff  }
0xe6: {  	s25 =	sand.u32 $0x380, s14;
	s15 =	sand.u32 $0x1C00, s15;
	v24 =	vor.u32 v1, v14;
	v18 =	vld.idx.msk [tilespmem:v30+s18+$0x0], $0xffff;
	[tilespmem:s7+$0x7920] =	vst v28  }
0xe7: {  	s15 =	sor.u32 s25, s15;
	v19 =	vor.u32 v6, v10;
	v15 =	vld.idx.msk [tilespmem:v32+s18+$0x0], $0xffff;
	[tilespmem:s1+$0x30] =	vst v31;
	s1 =	smov.u32 s0;
	s0 =	smov.u32 s12  }
0xe8: {  	s25 =	sadd.s32 $0x1, s16;
	s16 =	sadd.s32 $0x2, s16;
	v20 =	vor.u32 v3, v12;
	s12 =	smov.u32 s13;
	[tilespmem:s15+$0x7900] =	vst v26;
	v21 =	vld.idx.msk [tilespmem:v33+s18+$0x0], $0xffff  }
0xe9: {  	v26 =	vmov s25  }
0xea: {  	v26 =	vand.u32 $0x3F, v26  }
0xeb: {  	v26 =	vbroadcast v26, $0x0;
	_ =	sdelay $0x1  }
0xec: {  	v27 =	vor.u32 v0, v26;
	_ =	sdelay $0x4  }
0xed: {  	v27 =	vld.idx.msk [tilespmem:v27+s18+$0x0], $0xffff  }
0xee: {  	s14 =	sadd.s32 $0x100, s14;
	v28 =	vor.u32 v1, v26  }
0xef: {  	s16 =	sadd.s32 $0xFFFFFF80, s14  }
0xf0: {  	s13 =	sadd.s32 $0x100, s13;
	s14 =	sand.u32 $0x380, s14;
	s16 =	sand.u32 $0x1C00, s16  }
0xf1: {  	v61 =	vld.idx.msk [tilespmem:v25+s18+$0x0], $0xffff;
	[tilespmem:s13+$0xFFFFFFC0] =	vst v22;
	s14 =	sor.u32 s14, s16  }
0xf2: {  	v62 =	vor.u32 v2, v13;
	v24 =	vld.idx.msk [tilespmem:v24+s18+$0x0], $0xffff;
	[tilespmem:s14+$0x7900] =	vst v27  }
0xf3: {  	[tilespmem:s10+$0x7970] =	vst v17;
	v63 =	vor.u32 v2, v14;
	v27 =	vld.idx.msk [tilespmem:v28+s18+$0x0], $0xffff  }
0xf4: {  	[tilespmem:s3+$0x7950] =	vst v16;
	v30 =	vor.u32 v2, v26  }
0xf5: {  	[tilespmem:s12+$0xFFFFFFE0] =	vst v18  }
0xf6: {  	v31 =	vld.idx.msk [tilespmem:v23+s18+$0x0], $0xffff;
	[tilespmem:s15+$0x7910] =	vst v61  }
0xf7: {  	v32 =	vor.u32 v4, v11;
	v33 =	vld.idx.msk [tilespmem:v62+s18+$0x0], $0xffff;
	[tilespmem:s13+$0xFFFFFFD0] =	vst v24  }
0xf8: {  	v34 =	vor.u32 v3, v13;
	v17 =	vld.idx.msk [tilespmem:v63+s18+$0x0], $0xffff;
	[tilespmem:s14+$0x7910] =	vst v27  }
0xf9: {  	v35 =	vor.u32 v3, v14;
	[tilespmem:s7+$0x7930] =	vst v15;
	v16 =	vld.idx.msk [tilespmem:v30+s18+$0x0], $0xffff  }
0xfa: {  	v19 =	vld.idx.msk [tilespmem:v19+s18+$0x0], $0xffff;
	[tilespmem:s0+$0x0] =	vst v21;
	v36 =	vor.u32 v3, v26  }
0xfb: {  	v37 =	vor.u32 v5, v8;
	v20 =	vld.idx.msk [tilespmem:v20+s18+$0x0], $0xffff;
	[tilespmem:s1+$0x20] =	vst v31  }
0xfc: {  	v9 =	vor.u32 v7, v9;
	v38 =	vld.idx.msk [tilespmem:v32+s18+$0x0], $0xffff;
	[tilespmem:s15+$0x7920] =	vst v33  }
0xfd: {  	v39 =	vor.u32 v4, v12;
	v23 =	vld.idx.msk [tilespmem:v34+s18+$0x0], $0xffff;
	[tilespmem:s13+$0xFFFFFFE0] =	vst v17  }
0xfe: {  	v40 =	vor.u32 v4, v13;
	v15 =	vld.idx.msk [tilespmem:v35+s18+$0x0], $0xffff;
	[tilespmem:s14+$0x7920] =	vst v16  }
0xff: {  	v41 =	vor.u32 v4, v14;
	[tilespmem:s3+$0x7960] =	vst v19;
	v42 =	vld.idx.msk [tilespmem:v36+s18+$0x0], $0xffff  }
0x100: {  	v44 =	vor.u32 v4, v26;
	v43 =	vld.idx.msk [tilespmem:v37+s18+$0x0], $0xffff;
	[tilespmem:s12+$0xFFFFFFF0] =	vst v20  }
0x101: {  	v10 =	vor.u32 v7, v10;
	v9 =	vld.idx.msk [tilespmem:v9+s18+$0x0], $0xffff;
	[tilespmem:s7+$0x7940] =	vst v38  }
0x102: {  	v45 =	vor.u32 v5, v11;
	v22 =	vld.idx.msk [tilespmem:v39+s18+$0x0], $0xffff;
	[tilespmem:s15+$0x7930] =	vst v23  }
0x103: {  	v46 =	vor.u32 v5, v12;
	v17 =	vld.idx.msk [tilespmem:v40+s18+$0x0], $0xffff;
	[tilespmem:s13+$0xFFFFFFF0] =	vst v15  }
0x104: {  	v47 =	vor.u32 v5, v13;
	v16 =	vld.idx.msk [tilespmem:v41+s18+$0x0], $0xffff;
	[tilespmem:s14+$0x7930] =	vst v42  }
0x105: {  	v48 =	vor.u32 v5, v14;
	[tilespmem:s0+$0x10] =	vst v43;
	v20 =	vld.idx.msk [tilespmem:v44+s18+$0x0], $0xffff  }
0x106: {  	v49 =	vor.u32 v5, v26;
	v10 =	vld.idx.msk [tilespmem:v10+s18+$0x0], $0xffff;
	[tilespmem:s1+$0x30] =	vst v9  }
0x107: {  	v50 =	vor.u32 v6, v8;
	v18 =	vld.idx.msk [tilespmem:v45+s18+$0x0], $0xffff;
	[tilespmem:s12+$0x0] =	vst v22  }
0x108: {  	v51 =	vor.u32 v6, v11;
	v23 =	vld.idx.msk [tilespmem:v46+s18+$0x0], $0xffff;
	[tilespmem:s15+$0x7940] =	vst v17  }
0x109: {  	v52 =	vor.u32 v6, v12;
	v15 =	vld.idx.msk [tilespmem:v47+s18+$0x0], $0xffff;
	[tilespmem:s13+$0x0] =	vst v16  }
0x10a: {  	v53 =	vor.u32 v6, v13;
	v19 =	vld.idx.msk [tilespmem:v48+s18+$0x0], $0xffff;
	[tilespmem:s14+$0x7940] =	vst v20  }
0x10b: {  	v54 =	vor.u32 v6, v14;
	[tilespmem:s3+$0x7970] =	vst v10;
	v9 =	vld.idx.msk [tilespmem:v49+s18+$0x0], $0xffff  }
0x10c: {  	v56 =	vor.u32 v6, v26;
	v55 =	vld.idx.msk [tilespmem:v50+s18+$0x0], $0xffff;
	[tilespmem:s7+$0x7950] =	vst v18  }
0x10d: {  	v8 =	vor.u32 v7, v8;
	v57 =	vld.idx.msk [tilespmem:v51+s18+$0x0], $0xffff;
	[tilespmem:s12+$0x10] =	vst v23  }
0x10e: {  	v58 =	vor.u32 v7, v11;
	v17 =	vld.idx.msk [tilespmem:v52+s18+$0x0], $0xffff;
	[tilespmem:s15+$0x7950] =	vst v15  }
0x10f: {  	v59 =	vor.u32 v7, v12;
	v15 =	vld.idx.msk [tilespmem:v53+s18+$0x0], $0xffff;
	[tilespmem:s13+$0x10] =	vst v19  }
0x110: {  	v60 =	vor.u32 v7, v13;
	v10 =	vld.idx.msk [tilespmem:v54+s18+$0x0], $0xffff;
	[tilespmem:s14+$0x7950] =	vst v9  }
0x111: {  	v61 =	vor.u32 v7, v14;
	[tilespmem:s0+$0x20] =	vst v55;
	v62 =	vld.idx.msk [tilespmem:v56+s18+$0x0], $0xffff  }
0x112: {  	v63 =	vor.u32 v7, v26;
	v8 =	vld.idx.msk [tilespmem:v8+s18+$0x0], $0xffff;
	[tilespmem:s7+$0x7960] =	vst v57  }
0x113: {  	v11 =	vld.idx.msk [tilespmem:v58+s18+$0x0], $0xffff;
	[tilespmem:s12+$0x20] =	vst v17  }
0x114: {  	v12 =	vld.idx.msk [tilespmem:v59+s18+$0x0], $0xffff;
	[tilespmem:s15+$0x7960] =	vst v15  }
0x115: {  	v13 =	vld.idx.msk [tilespmem:v60+s18+$0x0], $0xffff;
	[tilespmem:s13+$0x20] =	vst v10  }
0x116: {  	v9 =	vld.idx.msk [tilespmem:v61+s18+$0x0], $0xffff;
	[tilespmem:s14+$0x7960] =	vst v62  }
0x117: {  	[tilespmem:s0+$0x30] =	vst v8;
	v8 =	vld.idx.msk [tilespmem:v63+s18+$0x0], $0xffff  }
0x118: {  	[tilespmem:s7+$0x7970] =	vst v11  }
0x119: {  	s29 =	sadd.s32 $0x1, s29;
	[tilespmem:s12+$0x30] =	vst v12  }
0x11a: {  	p0 =	sne.s32 s29, $0x19;
	[tilespmem:s15+$0x7970] =	vst v13  }
.Ltmp2:
0x11b: {  	[tilespmem:s13+$0x30] =	vst v9;
	(pc) =	sbr.rel @p0 .LBB2_2-.Ltmp2, $4  }
0x11c: {  	s1 =	simm.s32 @!p1 $0x80;
	s3 =	simm.s32 @!p1 $0x3900;
	s0 =	sadd.s32 @!p1 $0x180, s30;
	[tilespmem:s14+$0x7970] =	vst v8  }
0x11d: {  	[tilespmem:s3], [sflag:$0x2] =	stream.indirect.gather @!p1 [hbm4b:s4+s1], $0x40, s0, s1, $0xb8;
	[tilespmem:$0x9900] =	vst v63  }
0x11e: {  	s31 =	sadd.s32 s31, s9  }
0x11f: {  	[hbm4b:s31+s20] =	stream.strided.scatter [tilespmem:s24], [sflag:$0x4], $0x2000, s21, s20, $0x38;
	[tilespmem:$0x9900] =	vst v63  }
0x120: {  	s0 =	simm.s32 $0x3  }
0x121: {  	_ =	swait.ge [sflag:s0], $0x2000  }
0x122: {  	[sflag:s0] =	ssyncset.done $0x0  }
0x123: {  	s25 =	simm.s32 $0x4;
	[sflag:s0] =	ssyncadd.s32 $0xFFFFE000  }
0x124: {  	s29 =	simm.s32 $0x0;
	_ =	swait.ge [sflag:s25], $0x2000  }
0x125: {  	s1 =	simm.s32 $0x80;
	s3 =	simm.s32 $0x1000;
	[sflag:s25] =	ssyncset.done $0x0  }
0x126: {  	s31 =	simm.s32 $0x5;
	s26 =	rddreg [dreg:$0x4];
	[sflag:s25] =	ssyncadd.s32 $0xFFFFE000  }
0x127: {  	[tilespmem:s29], [sflag:$0x5] =	stream.strided.gather [hbm4b:s26+s1], $0x1900, s3, s1, $0x38;
	[tilespmem:$0x9900] =	vst v63  }
0x128: {  	_ =	swait.ge [sflag:s31], $0x1900  }
0x129: {  	[sflag:s31] =	ssyncset.done $0x0  }
0x12a: {  	[sflag:s31] =	ssyncadd.s32 $0xFFFFE700  }
0x12b: {  	[tilespmem:s17], [sflag:$0x1] =	stream.indirect.gather [hbm4b:s5+s1], $0x40, s29, s1, $0xb8;
	[tilespmem:$0x9900] =	vst v63  }
0x12c: {  	s30 =	simm.s32 $0x0  }
0x12d: {  	[tilespmem:s18], [sflag:$0x2] =	stream.indirect.gather [hbm4b:s5+s1], $0x40, s1, s1, $0xb8;
	[tilespmem:$0x9900] =	vst v63  }
.LBB2_8:
0x12e: {  	v8 =	vmov s29  }
0x12f: {  	v8 =	vand.u32 $0x3E, v8  }
0x130: {  	s0 =	simm.s32 $0x1;
	v14 =	vbroadcast v8, $0x0  }
0x131: {  	_ =	swait.ge [sflag:s19], $0x2000;
	v8 =	vmov s0  }
0x132: {  	p0 =	seq.s32 s30, $0x0;
	[sflag:s19] =	ssyncset.done $0x0;
	v8 =	vand.u32 $0x3F, v8;
	v9 =	vor.u32 v0, v14  }
0x133: {  	[sflag:s19] =	ssyncadd.s32 $0xFFFFE000;
	s0 =	simm.s32 @!p0 $0x3;
	v15 =	vbroadcast v8, $0x0  }
0x134: {  	_ =	swait.ge @!p0 [sflag:s0], $0x2000  }
0x135: {  	[sflag:s0] =	ssyncset.done @!p0 $0x0;
	v8 =	vor.u32 v0, v15  }
0x136: {  	[sflag:s0] =	ssyncadd.s32 @!p0 $0xFFFFE000  }
0x137: {  	s1 =	simm.s32 $0x2;
	v10 =	vld.idx.msk [tilespmem:v9+s17+$0x0], $0xffff  }
0x138: {  	v11 =	vor.u32 v1, v14;
	v9 =	vmov s1  }
0x139: {  	v9 =	vand.u32 $0x3E, v9  }
0x13a: {  	v9 =	vbroadcast v9, $0x0;
	v8 =	vld.idx.msk [tilespmem:v8+s17+$0x0], $0xffff  }
0x13b: {  	s31 =	simm.s32 $0x5940;
	v12 =	vor.u32 v1, v15  }
0x13c: {  	s3 =	simm.s32 $0x80;
	s1 =	simm.s32 $0x0;
	[tilespmem:s31+$0xFFFFFFC0] =	vst v10;
	v10 =	vor.u32 v0, v9  }
0x13d: {  	s0 =	sand.u32 $0x380, s3;
	s1 =	sand.u32 $0x1C00, s1;
	v11 =	vld.idx.msk [tilespmem:v11+s17+$0x0], $0xffff  }
0x13e: {  	s7 =	simm.s32 $0x3;
	v13 =	vor.u32 v2, v14;
	s10 =	sor.u32 s0, s1  }
0x13f: {  	[tilespmem:s10+$0x5900] =	vst v8;
	v8 =	vmov s7  }
0x140: {  	v12 =	vld.idx.msk [tilespmem:v12+s17+$0x0], $0xffff;
	v8 =	vand.u32 $0x3F, v8  }
0x141: {  	s12 =	simm.s32 $0x4;
	v17 =	vor.u32 v2, v15;
	v16 =	vld.idx.msk [tilespmem:v10+s17+$0x0], $0xffff;
	v10 =	vbroadcast v8, $0x0  }
0x142: {  	v8 =	vmov s12;
	[tilespmem:s31+$0xFFFFFFD0] =	vst v11;
	v11 =	vor.u32 v1, v9  }
0x143: {  	v8 =	vand.u32 $0x3E, v8;
	v13 =	vld.idx.msk [tilespmem:v13+s17+$0x0], $0xffff;
	v18 =	vor.u32 v0, v10  }
0x144: {  	v19 =	vor.u32 v3, v14;
	v8 =	vbroadcast v8, $0x0  }
0x145: {  	s1 =	simm.s32 $0x5A40;
	[tilespmem:s10+$0x5910] =	vst v12  }
0x146: {  	v12 =	vor.u32 v0, v8;
	[tilespmem:s1+$0xFFFFFFC0] =	vst v16;
	v16 =	vld.idx.msk [tilespmem:v17+s17+$0x0], $0xffff  }
0x147: {  	v17 =	vor.u32 v3, v15;
	v11 =	vld.idx.msk [tilespmem:v11+s17+$0x0], $0xffff  }
0x148: {  	[tilespmem:s31+$0xFFFFFFE0] =	vst v13;
	v13 =	vor.u32 v2, v9;
	v18 =	vld.idx.msk [tilespmem:v18+s17+$0x0], $0xffff  }
0x149: {  	v20 =	vor.u32 v1, v10;
	v19 =	vld.idx.msk [tilespmem:v19+s17+$0x0], $0xffff  }
0x14a: {  	s13 =	simm.s32 $0x180;
	v21 =	vor.u32 v4, v14;
	s3 =	simm.s32 $0x100  }
0x14b: {  	s3 =	sand.u32 $0x1C00, s3;
	s0 =	sand.u32 $0x380, s13;
	v12 =	vld.idx.msk [tilespmem:v12+s17+$0x0], $0xffff;
	[tilespmem:s10+$0x5920] =	vst v16  }
0x14c: {  	s14 =	simm.s32 $0x5;
	s3 =	sor.u32 s0, s3;
	v16 =	vor.u32 v1, v8;
	[tilespmem:s1+$0xFFFFFFD0] =	vst v11;
	v17 =	vld.idx.msk [tilespmem:v17+s17+$0x0], $0xffff  }
0x14d: {  	s7 =	simm.s32 $0x6;
	v11 =	vmov s14;
	v13 =	vld.idx.msk [tilespmem:v13+s17+$0x0], $0xffff;
	[tilespmem:s3+$0x5900] =	vst v18;
	v18 =	vor.u32 v4, v15  }
0x14e: {  	v22 =	vmov s7;
	v11 =	vand.u32 $0x3F, v11;
	[tilespmem:s31+$0xFFFFFFF0] =	vst v19;
	v19 =	vor.u32 v3, v9;
	v20 =	vld.idx.msk [tilespmem:v20+s17+$0x0], $0xffff  }
0x14f: {  	s0 =	simm.s32 $0x5B40;
	v22 =	vand.u32 $0x3E, v22;
	v23 =	vor.u32 v2, v10;
	v11 =	vbroadcast v11, $0x0;
	v21 =	vld.idx.msk [tilespmem:v21+s17+$0x0], $0xffff  }
0x150: {  	v24 =	vor.u32 v5, v14;
	[tilespmem:s0+$0xFFFFFFC0] =	vst v12;
	v12 =	vbroadcast v22, $0x0  }
0x151: {  	v16 =	vld.idx.msk [tilespmem:v16+s17+$0x0], $0xffff;
	v22 =	vor.u32 v0, v11;
	[tilespmem:s10+$0x5930] =	vst v17  }
0x152: {  	v17 =	vor.u32 v0, v12;
	[tilespmem:s1+$0xFFFFFFE0] =	vst v13;
	v13 =	vld.idx.msk [tilespmem:v18+s17+$0x0], $0xffff  }
0x153: {  	v18 =	vld.idx.msk [tilespmem:v19+s17+$0x0], $0xffff;
	[tilespmem:s3+$0x5910] =	vst v20;
	v19 =	vor.u32 v5, v15  }
0x154: {  	[tilespmem:s31+$0x0] =	vst v21;
	v20 =	vld.idx.msk [tilespmem:v23+s17+$0x0], $0xffff;
	v21 =	vor.u32 v2, v8  }
0x155: {  	v23 =	vld.idx.msk [tilespmem:v24+s17+$0x0], $0xffff;
	v24 =	vor.u32 v3, v10  }
0x156: {  	v25 =	vor.u32 v4, v9;
	v22 =	vld.idx.msk [tilespmem:v22+s17+$0x0], $0xffff  }
0x157: {  	v26 =	vor.u32 v1, v11;
	v17 =	vld.idx.msk [tilespmem:v17+s17+$0x0], $0xffff;
	[tilespmem:s10+$0x5940] =	vst v13  }
0x158: {  	s15 =	simm.s32 $0x280;
	s12 =	simm.s32 $0x200;
	[tilespmem:s0+$0xFFFFFFD0] =	vst v16;
	v13 =	vor.u32 v6, v14;
	v16 =	vld.idx.msk [tilespmem:v19+s17+$0x0], $0xffff  }
0x159: {  	s7 =	sand.u32 $0x380, s15;
	s12 =	sand.u32 $0x1C00, s12;
	v19 =	vor.u32 v1, v12;
	v21 =	vld.idx.msk [tilespmem:v21+s17+$0x0], $0xffff;
	[tilespmem:s3+$0x5920] =	vst v20  }
0x15a: {  	s7 =	sor.u32 s7, s12;
	[tilespmem:s1+$0xFFFFFFF0] =	vst v18;
	v20 =	vor.u32 v6, v15;
	v18 =	vld.idx.msk [tilespmem:v24+s17+$0x0], $0xffff  }
0x15b: {  	s16 =	simm.s32 $0x7;
	v24 =	vor.u32 v3, v8;
	[tilespmem:s7+$0x5900] =	vst v22;
	v22 =	vld.idx.msk [tilespmem:v25+s17+$0x0], $0xffff  }
0x15c: {  	s13 =	simm.s32 $0x5C40;
	[tilespmem:s31+$0x10] =	vst v23;
	v23 =	vmov s16;
	v25 =	vld.idx.msk [tilespmem:v26+s17+$0x0], $0xffff;
	v26 =	vor.u32 v4, v10  }
0x15d: {  	s25 =	simm.s32 $0x8;
	[tilespmem:s13+$0xFFFFFFC0] =	vst v17;
	v17 =	vand.u32 $0x3F, v23;
	v23 =	vor.u32 v5, v9;
	v27 =	vld.idx.msk [tilespmem:v13+s17+$0x0], $0xffff  }
0x15e: {  	v28 =	vmov s25;
	v13 =	vbroadcast v17, $0x0;
	v17 =	vor.u32 v2, v11;
	v19 =	vld.idx.msk [tilespmem:v19+s17+$0x0], $0xffff;
	[tilespmem:s10+$0x5950] =	vst v16  }
0x15f: {  	v16 =	vand.u32 $0x3E, v28;
	[tilespmem:s0+$0xFFFFFFE0] =	vst v21;
	v21 =	vor.u32 v7, v14;
	v20 =	vld.idx.msk [tilespmem:v20+s17+$0x0], $0xffff  }
0x160: {  	v14 =	vbroadcast v16, $0x0;
	v16 =	vor.u32 v0, v13;
	v24 =	vld.idx.msk [tilespmem:v24+s17+$0x0], $0xffff;
	[tilespmem:s3+$0x5930] =	vst v18  }
0x161: {  	v15 =	vor.u32 v7, v15;
	[tilespmem:s1+$0x0] =	vst v22;
	v18 =	vld.idx.msk [tilespmem:v26+s17+$0x0], $0xffff  }
0x162: {  	[tilespmem:s7+$0x5910] =	vst v25;
	v23 =	vld.idx.msk [tilespmem:v23+s17+$0x0], $0xffff;
	v25 =	vor.u32 v5, v10  }
0x163: {  	v22 =	vor.u32 v0, v14;
	v26 =	vld.idx.msk [tilespmem:v17+s17+$0x0], $0xffff;
	[tilespmem:s31+$0x20] =	vst v27  }
0x164: {  	v30 =	vor.u32 v4, v8;
	[tilespmem:s13+$0xFFFFFFD0] =	vst v19;
	v27 =	vld.idx.msk [tilespmem:v21+s17+$0x0], $0xffff  }
0x165: {  	v19 =	vor.u32 v2, v12;
	v63 =	vld.idx.msk [tilespmem:v16+s17+$0x0], $0xffff;
	[tilespmem:s10+$0x5960] =	vst v20  }
0x166: {  	v29 =	vor.u32 v3, v11;
	v17 =	vld.idx.msk [tilespmem:v15+s17+$0x0], $0xffff;
	[tilespmem:s3+$0x5940] =	vst v18  }
0x167: {  	[tilespmem:s0+$0xFFFFFFF0] =	vst v24;
	v16 =	vld.idx.msk [tilespmem:v25+s17+$0x0], $0xffff;
	v25 =	vor.u32 v1, v13  }
0x168: {  	s26 =	simm.s32 $0x300;
	s14 =	simm.s32 $0x380;
	v21 =	vld.idx.msk [tilespmem:v22+s17+$0x0], $0xffff;
	[tilespmem:s1+$0x10] =	vst v23;
	v23 =	vor.u32 v6, v9  }
0x169: {  	s15 =	sand.u32 $0x1C00, s26;
	s16 =	sand.u32 $0x380, s14;
	v24 =	vor.u32 v1, v14;
	v22 =	vld.idx.msk [tilespmem:v30+s17+$0x0], $0xffff;
	[tilespmem:s7+$0x5920] =	vst v26  }
0x16a: {  	s25 =	simm.s32 $0x9;
	s15 =	sor.u32 s16, s15;
	v18 =	vld.idx.msk [tilespmem:v19+s17+$0x0], $0xffff;
	v19 =	vor.u32 v6, v10;
	[tilespmem:s31+$0x30] =	vst v27  }
0x16b: {  	s12 =	sshll.u32 s30, $0x13;
	s16 =	simm.s32 $0xA;
	v20 =	vor.u32 v3, v12;
	v15 =	vld.idx.msk [tilespmem:v29+s17+$0x0], $0xffff;
	[tilespmem:s15+$0x5900] =	vst v63;
	s31 =	simm.s32 $0x5C40  }
.LBB2_9:
0x16c: {  	p1 =	slt.u32 s16, $0x3E;
	v26 =	vmov s25;
	v25 =	vld.idx.msk [tilespmem:v25+s17+$0x0], $0xffff;
	s13 =	sadd.s32 $0x100, s13;
	v27 =	vor.u32 v4, v11;
	[tilespmem:s10+$0x5970] =	vst v17;
	s10 =	smov.u32 s3  }
0x16d: {  	s3 =	smov.u32 s7;
	s7 =	smov.u32 s15;
	[tilespmem:s13+$0xFFFFFFC0] =	vst v21;
	v17 =	vand.u32 $0x3F, v26;
	v21 =	vor.u32 v5, v8;
	v23 =	vld.idx.msk [tilespmem:v23+s17+$0x0], $0xffff  }
0x16e: {  	v28 =	vor.u32 v2, v13;
	v26 =	vmov s16;
	v24 =	vld.idx.msk [tilespmem:v24+s17+$0x0], $0xffff;
	v17 =	vbroadcast v17, $0x0;
	[tilespmem:s10+$0x5950] =	vst v16  }
0x16f: {  	v16 =	vand.u32 $0x3E, v26;
	[tilespmem:s31+$0xFFFFFFE0] =	vst v18;
	v18 =	vor.u32 v7, v9;
	v19 =	vld.idx.msk [tilespmem:v19+s17+$0x0], $0xffff;
	v9 =	vmovc v8;
	v8 =	vmov v12  }
0x170: {  	v12 =	vmov v14;
	v14 =	vbroadcast v16, $0x0;
	v26 =	vor.u32 v0, v17;
	v20 =	vld.idx.msk [tilespmem:v20+s17+$0x0], $0xffff;
	[tilespmem:s3+$0x5930] =	vst v15  }
0x171: {  	v16 =	vor.u32 v7, v10;
	v10 =	vmovc v11;
	v11 =	vmov v13;
	v13 =	vmov v17;
	[tilespmem:s0+$0x0] =	vst v22;
	v15 =	vld.idx.msk [tilespmem:v27+s17+$0x0], $0xffff  }
0x172: {  	v22 =	vor.u32 v0, v14;
	[tilespmem:s7+$0x5910] =	vst v25;
	v27 =	vld.idx.msk [tilespmem:v21+s17+$0x0], $0xffff  }
0x173: {  	v29 =	vor.u32 v5, v10;
	v28 =	vld.idx.msk [tilespmem:v28+s17+$0x0], $0xffff;
	[tilespmem:s1+$0x20] =	vst v23  }
0x174: {  	v30 =	vor.u32 v2, v12;
	[tilespmem:s13+$0xFFFFFFD0] =	vst v24;
	v31 =	vld.idx.msk [tilespmem:v18+s17+$0x0], $0xffff  }
0x175: {  	v32 =	vor.u32 v3, v11;
	v26 =	vld.idx.msk [tilespmem:v26+s17+$0x0], $0xffff;
	[tilespmem:s10+$0x5960] =	vst v19  }
0x176: {  	v33 =	vor.u32 v4, v8;
	[tilespmem:s31+$0xFFFFFFF0] =	vst v20;
	v17 =	vld.idx.msk [tilespmem:v16+s17+$0x0], $0xffff  }
.Ltmp3:
0x177: {  	s14 =	sadd.s32 $0x100, s14;
	v25 =	vor.u32 v1, v13;
	v21 =	vld.idx.msk [tilespmem:v22+s17+$0x0], $0xffff;
	[tilespmem:s3+$0x5940] =	vst v15;
	(pc) =	sbr.rel @p1 .LBB2_9-.Ltmp3, $4  }
0x178: {  	s15 =	sadd.s32 $0xFFFFFF80, s14;
	v23 =	vor.u32 v6, v9;
	[tilespmem:s0+$0x10] =	vst v27;
	v16 =	vld.idx.msk [tilespmem:v29+s17+$0x0], $0xffff  }
0x179: {  	s25 =	sand.u32 $0x380, s14;
	s15 =	sand.u32 $0x1C00, s15;
	v24 =	vor.u32 v1, v14;
	v18 =	vld.idx.msk [tilespmem:v30+s17+$0x0], $0xffff;
	[tilespmem:s7+$0x5920] =	vst v28  }
0x17a: {  	s15 =	sor.u32 s25, s15;
	v19 =	vor.u32 v6, v10;
	v15 =	vld.idx.msk [tilespmem:v32+s17+$0x0], $0xffff;
	[tilespmem:s1+$0x30] =	vst v31;
	s1 =	smov.u32 s0;
	s0 =	smov.u32 s31  }
0x17b: {  	s25 =	sadd.s32 $0x1, s16;
	s16 =	sadd.s32 $0x2, s16;
	v20 =	vor.u32 v3, v12;
	s31 =	smov.u32 s13;
	[tilespmem:s15+$0x5900] =	vst v26;
	v22 =	vld.idx.msk [tilespmem:v33+s17+$0x0], $0xffff  }
0x17c: {  	v26 =	vmov s25  }
0x17d: {  	v26 =	vand.u32 $0x3F, v26  }
0x17e: {  	v26 =	vbroadcast v26, $0x0;
	_ =	sdelay $0x1  }
0x17f: {  	v27 =	vor.u32 v0, v26;
	_ =	sdelay $0x4  }
0x180: {  	v27 =	vld.idx.msk [tilespmem:v27+s17+$0x0], $0xffff  }
0x181: {  	s14 =	sadd.s32 $0x100, s14;
	v28 =	vor.u32 v1, v26  }
0x182: {  	s16 =	sadd.s32 $0xFFFFFF80, s14  }
0x183: {  	s13 =	sadd.s32 $0x100, s13;
	[tilespmem:s10+$0x5970] =	vst v17;
	s14 =	sand.u32 $0x380, s14;
	s16 =	sand.u32 $0x1C00, s16  }
0x184: {  	v25 =	vld.idx.msk [tilespmem:v25+s17+$0x0], $0xffff;
	[tilespmem:s13+$0xFFFFFFC0] =	vst v21;
	s14 =	sor.u32 s14, s16  }
0x185: {  	v21 =	vld.idx.msk [tilespmem:v24+s17+$0x0], $0xffff;
	v24 =	vor.u32 v2, v13;
	[tilespmem:s14+$0x5900] =	vst v27  }
0x186: {  	v17 =	vor.u32 v2, v14;
	[tilespmem:s3+$0x5950] =	vst v16;
	v27 =	vld.idx.msk [tilespmem:v28+s17+$0x0], $0xffff  }
0x187: {  	[tilespmem:s31+$0xFFFFFFE0] =	vst v18;
	v16 =	vor.u32 v2, v26  }
0x188: {  	v18 =	vld.idx.msk [tilespmem:v23+s17+$0x0], $0xffff;
	[tilespmem:s7+$0x5930] =	vst v15  }
0x189: {  	v23 =	vor.u32 v4, v11;
	v19 =	vld.idx.msk [tilespmem:v19+s17+$0x0], $0xffff;
	[tilespmem:s15+$0x5910] =	vst v25  }
0x18a: {  	v9 =	vor.u32 v7, v9;
	v24 =	vld.idx.msk [tilespmem:v24+s17+$0x0], $0xffff;
	[tilespmem:s13+$0xFFFFFFD0] =	vst v21  }
0x18b: {  	v21 =	vor.u32 v3, v13;
	v17 =	vld.idx.msk [tilespmem:v17+s17+$0x0], $0xffff;
	[tilespmem:s14+$0x5910] =	vst v27  }
0x18c: {  	v15 =	vor.u32 v3, v14;
	[tilespmem:s0+$0x0] =	vst v22;
	v16 =	vld.idx.msk [tilespmem:v16+s17+$0x0], $0xffff  }
0x18d: {  	v20 =	vld.idx.msk [tilespmem:v20+s17+$0x0], $0xffff;
	v22 =	vor.u32 v3, v26;
	[tilespmem:s1+$0x20] =	vst v18  }
0x18e: {  	v10 =	vor.u32 v7, v10;
	v18 =	vld.idx.msk [tilespmem:v23+s17+$0x0], $0xffff;
	[tilespmem:s3+$0x5960] =	vst v19  }
0x18f: {  	v23 =	vor.u32 v4, v12;
	v9 =	vld.idx.msk [tilespmem:v9+s17+$0x0], $0xffff;
	[tilespmem:s15+$0x5920] =	vst v24  }
0x190: {  	v25 =	vor.u32 v5, v8;
	v21 =	vld.idx.msk [tilespmem:v21+s17+$0x0], $0xffff;
	[tilespmem:s13+$0xFFFFFFE0] =	vst v17  }
0x191: {  	v17 =	vor.u32 v4, v13;
	v15 =	vld.idx.msk [tilespmem:v15+s17+$0x0], $0xffff;
	[tilespmem:s14+$0x5920] =	vst v16  }
0x192: {  	[tilespmem:s31+$0xFFFFFFF0] =	vst v20;
	v16 =	vor.u32 v4, v14;
	v19 =	vld.idx.msk [tilespmem:v22+s17+$0x0], $0xffff  }
0x193: {  	v20 =	vor.u32 v4, v26;
	v10 =	vld.idx.msk [tilespmem:v10+s17+$0x0], $0xffff;
	[tilespmem:s7+$0x5940] =	vst v18  }
0x194: {  	v18 =	vor.u32 v5, v11;
	v23 =	vld.idx.msk [tilespmem:v23+s17+$0x0], $0xffff;
	[tilespmem:s1+$0x30] =	vst v9  }
0x195: {  	[tilespmem:s15+$0x5930] =	vst v21;
	v21 =	vor.u32 v5, v12;
	v22 =	vld.idx.msk [tilespmem:v25+s17+$0x0], $0xffff  }
0x196: {  	v17 =	vld.idx.msk [tilespmem:v17+s17+$0x0], $0xffff;
	[tilespmem:s13+$0xFFFFFFF0] =	vst v15  }
0x197: {  	v15 =	vor.u32 v5, v13;
	v16 =	vld.idx.msk [tilespmem:v16+s17+$0x0], $0xffff;
	[tilespmem:s14+$0x5930] =	vst v19  }
0x198: {  	[tilespmem:s3+$0x5970] =	vst v10;
	v19 =	vor.u32 v5, v14;
	v20 =	vld.idx.msk [tilespmem:v20+s17+$0x0], $0xffff  }
0x199: {  	v9 =	vor.u32 v5, v26;
	v18 =	vld.idx.msk [tilespmem:v18+s17+$0x0], $0xffff;
	[tilespmem:s31+$0x0] =	vst v23  }
0x19a: {  	v21 =	vld.idx.msk [tilespmem:v21+s17+$0x0], $0xffff;
	[tilespmem:s0+$0x10] =	vst v22;
	v22 =	vor.u32 v6, v8  }
0x19b: {  	[tilespmem:s15+$0x5940] =	vst v17;
	v17 =	vor.u32 v6, v12  }
0x19c: {  	v23 =	vor.u32 v6, v11;
	v15 =	vld.idx.msk [tilespmem:v15+s17+$0x0], $0xffff;
	[tilespmem:s13+$0x0] =	vst v16  }
0x19d: {  	v16 =	vor.u32 v6, v13;
	v19 =	vld.idx.msk [tilespmem:v19+s17+$0x0], $0xffff;
	[tilespmem:s14+$0x5940] =	vst v20  }
0x19e: {  	v10 =	vor.u32 v6, v14;
	[tilespmem:s7+$0x5950] =	vst v18;
	v9 =	vld.idx.msk [tilespmem:v9+s17+$0x0], $0xffff  }
0x19f: {  	v18 =	vor.u32 v6, v26;
	[tilespmem:s31+$0x10] =	vst v21;
	v20 =	vld.idx.msk [tilespmem:v22+s17+$0x0], $0xffff  }
0x1a0: {  	v17 =	vld.idx.msk [tilespmem:v17+s17+$0x0], $0xffff;
	v8 =	vor.u32 v7, v8  }
0x1a1: {  	v12 =	vor.u32 v7, v12;
	[tilespmem:s15+$0x5950] =	vst v15;
	v22 =	vld.idx.msk [tilespmem:v23+s17+$0x0], $0xffff  }
0x1a2: {  	v11 =	vor.u32 v7, v11;
	v15 =	vld.idx.msk [tilespmem:v16+s17+$0x0], $0xffff;
	[tilespmem:s13+$0x10] =	vst v19  }
0x1a3: {  	v13 =	vor.u32 v7, v13;
	v10 =	vld.idx.msk [tilespmem:v10+s17+$0x0], $0xffff;
	[tilespmem:s14+$0x5950] =	vst v9  }
0x1a4: {  	[tilespmem:s0+$0x20] =	vst v20;
	v9 =	vor.u32 v7, v14;
	v14 =	vld.idx.msk [tilespmem:v18+s17+$0x0], $0xffff  }
0x1a5: {  	[tilespmem:s31+$0x20] =	vst v17;
	v16 =	vor.u32 v7, v26;
	v8 =	vld.idx.msk [tilespmem:v8+s17+$0x0], $0xffff  }
0x1a6: {  	v12 =	vld.idx.msk [tilespmem:v12+s17+$0x0], $0xffff;
	[tilespmem:s7+$0x5960] =	vst v22  }
0x1a7: {  	v11 =	vld.idx.msk [tilespmem:v11+s17+$0x0], $0xffff;
	[tilespmem:s15+$0x5960] =	vst v15  }
0x1a8: {  	v13 =	vld.idx.msk [tilespmem:v13+s17+$0x0], $0xffff;
	[tilespmem:s13+$0x20] =	vst v10  }
0x1a9: {  	v9 =	vld.idx.msk [tilespmem:v9+s17+$0x0], $0xffff;
	[tilespmem:s14+$0x5960] =	vst v14  }
0x1aa: {  	[tilespmem:s0+$0x30] =	vst v8;
	v8 =	vld.idx.msk [tilespmem:v16+s17+$0x0], $0xffff  }
0x1ab: {  	[tilespmem:s31+$0x30] =	vst v12  }
0x1ac: {  	p1 =	seq.s32 s30, $0x18;
	[tilespmem:s7+$0x5970] =	vst v11  }
0x1ad: {  	s0 =	sshll.u32 @!p1 s30, $0x8;
	[tilespmem:s15+$0x5970] =	vst v13  }
0x1ae: {  	s12 =	sor.u32 s11, s12;
	s31 =	sand.u32 @!p1 $0x3FFFFF00, s0;
	[tilespmem:s13+$0x30] =	vst v9  }
0x1af: {  	s1 =	simm.s32 @!p1 $0x80;
	s3 =	simm.s32 @!p1 $0x1900;
	s0 =	sadd.s32 @!p1 $0x100, s31;
	[tilespmem:s14+$0x5970] =	vst v8  }
0x1b0: {  	[tilespmem:s3], [sflag:$0x1] =	stream.indirect.gather @!p1 [hbm4b:s5+s1], $0x40, s0, s1, $0xb8;
	[tilespmem:$0x9900] =	vst v63  }
0x1b1: {  	s13 =	simm.s32 $0x0;
	s0 =	sshrl.u32 s12, $0x3  }
0x1b2: {  	v8 =	vmov s13;
	s0 =	sadd.s32 s2, s0  }
0x1b3: {  	s15 =	simm.s32 $0x1;
	v8 =	vand.u32 $0x3E, v8;
	s14 =	sadd.s32 $0x190000, s0  }
0x1b4: {  	v14 =	vbroadcast v8, $0x0;
	[hbm4b:s14+s20] =	stream.strided.scatter [tilespmem:s22], [sflag:$0x3], $0x2000, s21, s20, $0x38;
	[tilespmem:$0x9900] =	vst v63  }
0x1b5: {  	v8 =	vmov s15;
	_ =	swait.ge [sflag:s23], $0x2000  }
0x1b6: {  	v8 =	vand.u32 $0x3F, v8;
	v9 =	vor.u32 v0, v14;
	[sflag:s23] =	ssyncset.done $0x0  }
0x1b7: {  	s1 =	simm.s32 @!p0 $0x4;
	v15 =	vbroadcast v8, $0x0;
	[sflag:s23] =	ssyncadd.s32 $0xFFFFE000  }
0x1b8: {  	_ =	swait.ge @!p0 [sflag:s1], $0x2000  }
0x1b9: {  	v8 =	vor.u32 v0, v15;
	[sflag:s1] =	ssyncset.done @!p0 $0x0  }
0x1ba: {  	[sflag:s1] =	ssyncadd.s32 @!p0 $0xFFFFE000  }
0x1bb: {  	s16 =	simm.s32 $0x2;
	v10 =	vld.idx.msk [tilespmem:v9+s18+$0x0], $0xffff  }
0x1bc: {  	v11 =	vor.u32 v1, v14;
	v9 =	vmov s16  }
0x1bd: {  	v9 =	vand.u32 $0x3E, v9  }
0x1be: {  	v8 =	vld.idx.msk [tilespmem:v8+s18+$0x0], $0xffff;
	v9 =	vbroadcast v9, $0x0  }
0x1bf: {  	s13 =	simm.s32 $0x7940;
	v12 =	vor.u32 v1, v15  }
0x1c0: {  	s25 =	simm.s32 $0x80;
	s26 =	simm.s32 $0x0;
	[tilespmem:s13+$0xFFFFFFC0] =	vst v10;
	v10 =	vor.u32 v0, v9  }
0x1c1: {  	s3 =	sand.u32 $0x1C00, s26;
	s1 =	sand.u32 $0x380, s25;
	v11 =	vld.idx.msk [tilespmem:v11+s18+$0x0], $0xffff  }
0x1c2: {  	v13 =	vor.u32 v2, v14;
	s12 =	sor.u32 s1, s3;
	s3 =	simm.s32 $0x3  }
0x1c3: {  	[tilespmem:s12+$0x7900] =	vst v8;
	v8 =	vmov s3  }
0x1c4: {  	v12 =	vld.idx.msk [tilespmem:v12+s18+$0x0], $0xffff;
	v8 =	vand.u32 $0x3F, v8  }
0x1c5: {  	s7 =	simm.s32 $0x4;
	v17 =	vor.u32 v2, v15;
	v16 =	vld.idx.msk [tilespmem:v10+s18+$0x0], $0xffff;
	v10 =	vbroadcast v8, $0x0  }
0x1c6: {  	v8 =	vmov s7;
	[tilespmem:s13+$0xFFFFFFD0] =	vst v11;
	v11 =	vor.u32 v1, v9  }
0x1c7: {  	v8 =	vand.u32 $0x3E, v8;
	v13 =	vld.idx.msk [tilespmem:v13+s18+$0x0], $0xffff;
	v18 =	vor.u32 v0, v10  }
0x1c8: {  	v19 =	vor.u32 v3, v14;
	v8 =	vbroadcast v8, $0x0  }
0x1c9: {  	s3 =	simm.s32 $0x7A40;
	[tilespmem:s12+$0x7910] =	vst v12  }
0x1ca: {  	v12 =	vor.u32 v0, v8;
	[tilespmem:s3+$0xFFFFFFC0] =	vst v16;
	v16 =	vld.idx.msk [tilespmem:v17+s18+$0x0], $0xffff  }
0x1cb: {  	v17 =	vor.u32 v3, v15;
	v11 =	vld.idx.msk [tilespmem:v11+s18+$0x0], $0xffff  }
0x1cc: {  	[tilespmem:s13+$0xFFFFFFE0] =	vst v13;
	v13 =	vor.u32 v2, v9;
	v18 =	vld.idx.msk [tilespmem:v18+s18+$0x0], $0xffff  }
0x1cd: {  	v20 =	vor.u32 v1, v10;
	v19 =	vld.idx.msk [tilespmem:v19+s18+$0x0], $0xffff  }
0x1ce: {  	s10 =	simm.s32 $0x180;
	v21 =	vor.u32 v4, v14;
	s14 =	simm.s32 $0x100  }
0x1cf: {  	s1 =	sand.u32 $0x380, s10;
	s7 =	sand.u32 $0x1C00, s14;
	v12 =	vld.idx.msk [tilespmem:v12+s18+$0x0], $0xffff;
	[tilespmem:s12+$0x7920] =	vst v16  }
0x1d0: {  	s15 =	simm.s32 $0x5;
	s7 =	sor.u32 s1, s7;
	v16 =	vor.u32 v1, v8;
	[tilespmem:s3+$0xFFFFFFD0] =	vst v11;
	v17 =	vld.idx.msk [tilespmem:v17+s18+$0x0], $0xffff  }
0x1d1: {  	s16 =	simm.s32 $0x6;
	v11 =	vmov s15;
	v13 =	vld.idx.msk [tilespmem:v13+s18+$0x0], $0xffff;
	[tilespmem:s7+$0x7900] =	vst v18;
	v18 =	vor.u32 v4, v15  }
0x1d2: {  	v22 =	vmov s16;
	v11 =	vand.u32 $0x3F, v11;
	[tilespmem:s13+$0xFFFFFFF0] =	vst v19;
	v19 =	vor.u32 v3, v9;
	v20 =	vld.idx.msk [tilespmem:v20+s18+$0x0], $0xffff  }
0x1d3: {  	v22 =	vand.u32 $0x3E, v22;
	s1 =	simm.s32 $0x7B40;
	v23 =	vor.u32 v2, v10;
	v11 =	vbroadcast v11, $0x0;
	v21 =	vld.idx.msk [tilespmem:v21+s18+$0x0], $0xffff  }
0x1d4: {  	v24 =	vor.u32 v5, v14;
	[tilespmem:s1+$0xFFFFFFC0] =	vst v12;
	v12 =	vbroadcast v22, $0x0  }
0x1d5: {  	v16 =	vld.idx.msk [tilespmem:v16+s18+$0x0], $0xffff;
	v22 =	vor.u32 v0, v11;
	[tilespmem:s12+$0x7930] =	vst v17  }
0x1d6: {  	v17 =	vor.u32 v0, v12;
	[tilespmem:s3+$0xFFFFFFE0] =	vst v13;
	v13 =	vld.idx.msk [tilespmem:v18+s18+$0x0], $0xffff  }
0x1d7: {  	v18 =	vld.idx.msk [tilespmem:v19+s18+$0x0], $0xffff;
	[tilespmem:s7+$0x7910] =	vst v20;
	v19 =	vor.u32 v5, v15  }
0x1d8: {  	[tilespmem:s13+$0x0] =	vst v21;
	v20 =	vld.idx.msk [tilespmem:v23+s18+$0x0], $0xffff;
	v21 =	vor.u32 v2, v8  }
0x1d9: {  	v23 =	vld.idx.msk [tilespmem:v24+s18+$0x0], $0xffff;
	v24 =	vor.u32 v3, v10  }
0x1da: {  	v25 =	vor.u32 v4, v9;
	v22 =	vld.idx.msk [tilespmem:v22+s18+$0x0], $0xffff  }
0x1db: {  	v26 =	vor.u32 v1, v11;
	v17 =	vld.idx.msk [tilespmem:v17+s18+$0x0], $0xffff;
	[tilespmem:s12+$0x7940] =	vst v13  }
0x1dc: {  	s26 =	simm.s32 $0x200;
	s25 =	simm.s32 $0x280;
	[tilespmem:s1+$0xFFFFFFD0] =	vst v16;
	v13 =	vor.u32 v6, v14;
	v16 =	vld.idx.msk [tilespmem:v19+s18+$0x0], $0xffff  }
0x1dd: {  	s10 =	sand.u32 $0x380, s25;
	s14 =	sand.u32 $0x1C00, s26;
	v19 =	vor.u32 v1, v12;
	v21 =	vld.idx.msk [tilespmem:v21+s18+$0x0], $0xffff;
	[tilespmem:s7+$0x7920] =	vst v20  }
0x1de: {  	s10 =	sor.u32 s10, s14;
	[tilespmem:s3+$0xFFFFFFF0] =	vst v18;
	v20 =	vor.u32 v6, v15;
	v18 =	vld.idx.msk [tilespmem:v24+s18+$0x0], $0xffff  }
0x1df: {  	s15 =	simm.s32 $0x7;
	v24 =	vor.u32 v3, v8;
	[tilespmem:s10+$0x7900] =	vst v22;
	v22 =	vld.idx.msk [tilespmem:v25+s18+$0x0], $0xffff  }
0x1e0: {  	[tilespmem:s13+$0x10] =	vst v23;
	v23 =	vmov s15;
	s15 =	simm.s32 $0x7C40;
	v25 =	vld.idx.msk [tilespmem:v26+s18+$0x0], $0xffff;
	v26 =	vor.u32 v4, v10  }
0x1e1: {  	s16 =	simm.s32 $0x8;
	[tilespmem:s15+$0xFFFFFFC0] =	vst v17;
	v17 =	vand.u32 $0x3F, v23;
	v23 =	vor.u32 v5, v9;
	v27 =	vld.idx.msk [tilespmem:v13+s18+$0x0], $0xffff  }
0x1e2: {  	v62 =	vmov s16;
	v13 =	vbroadcast v17, $0x0;
	v17 =	vor.u32 v2, v11;
	v19 =	vld.idx.msk [tilespmem:v19+s18+$0x0], $0xffff;
	[tilespmem:s12+$0x7950] =	vst v16  }
0x1e3: {  	v16 =	vand.u32 $0x3E, v62;
	[tilespmem:s1+$0xFFFFFFE0] =	vst v21;
	v21 =	vor.u32 v7, v14;
	v20 =	vld.idx.msk [tilespmem:v20+s18+$0x0], $0xffff  }
0x1e4: {  	v14 =	vbroadcast v16, $0x0;
	v16 =	vor.u32 v0, v13;
	v24 =	vld.idx.msk [tilespmem:v24+s18+$0x0], $0xffff;
	[tilespmem:s7+$0x7930] =	vst v18  }
0x1e5: {  	v15 =	vor.u32 v7, v15;
	[tilespmem:s3+$0x0] =	vst v22;
	v18 =	vld.idx.msk [tilespmem:v26+s18+$0x0], $0xffff  }
0x1e6: {  	[tilespmem:s10+$0x7910] =	vst v25;
	v23 =	vld.idx.msk [tilespmem:v23+s18+$0x0], $0xffff;
	v25 =	vor.u32 v5, v10  }
0x1e7: {  	v22 =	vor.u32 v0, v14;
	v26 =	vld.idx.msk [tilespmem:v17+s18+$0x0], $0xffff;
	[tilespmem:s13+$0x20] =	vst v27  }
0x1e8: {  	[tilespmem:s15+$0xFFFFFFD0] =	vst v19;
	v19 =	vor.u32 v2, v12;
	v21 =	vld.idx.msk [tilespmem:v21+s18+$0x0], $0xffff  }
0x1e9: {  	v63 =	vor.u32 v3, v11;
	v27 =	vld.idx.msk [tilespmem:v16+s18+$0x0], $0xffff;
	[tilespmem:s12+$0x7960] =	vst v20  }
0x1ea: {  	v29 =	vor.u32 v4, v8;
	v17 =	vld.idx.msk [tilespmem:v15+s18+$0x0], $0xffff;
	[tilespmem:s7+$0x7940] =	vst v18  }
0x1eb: {  	[tilespmem:s1+$0xFFFFFFF0] =	vst v24;
	v16 =	vld.idx.msk [tilespmem:v25+s18+$0x0], $0xffff;
	v25 =	vor.u32 v1, v13  }
0x1ec: {  	s25 =	simm.s32 $0x300;
	s16 =	simm.s32 $0x380;
	v22 =	vld.idx.msk [tilespmem:v22+s18+$0x0], $0xffff;
	[tilespmem:s3+$0x10] =	vst v23;
	v23 =	vor.u32 v6, v9  }
0x1ed: {  	s26 =	sand.u32 $0x380, s16;
	s14 =	sand.u32 $0x1C00, s25;
	v24 =	vor.u32 v1, v14;
	[tilespmem:s10+$0x7920] =	vst v26;
	v18 =	vld.idx.msk [tilespmem:v19+s18+$0x0], $0xffff  }
0x1ee: {  	s14 =	sor.u32 s26, s14;
	v15 =	vld.idx.msk [tilespmem:v63+s18+$0x0], $0xffff;
	v19 =	vor.u32 v6, v10;
	[tilespmem:s13+$0x30] =	vst v21  }
0x1ef: {  	s25 =	simm.s32 $0xA;
	s26 =	simm.s32 $0x9;
	v20 =	vor.u32 v3, v12;
	[tilespmem:s14+$0x7900] =	vst v27;
	v21 =	vld.idx.msk [tilespmem:v29+s18+$0x0], $0xffff;
	s13 =	simm.s32 $0x7C40  }
.LBB2_11:
0x1f0: {  	p0 =	slt.u32 s25, $0x3E;
	v26 =	vmov s26;
	v25 =	vld.idx.msk [tilespmem:v25+s18+$0x0], $0xffff;
	s15 =	sadd.s32 $0x100, s15;
	v27 =	vor.u32 v4, v11;
	[tilespmem:s12+$0x7970] =	vst v17;
	s12 =	smov.u32 s7  }
0x1f1: {  	s7 =	smov.u32 s10;
	s10 =	smov.u32 s14;
	[tilespmem:s15+$0xFFFFFFC0] =	vst v22;
	v17 =	vand.u32 $0x3F, v26;
	v22 =	vor.u32 v5, v8;
	v23 =	vld.idx.msk [tilespmem:v23+s18+$0x0], $0xffff  }
0x1f2: {  	v28 =	vor.u32 v2, v13;
	v26 =	vmov s25;
	v24 =	vld.idx.msk [tilespmem:v24+s18+$0x0], $0xffff;
	v17 =	vbroadcast v17, $0x0;
	[tilespmem:s12+$0x7950] =	vst v16  }
0x1f3: {  	v16 =	vand.u32 $0x3E, v26;
	[tilespmem:s13+$0xFFFFFFE0] =	vst v18;
	v18 =	vor.u32 v7, v9;
	v19 =	vld.idx.msk [tilespmem:v19+s18+$0x0], $0xffff;
	v9 =	vmovc v8;
	v8 =	vmov v12  }
0x1f4: {  	v12 =	vmov v14;
	v14 =	vbroadcast v16, $0x0;
	v26 =	vor.u32 v0, v17;
	v20 =	vld.idx.msk [tilespmem:v20+s18+$0x0], $0xffff;
	[tilespmem:s7+$0x7930] =	vst v15  }
0x1f5: {  	v16 =	vor.u32 v7, v10;
	v10 =	vmovc v11;
	v11 =	vmov v13;
	v13 =	vmov v17;
	[tilespmem:s1+$0x0] =	vst v21;
	v15 =	vld.idx.msk [tilespmem:v27+s18+$0x0], $0xffff  }
0x1f6: {  	v21 =	vor.u32 v0, v14;
	[tilespmem:s10+$0x7910] =	vst v25;
	v27 =	vld.idx.msk [tilespmem:v22+s18+$0x0], $0xffff  }
0x1f7: {  	v29 =	vor.u32 v5, v10;
	v28 =	vld.idx.msk [tilespmem:v28+s18+$0x0], $0xffff;
	[tilespmem:s3+$0x20] =	vst v23  }
0x1f8: {  	v30 =	vor.u32 v2, v12;
	[tilespmem:s15+$0xFFFFFFD0] =	vst v24;
	v31 =	vld.idx.msk [tilespmem:v18+s18+$0x0], $0xffff  }
0x1f9: {  	v32 =	vor.u32 v3, v11;
	v26 =	vld.idx.msk [tilespmem:v26+s18+$0x0], $0xffff;
	[tilespmem:s12+$0x7960] =	vst v19  }
0x1fa: {  	v33 =	vor.u32 v4, v8;
	[tilespmem:s13+$0xFFFFFFF0] =	vst v20;
	v17 =	vld.idx.msk [tilespmem:v16+s18+$0x0], $0xffff  }
.Ltmp4:
0x1fb: {  	s16 =	sadd.s32 $0x100, s16;
	v25 =	vor.u32 v1, v13;
	v22 =	vld.idx.msk [tilespmem:v21+s18+$0x0], $0xffff;
	[tilespmem:s7+$0x7940] =	vst v15;
	(pc) =	sbr.rel @p0 .LBB2_11-.Ltmp4, $4  }
0x1fc: {  	s14 =	sadd.s32 $0xFFFFFF80, s16;
	v23 =	vor.u32 v6, v9;
	[tilespmem:s1+$0x10] =	vst v27;
	v16 =	vld.idx.msk [tilespmem:v29+s18+$0x0], $0xffff  }
0x1fd: {  	s26 =	sand.u32 $0x380, s16;
	s14 =	sand.u32 $0x1C00, s14;
	v24 =	vor.u32 v1, v14;
	v18 =	vld.idx.msk [tilespmem:v30+s18+$0x0], $0xffff;
	[tilespmem:s10+$0x7920] =	vst v28  }
0x1fe: {  	s14 =	sor.u32 s26, s14;
	v19 =	vor.u32 v6, v10;
	v15 =	vld.idx.msk [tilespmem:v32+s18+$0x0], $0xffff;
	[tilespmem:s3+$0x30] =	vst v31;
	s3 =	smov.u32 s1;
	s1 =	smov.u32 s13  }
0x1ff: {  	s26 =	sadd.s32 $0x1, s25;
	s25 =	sadd.s32 $0x2, s25;
	v20 =	vor.u32 v3, v12;
	s13 =	smov.u32 s15;
	[tilespmem:s14+$0x7900] =	vst v26;
	v21 =	vld.idx.msk [tilespmem:v33+s18+$0x0], $0xffff  }
0x200: {  	v26 =	vmov s26  }
0x201: {  	v26 =	vand.u32 $0x3F, v26  }
0x202: {  	v26 =	vbroadcast v26, $0x0;
	_ =	sdelay $0x1  }
0x203: {  	v27 =	vor.u32 v0, v26;
	_ =	sdelay $0x4  }
0x204: {  	v27 =	vld.idx.msk [tilespmem:v27+s18+$0x0], $0xffff  }
0x205: {  	s16 =	sadd.s32 $0x100, s16;
	v28 =	vor.u32 v1, v26  }
0x206: {  	s25 =	sadd.s32 $0xFFFFFF80, s16  }
0x207: {  	s15 =	sadd.s32 $0x100, s15;
	s16 =	sand.u32 $0x380, s16;
	s25 =	sand.u32 $0x1C00, s25  }
0x208: {  	v61 =	vld.idx.msk [tilespmem:v25+s18+$0x0], $0xffff;
	[tilespmem:s15+$0xFFFFFFC0] =	vst v22;
	s16 =	sor.u32 s16, s25  }
0x209: {  	v62 =	vor.u32 v2, v13;
	v24 =	vld.idx.msk [tilespmem:v24+s18+$0x0], $0xffff;
	[tilespmem:s16+$0x7900] =	vst v27  }
0x20a: {  	[tilespmem:s12+$0x7970] =	vst v17;
	v63 =	vor.u32 v2, v14;
	v27 =	vld.idx.msk [tilespmem:v28+s18+$0x0], $0xffff  }
0x20b: {  	[tilespmem:s7+$0x7950] =	vst v16;
	v30 =	vor.u32 v2, v26  }
0x20c: {  	[tilespmem:s13+$0xFFFFFFE0] =	vst v18  }
0x20d: {  	v31 =	vld.idx.msk [tilespmem:v23+s18+$0x0], $0xffff;
	[tilespmem:s14+$0x7910] =	vst v61  }
0x20e: {  	v32 =	vor.u32 v4, v11;
	v33 =	vld.idx.msk [tilespmem:v62+s18+$0x0], $0xffff;
	[tilespmem:s15+$0xFFFFFFD0] =	vst v24  }
0x20f: {  	v34 =	vor.u32 v3, v13;
	v17 =	vld.idx.msk [tilespmem:v63+s18+$0x0], $0xffff;
	[tilespmem:s16+$0x7910] =	vst v27  }
0x210: {  	v35 =	vor.u32 v3, v14;
	[tilespmem:s10+$0x7930] =	vst v15;
	v16 =	vld.idx.msk [tilespmem:v30+s18+$0x0], $0xffff  }
0x211: {  	v19 =	vld.idx.msk [tilespmem:v19+s18+$0x0], $0xffff;
	[tilespmem:s1+$0x0] =	vst v21;
	v36 =	vor.u32 v3, v26  }
0x212: {  	v37 =	vor.u32 v5, v8;
	v20 =	vld.idx.msk [tilespmem:v20+s18+$0x0], $0xffff;
	[tilespmem:s3+$0x20] =	vst v31  }
0x213: {  	v9 =	vor.u32 v7, v9;
	v38 =	vld.idx.msk [tilespmem:v32+s18+$0x0], $0xffff;
	[tilespmem:s14+$0x7920] =	vst v33  }
0x214: {  	v39 =	vor.u32 v4, v12;
	v23 =	vld.idx.msk [tilespmem:v34+s18+$0x0], $0xffff;
	[tilespmem:s15+$0xFFFFFFE0] =	vst v17  }
0x215: {  	v40 =	vor.u32 v4, v13;
	v15 =	vld.idx.msk [tilespmem:v35+s18+$0x0], $0xffff;
	[tilespmem:s16+$0x7920] =	vst v16  }
0x216: {  	v41 =	vor.u32 v4, v14;
	[tilespmem:s7+$0x7960] =	vst v19;
	v42 =	vld.idx.msk [tilespmem:v36+s18+$0x0], $0xffff  }
0x217: {  	v44 =	vor.u32 v4, v26;
	v43 =	vld.idx.msk [tilespmem:v37+s18+$0x0], $0xffff;
	[tilespmem:s13+$0xFFFFFFF0] =	vst v20  }
0x218: {  	v10 =	vor.u32 v7, v10;
	v9 =	vld.idx.msk [tilespmem:v9+s18+$0x0], $0xffff;
	[tilespmem:s10+$0x7940] =	vst v38  }
0x219: {  	v45 =	vor.u32 v5, v11;
	v22 =	vld.idx.msk [tilespmem:v39+s18+$0x0], $0xffff;
	[tilespmem:s14+$0x7930] =	vst v23  }
0x21a: {  	v46 =	vor.u32 v5, v12;
	v17 =	vld.idx.msk [tilespmem:v40+s18+$0x0], $0xffff;
	[tilespmem:s15+$0xFFFFFFF0] =	vst v15  }
0x21b: {  	v47 =	vor.u32 v5, v13;
	v16 =	vld.idx.msk [tilespmem:v41+s18+$0x0], $0xffff;
	[tilespmem:s16+$0x7930] =	vst v42  }
0x21c: {  	v48 =	vor.u32 v5, v14;
	[tilespmem:s1+$0x10] =	vst v43;
	v20 =	vld.idx.msk [tilespmem:v44+s18+$0x0], $0xffff  }
0x21d: {  	v49 =	vor.u32 v5, v26;
	v10 =	vld.idx.msk [tilespmem:v10+s18+$0x0], $0xffff;
	[tilespmem:s3+$0x30] =	vst v9  }
0x21e: {  	v50 =	vor.u32 v6, v8;
	v18 =	vld.idx.msk [tilespmem:v45+s18+$0x0], $0xffff;
	[tilespmem:s13+$0x0] =	vst v22  }
0x21f: {  	v51 =	vor.u32 v6, v11;
	v23 =	vld.idx.msk [tilespmem:v46+s18+$0x0], $0xffff;
	[tilespmem:s14+$0x7940] =	vst v17  }
0x220: {  	v52 =	vor.u32 v6, v12;
	v15 =	vld.idx.msk [tilespmem:v47+s18+$0x0], $0xffff;
	[tilespmem:s15+$0x0] =	vst v16  }
0x221: {  	v53 =	vor.u32 v6, v13;
	v19 =	vld.idx.msk [tilespmem:v48+s18+$0x0], $0xffff;
	[tilespmem:s16+$0x7940] =	vst v20  }
0x222: {  	v54 =	vor.u32 v6, v14;
	[tilespmem:s7+$0x7970] =	vst v10;
	v9 =	vld.idx.msk [tilespmem:v49+s18+$0x0], $0xffff  }
0x223: {  	v56 =	vor.u32 v6, v26;
	v55 =	vld.idx.msk [tilespmem:v50+s18+$0x0], $0xffff;
	[tilespmem:s10+$0x7950] =	vst v18  }
0x224: {  	v8 =	vor.u32 v7, v8;
	v57 =	vld.idx.msk [tilespmem:v51+s18+$0x0], $0xffff;
	[tilespmem:s13+$0x10] =	vst v23  }
0x225: {  	v58 =	vor.u32 v7, v11;
	v17 =	vld.idx.msk [tilespmem:v52+s18+$0x0], $0xffff;
	[tilespmem:s14+$0x7950] =	vst v15  }
0x226: {  	v59 =	vor.u32 v7, v12;
	v15 =	vld.idx.msk [tilespmem:v53+s18+$0x0], $0xffff;
	[tilespmem:s15+$0x10] =	vst v19  }
0x227: {  	v60 =	vor.u32 v7, v13;
	v10 =	vld.idx.msk [tilespmem:v54+s18+$0x0], $0xffff;
	[tilespmem:s16+$0x7950] =	vst v9  }
0x228: {  	v61 =	vor.u32 v7, v14;
	[tilespmem:s1+$0x20] =	vst v55;
	v62 =	vld.idx.msk [tilespmem:v56+s18+$0x0], $0xffff  }
0x229: {  	v63 =	vor.u32 v7, v26;
	v8 =	vld.idx.msk [tilespmem:v8+s18+$0x0], $0xffff;
	[tilespmem:s10+$0x7960] =	vst v57  }
0x22a: {  	v11 =	vld.idx.msk [tilespmem:v58+s18+$0x0], $0xffff;
	[tilespmem:s13+$0x20] =	vst v17  }
0x22b: {  	v12 =	vld.idx.msk [tilespmem:v59+s18+$0x0], $0xffff;
	[tilespmem:s14+$0x7960] =	vst v15  }
0x22c: {  	v13 =	vld.idx.msk [tilespmem:v60+s18+$0x0], $0xffff;
	[tilespmem:s15+$0x20] =	vst v10  }
0x22d: {  	v9 =	vld.idx.msk [tilespmem:v61+s18+$0x0], $0xffff;
	[tilespmem:s16+$0x7960] =	vst v62  }
0x22e: {  	[tilespmem:s1+$0x30] =	vst v8;
	v8 =	vld.idx.msk [tilespmem:v63+s18+$0x0], $0xffff  }
0x22f: {  	[tilespmem:s10+$0x7970] =	vst v11  }
0x230: {  	s30 =	sadd.s32 $0x1, s30;
	[tilespmem:s13+$0x30] =	vst v12  }
0x231: {  	p0 =	sne.s32 s30, $0x19;
	[tilespmem:s14+$0x7970] =	vst v13  }
.Ltmp5:
0x232: {  	[tilespmem:s15+$0x30] =	vst v9;
	(pc) =	sbr.rel @p0 .LBB2_8-.Ltmp5, $4  }
0x233: {  	s3 =	simm.s32 @!p1 $0x80;
	s7 =	simm.s32 @!p1 $0x3900;
	s1 =	sadd.s32 @!p1 $0x180, s31;
	[tilespmem:s16+$0x7970] =	vst v8  }
0x234: {  	[tilespmem:s7], [sflag:$0x2] =	stream.indirect.gather @!p1 [hbm4b:s5+s3], $0x40, s1, s3, $0xb8;
	[tilespmem:$0x9900] =	vst v63  }
0x235: {  	s0 =	sadd.s32 $0x198000, s0  }
0x236: {  	[hbm4b:s0+s20] =	stream.strided.scatter [tilespmem:s24], [sflag:$0x4], $0x2000, s21, s20, $0x38;
	[tilespmem:$0x9900] =	vst v63  }
0x237: {  	s0 =	simm.s32 $0x3  }
0x238: {  	_ =	swait.ge [sflag:s0], $0x2000  }
0x239: {  	[sflag:s0] =	ssyncset.done $0x0  }
0x23a: {  	s25 =	simm.s32 $0x4;
	[sflag:s0] =	ssyncadd.s32 $0xFFFFE000  }
0x23b: {  	s29 =	simm.s32 $0x0;
	_ =	swait.ge [sflag:s25], $0x2000  }
0x23c: {  	s1 =	simm.s32 $0x80;
	s3 =	simm.s32 $0x1000;
	[sflag:s25] =	ssyncset.done $0x0  }
0x23d: {  	s31 =	simm.s32 $0x5;
	s26 =	rddreg [dreg:$0x5];
	[sflag:s25] =	ssyncadd.s32 $0xFFFFE000  }
0x23e: {  	[tilespmem:s29], [sflag:$0x5] =	stream.strided.gather [hbm4b:s26+s1], $0x1900, s3, s1, $0x38;
	[tilespmem:$0x9900] =	vst v63  }
0x23f: {  	_ =	swait.ge [sflag:s31], $0x1900  }
0x240: {  	[sflag:s31] =	ssyncset.done $0x0  }
0x241: {  	[sflag:s31] =	ssyncadd.s32 $0xFFFFE700  }
0x242: {  	[tilespmem:s17], [sflag:$0x1] =	stream.indirect.gather [hbm4b:s6+s1], $0x40, s29, s1, $0xb8;
	[tilespmem:$0x9900] =	vst v63  }
0x243: {  	s30 =	simm.s32 $0x0  }
0x244: {  	[tilespmem:s18], [sflag:$0x2] =	stream.indirect.gather [hbm4b:s6+s1], $0x40, s1, s1, $0xb8;
	[tilespmem:$0x9900] =	vst v63  }
.LBB2_14:
0x245: {  	v8 =	vmov s29  }
0x246: {  	v8 =	vand.u32 $0x3E, v8  }
0x247: {  	s0 =	simm.s32 $0x1;
	v14 =	vbroadcast v8, $0x0  }
0x248: {  	_ =	swait.ge [sflag:s19], $0x2000;
	v8 =	vmov s0  }
0x249: {  	p0 =	seq.s32 s30, $0x0;
	[sflag:s19] =	ssyncset.done $0x0;
	v8 =	vand.u32 $0x3F, v8;
	v9 =	vor.u32 v0, v14  }
0x24a: {  	[sflag:s19] =	ssyncadd.s32 $0xFFFFE000;
	s0 =	simm.s32 @!p0 $0x3;
	v15 =	vbroadcast v8, $0x0  }
0x24b: {  	_ =	swait.ge @!p0 [sflag:s0], $0x2000  }
0x24c: {  	[sflag:s0] =	ssyncset.done @!p0 $0x0;
	v8 =	vor.u32 v0, v15  }
0x24d: {  	[sflag:s0] =	ssyncadd.s32 @!p0 $0xFFFFE000  }
0x24e: {  	s25 =	simm.s32 $0x2;
	v10 =	vld.idx.msk [tilespmem:v9+s17+$0x0], $0xffff  }
0x24f: {  	v11 =	vor.u32 v1, v14;
	v9 =	vmov s25  }
0x250: {  	v9 =	vand.u32 $0x3E, v9  }
0x251: {  	v9 =	vbroadcast v9, $0x0;
	v8 =	vld.idx.msk [tilespmem:v8+s17+$0x0], $0xffff  }
0x252: {  	s13 =	simm.s32 $0x5940;
	v12 =	vor.u32 v1, v15  }
0x253: {  	s26 =	simm.s32 $0x80;
	s1 =	simm.s32 $0x0;
	[tilespmem:s13+$0xFFFFFFC0] =	vst v10;
	v10 =	vor.u32 v0, v9  }
0x254: {  	s1 =	sand.u32 $0x1C00, s1;
	s0 =	sand.u32 $0x380, s26;
	v11 =	vld.idx.msk [tilespmem:v11+s17+$0x0], $0xffff  }
0x255: {  	s3 =	simm.s32 $0x3;
	v13 =	vor.u32 v2, v14;
	s10 =	sor.u32 s0, s1  }
0x256: {  	[tilespmem:s10+$0x5900] =	vst v8;
	v8 =	vmov s3  }
0x257: {  	v12 =	vld.idx.msk [tilespmem:v12+s17+$0x0], $0xffff;
	v8 =	vand.u32 $0x3F, v8  }
0x258: {  	s7 =	simm.s32 $0x4;
	v17 =	vor.u32 v2, v15;
	v16 =	vld.idx.msk [tilespmem:v10+s17+$0x0], $0xffff;
	v10 =	vbroadcast v8, $0x0  }
0x259: {  	v8 =	vmov s7;
	[tilespmem:s13+$0xFFFFFFD0] =	vst v11;
	v11 =	vor.u32 v1, v9  }
0x25a: {  	v8 =	vand.u32 $0x3E, v8;
	v13 =	vld.idx.msk [tilespmem:v13+s17+$0x0], $0xffff;
	v18 =	vor.u32 v0, v10  }
0x25b: {  	v19 =	vor.u32 v3, v14;
	v8 =	vbroadcast v8, $0x0  }
0x25c: {  	s1 =	simm.s32 $0x5A40;
	[tilespmem:s10+$0x5910] =	vst v12  }
0x25d: {  	v12 =	vor.u32 v0, v8;
	[tilespmem:s1+$0xFFFFFFC0] =	vst v16;
	v16 =	vld.idx.msk [tilespmem:v17+s17+$0x0], $0xffff  }
0x25e: {  	v17 =	vor.u32 v3, v15;
	v11 =	vld.idx.msk [tilespmem:v11+s17+$0x0], $0xffff  }
0x25f: {  	[tilespmem:s13+$0xFFFFFFE0] =	vst v13;
	v13 =	vor.u32 v2, v9;
	v18 =	vld.idx.msk [tilespmem:v18+s17+$0x0], $0xffff  }
0x260: {  	v20 =	vor.u32 v1, v10;
	v19 =	vld.idx.msk [tilespmem:v19+s17+$0x0], $0xffff  }
0x261: {  	s12 =	simm.s32 $0x180;
	v21 =	vor.u32 v4, v14;
	s3 =	simm.s32 $0x100  }
0x262: {  	s0 =	sand.u32 $0x380, s12;
	s3 =	sand.u32 $0x1C00, s3;
	v12 =	vld.idx.msk [tilespmem:v12+s17+$0x0], $0xffff;
	[tilespmem:s10+$0x5920] =	vst v16  }
0x263: {  	s14 =	simm.s32 $0x5;
	s3 =	sor.u32 s0, s3;
	v16 =	vor.u32 v1, v8;
	[tilespmem:s1+$0xFFFFFFD0] =	vst v11;
	v17 =	vld.idx.msk [tilespmem:v17+s17+$0x0], $0xffff  }
0x264: {  	s7 =	simm.s32 $0x6;
	v11 =	vmov s14;
	v13 =	vld.idx.msk [tilespmem:v13+s17+$0x0], $0xffff;
	[tilespmem:s3+$0x5900] =	vst v18;
	v18 =	vor.u32 v4, v15  }
0x265: {  	v22 =	vmov s7;
	v11 =	vand.u32 $0x3F, v11;
	[tilespmem:s13+$0xFFFFFFF0] =	vst v19;
	v19 =	vor.u32 v3, v9;
	v20 =	vld.idx.msk [tilespmem:v20+s17+$0x0], $0xffff  }
0x266: {  	s0 =	simm.s32 $0x5B40;
	v23 =	vor.u32 v2, v10;
	v22 =	vand.u32 $0x3E, v22;
	v11 =	vbroadcast v11, $0x0;
	v21 =	vld.idx.msk [tilespmem:v21+s17+$0x0], $0xffff  }
0x267: {  	v24 =	vor.u32 v5, v14;
	[tilespmem:s0+$0xFFFFFFC0] =	vst v12;
	v12 =	vbroadcast v22, $0x0  }
0x268: {  	v16 =	vld.idx.msk [tilespmem:v16+s17+$0x0], $0xffff;
	v22 =	vor.u32 v0, v11;
	[tilespmem:s10+$0x5930] =	vst v17  }
0x269: {  	v17 =	vor.u32 v0, v12;
	[tilespmem:s1+$0xFFFFFFE0] =	vst v13;
	v13 =	vld.idx.msk [tilespmem:v18+s17+$0x0], $0xffff  }
0x26a: {  	v18 =	vld.idx.msk [tilespmem:v19+s17+$0x0], $0xffff;
	[tilespmem:s3+$0x5910] =	vst v20;
	v19 =	vor.u32 v5, v15  }
0x26b: {  	[tilespmem:s13+$0x0] =	vst v21;
	v20 =	vld.idx.msk [tilespmem:v23+s17+$0x0], $0xffff;
	v21 =	vor.u32 v2, v8  }
0x26c: {  	v23 =	vld.idx.msk [tilespmem:v24+s17+$0x0], $0xffff;
	v24 =	vor.u32 v3, v10  }
0x26d: {  	v25 =	vor.u32 v4, v9;
	v22 =	vld.idx.msk [tilespmem:v22+s17+$0x0], $0xffff  }
0x26e: {  	v26 =	vor.u32 v1, v11;
	v17 =	vld.idx.msk [tilespmem:v17+s17+$0x0], $0xffff;
	[tilespmem:s10+$0x5940] =	vst v13  }
0x26f: {  	s15 =	simm.s32 $0x280;
	s12 =	simm.s32 $0x200;
	[tilespmem:s0+$0xFFFFFFD0] =	vst v16;
	v13 =	vor.u32 v6, v14;
	v16 =	vld.idx.msk [tilespmem:v19+s17+$0x0], $0xffff  }
0x270: {  	s12 =	sand.u32 $0x1C00, s12;
	s7 =	sand.u32 $0x380, s15;
	v19 =	vor.u32 v1, v12;
	v21 =	vld.idx.msk [tilespmem:v21+s17+$0x0], $0xffff;
	[tilespmem:s3+$0x5920] =	vst v20  }
0x271: {  	s7 =	sor.u32 s7, s12;
	[tilespmem:s1+$0xFFFFFFF0] =	vst v18;
	v20 =	vor.u32 v6, v15;
	v18 =	vld.idx.msk [tilespmem:v24+s17+$0x0], $0xffff  }
0x272: {  	s16 =	simm.s32 $0x7;
	v24 =	vor.u32 v3, v8;
	[tilespmem:s7+$0x5900] =	vst v22;
	v22 =	vld.idx.msk [tilespmem:v25+s17+$0x0], $0xffff  }
0x273: {  	s31 =	simm.s32 $0x5C40;
	[tilespmem:s13+$0x10] =	vst v23;
	v23 =	vmov s16;
	v25 =	vld.idx.msk [tilespmem:v26+s17+$0x0], $0xffff;
	v26 =	vor.u32 v4, v10  }
0x274: {  	s25 =	simm.s32 $0x8;
	[tilespmem:s31+$0xFFFFFFC0] =	vst v17;
	v17 =	vand.u32 $0x3F, v23;
	v23 =	vor.u32 v5, v9;
	v27 =	vld.idx.msk [tilespmem:v13+s17+$0x0], $0xffff  }
0x275: {  	v28 =	vmov s25;
	v13 =	vbroadcast v17, $0x0;
	v17 =	vor.u32 v2, v11;
	v19 =	vld.idx.msk [tilespmem:v19+s17+$0x0], $0xffff;
	[tilespmem:s10+$0x5950] =	vst v16  }
0x276: {  	v16 =	vand.u32 $0x3E, v28;
	[tilespmem:s0+$0xFFFFFFE0] =	vst v21;
	v21 =	vor.u32 v7, v14;
	v20 =	vld.idx.msk [tilespmem:v20+s17+$0x0], $0xffff  }
0x277: {  	v14 =	vbroadcast v16, $0x0;
	v16 =	vor.u32 v0, v13;
	v24 =	vld.idx.msk [tilespmem:v24+s17+$0x0], $0xffff;
	[tilespmem:s3+$0x5930] =	vst v18  }
0x278: {  	v15 =	vor.u32 v7, v15;
	[tilespmem:s1+$0x0] =	vst v22;
	v18 =	vld.idx.msk [tilespmem:v26+s17+$0x0], $0xffff  }
0x279: {  	[tilespmem:s7+$0x5910] =	vst v25;
	v23 =	vld.idx.msk [tilespmem:v23+s17+$0x0], $0xffff;
	v25 =	vor.u32 v5, v10  }
0x27a: {  	v22 =	vor.u32 v0, v14;
	v26 =	vld.idx.msk [tilespmem:v17+s17+$0x0], $0xffff;
	[tilespmem:s13+$0x20] =	vst v27  }
0x27b: {  	v30 =	vor.u32 v4, v8;
	[tilespmem:s31+$0xFFFFFFD0] =	vst v19;
	v27 =	vld.idx.msk [tilespmem:v21+s17+$0x0], $0xffff  }
0x27c: {  	v19 =	vor.u32 v2, v12;
	v63 =	vld.idx.msk [tilespmem:v16+s17+$0x0], $0xffff;
	[tilespmem:s10+$0x5960] =	vst v20  }
0x27d: {  	v29 =	vor.u32 v3, v11;
	v17 =	vld.idx.msk [tilespmem:v15+s17+$0x0], $0xffff;
	[tilespmem:s3+$0x5940] =	vst v18  }
0x27e: {  	[tilespmem:s0+$0xFFFFFFF0] =	vst v24;
	v16 =	vld.idx.msk [tilespmem:v25+s17+$0x0], $0xffff;
	v25 =	vor.u32 v1, v13  }
0x27f: {  	s26 =	simm.s32 $0x300;
	s14 =	simm.s32 $0x380;
	v21 =	vld.idx.msk [tilespmem:v22+s17+$0x0], $0xffff;
	[tilespmem:s1+$0x10] =	vst v23;
	v23 =	vor.u32 v6, v9  }
0x280: {  	s15 =	sand.u32 $0x1C00, s26;
	s16 =	sand.u32 $0x380, s14;
	v24 =	vor.u32 v1, v14;
	v22 =	vld.idx.msk [tilespmem:v30+s17+$0x0], $0xffff;
	[tilespmem:s7+$0x5920] =	vst v26  }
0x281: {  	s25 =	simm.s32 $0x9;
	s15 =	sor.u32 s16, s15;
	v18 =	vld.idx.msk [tilespmem:v19+s17+$0x0], $0xffff;
	v19 =	vor.u32 v6, v10;
	[tilespmem:s13+$0x30] =	vst v27  }
0x282: {  	s12 =	sshll.u32 s30, $0x13;
	s16 =	simm.s32 $0xA;
	v20 =	vor.u32 v3, v12;
	v15 =	vld.idx.msk [tilespmem:v29+s17+$0x0], $0xffff;
	[tilespmem:s15+$0x5900] =	vst v63;
	s13 =	simm.s32 $0x5C40  }
.LBB2_15:
0x283: {  	p1 =	slt.u32 s16, $0x3E;
	v26 =	vmov s25;
	v25 =	vld.idx.msk [tilespmem:v25+s17+$0x0], $0xffff;
	s31 =	sadd.s32 $0x100, s31;
	v27 =	vor.u32 v4, v11;
	[tilespmem:s10+$0x5970] =	vst v17;
	s10 =	smov.u32 s3  }
0x284: {  	s3 =	smov.u32 s7;
	s7 =	smov.u32 s15;
	[tilespmem:s31+$0xFFFFFFC0] =	vst v21;
	v17 =	vand.u32 $0x3F, v26;
	v21 =	vor.u32 v5, v8;
	v23 =	vld.idx.msk [tilespmem:v23+s17+$0x0], $0xffff  }
0x285: {  	v28 =	vor.u32 v2, v13;
	v26 =	vmov s16;
	v24 =	vld.idx.msk [tilespmem:v24+s17+$0x0], $0xffff;
	v17 =	vbroadcast v17, $0x0;
	[tilespmem:s10+$0x5950] =	vst v16  }
0x286: {  	v16 =	vand.u32 $0x3E, v26;
	[tilespmem:s13+$0xFFFFFFE0] =	vst v18;
	v18 =	vor.u32 v7, v9;
	v19 =	vld.idx.msk [tilespmem:v19+s17+$0x0], $0xffff;
	v9 =	vmovc v8;
	v8 =	vmov v12  }
0x287: {  	v12 =	vmov v14;
	v14 =	vbroadcast v16, $0x0;
	v26 =	vor.u32 v0, v17;
	v20 =	vld.idx.msk [tilespmem:v20+s17+$0x0], $0xffff;
	[tilespmem:s3+$0x5930] =	vst v15  }
0x288: {  	v16 =	vor.u32 v7, v10;
	v10 =	vmovc v11;
	v11 =	vmov v13;
	v13 =	vmov v17;
	[tilespmem:s0+$0x0] =	vst v22;
	v15 =	vld.idx.msk [tilespmem:v27+s17+$0x0], $0xffff  }
0x289: {  	v22 =	vor.u32 v0, v14;
	[tilespmem:s7+$0x5910] =	vst v25;
	v27 =	vld.idx.msk [tilespmem:v21+s17+$0x0], $0xffff  }
0x28a: {  	v29 =	vor.u32 v5, v10;
	v28 =	vld.idx.msk [tilespmem:v28+s17+$0x0], $0xffff;
	[tilespmem:s1+$0x20] =	vst v23  }
0x28b: {  	v30 =	vor.u32 v2, v12;
	[tilespmem:s31+$0xFFFFFFD0] =	vst v24;
	v31 =	vld.idx.msk [tilespmem:v18+s17+$0x0], $0xffff  }
0x28c: {  	v32 =	vor.u32 v3, v11;
	v26 =	vld.idx.msk [tilespmem:v26+s17+$0x0], $0xffff;
	[tilespmem:s10+$0x5960] =	vst v19  }
0x28d: {  	v33 =	vor.u32 v4, v8;
	[tilespmem:s13+$0xFFFFFFF0] =	vst v20;
	v17 =	vld.idx.msk [tilespmem:v16+s17+$0x0], $0xffff  }
.Ltmp6:
0x28e: {  	s14 =	sadd.s32 $0x100, s14;
	v25 =	vor.u32 v1, v13;
	v21 =	vld.idx.msk [tilespmem:v22+s17+$0x0], $0xffff;
	[tilespmem:s3+$0x5940] =	vst v15;
	(pc) =	sbr.rel @p1 .LBB2_15-.Ltmp6, $4  }
0x28f: {  	s15 =	sadd.s32 $0xFFFFFF80, s14;
	v23 =	vor.u32 v6, v9;
	[tilespmem:s0+$0x10] =	vst v27;
	v16 =	vld.idx.msk [tilespmem:v29+s17+$0x0], $0xffff  }
0x290: {  	s25 =	sand.u32 $0x380, s14;
	s15 =	sand.u32 $0x1C00, s15;
	v24 =	vor.u32 v1, v14;
	v18 =	vld.idx.msk [tilespmem:v30+s17+$0x0], $0xffff;
	[tilespmem:s7+$0x5920] =	vst v28  }
0x291: {  	s15 =	sor.u32 s25, s15;
	v19 =	vor.u32 v6, v10;
	v15 =	vld.idx.msk [tilespmem:v32+s17+$0x0], $0xffff;
	[tilespmem:s1+$0x30] =	vst v31;
	s1 =	smov.u32 s0;
	s0 =	smov.u32 s13  }
0x292: {  	s25 =	sadd.s32 $0x1, s16;
	s16 =	sadd.s32 $0x2, s16;
	v20 =	vor.u32 v3, v12;
	s13 =	smov.u32 s31;
	[tilespmem:s15+$0x5900] =	vst v26;
	v22 =	vld.idx.msk [tilespmem:v33+s17+$0x0], $0xffff  }
0x293: {  	v26 =	vmov s25  }
0x294: {  	v26 =	vand.u32 $0x3F, v26  }
0x295: {  	v26 =	vbroadcast v26, $0x0;
	_ =	sdelay $0x1  }
0x296: {  	v27 =	vor.u32 v0, v26;
	_ =	sdelay $0x4  }
0x297: {  	v27 =	vld.idx.msk [tilespmem:v27+s17+$0x0], $0xffff  }
0x298: {  	s16 =	sadd.s32 $0x100, s14;
	v28 =	vor.u32 v1, v26  }
0x299: {  	s14 =	sadd.s32 $0xFFFFFF80, s16  }
0x29a: {  	s26 =	sadd.s32 $0x100, s31;
	[tilespmem:s10+$0x5970] =	vst v17;
	s16 =	sand.u32 $0x380, s16;
	s25 =	sand.u32 $0x1C00, s14  }
0x29b: {  	v25 =	vld.idx.msk [tilespmem:v25+s17+$0x0], $0xffff;
	[tilespmem:s26+$0xFFFFFFC0] =	vst v21;
	s16 =	sor.u32 s16, s25  }
0x29c: {  	v21 =	vld.idx.msk [tilespmem:v24+s17+$0x0], $0xffff;
	v24 =	vor.u32 v2, v13;
	[tilespmem:s16+$0x5900] =	vst v27  }
0x29d: {  	v17 =	vor.u32 v2, v14;
	[tilespmem:s3+$0x5950] =	vst v16;
	v27 =	vld.idx.msk [tilespmem:v28+s17+$0x0], $0xffff  }
0x29e: {  	[tilespmem:s13+$0xFFFFFFE0] =	vst v18;
	v16 =	vor.u32 v2, v26  }
0x29f: {  	v18 =	vld.idx.msk [tilespmem:v23+s17+$0x0], $0xffff;
	[tilespmem:s7+$0x5930] =	vst v15  }
0x2a0: {  	v23 =	vor.u32 v4, v11;
	v19 =	vld.idx.msk [tilespmem:v19+s17+$0x0], $0xffff;
	[tilespmem:s15+$0x5910] =	vst v25  }
0x2a1: {  	v9 =	vor.u32 v7, v9;
	v24 =	vld.idx.msk [tilespmem:v24+s17+$0x0], $0xffff;
	[tilespmem:s26+$0xFFFFFFD0] =	vst v21  }
0x2a2: {  	v21 =	vor.u32 v3, v13;
	v17 =	vld.idx.msk [tilespmem:v17+s17+$0x0], $0xffff;
	[tilespmem:s16+$0x5910] =	vst v27  }
0x2a3: {  	v15 =	vor.u32 v3, v14;
	[tilespmem:s0+$0x0] =	vst v22;
	v16 =	vld.idx.msk [tilespmem:v16+s17+$0x0], $0xffff  }
0x2a4: {  	v20 =	vld.idx.msk [tilespmem:v20+s17+$0x0], $0xffff;
	v22 =	vor.u32 v3, v26;
	[tilespmem:s1+$0x20] =	vst v18  }
0x2a5: {  	v10 =	vor.u32 v7, v10;
	v18 =	vld.idx.msk [tilespmem:v23+s17+$0x0], $0xffff;
	[tilespmem:s3+$0x5960] =	vst v19  }
0x2a6: {  	v23 =	vor.u32 v4, v12;
	v9 =	vld.idx.msk [tilespmem:v9+s17+$0x0], $0xffff;
	[tilespmem:s15+$0x5920] =	vst v24  }
0x2a7: {  	v25 =	vor.u32 v5, v8;
	v21 =	vld.idx.msk [tilespmem:v21+s17+$0x0], $0xffff;
	[tilespmem:s26+$0xFFFFFFE0] =	vst v17  }
0x2a8: {  	v17 =	vor.u32 v4, v13;
	v15 =	vld.idx.msk [tilespmem:v15+s17+$0x0], $0xffff;
	[tilespmem:s16+$0x5920] =	vst v16  }
0x2a9: {  	[tilespmem:s13+$0xFFFFFFF0] =	vst v20;
	v16 =	vor.u32 v4, v14;
	v19 =	vld.idx.msk [tilespmem:v22+s17+$0x0], $0xffff  }
0x2aa: {  	v20 =	vor.u32 v4, v26;
	v10 =	vld.idx.msk [tilespmem:v10+s17+$0x0], $0xffff;
	[tilespmem:s7+$0x5940] =	vst v18  }
0x2ab: {  	v18 =	vor.u32 v5, v11;
	v23 =	vld.idx.msk [tilespmem:v23+s17+$0x0], $0xffff;
	[tilespmem:s1+$0x30] =	vst v9  }
0x2ac: {  	[tilespmem:s15+$0x5930] =	vst v21;
	v21 =	vor.u32 v5, v12;
	v22 =	vld.idx.msk [tilespmem:v25+s17+$0x0], $0xffff  }
0x2ad: {  	v17 =	vld.idx.msk [tilespmem:v17+s17+$0x0], $0xffff;
	[tilespmem:s26+$0xFFFFFFF0] =	vst v15  }
0x2ae: {  	v15 =	vor.u32 v5, v13;
	v16 =	vld.idx.msk [tilespmem:v16+s17+$0x0], $0xffff;
	[tilespmem:s16+$0x5930] =	vst v19  }
0x2af: {  	[tilespmem:s3+$0x5970] =	vst v10;
	v19 =	vor.u32 v5, v14;
	v20 =	vld.idx.msk [tilespmem:v20+s17+$0x0], $0xffff  }
0x2b0: {  	v9 =	vor.u32 v5, v26;
	v18 =	vld.idx.msk [tilespmem:v18+s17+$0x0], $0xffff;
	[tilespmem:s13+$0x0] =	vst v23  }
0x2b1: {  	v21 =	vld.idx.msk [tilespmem:v21+s17+$0x0], $0xffff;
	[tilespmem:s0+$0x10] =	vst v22;
	v22 =	vor.u32 v6, v8  }
0x2b2: {  	[tilespmem:s15+$0x5940] =	vst v17;
	v17 =	vor.u32 v6, v12  }
0x2b3: {  	v23 =	vor.u32 v6, v11;
	v15 =	vld.idx.msk [tilespmem:v15+s17+$0x0], $0xffff;
	[tilespmem:s26+$0x0] =	vst v16  }
0x2b4: {  	v16 =	vor.u32 v6, v13;
	v19 =	vld.idx.msk [tilespmem:v19+s17+$0x0], $0xffff;
	[tilespmem:s16+$0x5940] =	vst v20  }
0x2b5: {  	v10 =	vor.u32 v6, v14;
	[tilespmem:s7+$0x5950] =	vst v18;
	v9 =	vld.idx.msk [tilespmem:v9+s17+$0x0], $0xffff  }
0x2b6: {  	v18 =	vor.u32 v6, v26;
	[tilespmem:s13+$0x10] =	vst v21;
	v20 =	vld.idx.msk [tilespmem:v22+s17+$0x0], $0xffff  }
0x2b7: {  	v17 =	vld.idx.msk [tilespmem:v17+s17+$0x0], $0xffff;
	v8 =	vor.u32 v7, v8  }
0x2b8: {  	v12 =	vor.u32 v7, v12;
	[tilespmem:s15+$0x5950] =	vst v15;
	v22 =	vld.idx.msk [tilespmem:v23+s17+$0x0], $0xffff  }
0x2b9: {  	v11 =	vor.u32 v7, v11;
	v15 =	vld.idx.msk [tilespmem:v16+s17+$0x0], $0xffff;
	[tilespmem:s26+$0x10] =	vst v19  }
0x2ba: {  	v13 =	vor.u32 v7, v13;
	v10 =	vld.idx.msk [tilespmem:v10+s17+$0x0], $0xffff;
	[tilespmem:s16+$0x5950] =	vst v9  }
0x2bb: {  	[tilespmem:s0+$0x20] =	vst v20;
	v9 =	vor.u32 v7, v14;
	v14 =	vld.idx.msk [tilespmem:v18+s17+$0x0], $0xffff  }
0x2bc: {  	[tilespmem:s13+$0x20] =	vst v17;
	v16 =	vor.u32 v7, v26;
	v8 =	vld.idx.msk [tilespmem:v8+s17+$0x0], $0xffff  }
0x2bd: {  	v12 =	vld.idx.msk [tilespmem:v12+s17+$0x0], $0xffff;
	[tilespmem:s7+$0x5960] =	vst v22  }
0x2be: {  	v11 =	vld.idx.msk [tilespmem:v11+s17+$0x0], $0xffff;
	[tilespmem:s15+$0x5960] =	vst v15  }
0x2bf: {  	v13 =	vld.idx.msk [tilespmem:v13+s17+$0x0], $0xffff;
	[tilespmem:s26+$0x20] =	vst v10  }
0x2c0: {  	v9 =	vld.idx.msk [tilespmem:v9+s17+$0x0], $0xffff;
	[tilespmem:s16+$0x5960] =	vst v14  }
0x2c1: {  	[tilespmem:s0+$0x30] =	vst v8;
	v8 =	vld.idx.msk [tilespmem:v16+s17+$0x0], $0xffff  }
0x2c2: {  	[tilespmem:s13+$0x30] =	vst v12  }
0x2c3: {  	p1 =	seq.s32 s30, $0x18;
	[tilespmem:s7+$0x5970] =	vst v11  }
0x2c4: {  	s0 =	sshll.u32 @!p1 s30, $0x8;
	[tilespmem:s15+$0x5970] =	vst v13  }
0x2c5: {  	s12 =	sor.u32 s11, s12;
	s31 =	sand.u32 @!p1 $0x3FFFFF00, s0;
	[tilespmem:s26+$0x30] =	vst v9  }
0x2c6: {  	s1 =	simm.s32 @!p1 $0x80;
	s3 =	simm.s32 @!p1 $0x1900;
	s0 =	sadd.s32 @!p1 $0x100, s31;
	[tilespmem:s16+$0x5970] =	vst v8  }
0x2c7: {  	[tilespmem:s3], [sflag:$0x1] =	stream.indirect.gather @!p1 [hbm4b:s6+s1], $0x40, s0, s1, $0xb8;
	[tilespmem:$0x9900] =	vst v63  }
0x2c8: {  	s13 =	simm.s32 $0x0;
	s0 =	sshrl.u32 s12, $0x3  }
0x2c9: {  	v8 =	vmov s13;
	s0 =	sadd.s32 s2, s0  }
0x2ca: {  	s15 =	simm.s32 $0x1;
	v8 =	vand.u32 $0x3E, v8;
	s14 =	sadd.s32 $0x320000, s0  }
0x2cb: {  	v14 =	vbroadcast v8, $0x0;
	[hbm4b:s14+s20] =	stream.strided.scatter [tilespmem:s22], [sflag:$0x3], $0x2000, s21, s20, $0x38;
	[tilespmem:$0x9900] =	vst v63  }
0x2cc: {  	v8 =	vmov s15;
	_ =	swait.ge [sflag:s23], $0x2000  }
0x2cd: {  	v8 =	vand.u32 $0x3F, v8;
	v9 =	vor.u32 v0, v14;
	[sflag:s23] =	ssyncset.done $0x0  }
0x2ce: {  	s1 =	simm.s32 @!p0 $0x4;
	v15 =	vbroadcast v8, $0x0;
	[sflag:s23] =	ssyncadd.s32 $0xFFFFE000  }
0x2cf: {  	_ =	swait.ge @!p0 [sflag:s1], $0x2000  }
0x2d0: {  	v8 =	vor.u32 v0, v15;
	[sflag:s1] =	ssyncset.done @!p0 $0x0  }
0x2d1: {  	[sflag:s1] =	ssyncadd.s32 @!p0 $0xFFFFE000  }
0x2d2: {  	s16 =	simm.s32 $0x2;
	v10 =	vld.idx.msk [tilespmem:v9+s18+$0x0], $0xffff  }
0x2d3: {  	v11 =	vor.u32 v1, v14;
	v9 =	vmov s16  }
0x2d4: {  	v9 =	vand.u32 $0x3E, v9  }
0x2d5: {  	v8 =	vld.idx.msk [tilespmem:v8+s18+$0x0], $0xffff;
	v9 =	vbroadcast v9, $0x0  }
0x2d6: {  	s13 =	simm.s32 $0x7940;
	v12 =	vor.u32 v1, v15  }
0x2d7: {  	s25 =	simm.s32 $0x80;
	s26 =	simm.s32 $0x0;
	[tilespmem:s13+$0xFFFFFFC0] =	vst v10;
	v10 =	vor.u32 v0, v9  }
0x2d8: {  	s3 =	sand.u32 $0x1C00, s26;
	s1 =	sand.u32 $0x380, s25;
	v11 =	vld.idx.msk [tilespmem:v11+s18+$0x0], $0xffff  }
0x2d9: {  	v13 =	vor.u32 v2, v14;
	s12 =	sor.u32 s1, s3;
	s3 =	simm.s32 $0x3  }
0x2da: {  	[tilespmem:s12+$0x7900] =	vst v8;
	v8 =	vmov s3  }
0x2db: {  	v12 =	vld.idx.msk [tilespmem:v12+s18+$0x0], $0xffff;
	v8 =	vand.u32 $0x3F, v8  }
0x2dc: {  	s7 =	simm.s32 $0x4;
	v17 =	vor.u32 v2, v15;
	v16 =	vld.idx.msk [tilespmem:v10+s18+$0x0], $0xffff;
	v10 =	vbroadcast v8, $0x0  }
0x2dd: {  	v8 =	vmov s7;
	[tilespmem:s13+$0xFFFFFFD0] =	vst v11;
	v11 =	vor.u32 v1, v9  }
0x2de: {  	v8 =	vand.u32 $0x3E, v8;
	v13 =	vld.idx.msk [tilespmem:v13+s18+$0x0], $0xffff;
	v18 =	vor.u32 v0, v10  }
0x2df: {  	v19 =	vor.u32 v3, v14;
	v8 =	vbroadcast v8, $0x0  }
0x2e0: {  	s3 =	simm.s32 $0x7A40;
	[tilespmem:s12+$0x7910] =	vst v12  }
0x2e1: {  	v12 =	vor.u32 v0, v8;
	[tilespmem:s3+$0xFFFFFFC0] =	vst v16;
	v16 =	vld.idx.msk [tilespmem:v17+s18+$0x0], $0xffff  }
0x2e2: {  	v17 =	vor.u32 v3, v15;
	v11 =	vld.idx.msk [tilespmem:v11+s18+$0x0], $0xffff  }
0x2e3: {  	[tilespmem:s13+$0xFFFFFFE0] =	vst v13;
	v13 =	vor.u32 v2, v9;
	v18 =	vld.idx.msk [tilespmem:v18+s18+$0x0], $0xffff  }
0x2e4: {  	v20 =	vor.u32 v1, v10;
	v19 =	vld.idx.msk [tilespmem:v19+s18+$0x0], $0xffff  }
0x2e5: {  	s10 =	simm.s32 $0x180;
	v21 =	vor.u32 v4, v14;
	s14 =	simm.s32 $0x100  }
0x2e6: {  	s1 =	sand.u32 $0x380, s10;
	s7 =	sand.u32 $0x1C00, s14;
	v12 =	vld.idx.msk [tilespmem:v12+s18+$0x0], $0xffff;
	[tilespmem:s12+$0x7920] =	vst v16  }
0x2e7: {  	s15 =	simm.s32 $0x5;
	s7 =	sor.u32 s1, s7;
	v16 =	vor.u32 v1, v8;
	[tilespmem:s3+$0xFFFFFFD0] =	vst v11;
	v17 =	vld.idx.msk [tilespmem:v17+s18+$0x0], $0xffff  }
0x2e8: {  	s16 =	simm.s32 $0x6;
	v11 =	vmov s15;
	v13 =	vld.idx.msk [tilespmem:v13+s18+$0x0], $0xffff;
	[tilespmem:s7+$0x7900] =	vst v18;
	v18 =	vor.u32 v4, v15  }
0x2e9: {  	v22 =	vmov s16;
	v11 =	vand.u32 $0x3F, v11;
	[tilespmem:s13+$0xFFFFFFF0] =	vst v19;
	v19 =	vor.u32 v3, v9;
	v20 =	vld.idx.msk [tilespmem:v20+s18+$0x0], $0xffff  }
0x2ea: {  	v22 =	vand.u32 $0x3E, v22;
	s1 =	simm.s32 $0x7B40;
	v23 =	vor.u32 v2, v10;
	v11 =	vbroadcast v11, $0x0;
	v21 =	vld.idx.msk [tilespmem:v21+s18+$0x0], $0xffff  }
0x2eb: {  	v24 =	vor.u32 v5, v14;
	[tilespmem:s1+$0xFFFFFFC0] =	vst v12;
	v12 =	vbroadcast v22, $0x0  }
0x2ec: {  	v16 =	vld.idx.msk [tilespmem:v16+s18+$0x0], $0xffff;
	v22 =	vor.u32 v0, v11;
	[tilespmem:s12+$0x7930] =	vst v17  }
0x2ed: {  	v17 =	vor.u32 v0, v12;
	[tilespmem:s3+$0xFFFFFFE0] =	vst v13;
	v13 =	vld.idx.msk [tilespmem:v18+s18+$0x0], $0xffff  }
0x2ee: {  	v18 =	vld.idx.msk [tilespmem:v19+s18+$0x0], $0xffff;
	[tilespmem:s7+$0x7910] =	vst v20;
	v19 =	vor.u32 v5, v15  }
0x2ef: {  	[tilespmem:s13+$0x0] =	vst v21;
	v20 =	vld.idx.msk [tilespmem:v23+s18+$0x0], $0xffff;
	v21 =	vor.u32 v2, v8  }
0x2f0: {  	v23 =	vld.idx.msk [tilespmem:v24+s18+$0x0], $0xffff;
	v24 =	vor.u32 v3, v10  }
0x2f1: {  	v25 =	vor.u32 v4, v9;
	v22 =	vld.idx.msk [tilespmem:v22+s18+$0x0], $0xffff  }
0x2f2: {  	v26 =	vor.u32 v1, v11;
	v17 =	vld.idx.msk [tilespmem:v17+s18+$0x0], $0xffff;
	[tilespmem:s12+$0x7940] =	vst v13  }
0x2f3: {  	s26 =	simm.s32 $0x200;
	s25 =	simm.s32 $0x280;
	[tilespmem:s1+$0xFFFFFFD0] =	vst v16;
	v13 =	vor.u32 v6, v14;
	v16 =	vld.idx.msk [tilespmem:v19+s18+$0x0], $0xffff  }
0x2f4: {  	s10 =	sand.u32 $0x380, s25;
	s14 =	sand.u32 $0x1C00, s26;
	v19 =	vor.u32 v1, v12;
	v21 =	vld.idx.msk [tilespmem:v21+s18+$0x0], $0xffff;
	[tilespmem:s7+$0x7920] =	vst v20  }
0x2f5: {  	s10 =	sor.u32 s10, s14;
	[tilespmem:s3+$0xFFFFFFF0] =	vst v18;
	v20 =	vor.u32 v6, v15;
	v18 =	vld.idx.msk [tilespmem:v24+s18+$0x0], $0xffff  }
0x2f6: {  	s15 =	simm.s32 $0x7;
	v24 =	vor.u32 v3, v8;
	[tilespmem:s10+$0x7900] =	vst v22;
	v22 =	vld.idx.msk [tilespmem:v25+s18+$0x0], $0xffff  }
0x2f7: {  	[tilespmem:s13+$0x10] =	vst v23;
	v23 =	vmov s15;
	s15 =	simm.s32 $0x7C40;
	v25 =	vld.idx.msk [tilespmem:v26+s18+$0x0], $0xffff;
	v26 =	vor.u32 v4, v10  }
0x2f8: {  	s16 =	simm.s32 $0x8;
	[tilespmem:s15+$0xFFFFFFC0] =	vst v17;
	v17 =	vand.u32 $0x3F, v23;
	v23 =	vor.u32 v5, v9;
	v27 =	vld.idx.msk [tilespmem:v13+s18+$0x0], $0xffff  }
0x2f9: {  	v62 =	vmov s16;
	v13 =	vbroadcast v17, $0x0;
	v17 =	vor.u32 v2, v11;
	v19 =	vld.idx.msk [tilespmem:v19+s18+$0x0], $0xffff;
	[tilespmem:s12+$0x7950] =	vst v16  }
0x2fa: {  	v16 =	vand.u32 $0x3E, v62;
	[tilespmem:s1+$0xFFFFFFE0] =	vst v21;
	v21 =	vor.u32 v7, v14;
	v20 =	vld.idx.msk [tilespmem:v20+s18+$0x0], $0xffff  }
0x2fb: {  	v14 =	vbroadcast v16, $0x0;
	v16 =	vor.u32 v0, v13;
	v24 =	vld.idx.msk [tilespmem:v24+s18+$0x0], $0xffff;
	[tilespmem:s7+$0x7930] =	vst v18  }
0x2fc: {  	v15 =	vor.u32 v7, v15;
	[tilespmem:s3+$0x0] =	vst v22;
	v18 =	vld.idx.msk [tilespmem:v26+s18+$0x0], $0xffff  }
0x2fd: {  	[tilespmem:s10+$0x7910] =	vst v25;
	v23 =	vld.idx.msk [tilespmem:v23+s18+$0x0], $0xffff;
	v25 =	vor.u32 v5, v10  }
0x2fe: {  	v22 =	vor.u32 v0, v14;
	v26 =	vld.idx.msk [tilespmem:v17+s18+$0x0], $0xffff;
	[tilespmem:s13+$0x20] =	vst v27  }
0x2ff: {  	[tilespmem:s15+$0xFFFFFFD0] =	vst v19;
	v19 =	vor.u32 v2, v12;
	v21 =	vld.idx.msk [tilespmem:v21+s18+$0x0], $0xffff  }
0x300: {  	v63 =	vor.u32 v3, v11;
	v27 =	vld.idx.msk [tilespmem:v16+s18+$0x0], $0xffff;
	[tilespmem:s12+$0x7960] =	vst v20  }
0x301: {  	v29 =	vor.u32 v4, v8;
	v17 =	vld.idx.msk [tilespmem:v15+s18+$0x0], $0xffff;
	[tilespmem:s7+$0x7940] =	vst v18  }
0x302: {  	[tilespmem:s1+$0xFFFFFFF0] =	vst v24;
	v16 =	vld.idx.msk [tilespmem:v25+s18+$0x0], $0xffff;
	v25 =	vor.u32 v1, v13  }
0x303: {  	s25 =	simm.s32 $0x300;
	s16 =	simm.s32 $0x380;
	v22 =	vld.idx.msk [tilespmem:v22+s18+$0x0], $0xffff;
	[tilespmem:s3+$0x10] =	vst v23;
	v23 =	vor.u32 v6, v9  }
0x304: {  	s26 =	sand.u32 $0x380, s16;
	s14 =	sand.u32 $0x1C00, s25;
	v24 =	vor.u32 v1, v14;
	[tilespmem:s10+$0x7920] =	vst v26;
	v18 =	vld.idx.msk [tilespmem:v19+s18+$0x0], $0xffff  }
0x305: {  	s14 =	sor.u32 s26, s14;
	v15 =	vld.idx.msk [tilespmem:v63+s18+$0x0], $0xffff;
	v19 =	vor.u32 v6, v10;
	[tilespmem:s13+$0x30] =	vst v21  }
0x306: {  	s25 =	simm.s32 $0xA;
	s26 =	simm.s32 $0x9;
	v20 =	vor.u32 v3, v12;
	[tilespmem:s14+$0x7900] =	vst v27;
	v21 =	vld.idx.msk [tilespmem:v29+s18+$0x0], $0xffff;
	s13 =	simm.s32 $0x7C40  }
.LBB2_17:
0x307: {  	p0 =	slt.u32 s25, $0x3E;
	v26 =	vmov s26;
	v25 =	vld.idx.msk [tilespmem:v25+s18+$0x0], $0xffff;
	s15 =	sadd.s32 $0x100, s15;
	v27 =	vor.u32 v4, v11;
	[tilespmem:s12+$0x7970] =	vst v17;
	s12 =	smov.u32 s7  }
0x308: {  	s7 =	smov.u32 s10;
	s10 =	smov.u32 s14;
	[tilespmem:s15+$0xFFFFFFC0] =	vst v22;
	v17 =	vand.u32 $0x3F, v26;
	v22 =	vor.u32 v5, v8;
	v23 =	vld.idx.msk [tilespmem:v23+s18+$0x0], $0xffff  }
0x309: {  	v28 =	vor.u32 v2, v13;
	v26 =	vmov s25;
	v24 =	vld.idx.msk [tilespmem:v24+s18+$0x0], $0xffff;
	v17 =	vbroadcast v17, $0x0;
	[tilespmem:s12+$0x7950] =	vst v16  }
0x30a: {  	v16 =	vand.u32 $0x3E, v26;
	[tilespmem:s13+$0xFFFFFFE0] =	vst v18;
	v18 =	vor.u32 v7, v9;
	v19 =	vld.idx.msk [tilespmem:v19+s18+$0x0], $0xffff;
	v9 =	vmovc v8;
	v8 =	vmov v12  }
0x30b: {  	v12 =	vmov v14;
	v14 =	vbroadcast v16, $0x0;
	v26 =	vor.u32 v0, v17;
	v20 =	vld.idx.msk [tilespmem:v20+s18+$0x0], $0xffff;
	[tilespmem:s7+$0x7930] =	vst v15  }
0x30c: {  	v16 =	vor.u32 v7, v10;
	v10 =	vmovc v11;
	v11 =	vmov v13;
	v13 =	vmov v17;
	[tilespmem:s1+$0x0] =	vst v21;
	v15 =	vld.idx.msk [tilespmem:v27+s18+$0x0], $0xffff  }
0x30d: {  	v21 =	vor.u32 v0, v14;
	[tilespmem:s10+$0x7910] =	vst v25;
	v27 =	vld.idx.msk [tilespmem:v22+s18+$0x0], $0xffff  }
0x30e: {  	v29 =	vor.u32 v5, v10;
	v28 =	vld.idx.msk [tilespmem:v28+s18+$0x0], $0xffff;
	[tilespmem:s3+$0x20] =	vst v23  }
0x30f: {  	v30 =	vor.u32 v2, v12;
	[tilespmem:s15+$0xFFFFFFD0] =	vst v24;
	v31 =	vld.idx.msk [tilespmem:v18+s18+$0x0], $0xffff  }
0x310: {  	v32 =	vor.u32 v3, v11;
	v26 =	vld.idx.msk [tilespmem:v26+s18+$0x0], $0xffff;
	[tilespmem:s12+$0x7960] =	vst v19  }
0x311: {  	v33 =	vor.u32 v4, v8;
	[tilespmem:s13+$0xFFFFFFF0] =	vst v20;
	v17 =	vld.idx.msk [tilespmem:v16+s18+$0x0], $0xffff  }
.Ltmp7:
0x312: {  	s16 =	sadd.s32 $0x100, s16;
	v25 =	vor.u32 v1, v13;
	v22 =	vld.idx.msk [tilespmem:v21+s18+$0x0], $0xffff;
	[tilespmem:s7+$0x7940] =	vst v15;
	(pc) =	sbr.rel @p0 .LBB2_17-.Ltmp7, $4  }
0x313: {  	s14 =	sadd.s32 $0xFFFFFF80, s16;
	v23 =	vor.u32 v6, v9;
	[tilespmem:s1+$0x10] =	vst v27;
	v16 =	vld.idx.msk [tilespmem:v29+s18+$0x0], $0xffff  }
0x314: {  	s26 =	sand.u32 $0x380, s16;
	s14 =	sand.u32 $0x1C00, s14;
	v24 =	vor.u32 v1, v14;
	v18 =	vld.idx.msk [tilespmem:v30+s18+$0x0], $0xffff;
	[tilespmem:s10+$0x7920] =	vst v28  }
0x315: {  	s14 =	sor.u32 s26, s14;
	v19 =	vor.u32 v6, v10;
	v15 =	vld.idx.msk [tilespmem:v32+s18+$0x0], $0xffff;
	[tilespmem:s3+$0x30] =	vst v31;
	s3 =	smov.u32 s1;
	s1 =	smov.u32 s13  }
0x316: {  	s26 =	sadd.s32 $0x1, s25;
	s25 =	sadd.s32 $0x2, s25;
	v20 =	vor.u32 v3, v12;
	s13 =	smov.u32 s15;
	[tilespmem:s14+$0x7900] =	vst v26;
	v21 =	vld.idx.msk [tilespmem:v33+s18+$0x0], $0xffff  }
0x317: {  	v26 =	vmov s26  }
0x318: {  	v26 =	vand.u32 $0x3F, v26  }
0x319: {  	v26 =	vbroadcast v26, $0x0;
	_ =	sdelay $0x1  }
0x31a: {  	v27 =	vor.u32 v0, v26;
	_ =	sdelay $0x4  }
0x31b: {  	v27 =	vld.idx.msk [tilespmem:v27+s18+$0x0], $0xffff  }
0x31c: {  	s16 =	sadd.s32 $0x100, s16;
	v28 =	vor.u32 v1, v26  }
0x31d: {  	s25 =	sadd.s32 $0xFFFFFF80, s16  }
0x31e: {  	s15 =	sadd.s32 $0x100, s15;
	s16 =	sand.u32 $0x380, s16;
	s25 =	sand.u32 $0x1C00, s25  }
0x31f: {  	v61 =	vld.idx.msk [tilespmem:v25+s18+$0x0], $0xffff;
	[tilespmem:s15+$0xFFFFFFC0] =	vst v22;
	s16 =	sor.u32 s16, s25  }
0x320: {  	v62 =	vor.u32 v2, v13;
	v24 =	vld.idx.msk [tilespmem:v24+s18+$0x0], $0xffff;
	[tilespmem:s16+$0x7900] =	vst v27  }
0x321: {  	[tilespmem:s12+$0x7970] =	vst v17;
	v63 =	vor.u32 v2, v14;
	v27 =	vld.idx.msk [tilespmem:v28+s18+$0x0], $0xffff  }
0x322: {  	[tilespmem:s7+$0x7950] =	vst v16;
	v30 =	vor.u32 v2, v26  }
0x323: {  	[tilespmem:s13+$0xFFFFFFE0] =	vst v18  }
0x324: {  	v31 =	vld.idx.msk [tilespmem:v23+s18+$0x0], $0xffff;
	[tilespmem:s14+$0x7910] =	vst v61  }
0x325: {  	v32 =	vor.u32 v4, v11;
	v33 =	vld.idx.msk [tilespmem:v62+s18+$0x0], $0xffff;
	[tilespmem:s15+$0xFFFFFFD0] =	vst v24  }
0x326: {  	v34 =	vor.u32 v3, v13;
	v17 =	vld.idx.msk [tilespmem:v63+s18+$0x0], $0xffff;
	[tilespmem:s16+$0x7910] =	vst v27  }
0x327: {  	v35 =	vor.u32 v3, v14;
	[tilespmem:s10+$0x7930] =	vst v15;
	v16 =	vld.idx.msk [tilespmem:v30+s18+$0x0], $0xffff  }
0x328: {  	v19 =	vld.idx.msk [tilespmem:v19+s18+$0x0], $0xffff;
	[tilespmem:s1+$0x0] =	vst v21;
	v36 =	vor.u32 v3, v26  }
0x329: {  	v37 =	vor.u32 v5, v8;
	v20 =	vld.idx.msk [tilespmem:v20+s18+$0x0], $0xffff;
	[tilespmem:s3+$0x20] =	vst v31  }
0x32a: {  	v9 =	vor.u32 v7, v9;
	v38 =	vld.idx.msk [tilespmem:v32+s18+$0x0], $0xffff;
	[tilespmem:s14+$0x7920] =	vst v33  }
0x32b: {  	v39 =	vor.u32 v4, v12;
	v23 =	vld.idx.msk [tilespmem:v34+s18+$0x0], $0xffff;
	[tilespmem:s15+$0xFFFFFFE0] =	vst v17  }
0x32c: {  	v40 =	vor.u32 v4, v13;
	v15 =	vld.idx.msk [tilespmem:v35+s18+$0x0], $0xffff;
	[tilespmem:s16+$0x7920] =	vst v16  }
0x32d: {  	v41 =	vor.u32 v4, v14;
	[tilespmem:s7+$0x7960] =	vst v19;
	v42 =	vld.idx.msk [tilespmem:v36+s18+$0x0], $0xffff  }
0x32e: {  	v44 =	vor.u32 v4, v26;
	v43 =	vld.idx.msk [tilespmem:v37+s18+$0x0], $0xffff;
	[tilespmem:s13+$0xFFFFFFF0] =	vst v20  }
0x32f: {  	v10 =	vor.u32 v7, v10;
	v9 =	vld.idx.msk [tilespmem:v9+s18+$0x0], $0xffff;
	[tilespmem:s10+$0x7940] =	vst v38  }
0x330: {  	v45 =	vor.u32 v5, v11;
	v22 =	vld.idx.msk [tilespmem:v39+s18+$0x0], $0xffff;
	[tilespmem:s14+$0x7930] =	vst v23  }
0x331: {  	v46 =	vor.u32 v5, v12;
	v17 =	vld.idx.msk [tilespmem:v40+s18+$0x0], $0xffff;
	[tilespmem:s15+$0xFFFFFFF0] =	vst v15  }
0x332: {  	v47 =	vor.u32 v5, v13;
	v16 =	vld.idx.msk [tilespmem:v41+s18+$0x0], $0xffff;
	[tilespmem:s16+$0x7930] =	vst v42  }
0x333: {  	v48 =	vor.u32 v5, v14;
	[tilespmem:s1+$0x10] =	vst v43;
	v20 =	vld.idx.msk [tilespmem:v44+s18+$0x0], $0xffff  }
0x334: {  	v49 =	vor.u32 v5, v26;
	v10 =	vld.idx.msk [tilespmem:v10+s18+$0x0], $0xffff;
	[tilespmem:s3+$0x30] =	vst v9  }
0x335: {  	v50 =	vor.u32 v6, v8;
	v18 =	vld.idx.msk [tilespmem:v45+s18+$0x0], $0xffff;
	[tilespmem:s13+$0x0] =	vst v22  }
0x336: {  	v51 =	vor.u32 v6, v11;
	v23 =	vld.idx.msk [tilespmem:v46+s18+$0x0], $0xffff;
	[tilespmem:s14+$0x7940] =	vst v17  }
0x337: {  	v52 =	vor.u32 v6, v12;
	v15 =	vld.idx.msk [tilespmem:v47+s18+$0x0], $0xffff;
	[tilespmem:s15+$0x0] =	vst v16  }
0x338: {  	v53 =	vor.u32 v6, v13;
	v19 =	vld.idx.msk [tilespmem:v48+s18+$0x0], $0xffff;
	[tilespmem:s16+$0x7940] =	vst v20  }
0x339: {  	v54 =	vor.u32 v6, v14;
	[tilespmem:s7+$0x7970] =	vst v10;
	v9 =	vld.idx.msk [tilespmem:v49+s18+$0x0], $0xffff  }
0x33a: {  	v56 =	vor.u32 v6, v26;
	v55 =	vld.idx.msk [tilespmem:v50+s18+$0x0], $0xffff;
	[tilespmem:s10+$0x7950] =	vst v18  }
0x33b: {  	v8 =	vor.u32 v7, v8;
	v57 =	vld.idx.msk [tilespmem:v51+s18+$0x0], $0xffff;
	[tilespmem:s13+$0x10] =	vst v23  }
0x33c: {  	v58 =	vor.u32 v7, v11;
	v17 =	vld.idx.msk [tilespmem:v52+s18+$0x0], $0xffff;
	[tilespmem:s14+$0x7950] =	vst v15  }
0x33d: {  	v59 =	vor.u32 v7, v12;
	v15 =	vld.idx.msk [tilespmem:v53+s18+$0x0], $0xffff;
	[tilespmem:s15+$0x10] =	vst v19  }
0x33e: {  	v60 =	vor.u32 v7, v13;
	v10 =	vld.idx.msk [tilespmem:v54+s18+$0x0], $0xffff;
	[tilespmem:s16+$0x7950] =	vst v9  }
0x33f: {  	v61 =	vor.u32 v7, v14;
	[tilespmem:s1+$0x20] =	vst v55;
	v62 =	vld.idx.msk [tilespmem:v56+s18+$0x0], $0xffff  }
0x340: {  	v63 =	vor.u32 v7, v26;
	v8 =	vld.idx.msk [tilespmem:v8+s18+$0x0], $0xffff;
	[tilespmem:s10+$0x7960] =	vst v57  }
0x341: {  	v11 =	vld.idx.msk [tilespmem:v58+s18+$0x0], $0xffff;
	[tilespmem:s13+$0x20] =	vst v17  }
0x342: {  	v12 =	vld.idx.msk [tilespmem:v59+s18+$0x0], $0xffff;
	[tilespmem:s14+$0x7960] =	vst v15  }
0x343: {  	v13 =	vld.idx.msk [tilespmem:v60+s18+$0x0], $0xffff;
	[tilespmem:s15+$0x20] =	vst v10  }
0x344: {  	v9 =	vld.idx.msk [tilespmem:v61+s18+$0x0], $0xffff;
	[tilespmem:s16+$0x7960] =	vst v62  }
0x345: {  	[tilespmem:s1+$0x30] =	vst v8;
	v8 =	vld.idx.msk [tilespmem:v63+s18+$0x0], $0xffff  }
0x346: {  	[tilespmem:s10+$0x7970] =	vst v11  }
0x347: {  	s30 =	sadd.s32 $0x1, s30;
	[tilespmem:s13+$0x30] =	vst v12  }
0x348: {  	p0 =	sne.s32 s30, $0x19;
	[tilespmem:s14+$0x7970] =	vst v13  }
.Ltmp8:
0x349: {  	[tilespmem:s15+$0x30] =	vst v9;
	(pc) =	sbr.rel @p0 .LBB2_14-.Ltmp8, $4  }
0x34a: {  	s3 =	simm.s32 @!p1 $0x80;
	s7 =	simm.s32 @!p1 $0x3900;
	s1 =	sadd.s32 @!p1 $0x180, s31;
	[tilespmem:s16+$0x7970] =	vst v8  }
0x34b: {  	[tilespmem:s7], [sflag:$0x2] =	stream.indirect.gather @!p1 [hbm4b:s6+s3], $0x40, s1, s3, $0xb8;
	[tilespmem:$0x9900] =	vst v63  }
0x34c: {  	s0 =	sadd.s32 $0x328000, s0  }
0x34d: {  	[hbm4b:s0+s20] =	stream.strided.scatter [tilespmem:s24], [sflag:$0x4], $0x2000, s21, s20, $0x38;
	[tilespmem:$0x9900] =	vst v63  }
0x34e: {  	s0 =	simm.s32 $0x3  }
0x34f: {  	_ =	swait.ge [sflag:s0], $0x2000  }
0x350: {  	[sflag:s0] =	ssyncset.done $0x0  }
0x351: {  	s1 =	simm.s32 $0x4;
	[sflag:s0] =	ssyncadd.s32 $0xFFFFE000  }
0x352: {  	_ =	swait.ge [sflag:s1], $0x2000  }
0x353: {  	s28 =	sadd.s32 $0x1, s28;
	s31 =	rddreg [dreg:$0x6]  }
0x354: {  	p0 =	sne.s32 s28, s31  }
.Ltmp9:
0x355: {  	_ = 	snop;
	(pc) =	sbr.rel @p0 .LBB2_1-.Ltmp9, $3  }
0x356: {  	_ =	sdelay $0x1  }
0x357: {  	[sflag:s1] =	ssyncset.done $0x0  }
0x358: {  	[sflag:s1] =	ssyncadd.s32 $0xFFFFE000  }
0x359: {  	_ =	sfence.sel $0x180000  }
0x35a: {  	[bflag:$0x0] =	sbarrier.arrive $0xFFFF  }
0x35b: {  	_ =	strace $0x90000047  }
0x35c: {  	s0 =	stileid.u32;
	[bflag:$0x2] =	sbarrier.arrive $0xFFFF  }
0x35d: {  	p0 =	sne.s32 s0, $0x0;
	s0 =	rddreg [dreg:$0x2]  }
0x35e: {  	s0 =	sadd.s32 @!p0 $0x100000, s0  }
0x35f: {  	[sflag:s0] =	ssyncadd.tile.s32 @!p0 $0x1;
	_ =	shalt  }
.Lfunc_end2:
_tile_overlayer_lowered:
.L_overlay_start_2:
0x360: {  	(tag) =	ssettag $0x2  }
0x361: {  	s0 =	rddreg [dreg:$0x0];
	s2 =	stileid.u32  }
0x362: {  	s1 =	rddreg [dreg:$0x1];
	p0 =	sne.s32 s2, $0x0  }
0x363: {  	s3 =	rddreg [dreg:$0x2];
	[bflag:$0x3] =	sbarrier.arrive $0xFFFF;
	s2 =	simm.s32 @!p0 $0x1C05  }
0x364: {  	[timem:s3], [sflag:s2] =	dma.local @!p0 [hbm:s0], s1  }
0x365: {  	s0 =	simm.s32 @!p0 $0x5  }
0x366: {  	_ =	swait.ge @!p0 [sflag:s0], s1  }
0x367: {  	s1 =	ssub.s32 @!p0 $0x0, s1;
	[sflag:s0] =	ssyncset.done @!p0 $0x0  }
0x368: {  	[sflag:s0] =	ssyncadd.s32 @!p0 s1  }
0x369: {  	[bflag:$0x3] =	sbarrier.arrive $0xFFFF  }
0x36a: {  	_ =	shalt  }

</sc_bundles>
